<compile_context>
chip_gen: v7x
topology: tpu7x:2x2x1
jax: 0.10.2.dev20260603
libtpu: 0.0.44.dev20260713+nightly
codegen_flags: <defaults>
</compile_context>

<pallas_src>
import functools

import jax
import jax.numpy as jnp
from jax import lax
from jax.experimental import pallas as pl
from jax.experimental.pallas import tpu as pltpu
from jax.experimental.pallas import tpu_sc as plsc

_N = 10000
_NP = 10240
_E = 320000
_NC = 2
_NS = 16
_NW = _NC * _NS
_K = 125
_NCH = 80
_NCH2 = 160
_RING = 2
_RING4 = 4
_RPT = _NP // _NS


def _sc_mesh():
    return plsc.VectorSubcoreMesh(core_axis_name="c", subcore_axis_name="s")


_SC_PARAMS = pltpu.CompilerParams(use_tc_tiling_on_sc=False)


def _sc_degree(dst3, ones, zeros16):

    @functools.partial(
        pl.kernel,
        out_type=jax.ShapeDtypeStruct((_NC, _NP, 16), jnp.float32),
        mesh=_sc_mesh(),
        compiler_params=_SC_PARAMS,
        scratch_types=[
            pltpu.VMEM((_NCH, _K), jnp.int32),
            pltpu.VMEM((_K, 16), jnp.float32),
            pltpu.VMEM_SHARED((_NP, 16), jnp.float32),
            pltpu.SemaphoreType.DMA,
        ],
    )
    def deg_kernel(dst_hbm, ones_hbm, zeros_hbm, out_hbm, dst_v, ones_v, acc_sh,
                   sem):
        c = lax.axis_index("c")
        s = lax.axis_index("s")
        w = c * _NS + s
        pltpu.sync_copy(dst_hbm.at[w], dst_v)
        pltpu.sync_copy(ones_hbm, ones_v)
        pltpu.sync_copy(zeros_hbm.at[pl.ds(s * _RPT, _RPT)],
                        acc_sh.at[pl.ds(s * _RPT, _RPT)])
        plsc.subcore_barrier()

        @pl.loop(0, _NCH)
        def _(i):
            pltpu.async_copy(ones_v, acc_sh.at[dst_v.at[i]], sem, add=True)

        @pl.loop(0, _NCH)
        def _(i):
            pltpu.make_async_copy(ones_v, acc_sh.at[dst_v.at[i]], sem).wait()

        plsc.subcore_barrier()
        pltpu.sync_copy(acc_sh.at[pl.ds(s * _RPT, _RPT)],
                        out_hbm.at[c, pl.ds(s * _RPT, _RPT)])

    return deg_kernel(dst3, ones, zeros16)


def _sc_scatter(h):
    ring = _RING if h > 32 else _RING4

    @functools.partial(
        pl.kernel,
        out_type=jax.ShapeDtypeStruct((_NC, _NP, h), jnp.float32),
        mesh=_sc_mesh(),
        compiler_params=_SC_PARAMS,
        scratch_types=[
            pltpu.VMEM((_NCH, _K), jnp.int32),
            pltpu.VMEM((_NCH, _K), jnp.int32),
            pltpu.VMEM((ring, _K, h), jnp.float32),
            pltpu.VMEM_SHARED((_NP, h), jnp.float32),
            pltpu.VMEM_SHARED((_NP, h), jnp.float32),
        ] + [pltpu.SemaphoreType.DMA] * (ring + 1),
    )
    def scat_kernel(src_hbm, dst_hbm, g_hbm, zeros_hbm, out_hbm,
                    src_v, dst_v, buf_v, acc_sh, tab_sh, *sems):
        c = lax.axis_index("c")
        s = lax.axis_index("s")
        w = c * _NS + s
        sem_g, sem_s = sems[:ring], sems[ring]
        pltpu.sync_copy(src_hbm.at[w], src_v)
        pltpu.sync_copy(dst_hbm.at[w], dst_v)
        pltpu.sync_copy(g_hbm.at[pl.ds(s * _RPT, _RPT)],
                        tab_sh.at[pl.ds(s * _RPT, _RPT)])
        pltpu.sync_copy(zeros_hbm.at[pl.ds(s * _RPT, _RPT)],
                        acc_sh.at[pl.ds(s * _RPT, _RPT)])
        plsc.subcore_barrier()

        for b in range(ring):
            pltpu.async_copy(tab_sh.at[src_v.at[b]], buf_v.at[b], sem_g[b])

        @pl.loop(0, _NCH, step=ring)
        def _(j):
            for b in range(ring):
                i = j + b
                pltpu.make_async_copy(tab_sh.at[src_v.at[i]], buf_v.at[b],
                                      sem_g[b]).wait()
                pltpu.async_copy(buf_v.at[b], acc_sh.at[dst_v.at[i]], sem_s,
                                 add=True)
            for b in range(ring):
                i = j + b
                pltpu.make_async_copy(buf_v.at[b], acc_sh.at[dst_v.at[i]],
                                      sem_s).wait()

                @pl.when(i + ring < _NCH)
                def _():
                    pltpu.async_copy(tab_sh.at[src_v.at[i + ring]], buf_v.at[b],
                                     sem_g[b])

        plsc.subcore_barrier()
        pltpu.sync_copy(acc_sh.at[pl.ds(s * _RPT, _RPT)],
                        out_hbm.at[c, pl.ds(s * _RPT, _RPT)])

    return scat_kernel


def _sc_scatter_wide():

    @functools.partial(
        pl.kernel,
        out_type=jax.ShapeDtypeStruct((_NC, _NP, 64), jnp.float32),
        mesh=_sc_mesh(),
        compiler_params=_SC_PARAMS,
        scratch_types=[
            pltpu.VMEM((_NCH, _K), jnp.int32),
            pltpu.VMEM((_NCH, _K), jnp.int32),
            pltpu.VMEM((_RING, _K, 64), jnp.float32),
            pltpu.VMEM_SHARED((_NP, 64), jnp.float32),
            pltpu.VMEM_SHARED((_NP, 64), jnp.float32),
            pltpu.SemaphoreType.DMA,
            pltpu.SemaphoreType.DMA,
            pltpu.SemaphoreType.DMA,
        ],
    )
    def scat_kernel(src_hbm, dst_hbm, glo_hbm, ghi_hbm, zeros_hbm, out_hbm,
                    src_v, dst_v, buf_v, acc_sh, tab_sh, g0, g1, sem_s):
        c = lax.axis_index("c")
        s = lax.axis_index("s")
        sem_g = (g0, g1)

        @pl.when(c == 0)
        def _():
            pltpu.sync_copy(glo_hbm.at[pl.ds(s * _RPT, _RPT)],
                            tab_sh.at[pl.ds(s * _RPT, _RPT)])

        @pl.when(c == 1)
        def _():
            pltpu.sync_copy(ghi_hbm.at[pl.ds(s * _RPT, _RPT)],
                            tab_sh.at[pl.ds(s * _RPT, _RPT)])

        pltpu.sync_copy(zeros_hbm.at[pl.ds(s * _RPT, _RPT)],
                        acc_sh.at[pl.ds(s * _RPT, _RPT)])
        plsc.subcore_barrier()

        for ph in range(2):
            pltpu.sync_copy(src_hbm.at[s, pl.ds(ph * _NCH, _NCH)], src_v)
            pltpu.sync_copy(dst_hbm.at[s, pl.ds(ph * _NCH, _NCH)], dst_v)

            for b in range(_RING):
                pltpu.async_copy(tab_sh.at[src_v.at[b]], buf_v.at[b], sem_g[b])

            @pl.loop(0, _NCH, step=_RING)
            def _(j):
                for b in range(_RING):
                    i = j + b
                    pltpu.make_async_copy(tab_sh.at[src_v.at[i]], buf_v.at[b],
                                          sem_g[b]).wait()
                    pltpu.async_copy(buf_v.at[b], acc_sh.at[dst_v.at[i]], sem_s,
                                     add=True)
                for b in range(_RING):
                    i = j + b
                    pltpu.make_async_copy(buf_v.at[b], acc_sh.at[dst_v.at[i]],
                                          sem_s).wait()

                    @pl.when(i + _RING < _NCH)
                    def _():
                        pltpu.async_copy(tab_sh.at[src_v.at[i + _RING]],
                                         buf_v.at[b], sem_g[b])

        plsc.subcore_barrier()
        pltpu.sync_copy(acc_sh.at[pl.ds(s * _RPT, _RPT)],
                        out_hbm.at[c, pl.ds(s * _RPT, _RPT)])

    return scat_kernel


def _tc_h1(x, w1):
    def body(x_ref, w_ref, o_ref):
        o_ref[0:_N, :] = jnp.dot(x_ref[...], w_ref[...],
                                 preferred_element_type=jnp.float32)
        o_ref[_N:_NP, :] = jnp.zeros((_NP - _N, w1.shape[1]), jnp.float32)

    return pl.pallas_call(
        body,
        out_shape=jax.ShapeDtypeStruct((_NP, w1.shape[1]), jnp.float32),
    )(x, w1)


def _tc_scale(deg16, h1):
    def body(d_ref, h_ref, dinv_ref, glo_ref, ghi_ref):
        deg = d_ref[0, :, 0:1] + d_ref[1, :, 0:1] + 1.0
        dinv = lax.rsqrt(deg)
        rows = lax.broadcasted_iota(jnp.int32, (_NP, 1), 0)
        dinv = jnp.where(rows < _N, dinv, 0.0)
        dinv_ref[...] = dinv
        glo_ref[...] = dinv * h_ref[:, 0:64]
        ghi_ref[...] = dinv * h_ref[:, 64:128]

    return pl.pallas_call(
        body,
        out_shape=[
            jax.ShapeDtypeStruct((_NP, 1), jnp.float32),
            jax.ShapeDtypeStruct((_NP, 64), jnp.float32),
            jax.ShapeDtypeStruct((_NP, 64), jnp.float32),
        ],
    )(deg16, h1)


def _tc_mid1(s_cols, glo, ghi, dinv, b, wn):
    def body(s_ref, glo_ref, ghi_ref, dinv_ref, b_ref, w_ref, o_ref):
        dv = dinv_ref[...]
        t = jnp.concatenate(
            [s_ref[0] + glo_ref[...], s_ref[1] + ghi_ref[...]], axis=1)
        t = jnp.maximum(dv * t + b_ref[...], 0.0)
        o_ref[...] = dv * jnp.dot(t, w_ref[...],
                                  preferred_element_type=jnp.float32)

    return pl.pallas_call(
        body,
        out_shape=jax.ShapeDtypeStruct((_NP, wn.shape[1]), jnp.float32),
    )(s_cols, glo, ghi, dinv, b, wn)


def _tc_mid(s_parts, g, dinv, b, wn):
    def body(s_ref, g_ref, dinv_ref, b_ref, w_ref, o_ref):
        dv = dinv_ref[...]
        t = jnp.maximum(dv * (s_ref[0] + s_ref[1] + g_ref[...]) + b_ref[...], 0.0)
        o_ref[...] = dv * jnp.dot(t, w_ref[...],
                                  preferred_element_type=jnp.float32)

    return pl.pallas_call(
        body,
        out_shape=jax.ShapeDtypeStruct((_NP, wn.shape[1]), jnp.float32),
    )(s_parts, g, dinv, b, wn)


def _tc_post(s_parts, g, dinv, b):
    def body(s_ref, g_ref, dinv_ref, b_ref, o_ref):
        o_ref[...] = jnp.maximum(
            dinv_ref[0:_N] * (s_ref[0, 0:_N, 0:8] + s_ref[1, 0:_N, 0:8]
                              + g_ref[0:_N, 0:8]) + b_ref[:, 0:8], 0.0)

    return pl.pallas_call(
        body,
        out_shape=jax.ShapeDtypeStruct((_N, 8), jnp.float32),
    )(s_parts, g, dinv, b)


def _scatter_any(src3, dst3, g, h):
    zeros = jnp.zeros((_NP, h), jnp.float32)
    return _sc_scatter(h)(src3, dst3, g, zeros)


def kernel(x, edge_index, W1, b1, W2, b2, W3, b3, W4, b4, W5, b5):
    src3 = edge_index[0].reshape(_NW, _NCH, _K)
    dst3 = edge_index[1].reshape(_NW, _NCH, _K)
    src2 = edge_index[0].reshape(_NS, _NCH2, _K)
    dst2 = edge_index[1].reshape(_NS, _NCH2, _K)

    w5p = jnp.pad(W5, ((0, 0), (0, 8)))
    b5p = jnp.pad(b5, (0, 8))

    ones = jnp.ones((_K, 16), jnp.float32)
    z16 = jnp.zeros((_NP, 16), jnp.float32)

    deg16 = _sc_degree(dst3, ones, z16)
    h1 = _tc_h1(x, W1)
    dinv, glo, ghi = _tc_scale(deg16, h1)

    z64 = jnp.zeros((_NP, 64), jnp.float32)
    s_cols = _sc_scatter_wide()(src2, dst2, glo, ghi, z64)
    g = _tc_mid1(s_cols, glo, ghi, dinv, b1.reshape(1, -1), W2)

    layer_w = [(64, b2, W3), (32, b3, W4), (16, b4, w5p)]
    for h, b, wn in layer_w:
        s_parts = _scatter_any(src3, dst3, g, h)
        g = _tc_mid(s_parts, g, dinv, b.reshape(1, -1), wn)

    s_parts = _scatter_any(src3, dst3, g, 16)
    return _tc_post(s_parts, g, dinv, b5p.reshape(1, -1))

# --- scband reference (transcript-rebuilt; emitter-appended) ---
"""Pipeline reference for scband-down-conv-layers-46531675685215 (READ-ONLY COPY).

The authoritative reference and input builder live on the scoring server;
editing this copy changes nothing except your own understanding.
"""

import jax, jax.numpy as jnp
import numpy as np

N = 10000
E = 320000
DIN = 128
H = 128


def gcn_conv(x, W, b, src, dst):
    # PyG GCNConv: add self-loops, symmetric normalization, then scatter-add
    h = x @ W
    loop = jnp.arange(N, dtype=src.dtype)
    s = jnp.concatenate([src, loop])
    d = jnp.concatenate([dst, loop])
    deg = jnp.zeros((N,), x.dtype).at[d].add(1.0)
    dinv = jnp.where(deg > 0, jax.lax.rsqrt(deg), 0.0)
    norm = dinv[s] * dinv[d]
    msg = h[s] * norm[:, None]
    out = jax.ops.segment_sum(msg, d, num_segments=N)
    return out + b


def setup_inputs(seed: int = 0) -> dict:
    key = jax.random.key(seed)
    ks = jax.random.split(key, 8)
    x = jax.random.normal(ks[0], (N, DIN), dtype=jnp.float32)
    edge_index = jax.random.randint(ks[1], (2, E), 0, N, dtype=jnp.int32)
    dims = [(DIN, H), (H, H // 2), (H // 2, H // 4), (H // 4, H // 8), (H // 8, H // 16)]
    params = {}
    for i, (di, do) in enumerate(dims):
        params[f"W{i + 1}"] = jax.random.normal(ks[2 + i], (di, do), dtype=jnp.float32) * (1.0 / np.sqrt(di))
        params[f"b{i + 1}"] = jnp.zeros((do,), dtype=jnp.float32)
    return {"x": x, "edge_index": edge_index, **params}


def reference(x, edge_index, W1, b1, W2, b2, W3, b3, W4, b4, W5, b5):
    src, dst = edge_index[0], edge_index[1]
    h = jax.nn.relu(gcn_conv(x, W1, b1, src, dst))
    h = jax.nn.relu(gcn_conv(h, W2, b2, src, dst))
    h = jax.nn.relu(gcn_conv(h, W3, b3, src, dst))
    h = jax.nn.relu(gcn_conv(h, W4, b4, src, dst))
    h = jax.nn.relu(gcn_conv(h, W5, b5, src, dst))
    return h

if __name__ == "__main__":
    import jax
    _d = setup_inputs()
    print(jax.jit(kernel)(*tuple(_d.values())))

</pallas_src>

<mosaic_0001>
#map = affine_map<(d0, d1) -> (0, 0, 0)>
#map1 = affine_map<(d0, d1) -> (0, 0)>
module attributes {stable_mosaic.version = 14 : i64} {
  func.func @scat_kernel(%arg0: i32, %arg1: i32, %arg2: memref<32x80x125xi32, #tpu.memory_space<hbm>>, %arg3: memref<32x80x125xi32, #tpu.memory_space<hbm>>, %arg4: memref<10240x64xf32, #tpu.memory_space<hbm>>, %arg5: memref<10240x64xf32, #tpu.memory_space<hbm>>, %arg6: memref<2x10240x64xf32, #tpu.memory_space<hbm>>, %arg7: memref<80x125xi32, #tpu.memory_space<vmem>>, %arg8: memref<80x125xi32, #tpu.memory_space<vmem>>, %arg9: memref<2x125x64xf32, #tpu.memory_space<vmem>>, %arg10: memref<10240x64xf32, #tpu.memory_space<vmem_shared>>, %arg11: memref<10240x64xf32, #tpu.memory_space<vmem_shared>>, %arg12: memref<!tpu.dma_semaphore, #tpu.memory_space<semaphore_mem>>, %arg13: memref<!tpu.dma_semaphore, #tpu.memory_space<semaphore_mem>>, %arg14: memref<!tpu.dma_semaphore, #tpu.memory_space<semaphore_mem>>) attributes {dimension_semantics = [#tpu.dimension_semantics<core_parallel>, #tpu.dimension_semantics<subcore_parallel>], iteration_bounds = array<i64: 2, 16>, scalar_prefetch = 0 : i64, scratch_operands = 8 : i64, tpu.core_type = #tpu.core_type<sc_vector_subcore>, window_params = [{transform_indices = #map}, {transform_indices = #map}, {transform_indices = #map1}, {transform_indices = #map1}, {transform_indices = #map}]} {
    %mul3A = arith.constant 16 : i32
    %mul3A_0 = arith.muli %arg0, %mul3A : i32
    %add3A = arith.addi %mul3A_0, %arg1 : i32
    "tpu.region"() ({
      %run_scoped3A = tpu.sem_alloc : memref<!tpu.dma_semaphore, #tpu.memory_space<semaphore_mem>>
      %dma_start3A_41 = arith.constant 0 : i32
      %dma_start3A_42 = arith.constant 0 : i32
      %dma_start3A_43 = tpu.memref_slice %arg2[%add3A, %dma_start3A_41, %dma_start3A_42] : memref<32x80x125xi32, #tpu.memory_space<hbm>> -> memref<1x80x125xi32, #tpu.memory_space<hbm>>
      %dma_start3A_44 = tpu.memref_squeeze %dma_start3A_43 : memref<1x80x125xi32, #tpu.memory_space<hbm>> -> memref<80x125xi32, #tpu.memory_space<hbm>>
      %dma_start3A_45 = arith.constant 0 : i32
      %dma_start3A_46 = arith.constant 0 : i32
      %dma_start3A_47 = tpu.memref_slice %arg2[%add3A, %dma_start3A_45, %dma_start3A_46] : memref<32x80x125xi32, #tpu.memory_space<hbm>> -> memref<1x80x125xi32, #tpu.memory_space<hbm>>
      %dma_start3A_48 = tpu.memref_squeeze %dma_start3A_47 : memref<1x80x125xi32, #tpu.memory_space<hbm>> -> memref<80x125xi32, #tpu.memory_space<hbm>>
      tpu.enqueue_dma source(%dma_start3A_48 : memref<80x125xi32, #tpu.memory_space<hbm>>) target(%arg7 : memref<80x125xi32, #tpu.memory_space<vmem>>) target_semaphore(%run_scoped3A : memref<!tpu.dma_semaphore, #tpu.memory_space<semaphore_mem>>)
      %dma_wait3A = arith.constant 0 : i32
      %dma_wait3A_49 = arith.constant 0 : i32
      %dma_wait3A_50 = tpu.memref_slice %arg2[%add3A, %dma_wait3A, %dma_wait3A_49] : memref<32x80x125xi32, #tpu.memory_space<hbm>> -> memref<1x80x125xi32, #tpu.memory_space<hbm>>
      %dma_wait3A_51 = tpu.memref_squeeze %dma_wait3A_50 : memref<1x80x125xi32, #tpu.memory_space<hbm>> -> memref<80x125xi32, #tpu.memory_space<hbm>>
      %dma_wait3A_52 = arith.constant 0 : i32
      %dma_wait3A_53 = arith.constant 0 : i32
      %dma_wait3A_54 = tpu.memref_slice %arg2[%add3A, %dma_wait3A_52, %dma_wait3A_53] : memref<32x80x125xi32, #tpu.memory_space<hbm>> -> memref<1x80x125xi32, #tpu.memory_space<hbm>>
      %dma_wait3A_55 = tpu.memref_squeeze %dma_wait3A_54 : memref<1x80x125xi32, #tpu.memory_space<hbm>> -> memref<80x125xi32, #tpu.memory_space<hbm>>
      tpu.wait_dma2 semaphore(%run_scoped3A : memref<!tpu.dma_semaphore, #tpu.memory_space<semaphore_mem>>) src(%dma_wait3A_55 : memref<80x125xi32, #tpu.memory_space<hbm>>) dst(%arg7 : memref<80x125xi32, #tpu.memory_space<vmem>>)
      tpu.yield
    }) : () -> ()
    "tpu.region"() ({
      %run_scoped3A = tpu.sem_alloc : memref<!tpu.dma_semaphore, #tpu.memory_space<semaphore_mem>>
      %dma_start3A_41 = arith.constant 0 : i32
      %dma_start3A_42 = arith.constant 0 : i32
      %dma_start3A_43 = tpu.memref_slice %arg3[%add3A, %dma_start3A_41, %dma_start3A_42] : memref<32x80x125xi32, #tpu.memory_space<hbm>> -> memref<1x80x125xi32, #tpu.memory_space<hbm>>
      %dma_start3A_44 = tpu.memref_squeeze %dma_start3A_43 : memref<1x80x125xi32, #tpu.memory_space<hbm>> -> memref<80x125xi32, #tpu.memory_space<hbm>>
      %dma_start3A_45 = arith.constant 0 : i32
      %dma_start3A_46 = arith.constant 0 : i32
      %dma_start3A_47 = tpu.memref_slice %arg3[%add3A, %dma_start3A_45, %dma_start3A_46] : memref<32x80x125xi32, #tpu.memory_space<hbm>> -> memref<1x80x125xi32, #tpu.memory_space<hbm>>
      %dma_start3A_48 = tpu.memref_squeeze %dma_start3A_47 : memref<1x80x125xi32, #tpu.memory_space<hbm>> -> memref<80x125xi32, #tpu.memory_space<hbm>>
      tpu.enqueue_dma source(%dma_start3A_48 : memref<80x125xi32, #tpu.memory_space<hbm>>) target(%arg8 : memref<80x125xi32, #tpu.memory_space<vmem>>) target_semaphore(%run_scoped3A : memref<!tpu.dma_semaphore, #tpu.memory_space<semaphore_mem>>)
      %dma_wait3A = arith.constant 0 : i32
      %dma_wait3A_49 = arith.constant 0 : i32
      %dma_wait3A_50 = tpu.memref_slice %arg3[%add3A, %dma_wait3A, %dma_wait3A_49] : memref<32x80x125xi32, #tpu.memory_space<hbm>> -> memref<1x80x125xi32, #tpu.memory_space<hbm>>
      %dma_wait3A_51 = tpu.memref_squeeze %dma_wait3A_50 : memref<1x80x125xi32, #tpu.memory_space<hbm>> -> memref<80x125xi32, #tpu.memory_space<hbm>>
      %dma_wait3A_52 = arith.constant 0 : i32
      %dma_wait3A_53 = arith.constant 0 : i32
      %dma_wait3A_54 = tpu.memref_slice %arg3[%add3A, %dma_wait3A_52, %dma_wait3A_53] : memref<32x80x125xi32, #tpu.memory_space<hbm>> -> memref<1x80x125xi32, #tpu.memory_space<hbm>>
      %dma_wait3A_55 = tpu.memref_squeeze %dma_wait3A_54 : memref<1x80x125xi32, #tpu.memory_space<hbm>> -> memref<80x125xi32, #tpu.memory_space<hbm>>
      tpu.wait_dma2 semaphore(%run_scoped3A : memref<!tpu.dma_semaphore, #tpu.memory_space<semaphore_mem>>) src(%dma_wait3A_55 : memref<80x125xi32, #tpu.memory_space<hbm>>) dst(%arg8 : memref<80x125xi32, #tpu.memory_space<vmem>>)
      tpu.yield
    }) : () -> ()
    %mul3A_1 = arith.constant 640 : i32
    %mul3A_2 = arith.muli %arg1, %mul3A_1 : i32
    %mul3A_3 = arith.constant 640 : i32
    %mul3A_4 = arith.muli %arg1, %mul3A_3 : i32
    "tpu.region"() ({
      %run_scoped3A = tpu.sem_alloc : memref<!tpu.dma_semaphore, #tpu.memory_space<semaphore_mem>>
      %dma_start3A_41 = arith.constant 0 : i32
      %dma_start3A_42 = tpu.memref_slice %arg11[%mul3A_4, %dma_start3A_41] : memref<10240x64xf32, #tpu.memory_space<vmem_shared>> -> memref<640x64xf32, #tpu.memory_space<vmem_shared>>
      %dma_start3A_43 = arith.constant 0 : i32
      %dma_start3A_44 = tpu.memref_slice %arg4[%mul3A_2, %dma_start3A_43] : memref<10240x64xf32, #tpu.memory_space<hbm>> -> memref<640x64xf32, #tpu.memory_space<hbm>>
      tpu.enqueue_dma source(%dma_start3A_44 : memref<640x64xf32, #tpu.memory_space<hbm>>) target(%dma_start3A_42 : memref<640x64xf32, #tpu.memory_space<vmem_shared>>) target_semaphore(%run_scoped3A : memref<!tpu.dma_semaphore, #tpu.memory_space<semaphore_mem>>)
      %dma_wait3A = arith.constant 0 : i32
      %dma_wait3A_45 = tpu.memref_slice %arg11[%mul3A_4, %dma_wait3A] : memref<10240x64xf32, #tpu.memory_space<vmem_shared>> -> memref<640x64xf32, #tpu.memory_space<vmem_shared>>
      %dma_wait3A_46 = arith.constant 0 : i32
      %dma_wait3A_47 = tpu.memref_slice %arg4[%mul3A_2, %dma_wait3A_46] : memref<10240x64xf32, #tpu.memory_space<hbm>> -> memref<640x64xf32, #tpu.memory_space<hbm>>
      tpu.wait_dma2 semaphore(%run_scoped3A : memref<!tpu.dma_semaphore, #tpu.memory_space<semaphore_mem>>) src(%dma_wait3A_47 : memref<640x64xf32, #tpu.memory_space<hbm>>) dst(%dma_wait3A_45 : memref<640x64xf32, #tpu.memory_space<vmem_shared>>)
      tpu.yield
    }) : () -> ()
    %mul3A_5 = arith.constant 640 : i32
    %mul3A_6 = arith.muli %arg1, %mul3A_5 : i32
    %mul3A_7 = arith.constant 640 : i32
    %mul3A_8 = arith.muli %arg1, %mul3A_7 : i32
    "tpu.region"() ({
      %run_scoped3A = tpu.sem_alloc : memref<!tpu.dma_semaphore, #tpu.memory_space<semaphore_mem>>
      %dma_start3A_41 = arith.constant 0 : i32
      %dma_start3A_42 = tpu.memref_slice %arg10[%mul3A_8, %dma_start3A_41] : memref<10240x64xf32, #tpu.memory_space<vmem_shared>> -> memref<640x64xf32, #tpu.memory_space<vmem_shared>>
      %dma_start3A_43 = arith.constant 0 : i32
      %dma_start3A_44 = tpu.memref_slice %arg5[%mul3A_6, %dma_start3A_43] : memref<10240x64xf32, #tpu.memory_space<hbm>> -> memref<640x64xf32, #tpu.memory_space<hbm>>
      tpu.enqueue_dma source(%dma_start3A_44 : memref<640x64xf32, #tpu.memory_space<hbm>>) target(%dma_start3A_42 : memref<640x64xf32, #tpu.memory_space<vmem_shared>>) target_semaphore(%run_scoped3A : memref<!tpu.dma_semaphore, #tpu.memory_space<semaphore_mem>>)
      %dma_wait3A = arith.constant 0 : i32
      %dma_wait3A_45 = tpu.memref_slice %arg10[%mul3A_8, %dma_wait3A] : memref<10240x64xf32, #tpu.memory_space<vmem_shared>> -> memref<640x64xf32, #tpu.memory_space<vmem_shared>>
      %dma_wait3A_46 = arith.constant 0 : i32
      %dma_wait3A_47 = tpu.memref_slice %arg5[%mul3A_6, %dma_wait3A_46] : memref<10240x64xf32, #tpu.memory_space<hbm>> -> memref<640x64xf32, #tpu.memory_space<hbm>>
      tpu.wait_dma2 semaphore(%run_scoped3A : memref<!tpu.dma_semaphore, #tpu.memory_space<semaphore_mem>>) src(%dma_wait3A_47 : memref<640x64xf32, #tpu.memory_space<hbm>>) dst(%dma_wait3A_45 : memref<640x64xf32, #tpu.memory_space<vmem_shared>>)
      tpu.yield
    }) : () -> ()
    %barrier3A = arith.constant 0 : index
    tpu.barrier barrier_id(%barrier3A)
    %dma_start3A = arith.constant 0 : i32
    %dma_start3A_9 = arith.constant 0 : i32
    %dma_start3A_10 = arith.constant 0 : i32
    %dma_start3A_11 = arith.constant 0 : i32
    %dma_start3A_12 = tpu.memref_slice %arg9[%dma_start3A_9, %dma_start3A_10, %dma_start3A_11] : memref<2x125x64xf32, #tpu.memory_space<vmem>> -> memref<1x125x64xf32, #tpu.memory_space<vmem>>
    %dma_start3A_13 = tpu.memref_squeeze %dma_start3A_12 : memref<1x125x64xf32, #tpu.memory_space<vmem>> -> memref<125x64xf32, #tpu.memory_space<vmem>>
    %dma_start3A_14 = arith.constant 0 : i32
    %dma_start3A_15 = tpu.memref_slice %arg7[%dma_start3A, %dma_start3A_14] : memref<80x125xi32, #tpu.memory_space<vmem>> -> memref<1x125xi32, #tpu.memory_space<vmem>>
    %dma_start3A_16 = tpu.memref_squeeze %dma_start3A_15 : memref<1x125xi32, #tpu.memory_space<vmem>> -> memref<125xi32, #tpu.memory_space<vmem>>
    %dma_start3A_17 = arith.constant 0 : i32
    %dma_start3A_18 = arith.constant 0 : i32
    %dma_start3A_19 = tpu.memref_slice %arg11[%dma_start3A_17, %dma_start3A_18] : memref<10240x64xf32, #tpu.memory_space<vmem_shared>> -> memref<10240x64xf32, #tpu.memory_space<vmem_shared>>
    tpu.enqueue_indirect_dma source(%dma_start3A_19 : memref<10240x64xf32, #tpu.memory_space<vmem_shared>>) target(%dma_start3A_13 : memref<125x64xf32, #tpu.memory_space<vmem>>) offsets(%dma_start3A_16 : memref<125xi32, #tpu.memory_space<vmem>>) semaphore(%arg12 : memref<!tpu.dma_semaphore, #tpu.memory_space<semaphore_mem>>)
    %dma_start3A_20 = arith.constant 1 : i32
    %dma_start3A_21 = arith.constant 1 : i32
    %dma_start3A_22 = arith.constant 0 : i32
    %dma_start3A_23 = arith.constant 0 : i32
    %dma_start3A_24 = tpu.memref_slice %arg9[%dma_start3A_21, %dma_start3A_22, %dma_start3A_23] : memref<2x125x64xf32, #tpu.memory_space<vmem>> -> memref<1x125x64xf32, #tpu.memory_space<vmem>>
    %dma_start3A_25 = tpu.memref_squeeze %dma_start3A_24 : memref<1x125x64xf32, #tpu.memory_space<vmem>> -> memref<125x64xf32, #tpu.memory_space<vmem>>
    %dma_start3A_26 = arith.constant 0 : i32
    %dma_start3A_27 = tpu.memref_slice %arg7[%dma_start3A_20, %dma_start3A_26] : memref<80x125xi32, #tpu.memory_space<vmem>> -> memref<1x125xi32, #tpu.memory_space<vmem>>
    %dma_start3A_28 = tpu.memref_squeeze %dma_start3A_27 : memref<1x125xi32, #tpu.memory_space<vmem>> -> memref<125xi32, #tpu.memory_space<vmem>>
    %dma_start3A_29 = arith.constant 0 : i32
    %dma_start3A_30 = arith.constant 0 : i32
    %dma_start3A_31 = tpu.memref_slice %arg11[%dma_start3A_29, %dma_start3A_30] : memref<10240x64xf32, #tpu.memory_space<vmem_shared>> -> memref<10240x64xf32, #tpu.memory_space<vmem_shared>>
    tpu.enqueue_indirect_dma source(%dma_start3A_31 : memref<10240x64xf32, #tpu.memory_space<vmem_shared>>) target(%dma_start3A_25 : memref<125x64xf32, #tpu.memory_space<vmem>>) offsets(%dma_start3A_28 : memref<125xi32, #tpu.memory_space<vmem>>) semaphore(%arg13 : memref<!tpu.dma_semaphore, #tpu.memory_space<semaphore_mem>>)
    %scan3A = arith.constant 0 : i32
    %scan3A_32 = arith.constant 40 : i32
    %scan3A_33 = arith.addi %scan3A, %scan3A_32 : i32
    %scan3A_34 = arith.constant 1 : i32
    scf.for %scan3A_41 = %scan3A to %scan3A_33 step %scan3A_34  : i32 {
      %mul3A_42 = arith.constant 2 : i32
      %mul3A_43 = arith.muli %scan3A_41, %mul3A_42 : i32
      %add3A_44 = arith.constant 0 : i32
      %add3A_45 = arith.addi %add3A_44, %mul3A_43 : i32
      %add3A_46 = arith.constant 0 : i32
      %add3A_47 = arith.addi %add3A_45, %add3A_46 : i32
      %dma_wait3A = arith.constant 0 : i32
      %dma_wait3A_48 = arith.constant 0 : i32
      %dma_wait3A_49 = arith.constant 0 : i32
      %dma_wait3A_50 = tpu.memref_slice %arg9[%dma_wait3A, %dma_wait3A_48, %dma_wait3A_49] : memref<2x125x64xf32, #tpu.memory_space<vmem>> -> memref<1x125x64xf32, #tpu.memory_space<vmem>>
      %dma_wait3A_51 = tpu.memref_squeeze %dma_wait3A_50 : memref<1x125x64xf32, #tpu.memory_space<vmem>> -> memref<125x64xf32, #tpu.memory_space<vmem>>
      %dma_wait3A_52 = arith.constant 0 : i32
      %dma_wait3A_53 = tpu.memref_slice %arg7[%add3A_47, %dma_wait3A_52] : memref<80x125xi32, #tpu.memory_space<vmem>> -> memref<1x125xi32, #tpu.memory_space<vmem>>
      %dma_wait3A_54 = tpu.memref_squeeze %dma_wait3A_53 : memref<1x125xi32, #tpu.memory_space<vmem>> -> memref<125xi32, #tpu.memory_space<vmem>>
      %dma_wait3A_55 = arith.constant 0 : i32
      %dma_wait3A_56 = arith.constant 0 : i32
      %dma_wait3A_57 = tpu.memref_slice %arg11[%dma_wait3A_55, %dma_wait3A_56] : memref<10240x64xf32, #tpu.memory_space<vmem_shared>> -> memref<10240x64xf32, #tpu.memory_space<vmem_shared>>
      tpu.wait_indirect_dma semaphore(%arg12 : memref<!tpu.dma_semaphore, #tpu.memory_space<semaphore_mem>>) src(%dma_wait3A_57 : memref<10240x64xf32, #tpu.memory_space<vmem_shared>>) dst(%dma_wait3A_51 : memref<125x64xf32, #tpu.memory_space<vmem>>)
      %dma_start3A_58 = arith.constant 0 : i32
      %dma_start3A_59 = arith.constant 0 : i32
      %dma_start3A_60 = arith.constant 0 : i32
      %dma_start3A_61 = tpu.memref_slice %arg9[%dma_start3A_58, %dma_start3A_59, %dma_start3A_60] : memref<2x125x64xf32, #tpu.memory_space<vmem>> -> memref<1x125x64xf32, #tpu.memory_space<vmem>>
      %dma_start3A_62 = tpu.memref_squeeze %dma_start3A_61 : memref<1x125x64xf32, #tpu.memory_space<vmem>> -> memref<125x64xf32, #tpu.memory_space<vmem>>
      %dma_start3A_63 = arith.constant 0 : i32
      %dma_start3A_64 = tpu.memref_slice %arg8[%add3A_47, %dma_start3A_63] : memref<80x125xi32, #tpu.memory_space<vmem>> -> memref<1x125xi32, #tpu.memory_space<vmem>>
      %dma_start3A_65 = tpu.memref_squeeze %dma_start3A_64 : memref<1x125xi32, #tpu.memory_space<vmem>> -> memref<125xi32, #tpu.memory_space<vmem>>
      %dma_start3A_66 = arith.constant 0 : i32
      %dma_start3A_67 = arith.constant 0 : i32
      %dma_start3A_68 = tpu.memref_slice %arg10[%dma_start3A_66, %dma_start3A_67] : memref<10240x64xf32, #tpu.memory_space<vmem_shared>> -> memref<10240x64xf32, #tpu.memory_space<vmem_shared>>
      tpu.enqueue_indirect_dma source(%dma_start3A_62 : memref<125x64xf32, #tpu.memory_space<vmem>>) target(%dma_start3A_68 : memref<10240x64xf32, #tpu.memory_space<vmem_shared>>) offsets(%dma_start3A_65 : memref<125xi32, #tpu.memory_space<vmem>>) semaphore(%arg14 : memref<!tpu.dma_semaphore, #tpu.memory_space<semaphore_mem>>) {add = true}
      %add3A_69 = arith.constant 1 : i32
      %add3A_70 = arith.addi %add3A_45, %add3A_69 : i32
      %dma_wait3A_71 = arith.constant 1 : i32
      %dma_wait3A_72 = arith.constant 0 : i32
      %dma_wait3A_73 = arith.constant 0 : i32
      %dma_wait3A_74 = tpu.memref_slice %arg9[%dma_wait3A_71, %dma_wait3A_72, %dma_wait3A_73] : memref<2x125x64xf32, #tpu.memory_space<vmem>> -> memref<1x125x64xf32, #tpu.memory_space<vmem>>
      %dma_wait3A_75 = tpu.memref_squeeze %dma_wait3A_74 : memref<1x125x64xf32, #tpu.memory_space<vmem>> -> memref<125x64xf32, #tpu.memory_space<vmem>>
      %dma_wait3A_76 = arith.constant 0 : i32
      %dma_wait3A_77 = tpu.memref_slice %arg7[%add3A_70, %dma_wait3A_76] : memref<80x125xi32, #tpu.memory_space<vmem>> -> memref<1x125xi32, #tpu.memory_space<vmem>>
      %dma_wait3A_78 = tpu.memref_squeeze %dma_wait3A_77 : memref<1x125xi32, #tpu.memory_space<vmem>> -> memref<125xi32, #tpu.memory_space<vmem>>
      %dma_wait3A_79 = arith.constant 0 : i32
      %dma_wait3A_80 = arith.constant 0 : i32
      %dma_wait3A_81 = tpu.memref_slice %arg11[%dma_wait3A_79, %dma_wait3A_80] : memref<10240x64xf32, #tpu.memory_space<vmem_shared>> -> memref<10240x64xf32, #tpu.memory_space<vmem_shared>>
      tpu.wait_indirect_dma semaphore(%arg13 : memref<!tpu.dma_semaphore, #tpu.memory_space<semaphore_mem>>) src(%dma_wait3A_81 : memref<10240x64xf32, #tpu.memory_space<vmem_shared>>) dst(%dma_wait3A_75 : memref<125x64xf32, #tpu.memory_space<vmem>>)
      %dma_start3A_82 = arith.constant 1 : i32
      %dma_start3A_83 = arith.constant 0 : i32
      %dma_start3A_84 = arith.constant 0 : i32
      %dma_start3A_85 = tpu.memref_slice %arg9[%dma_start3A_82, %dma_start3A_83, %dma_start3A_84] : memref<2x125x64xf32, #tpu.memory_space<vmem>> -> memref<1x125x64xf32, #tpu.memory_space<vmem>>
      %dma_start3A_86 = tpu.memref_squeeze %dma_start3A_85 : memref<1x125x64xf32, #tpu.memory_space<vmem>> -> memref<125x64xf32, #tpu.memory_space<vmem>>
      %dma_start3A_87 = arith.constant 0 : i32
      %dma_start3A_88 = tpu.memref_slice %arg8[%add3A_70, %dma_start3A_87] : memref<80x125xi32, #tpu.memory_space<vmem>> -> memref<1x125xi32, #tpu.memory_space<vmem>>
      %dma_start3A_89 = tpu.memref_squeeze %dma_start3A_88 : memref<1x125xi32, #tpu.memory_space<vmem>> -> memref<125xi32, #tpu.memory_space<vmem>>
      %dma_start3A_90 = arith.constant 0 : i32
      %dma_start3A_91 = arith.constant 0 : i32
      %dma_start3A_92 = tpu.memref_slice %arg10[%dma_start3A_90, %dma_start3A_91] : memref<10240x64xf32, #tpu.memory_space<vmem_shared>> -> memref<10240x64xf32, #tpu.memory_space<vmem_shared>>
      tpu.enqueue_indirect_dma source(%dma_start3A_86 : memref<125x64xf32, #tpu.memory_space<vmem>>) target(%dma_start3A_92 : memref<10240x64xf32, #tpu.memory_space<vmem_shared>>) offsets(%dma_start3A_89 : memref<125xi32, #tpu.memory_space<vmem>>) semaphore(%arg14 : memref<!tpu.dma_semaphore, #tpu.memory_space<semaphore_mem>>) {add = true}
      %add3A_93 = arith.constant 0 : i32
      %add3A_94 = arith.addi %add3A_45, %add3A_93 : i32
      %dma_wait3A_95 = arith.constant 0 : i32
      %dma_wait3A_96 = arith.constant 0 : i32
      %dma_wait3A_97 = arith.constant 0 : i32
      %dma_wait3A_98 = tpu.memref_slice %arg9[%dma_wait3A_95, %dma_wait3A_96, %dma_wait3A_97] : memref<2x125x64xf32, #tpu.memory_space<vmem>> -> memref<1x125x64xf32, #tpu.memory_space<vmem>>
      %dma_wait3A_99 = tpu.memref_squeeze %dma_wait3A_98 : memref<1x125x64xf32, #tpu.memory_space<vmem>> -> memref<125x64xf32, #tpu.memory_space<vmem>>
      %dma_wait3A_100 = arith.constant 0 : i32
      %dma_wait3A_101 = tpu.memref_slice %arg8[%add3A_94, %dma_wait3A_100] : memref<80x125xi32, #tpu.memory_space<vmem>> -> memref<1x125xi32, #tpu.memory_space<vmem>>
      %dma_wait3A_102 = tpu.memref_squeeze %dma_wait3A_101 : memref<1x125xi32, #tpu.memory_space<vmem>> -> memref<125xi32, #tpu.memory_space<vmem>>
      %dma_wait3A_103 = arith.constant 0 : i32
      %dma_wait3A_104 = arith.constant 0 : i32
      %dma_wait3A_105 = tpu.memref_slice %arg10[%dma_wait3A_103, %dma_wait3A_104] : memref<10240x64xf32, #tpu.memory_space<vmem_shared>> -> memref<10240x64xf32, #tpu.memory_space<vmem_shared>>
      tpu.wait_indirect_dma semaphore(%arg14 : memref<!tpu.dma_semaphore, #tpu.memory_space<semaphore_mem>>) src(%dma_wait3A_99 : memref<125x64xf32, #tpu.memory_space<vmem>>) dst(%dma_wait3A_105 : memref<10240x64xf32, #tpu.memory_space<vmem_shared>>)
      %add3A_106 = arith.constant 2 : i32
      %add3A_107 = arith.addi %add3A_94, %add3A_106 : i32
      %lt3A = arith.constant 80 : i32
      %lt3A_108 = arith.cmpi slt, %add3A_107, %lt3A : i32
      %convert_element_type3A = arith.extui %lt3A_108 : i1 to i32
      %cond3A = arith.constant 0 : i32
      %cond3A_109 = arith.cmpi ne, %convert_element_type3A, %cond3A : i32
      scf.if %cond3A_109 {
        %add3A_130 = arith.constant 2 : i32
        %add3A_131 = arith.addi %add3A_94, %add3A_130 : i32
        %dma_start3A_132 = arith.constant 0 : i32
        %dma_start3A_133 = arith.constant 0 : i32
        %dma_start3A_134 = arith.constant 0 : i32
        %dma_start3A_135 = tpu.memref_slice %arg9[%dma_start3A_132, %dma_start3A_133, %dma_start3A_134] : memref<2x125x64xf32, #tpu.memory_space<vmem>> -> memref<1x125x64xf32, #tpu.memory_space<vmem>>
        %dma_start3A_136 = tpu.memref_squeeze %dma_start3A_135 : memref<1x125x64xf32, #tpu.memory_space<vmem>> -> memref<125x64xf32, #tpu.memory_space<vmem>>
        %dma_start3A_137 = arith.constant 0 : i32
        %dma_start3A_138 = tpu.memref_slice %arg7[%add3A_131, %dma_start3A_137] : memref<80x125xi32, #tpu.memory_space<vmem>> -> memref<1x125xi32, #tpu.memory_space<vmem>>
        %dma_start3A_139 = tpu.memref_squeeze %dma_start3A_138 : memref<1x125xi32, #tpu.memory_space<vmem>> -> memref<125xi32, #tpu.memory_space<vmem>>
        %dma_start3A_140 = arith.constant 0 : i32
        %dma_start3A_141 = arith.constant 0 : i32
        %dma_start3A_142 = tpu.memref_slice %arg11[%dma_start3A_140, %dma_start3A_141] : memref<10240x64xf32, #tpu.memory_space<vmem_shared>> -> memref<10240x64xf32, #tpu.memory_space<vmem_shared>>
        tpu.enqueue_indirect_dma source(%dma_start3A_142 : memref<10240x64xf32, #tpu.memory_space<vmem_shared>>) target(%dma_start3A_136 : memref<125x64xf32, #tpu.memory_space<vmem>>) offsets(%dma_start3A_139 : memref<125xi32, #tpu.memory_space<vmem>>) semaphore(%arg12 : memref<!tpu.dma_semaphore, #tpu.memory_space<semaphore_mem>>)
      } else {
      }
      %add3A_110 = arith.constant 1 : i32
      %add3A_111 = arith.addi %add3A_45, %add3A_110 : i32
      %dma_wait3A_112 = arith.constant 1 : i32
      %dma_wait3A_113 = arith.constant 0 : i32
      %dma_wait3A_114 = arith.constant 0 : i32
      %dma_wait3A_115 = tpu.memref_slice %arg9[%dma_wait3A_112, %dma_wait3A_113, %dma_wait3A_114] : memref<2x125x64xf32, #tpu.memory_space<vmem>> -> memref<1x125x64xf32, #tpu.memory_space<vmem>>
      %dma_wait3A_116 = tpu.memref_squeeze %dma_wait3A_115 : memref<1x125x64xf32, #tpu.memory_space<vmem>> -> memref<125x64xf32, #tpu.memory_space<vmem>>
      %dma_wait3A_117 = arith.constant 0 : i32
      %dma_wait3A_118 = tpu.memref_slice %arg8[%add3A_111, %dma_wait3A_117] : memref<80x125xi32, #tpu.memory_space<vmem>> -> memref<1x125xi32, #tpu.memory_space<vmem>>
      %dma_wait3A_119 = tpu.memref_squeeze %dma_wait3A_118 : memref<1x125xi32, #tpu.memory_space<vmem>> -> memref<125xi32, #tpu.memory_space<vmem>>
      %dma_wait3A_120 = arith.constant 0 : i32
      %dma_wait3A_121 = arith.constant 0 : i32
      %dma_wait3A_122 = tpu.memref_slice %arg10[%dma_wait3A_120, %dma_wait3A_121] : memref<10240x64xf32, #tpu.memory_space<vmem_shared>> -> memref<10240x64xf32, #tpu.memory_space<vmem_shared>>
      tpu.wait_indirect_dma semaphore(%arg14 : memref<!tpu.dma_semaphore, #tpu.memory_space<semaphore_mem>>) src(%dma_wait3A_116 : memref<125x64xf32, #tpu.memory_space<vmem>>) dst(%dma_wait3A_122 : memref<10240x64xf32, #tpu.memory_space<vmem_shared>>)
      %add3A_123 = arith.constant 2 : i32
      %add3A_124 = arith.addi %add3A_111, %add3A_123 : i32
      %lt3A_125 = arith.constant 80 : i32
      %lt3A_126 = arith.cmpi slt, %add3A_124, %lt3A_125 : i32
      %convert_element_type3A_127 = arith.extui %lt3A_126 : i1 to i32
      %cond3A_128 = arith.constant 0 : i32
      %cond3A_129 = arith.cmpi ne, %convert_element_type3A_127, %cond3A_128 : i32
      scf.if %cond3A_129 {
        %add3A_130 = arith.constant 2 : i32
        %add3A_131 = arith.addi %add3A_111, %add3A_130 : i32
        %dma_start3A_132 = arith.constant 1 : i32
        %dma_start3A_133 = arith.constant 0 : i32
        %dma_start3A_134 = arith.constant 0 : i32
        %dma_start3A_135 = tpu.memref_slice %arg9[%dma_start3A_132, %dma_start3A_133, %dma_start3A_134] : memref<2x125x64xf32, #tpu.memory_space<vmem>> -> memref<1x125x64xf32, #tpu.memory_space<vmem>>
        %dma_start3A_136 = tpu.memref_squeeze %dma_start3A_135 : memref<1x125x64xf32, #tpu.memory_space<vmem>> -> memref<125x64xf32, #tpu.memory_space<vmem>>
        %dma_start3A_137 = arith.constant 0 : i32
        %dma_start3A_138 = tpu.memref_slice %arg7[%add3A_131, %dma_start3A_137] : memref<80x125xi32, #tpu.memory_space<vmem>> -> memref<1x125xi32, #tpu.memory_space<vmem>>
        %dma_start3A_139 = tpu.memref_squeeze %dma_start3A_138 : memref<1x125xi32, #tpu.memory_space<vmem>> -> memref<125xi32, #tpu.memory_space<vmem>>
        %dma_start3A_140 = arith.constant 0 : i32
        %dma_start3A_141 = arith.constant 0 : i32
        %dma_start3A_142 = tpu.memref_slice %arg11[%dma_start3A_140, %dma_start3A_141] : memref<10240x64xf32, #tpu.memory_space<vmem_shared>> -> memref<10240x64xf32, #tpu.memory_space<vmem_shared>>
        tpu.enqueue_indirect_dma source(%dma_start3A_142 : memref<10240x64xf32, #tpu.memory_space<vmem_shared>>) target(%dma_start3A_136 : memref<125x64xf32, #tpu.memory_space<vmem>>) offsets(%dma_start3A_139 : memref<125xi32, #tpu.memory_space<vmem>>) semaphore(%arg13 : memref<!tpu.dma_semaphore, #tpu.memory_space<semaphore_mem>>)
      } else {
      }
    }
    %scan3A_35 = arith.constant 40 : i32
    %barrier3A_36 = arith.constant 0 : index
    tpu.barrier barrier_id(%barrier3A_36)
    %mul3A_37 = arith.constant 640 : i32
    %mul3A_38 = arith.muli %arg1, %mul3A_37 : i32
    %mul3A_39 = arith.constant 640 : i32
    %mul3A_40 = arith.muli %arg1, %mul3A_39 : i32
    "tpu.region"() ({
      %run_scoped3A = tpu.sem_alloc : memref<!tpu.dma_semaphore, #tpu.memory_space<semaphore_mem>>
      %dma_start3A_41 = arith.constant 0 : i32
      %dma_start3A_42 = tpu.memref_slice %arg6[%arg0, %mul3A_40, %dma_start3A_41] : memref<2x10240x64xf32, #tpu.memory_space<hbm>> -> memref<1x640x64xf32, #tpu.memory_space<hbm>>
      %dma_start3A_43 = tpu.memref_squeeze %dma_start3A_42 : memref<1x640x64xf32, #tpu.memory_space<hbm>> -> memref<640x64xf32, #tpu.memory_space<hbm>>
      %dma_start3A_44 = arith.constant 0 : i32
      %dma_start3A_45 = tpu.memref_slice %arg10[%mul3A_38, %dma_start3A_44] : memref<10240x64xf32, #tpu.memory_space<vmem_shared>> -> memref<640x64xf32, #tpu.memory_space<vmem_shared>>
      tpu.enqueue_dma source(%dma_start3A_45 : memref<640x64xf32, #tpu.memory_space<vmem_shared>>) target(%dma_start3A_43 : memref<640x64xf32, #tpu.memory_space<hbm>>) target_semaphore(%run_scoped3A : memref<!tpu.dma_semaphore, #tpu.memory_space<semaphore_mem>>)
      %dma_wait3A = arith.constant 0 : i32
      %dma_wait3A_46 = tpu.memref_slice %arg6[%arg0, %mul3A_40, %dma_wait3A] : memref<2x10240x64xf32, #tpu.memory_space<hbm>> -> memref<1x640x64xf32, #tpu.memory_space<hbm>>
      %dma_wait3A_47 = tpu.memref_squeeze %dma_wait3A_46 : memref<1x640x64xf32, #tpu.memory_space<hbm>> -> memref<640x64xf32, #tpu.memory_space<hbm>>
      %dma_wait3A_48 = arith.constant 0 : i32
      %dma_wait3A_49 = tpu.memref_slice %arg10[%mul3A_38, %dma_wait3A_48] : memref<10240x64xf32, #tpu.memory_space<vmem_shared>> -> memref<640x64xf32, #tpu.memory_space<vmem_shared>>
      tpu.wait_dma2 semaphore(%run_scoped3A : memref<!tpu.dma_semaphore, #tpu.memory_space<semaphore_mem>>) src(%dma_wait3A_49 : memref<640x64xf32, #tpu.memory_space<vmem_shared>>) dst(%dma_wait3A_47 : memref<640x64xf32, #tpu.memory_space<hbm>>)
      tpu.yield
    }) : () -> ()
    return
  }
}

#map = affine_map<(d0, d1) -> (0, 0, 0)>
#map1 = affine_map<(d0, d1) -> (0, 0)>
module attributes {stable_mosaic.version = 14 : i64} {
  func.func @deg_kernel(%arg0: i32, %arg1: i32, %arg2: memref<32x80x125xi32, #tpu.memory_space<hbm>>, %arg3: memref<125x16xf32, #tpu.memory_space<hbm>>, %arg4: memref<10240x16xf32, #tpu.memory_space<hbm>>, %arg5: memref<2x10240x16xf32, #tpu.memory_space<hbm>>, %arg6: memref<80x125xi32, #tpu.memory_space<vmem>>, %arg7: memref<125x16xf32, #tpu.memory_space<vmem>>, %arg8: memref<10240x16xf32, #tpu.memory_space<vmem_shared>>, %arg9: memref<!tpu.dma_semaphore, #tpu.memory_space<semaphore_mem>>) attributes {dimension_semantics = [#tpu.dimension_semantics<core_parallel>, #tpu.dimension_semantics<subcore_parallel>], iteration_bounds = array<i64: 2, 16>, scalar_prefetch = 0 : i64, scratch_operands = 4 : i64, tpu.core_type = #tpu.core_type<sc_vector_subcore>, window_params = [{transform_indices = #map}, {transform_indices = #map1}, {transform_indices = #map1}, {transform_indices = #map}]} {
    %mul3A = arith.constant 16 : i32
    %mul3A_0 = arith.muli %arg0, %mul3A : i32
    %add3A = arith.addi %mul3A_0, %arg1 : i32
    "tpu.region"() ({
      %run_scoped3A = tpu.sem_alloc : memref<!tpu.dma_semaphore, #tpu.memory_space<semaphore_mem>>
      %dma_start3A = arith.constant 0 : i32
      %dma_start3A_19 = arith.constant 0 : i32
      %dma_start3A_20 = tpu.memref_slice %arg2[%add3A, %dma_start3A, %dma_start3A_19] : memref<32x80x125xi32, #tpu.memory_space<hbm>> -> memref<1x80x125xi32, #tpu.memory_space<hbm>>
      %dma_start3A_21 = tpu.memref_squeeze %dma_start3A_20 : memref<1x80x125xi32, #tpu.memory_space<hbm>> -> memref<80x125xi32, #tpu.memory_space<hbm>>
      %dma_start3A_22 = arith.constant 0 : i32
      %dma_start3A_23 = arith.constant 0 : i32
      %dma_start3A_24 = tpu.memref_slice %arg2[%add3A, %dma_start3A_22, %dma_start3A_23] : memref<32x80x125xi32, #tpu.memory_space<hbm>> -> memref<1x80x125xi32, #tpu.memory_space<hbm>>
      %dma_start3A_25 = tpu.memref_squeeze %dma_start3A_24 : memref<1x80x125xi32, #tpu.memory_space<hbm>> -> memref<80x125xi32, #tpu.memory_space<hbm>>
      tpu.enqueue_dma source(%dma_start3A_25 : memref<80x125xi32, #tpu.memory_space<hbm>>) target(%arg6 : memref<80x125xi32, #tpu.memory_space<vmem>>) target_semaphore(%run_scoped3A : memref<!tpu.dma_semaphore, #tpu.memory_space<semaphore_mem>>)
      %dma_wait3A = arith.constant 0 : i32
      %dma_wait3A_26 = arith.constant 0 : i32
      %dma_wait3A_27 = tpu.memref_slice %arg2[%add3A, %dma_wait3A, %dma_wait3A_26] : memref<32x80x125xi32, #tpu.memory_space<hbm>> -> memref<1x80x125xi32, #tpu.memory_space<hbm>>
      %dma_wait3A_28 = tpu.memref_squeeze %dma_wait3A_27 : memref<1x80x125xi32, #tpu.memory_space<hbm>> -> memref<80x125xi32, #tpu.memory_space<hbm>>
      %dma_wait3A_29 = arith.constant 0 : i32
      %dma_wait3A_30 = arith.constant 0 : i32
      %dma_wait3A_31 = tpu.memref_slice %arg2[%add3A, %dma_wait3A_29, %dma_wait3A_30] : memref<32x80x125xi32, #tpu.memory_space<hbm>> -> memref<1x80x125xi32, #tpu.memory_space<hbm>>
      %dma_wait3A_32 = tpu.memref_squeeze %dma_wait3A_31 : memref<1x80x125xi32, #tpu.memory_space<hbm>> -> memref<80x125xi32, #tpu.memory_space<hbm>>
      tpu.wait_dma2 semaphore(%run_scoped3A : memref<!tpu.dma_semaphore, #tpu.memory_space<semaphore_mem>>) src(%dma_wait3A_32 : memref<80x125xi32, #tpu.memory_space<hbm>>) dst(%arg6 : memref<80x125xi32, #tpu.memory_space<vmem>>)
      tpu.yield
    }) : () -> ()
    "tpu.region"() ({
      %run_scoped3A = tpu.sem_alloc : memref<!tpu.dma_semaphore, #tpu.memory_space<semaphore_mem>>
      tpu.enqueue_dma source(%arg3 : memref<125x16xf32, #tpu.memory_space<hbm>>) target(%arg7 : memref<125x16xf32, #tpu.memory_space<vmem>>) target_semaphore(%run_scoped3A : memref<!tpu.dma_semaphore, #tpu.memory_space<semaphore_mem>>)
      tpu.wait_dma2 semaphore(%run_scoped3A : memref<!tpu.dma_semaphore, #tpu.memory_space<semaphore_mem>>) src(%arg3 : memref<125x16xf32, #tpu.memory_space<hbm>>) dst(%arg7 : memref<125x16xf32, #tpu.memory_space<vmem>>)
      tpu.yield
    }) : () -> ()
    %mul3A_1 = arith.constant 640 : i32
    %mul3A_2 = arith.muli %arg1, %mul3A_1 : i32
    %mul3A_3 = arith.constant 640 : i32
    %mul3A_4 = arith.muli %arg1, %mul3A_3 : i32
    "tpu.region"() ({
      %run_scoped3A = tpu.sem_alloc : memref<!tpu.dma_semaphore, #tpu.memory_space<semaphore_mem>>
      %dma_start3A = arith.constant 0 : i32
      %dma_start3A_19 = tpu.memref_slice %arg8[%mul3A_4, %dma_start3A] : memref<10240x16xf32, #tpu.memory_space<vmem_shared>> -> memref<640x16xf32, #tpu.memory_space<vmem_shared>>
      %dma_start3A_20 = arith.constant 0 : i32
      %dma_start3A_21 = tpu.memref_slice %arg4[%mul3A_2, %dma_start3A_20] : memref<10240x16xf32, #tpu.memory_space<hbm>> -> memref<640x16xf32, #tpu.memory_space<hbm>>
      tpu.enqueue_dma source(%dma_start3A_21 : memref<640x16xf32, #tpu.memory_space<hbm>>) target(%dma_start3A_19 : memref<640x16xf32, #tpu.memory_space<vmem_shared>>) target_semaphore(%run_scoped3A : memref<!tpu.dma_semaphore, #tpu.memory_space<semaphore_mem>>)
      %dma_wait3A = arith.constant 0 : i32
      %dma_wait3A_22 = tpu.memref_slice %arg8[%mul3A_4, %dma_wait3A] : memref<10240x16xf32, #tpu.memory_space<vmem_shared>> -> memref<640x16xf32, #tpu.memory_space<vmem_shared>>
      %dma_wait3A_23 = arith.constant 0 : i32
      %dma_wait3A_24 = tpu.memref_slice %arg4[%mul3A_2, %dma_wait3A_23] : memref<10240x16xf32, #tpu.memory_space<hbm>> -> memref<640x16xf32, #tpu.memory_space<hbm>>
      tpu.wait_dma2 semaphore(%run_scoped3A : memref<!tpu.dma_semaphore, #tpu.memory_space<semaphore_mem>>) src(%dma_wait3A_24 : memref<640x16xf32, #tpu.memory_space<hbm>>) dst(%dma_wait3A_22 : memref<640x16xf32, #tpu.memory_space<vmem_shared>>)
      tpu.yield
    }) : () -> ()
    %barrier3A = arith.constant 0 : index
    tpu.barrier barrier_id(%barrier3A)
    %scan3A = arith.constant 0 : i32
    %scan3A_5 = arith.constant 80 : i32
    %scan3A_6 = arith.addi %scan3A, %scan3A_5 : i32
    %scan3A_7 = arith.constant 1 : i32
    scf.for %scan3A_19 = %scan3A to %scan3A_6 step %scan3A_7  : i32 {
      %mul3A_20 = arith.constant 1 : i32
      %mul3A_21 = arith.muli %scan3A_19, %mul3A_20 : i32
      %add3A_22 = arith.constant 0 : i32
      %add3A_23 = arith.addi %add3A_22, %mul3A_21 : i32
      %dma_start3A = arith.constant 0 : i32
      %dma_start3A_24 = tpu.memref_slice %arg6[%add3A_23, %dma_start3A] : memref<80x125xi32, #tpu.memory_space<vmem>> -> memref<1x125xi32, #tpu.memory_space<vmem>>
      %dma_start3A_25 = tpu.memref_squeeze %dma_start3A_24 : memref<1x125xi32, #tpu.memory_space<vmem>> -> memref<125xi32, #tpu.memory_space<vmem>>
      %dma_start3A_26 = arith.constant 0 : i32
      %dma_start3A_27 = arith.constant 0 : i32
      %dma_start3A_28 = tpu.memref_slice %arg8[%dma_start3A_26, %dma_start3A_27] : memref<10240x16xf32, #tpu.memory_space<vmem_shared>> -> memref<10240x16xf32, #tpu.memory_space<vmem_shared>>
      tpu.enqueue_indirect_dma source(%arg7 : memref<125x16xf32, #tpu.memory_space<vmem>>) target(%dma_start3A_28 : memref<10240x16xf32, #tpu.memory_space<vmem_shared>>) offsets(%dma_start3A_25 : memref<125xi32, #tpu.memory_space<vmem>>) semaphore(%arg9 : memref<!tpu.dma_semaphore, #tpu.memory_space<semaphore_mem>>) {add = true}
    }
    %scan3A_8 = arith.constant 80 : i32
    %scan3A_9 = arith.constant 0 : i32
    %scan3A_10 = arith.constant 80 : i32
    %scan3A_11 = arith.addi %scan3A_9, %scan3A_10 : i32
    %scan3A_12 = arith.constant 1 : i32
    scf.for %scan3A_19 = %scan3A_9 to %scan3A_11 step %scan3A_12  : i32 {
      %mul3A_20 = arith.constant 1 : i32
      %mul3A_21 = arith.muli %scan3A_19, %mul3A_20 : i32
      %add3A_22 = arith.constant 0 : i32
      %add3A_23 = arith.addi %add3A_22, %mul3A_21 : i32
      %dma_wait3A = arith.constant 0 : i32
      %dma_wait3A_24 = tpu.memref_slice %arg6[%add3A_23, %dma_wait3A] : memref<80x125xi32, #tpu.memory_space<vmem>> -> memref<1x125xi32, #tpu.memory_space<vmem>>
      %dma_wait3A_25 = tpu.memref_squeeze %dma_wait3A_24 : memref<1x125xi32, #tpu.memory_space<vmem>> -> memref<125xi32, #tpu.memory_space<vmem>>
      %dma_wait3A_26 = arith.constant 0 : i32
      %dma_wait3A_27 = arith.constant 0 : i32
      %dma_wait3A_28 = tpu.memref_slice %arg8[%dma_wait3A_26, %dma_wait3A_27] : memref<10240x16xf32, #tpu.memory_space<vmem_shared>> -> memref<10240x16xf32, #tpu.memory_space<vmem_shared>>
      tpu.wait_indirect_dma semaphore(%arg9 : memref<!tpu.dma_semaphore, #tpu.memory_space<semaphore_mem>>) src(%arg7 : memref<125x16xf32, #tpu.memory_space<vmem>>) dst(%dma_wait3A_28 : memref<10240x16xf32, #tpu.memory_space<vmem_shared>>)
    }
    %scan3A_13 = arith.constant 80 : i32
    %barrier3A_14 = arith.constant 0 : index
    tpu.barrier barrier_id(%barrier3A_14)
    %mul3A_15 = arith.constant 640 : i32
    %mul3A_16 = arith.muli %arg1, %mul3A_15 : i32
    %mul3A_17 = arith.constant 640 : i32
    %mul3A_18 = arith.muli %arg1, %mul3A_17 : i32
    "tpu.region"() ({
      %run_scoped3A = tpu.sem_alloc : memref<!tpu.dma_semaphore, #tpu.memory_space<semaphore_mem>>
      %dma_start3A = arith.constant 0 : i32
      %dma_start3A_19 = tpu.memref_slice %arg5[%arg0, %mul3A_18, %dma_start3A] : memref<2x10240x16xf32, #tpu.memory_space<hbm>> -> memref<1x640x16xf32, #tpu.memory_space<hbm>>
      %dma_start3A_20 = tpu.memref_squeeze %dma_start3A_19 : memref<1x640x16xf32, #tpu.memory_space<hbm>> -> memref<640x16xf32, #tpu.memory_space<hbm>>
      %dma_start3A_21 = arith.constant 0 : i32
      %dma_start3A_22 = tpu.memref_slice %arg8[%mul3A_16, %dma_start3A_21] : memref<10240x16xf32, #tpu.memory_space<vmem_shared>> -> memref<640x16xf32, #tpu.memory_space<vmem_shared>>
      tpu.enqueue_dma source(%dma_start3A_22 : memref<640x16xf32, #tpu.memory_space<vmem_shared>>) target(%dma_start3A_20 : memref<640x16xf32, #tpu.memory_space<hbm>>) target_semaphore(%run_scoped3A : memref<!tpu.dma_semaphore, #tpu.memory_space<semaphore_mem>>)
      %dma_wait3A = arith.constant 0 : i32
      %dma_wait3A_23 = tpu.memref_slice %arg5[%arg0, %mul3A_18, %dma_wait3A] : memref<2x10240x16xf32, #tpu.memory_space<hbm>> -> memref<1x640x16xf32, #tpu.memory_space<hbm>>
      %dma_wait3A_24 = tpu.memref_squeeze %dma_wait3A_23 : memref<1x640x16xf32, #tpu.memory_space<hbm>> -> memref<640x16xf32, #tpu.memory_space<hbm>>
      %dma_wait3A_25 = arith.constant 0 : i32
      %dma_wait3A_26 = tpu.memref_slice %arg8[%mul3A_16, %dma_wait3A_25] : memref<10240x16xf32, #tpu.memory_space<vmem_shared>> -> memref<640x16xf32, #tpu.memory_space<vmem_shared>>
      tpu.wait_dma2 semaphore(%run_scoped3A : memref<!tpu.dma_semaphore, #tpu.memory_space<semaphore_mem>>) src(%dma_wait3A_26 : memref<640x16xf32, #tpu.memory_space<vmem_shared>>) dst(%dma_wait3A_24 : memref<640x16xf32, #tpu.memory_space<hbm>>)
      tpu.yield
    }) : () -> ()
    return
  }
}

#map = affine_map<(d0, d1) -> (0, 0, 0)>
#map1 = affine_map<(d0, d1) -> (0, 0)>
module attributes {stable_mosaic.version = 14 : i64} {
  func.func @scat_kernel(%arg0: i32, %arg1: i32, %arg2: memref<32x80x125xi32, #tpu.memory_space<hbm>>, %arg3: memref<32x80x125xi32, #tpu.memory_space<hbm>>, %arg4: memref<10240x32xf32, #tpu.memory_space<hbm>>, %arg5: memref<10240x32xf32, #tpu.memory_space<hbm>>, %arg6: memref<2x10240x32xf32, #tpu.memory_space<hbm>>, %arg7: memref<80x125xi32, #tpu.memory_space<vmem>>, %arg8: memref<80x125xi32, #tpu.memory_space<vmem>>, %arg9: memref<4x125x32xf32, #tpu.memory_space<vmem>>, %arg10: memref<10240x32xf32, #tpu.memory_space<vmem_shared>>, %arg11: memref<10240x32xf32, #tpu.memory_space<vmem_shared>>, %arg12: memref<!tpu.dma_semaphore, #tpu.memory_space<semaphore_mem>>, %arg13: memref<!tpu.dma_semaphore, #tpu.memory_space<semaphore_mem>>, %arg14: memref<!tpu.dma_semaphore, #tpu.memory_space<semaphore_mem>>, %arg15: memref<!tpu.dma_semaphore, #tpu.memory_space<semaphore_mem>>, %arg16: memref<!tpu.dma_semaphore, #tpu.memory_space<semaphore_mem>>) attributes {dimension_semantics = [#tpu.dimension_semantics<core_parallel>, #tpu.dimension_semantics<subcore_parallel>], iteration_bounds = array<i64: 2, 16>, scalar_prefetch = 0 : i64, scratch_operands = 10 : i64, tpu.core_type = #tpu.core_type<sc_vector_subcore>, window_params = [{transform_indices = #map}, {transform_indices = #map}, {transform_indices = #map1}, {transform_indices = #map1}, {transform_indices = #map}]} {
    %mul3A = arith.constant 16 : i32
    %mul3A_0 = arith.muli %arg0, %mul3A : i32
    %add3A = arith.addi %mul3A_0, %arg1 : i32
    "tpu.region"() ({
      %run_scoped3A = tpu.sem_alloc : memref<!tpu.dma_semaphore, #tpu.memory_space<semaphore_mem>>
      %dma_start3A_65 = arith.constant 0 : i32
      %dma_start3A_66 = arith.constant 0 : i32
      %dma_start3A_67 = tpu.memref_slice %arg2[%add3A, %dma_start3A_65, %dma_start3A_66] : memref<32x80x125xi32, #tpu.memory_space<hbm>> -> memref<1x80x125xi32, #tpu.memory_space<hbm>>
      %dma_start3A_68 = tpu.memref_squeeze %dma_start3A_67 : memref<1x80x125xi32, #tpu.memory_space<hbm>> -> memref<80x125xi32, #tpu.memory_space<hbm>>
      %dma_start3A_69 = arith.constant 0 : i32
      %dma_start3A_70 = arith.constant 0 : i32
      %dma_start3A_71 = tpu.memref_slice %arg2[%add3A, %dma_start3A_69, %dma_start3A_70] : memref<32x80x125xi32, #tpu.memory_space<hbm>> -> memref<1x80x125xi32, #tpu.memory_space<hbm>>
      %dma_start3A_72 = tpu.memref_squeeze %dma_start3A_71 : memref<1x80x125xi32, #tpu.memory_space<hbm>> -> memref<80x125xi32, #tpu.memory_space<hbm>>
      tpu.enqueue_dma source(%dma_start3A_72 : memref<80x125xi32, #tpu.memory_space<hbm>>) target(%arg7 : memref<80x125xi32, #tpu.memory_space<vmem>>) target_semaphore(%run_scoped3A : memref<!tpu.dma_semaphore, #tpu.memory_space<semaphore_mem>>)
      %dma_wait3A = arith.constant 0 : i32
      %dma_wait3A_73 = arith.constant 0 : i32
      %dma_wait3A_74 = tpu.memref_slice %arg2[%add3A, %dma_wait3A, %dma_wait3A_73] : memref<32x80x125xi32, #tpu.memory_space<hbm>> -> memref<1x80x125xi32, #tpu.memory_space<hbm>>
      %dma_wait3A_75 = tpu.memref_squeeze %dma_wait3A_74 : memref<1x80x125xi32, #tpu.memory_space<hbm>> -> memref<80x125xi32, #tpu.memory_space<hbm>>
      %dma_wait3A_76 = arith.constant 0 : i32
      %dma_wait3A_77 = arith.constant 0 : i32
      %dma_wait3A_78 = tpu.memref_slice %arg2[%add3A, %dma_wait3A_76, %dma_wait3A_77] : memref<32x80x125xi32, #tpu.memory_space<hbm>> -> memref<1x80x125xi32, #tpu.memory_space<hbm>>
      %dma_wait3A_79 = tpu.memref_squeeze %dma_wait3A_78 : memref<1x80x125xi32, #tpu.memory_space<hbm>> -> memref<80x125xi32, #tpu.memory_space<hbm>>
      tpu.wait_dma2 semaphore(%run_scoped3A : memref<!tpu.dma_semaphore, #tpu.memory_space<semaphore_mem>>) src(%dma_wait3A_79 : memref<80x125xi32, #tpu.memory_space<hbm>>) dst(%arg7 : memref<80x125xi32, #tpu.memory_space<vmem>>)
      tpu.yield
    }) : () -> ()
    "tpu.region"() ({
      %run_scoped3A = tpu.sem_alloc : memref<!tpu.dma_semaphore, #tpu.memory_space<semaphore_mem>>
      %dma_start3A_65 = arith.constant 0 : i32
      %dma_start3A_66 = arith.constant 0 : i32
      %dma_start3A_67 = tpu.memref_slice %arg3[%add3A, %dma_start3A_65, %dma_start3A_66] : memref<32x80x125xi32, #tpu.memory_space<hbm>> -> memref<1x80x125xi32, #tpu.memory_space<hbm>>
      %dma_start3A_68 = tpu.memref_squeeze %dma_start3A_67 : memref<1x80x125xi32, #tpu.memory_space<hbm>> -> memref<80x125xi32, #tpu.memory_space<hbm>>
      %dma_start3A_69 = arith.constant 0 : i32
      %dma_start3A_70 = arith.constant 0 : i32
      %dma_start3A_71 = tpu.memref_slice %arg3[%add3A, %dma_start3A_69, %dma_start3A_70] : memref<32x80x125xi32, #tpu.memory_space<hbm>> -> memref<1x80x125xi32, #tpu.memory_space<hbm>>
      %dma_start3A_72 = tpu.memref_squeeze %dma_start3A_71 : memref<1x80x125xi32, #tpu.memory_space<hbm>> -> memref<80x125xi32, #tpu.memory_space<hbm>>
      tpu.enqueue_dma source(%dma_start3A_72 : memref<80x125xi32, #tpu.memory_space<hbm>>) target(%arg8 : memref<80x125xi32, #tpu.memory_space<vmem>>) target_semaphore(%run_scoped3A : memref<!tpu.dma_semaphore, #tpu.memory_space<semaphore_mem>>)
      %dma_wait3A = arith.constant 0 : i32
      %dma_wait3A_73 = arith.constant 0 : i32
      %dma_wait3A_74 = tpu.memref_slice %arg3[%add3A, %dma_wait3A, %dma_wait3A_73] : memref<32x80x125xi32, #tpu.memory_space<hbm>> -> memref<1x80x125xi32, #tpu.memory_space<hbm>>
      %dma_wait3A_75 = tpu.memref_squeeze %dma_wait3A_74 : memref<1x80x125xi32, #tpu.memory_space<hbm>> -> memref<80x125xi32, #tpu.memory_space<hbm>>
      %dma_wait3A_76 = arith.constant 0 : i32
      %dma_wait3A_77 = arith.constant 0 : i32
      %dma_wait3A_78 = tpu.memref_slice %arg3[%add3A, %dma_wait3A_76, %dma_wait3A_77] : memref<32x80x125xi32, #tpu.memory_space<hbm>> -> memref<1x80x125xi32, #tpu.memory_space<hbm>>
      %dma_wait3A_79 = tpu.memref_squeeze %dma_wait3A_78 : memref<1x80x125xi32, #tpu.memory_space<hbm>> -> memref<80x125xi32, #tpu.memory_space<hbm>>
      tpu.wait_dma2 semaphore(%run_scoped3A : memref<!tpu.dma_semaphore, #tpu.memory_space<semaphore_mem>>) src(%dma_wait3A_79 : memref<80x125xi32, #tpu.memory_space<hbm>>) dst(%arg8 : memref<80x125xi32, #tpu.memory_space<vmem>>)
      tpu.yield
    }) : () -> ()
    %mul3A_1 = arith.constant 640 : i32
    %mul3A_2 = arith.muli %arg1, %mul3A_1 : i32
    %mul3A_3 = arith.constant 640 : i32
    %mul3A_4 = arith.muli %arg1, %mul3A_3 : i32
    "tpu.region"() ({
      %run_scoped3A = tpu.sem_alloc : memref<!tpu.dma_semaphore, #tpu.memory_space<semaphore_mem>>
      %dma_start3A_65 = arith.constant 0 : i32
      %dma_start3A_66 = tpu.memref_slice %arg11[%mul3A_4, %dma_start3A_65] : memref<10240x32xf32, #tpu.memory_space<vmem_shared>> -> memref<640x32xf32, #tpu.memory_space<vmem_shared>>
      %dma_start3A_67 = arith.constant 0 : i32
      %dma_start3A_68 = tpu.memref_slice %arg4[%mul3A_2, %dma_start3A_67] : memref<10240x32xf32, #tpu.memory_space<hbm>> -> memref<640x32xf32, #tpu.memory_space<hbm>>
      tpu.enqueue_dma source(%dma_start3A_68 : memref<640x32xf32, #tpu.memory_space<hbm>>) target(%dma_start3A_66 : memref<640x32xf32, #tpu.memory_space<vmem_shared>>) target_semaphore(%run_scoped3A : memref<!tpu.dma_semaphore, #tpu.memory_space<semaphore_mem>>)
      %dma_wait3A = arith.constant 0 : i32
      %dma_wait3A_69 = tpu.memref_slice %arg11[%mul3A_4, %dma_wait3A] : memref<10240x32xf32, #tpu.memory_space<vmem_shared>> -> memref<640x32xf32, #tpu.memory_space<vmem_shared>>
      %dma_wait3A_70 = arith.constant 0 : i32
      %dma_wait3A_71 = tpu.memref_slice %arg4[%mul3A_2, %dma_wait3A_70] : memref<10240x32xf32, #tpu.memory_space<hbm>> -> memref<640x32xf32, #tpu.memory_space<hbm>>
      tpu.wait_dma2 semaphore(%run_scoped3A : memref<!tpu.dma_semaphore, #tpu.memory_space<semaphore_mem>>) src(%dma_wait3A_71 : memref<640x32xf32, #tpu.memory_space<hbm>>) dst(%dma_wait3A_69 : memref<640x32xf32, #tpu.memory_space<vmem_shared>>)
      tpu.yield
    }) : () -> ()
    %mul3A_5 = arith.constant 640 : i32
    %mul3A_6 = arith.muli %arg1, %mul3A_5 : i32
    %mul3A_7 = arith.constant 640 : i32
    %mul3A_8 = arith.muli %arg1, %mul3A_7 : i32
    "tpu.region"() ({
      %run_scoped3A = tpu.sem_alloc : memref<!tpu.dma_semaphore, #tpu.memory_space<semaphore_mem>>
      %dma_start3A_65 = arith.constant 0 : i32
      %dma_start3A_66 = tpu.memref_slice %arg10[%mul3A_8, %dma_start3A_65] : memref<10240x32xf32, #tpu.memory_space<vmem_shared>> -> memref<640x32xf32, #tpu.memory_space<vmem_shared>>
      %dma_start3A_67 = arith.constant 0 : i32
      %dma_start3A_68 = tpu.memref_slice %arg5[%mul3A_6, %dma_start3A_67] : memref<10240x32xf32, #tpu.memory_space<hbm>> -> memref<640x32xf32, #tpu.memory_space<hbm>>
      tpu.enqueue_dma source(%dma_start3A_68 : memref<640x32xf32, #tpu.memory_space<hbm>>) target(%dma_start3A_66 : memref<640x32xf32, #tpu.memory_space<vmem_shared>>) target_semaphore(%run_scoped3A : memref<!tpu.dma_semaphore, #tpu.memory_space<semaphore_mem>>)
      %dma_wait3A = arith.constant 0 : i32
      %dma_wait3A_69 = tpu.memref_slice %arg10[%mul3A_8, %dma_wait3A] : memref<10240x32xf32, #tpu.memory_space<vmem_shared>> -> memref<640x32xf32, #tpu.memory_space<vmem_shared>>
      %dma_wait3A_70 = arith.constant 0 : i32
      %dma_wait3A_71 = tpu.memref_slice %arg5[%mul3A_6, %dma_wait3A_70] : memref<10240x32xf32, #tpu.memory_space<hbm>> -> memref<640x32xf32, #tpu.memory_space<hbm>>
      tpu.wait_dma2 semaphore(%run_scoped3A : memref<!tpu.dma_semaphore, #tpu.memory_space<semaphore_mem>>) src(%dma_wait3A_71 : memref<640x32xf32, #tpu.memory_space<hbm>>) dst(%dma_wait3A_69 : memref<640x32xf32, #tpu.memory_space<vmem_shared>>)
      tpu.yield
    }) : () -> ()
    %barrier3A = arith.constant 0 : index
    tpu.barrier barrier_id(%barrier3A)
    %dma_start3A = arith.constant 0 : i32
    %dma_start3A_9 = arith.constant 0 : i32
    %dma_start3A_10 = arith.constant 0 : i32
    %dma_start3A_11 = arith.constant 0 : i32
    %dma_start3A_12 = tpu.memref_slice %arg9[%dma_start3A_9, %dma_start3A_10, %dma_start3A_11] : memref<4x125x32xf32, #tpu.memory_space<vmem>> -> memref<1x125x32xf32, #tpu.memory_space<vmem>>
    %dma_start3A_13 = tpu.memref_squeeze %dma_start3A_12 : memref<1x125x32xf32, #tpu.memory_space<vmem>> -> memref<125x32xf32, #tpu.memory_space<vmem>>
    %dma_start3A_14 = arith.constant 0 : i32
    %dma_start3A_15 = tpu.memref_slice %arg7[%dma_start3A, %dma_start3A_14] : memref<80x125xi32, #tpu.memory_space<vmem>> -> memref<1x125xi32, #tpu.memory_space<vmem>>
    %dma_start3A_16 = tpu.memref_squeeze %dma_start3A_15 : memref<1x125xi32, #tpu.memory_space<vmem>> -> memref<125xi32, #tpu.memory_space<vmem>>
    %dma_start3A_17 = arith.constant 0 : i32
    %dma_start3A_18 = arith.constant 0 : i32
    %dma_start3A_19 = tpu.memref_slice %arg11[%dma_start3A_17, %dma_start3A_18] : memref<10240x32xf32, #tpu.memory_space<vmem_shared>> -> memref<10240x32xf32, #tpu.memory_space<vmem_shared>>
    tpu.enqueue_indirect_dma source(%dma_start3A_19 : memref<10240x32xf32, #tpu.memory_space<vmem_shared>>) target(%dma_start3A_13 : memref<125x32xf32, #tpu.memory_space<vmem>>) offsets(%dma_start3A_16 : memref<125xi32, #tpu.memory_space<vmem>>) semaphore(%arg12 : memref<!tpu.dma_semaphore, #tpu.memory_space<semaphore_mem>>)
    %dma_start3A_20 = arith.constant 1 : i32
    %dma_start3A_21 = arith.constant 1 : i32
    %dma_start3A_22 = arith.constant 0 : i32
    %dma_start3A_23 = arith.constant 0 : i32
    %dma_start3A_24 = tpu.memref_slice %arg9[%dma_start3A_21, %dma_start3A_22, %dma_start3A_23] : memref<4x125x32xf32, #tpu.memory_space<vmem>> -> memref<1x125x32xf32, #tpu.memory_space<vmem>>
    %dma_start3A_25 = tpu.memref_squeeze %dma_start3A_24 : memref<1x125x32xf32, #tpu.memory_space<vmem>> -> memref<125x32xf32, #tpu.memory_space<vmem>>
    %dma_start3A_26 = arith.constant 0 : i32
    %dma_start3A_27 = tpu.memref_slice %arg7[%dma_start3A_20, %dma_start3A_26] : memref<80x125xi32, #tpu.memory_space<vmem>> -> memref<1x125xi32, #tpu.memory_space<vmem>>
    %dma_start3A_28 = tpu.memref_squeeze %dma_start3A_27 : memref<1x125xi32, #tpu.memory_space<vmem>> -> memref<125xi32, #tpu.memory_space<vmem>>
    %dma_start3A_29 = arith.constant 0 : i32
    %dma_start3A_30 = arith.constant 0 : i32
    %dma_start3A_31 = tpu.memref_slice %arg11[%dma_start3A_29, %dma_start3A_30] : memref<10240x32xf32, #tpu.memory_space<vmem_shared>> -> memref<10240x32xf32, #tpu.memory_space<vmem_shared>>
    tpu.enqueue_indirect_dma source(%dma_start3A_31 : memref<10240x32xf32, #tpu.memory_space<vmem_shared>>) target(%dma_start3A_25 : memref<125x32xf32, #tpu.memory_space<vmem>>) offsets(%dma_start3A_28 : memref<125xi32, #tpu.memory_space<vmem>>) semaphore(%arg13 : memref<!tpu.dma_semaphore, #tpu.memory_space<semaphore_mem>>)
    %dma_start3A_32 = arith.constant 2 : i32
    %dma_start3A_33 = arith.constant 2 : i32
    %dma_start3A_34 = arith.constant 0 : i32
    %dma_start3A_35 = arith.constant 0 : i32
    %dma_start3A_36 = tpu.memref_slice %arg9[%dma_start3A_33, %dma_start3A_34, %dma_start3A_35] : memref<4x125x32xf32, #tpu.memory_space<vmem>> -> memref<1x125x32xf32, #tpu.memory_space<vmem>>
    %dma_start3A_37 = tpu.memref_squeeze %dma_start3A_36 : memref<1x125x32xf32, #tpu.memory_space<vmem>> -> memref<125x32xf32, #tpu.memory_space<vmem>>
    %dma_start3A_38 = arith.constant 0 : i32
    %dma_start3A_39 = tpu.memref_slice %arg7[%dma_start3A_32, %dma_start3A_38] : memref<80x125xi32, #tpu.memory_space<vmem>> -> memref<1x125xi32, #tpu.memory_space<vmem>>
    %dma_start3A_40 = tpu.memref_squeeze %dma_start3A_39 : memref<1x125xi32, #tpu.memory_space<vmem>> -> memref<125xi32, #tpu.memory_space<vmem>>
    %dma_start3A_41 = arith.constant 0 : i32
    %dma_start3A_42 = arith.constant 0 : i32
    %dma_start3A_43 = tpu.memref_slice %arg11[%dma_start3A_41, %dma_start3A_42] : memref<10240x32xf32, #tpu.memory_space<vmem_shared>> -> memref<10240x32xf32, #tpu.memory_space<vmem_shared>>
    tpu.enqueue_indirect_dma source(%dma_start3A_43 : memref<10240x32xf32, #tpu.memory_space<vmem_shared>>) target(%dma_start3A_37 : memref<125x32xf32, #tpu.memory_space<vmem>>) offsets(%dma_start3A_40 : memref<125xi32, #tpu.memory_space<vmem>>) semaphore(%arg14 : memref<!tpu.dma_semaphore, #tpu.memory_space<semaphore_mem>>)
    %dma_start3A_44 = arith.constant 3 : i32
    %dma_start3A_45 = arith.constant 3 : i32
    %dma_start3A_46 = arith.constant 0 : i32
    %dma_start3A_47 = arith.constant 0 : i32
    %dma_start3A_48 = tpu.memref_slice %arg9[%dma_start3A_45, %dma_start3A_46, %dma_start3A_47] : memref<4x125x32xf32, #tpu.memory_space<vmem>> -> memref<1x125x32xf32, #tpu.memory_space<vmem>>
    %dma_start3A_49 = tpu.memref_squeeze %dma_start3A_48 : memref<1x125x32xf32, #tpu.memory_space<vmem>> -> memref<125x32xf32, #tpu.memory_space<vmem>>
    %dma_start3A_50 = arith.constant 0 : i32
    %dma_start3A_51 = tpu.memref_slice %arg7[%dma_start3A_44, %dma_start3A_50] : memref<80x125xi32, #tpu.memory_space<vmem>> -> memref<1x125xi32, #tpu.memory_space<vmem>>
    %dma_start3A_52 = tpu.memref_squeeze %dma_start3A_51 : memref<1x125xi32, #tpu.memory_space<vmem>> -> memref<125xi32, #tpu.memory_space<vmem>>
    %dma_start3A_53 = arith.constant 0 : i32
    %dma_start3A_54 = arith.constant 0 : i32
    %dma_start3A_55 = tpu.memref_slice %arg11[%dma_start3A_53, %dma_start3A_54] : memref<10240x32xf32, #tpu.memory_space<vmem_shared>> -> memref<10240x32xf32, #tpu.memory_space<vmem_shared>>
    tpu.enqueue_indirect_dma source(%dma_start3A_55 : memref<10240x32xf32, #tpu.memory_space<vmem_shared>>) target(%dma_start3A_49 : memref<125x32xf32, #tpu.memory_space<vmem>>) offsets(%dma_start3A_52 : memref<125xi32, #tpu.memory_space<vmem>>) semaphore(%arg15 : memref<!tpu.dma_semaphore, #tpu.memory_space<semaphore_mem>>)
    %scan3A = arith.constant 0 : i32
    %scan3A_56 = arith.constant 20 : i32
    %scan3A_57 = arith.addi %scan3A, %scan3A_56 : i32
    %scan3A_58 = arith.constant 1 : i32
    scf.for %scan3A_65 = %scan3A to %scan3A_57 step %scan3A_58  : i32 {
      %mul3A_66 = arith.constant 4 : i32
      %mul3A_67 = arith.muli %scan3A_65, %mul3A_66 : i32
      %add3A_68 = arith.constant 0 : i32
      %add3A_69 = arith.addi %add3A_68, %mul3A_67 : i32
      %add3A_70 = arith.constant 0 : i32
      %add3A_71 = arith.addi %add3A_69, %add3A_70 : i32
      %dma_wait3A = arith.constant 0 : i32
      %dma_wait3A_72 = arith.constant 0 : i32
      %dma_wait3A_73 = arith.constant 0 : i32
      %dma_wait3A_74 = tpu.memref_slice %arg9[%dma_wait3A, %dma_wait3A_72, %dma_wait3A_73] : memref<4x125x32xf32, #tpu.memory_space<vmem>> -> memref<1x125x32xf32, #tpu.memory_space<vmem>>
      %dma_wait3A_75 = tpu.memref_squeeze %dma_wait3A_74 : memref<1x125x32xf32, #tpu.memory_space<vmem>> -> memref<125x32xf32, #tpu.memory_space<vmem>>
      %dma_wait3A_76 = arith.constant 0 : i32
      %dma_wait3A_77 = tpu.memref_slice %arg7[%add3A_71, %dma_wait3A_76] : memref<80x125xi32, #tpu.memory_space<vmem>> -> memref<1x125xi32, #tpu.memory_space<vmem>>
      %dma_wait3A_78 = tpu.memref_squeeze %dma_wait3A_77 : memref<1x125xi32, #tpu.memory_space<vmem>> -> memref<125xi32, #tpu.memory_space<vmem>>
      %dma_wait3A_79 = arith.constant 0 : i32
      %dma_wait3A_80 = arith.constant 0 : i32
      %dma_wait3A_81 = tpu.memref_slice %arg11[%dma_wait3A_79, %dma_wait3A_80] : memref<10240x32xf32, #tpu.memory_space<vmem_shared>> -> memref<10240x32xf32, #tpu.memory_space<vmem_shared>>
      tpu.wait_indirect_dma semaphore(%arg12 : memref<!tpu.dma_semaphore, #tpu.memory_space<semaphore_mem>>) src(%dma_wait3A_81 : memref<10240x32xf32, #tpu.memory_space<vmem_shared>>) dst(%dma_wait3A_75 : memref<125x32xf32, #tpu.memory_space<vmem>>)
      %dma_start3A_82 = arith.constant 0 : i32
      %dma_start3A_83 = arith.constant 0 : i32
      %dma_start3A_84 = arith.constant 0 : i32
      %dma_start3A_85 = tpu.memref_slice %arg9[%dma_start3A_82, %dma_start3A_83, %dma_start3A_84] : memref<4x125x32xf32, #tpu.memory_space<vmem>> -> memref<1x125x32xf32, #tpu.memory_space<vmem>>
      %dma_start3A_86 = tpu.memref_squeeze %dma_start3A_85 : memref<1x125x32xf32, #tpu.memory_space<vmem>> -> memref<125x32xf32, #tpu.memory_space<vmem>>
      %dma_start3A_87 = arith.constant 0 : i32
      %dma_start3A_88 = tpu.memref_slice %arg8[%add3A_71, %dma_start3A_87] : memref<80x125xi32, #tpu.memory_space<vmem>> -> memref<1x125xi32, #tpu.memory_space<vmem>>
      %dma_start3A_89 = tpu.memref_squeeze %dma_start3A_88 : memref<1x125xi32, #tpu.memory_space<vmem>> -> memref<125xi32, #tpu.memory_space<vmem>>
      %dma_start3A_90 = arith.constant 0 : i32
      %dma_start3A_91 = arith.constant 0 : i32
      %dma_start3A_92 = tpu.memref_slice %arg10[%dma_start3A_90, %dma_start3A_91] : memref<10240x32xf32, #tpu.memory_space<vmem_shared>> -> memref<10240x32xf32, #tpu.memory_space<vmem_shared>>
      tpu.enqueue_indirect_dma source(%dma_start3A_86 : memref<125x32xf32, #tpu.memory_space<vmem>>) target(%dma_start3A_92 : memref<10240x32xf32, #tpu.memory_space<vmem_shared>>) offsets(%dma_start3A_89 : memref<125xi32, #tpu.memory_space<vmem>>) semaphore(%arg16 : memref<!tpu.dma_semaphore, #tpu.memory_space<semaphore_mem>>) {add = true}
      %add3A_93 = arith.constant 1 : i32
      %add3A_94 = arith.addi %add3A_69, %add3A_93 : i32
      %dma_wait3A_95 = arith.constant 1 : i32
      %dma_wait3A_96 = arith.constant 0 : i32
      %dma_wait3A_97 = arith.constant 0 : i32
      %dma_wait3A_98 = tpu.memref_slice %arg9[%dma_wait3A_95, %dma_wait3A_96, %dma_wait3A_97] : memref<4x125x32xf32, #tpu.memory_space<vmem>> -> memref<1x125x32xf32, #tpu.memory_space<vmem>>
      %dma_wait3A_99 = tpu.memref_squeeze %dma_wait3A_98 : memref<1x125x32xf32, #tpu.memory_space<vmem>> -> memref<125x32xf32, #tpu.memory_space<vmem>>
      %dma_wait3A_100 = arith.constant 0 : i32
      %dma_wait3A_101 = tpu.memref_slice %arg7[%add3A_94, %dma_wait3A_100] : memref<80x125xi32, #tpu.memory_space<vmem>> -> memref<1x125xi32, #tpu.memory_space<vmem>>
      %dma_wait3A_102 = tpu.memref_squeeze %dma_wait3A_101 : memref<1x125xi32, #tpu.memory_space<vmem>> -> memref<125xi32, #tpu.memory_space<vmem>>
      %dma_wait3A_103 = arith.constant 0 : i32
      %dma_wait3A_104 = arith.constant 0 : i32
      %dma_wait3A_105 = tpu.memref_slice %arg11[%dma_wait3A_103, %dma_wait3A_104] : memref<10240x32xf32, #tpu.memory_space<vmem_shared>> -> memref<10240x32xf32, #tpu.memory_space<vmem_shared>>
      tpu.wait_indirect_dma semaphore(%arg13 : memref<!tpu.dma_semaphore, #tpu.memory_space<semaphore_mem>>) src(%dma_wait3A_105 : memref<10240x32xf32, #tpu.memory_space<vmem_shared>>) dst(%dma_wait3A_99 : memref<125x32xf32, #tpu.memory_space<vmem>>)
      %dma_start3A_106 = arith.constant 1 : i32
      %dma_start3A_107 = arith.constant 0 : i32
      %dma_start3A_108 = arith.constant 0 : i32
      %dma_start3A_109 = tpu.memref_slice %arg9[%dma_start3A_106, %dma_start3A_107, %dma_start3A_108] : memref<4x125x32xf32, #tpu.memory_space<vmem>> -> memref<1x125x32xf32, #tpu.memory_space<vmem>>
      %dma_start3A_110 = tpu.memref_squeeze %dma_start3A_109 : memref<1x125x32xf32, #tpu.memory_space<vmem>> -> memref<125x32xf32, #tpu.memory_space<vmem>>
      %dma_start3A_111 = arith.constant 0 : i32
      %dma_start3A_112 = tpu.memref_slice %arg8[%add3A_94, %dma_start3A_111] : memref<80x125xi32, #tpu.memory_space<vmem>> -> memref<1x125xi32, #tpu.memory_space<vmem>>
      %dma_start3A_113 = tpu.memref_squeeze %dma_start3A_112 : memref<1x125xi32, #tpu.memory_space<vmem>> -> memref<125xi32, #tpu.memory_space<vmem>>
      %dma_start3A_114 = arith.constant 0 : i32
      %dma_start3A_115 = arith.constant 0 : i32
      %dma_start3A_116 = tpu.memref_slice %arg10[%dma_start3A_114, %dma_start3A_115] : memref<10240x32xf32, #tpu.memory_space<vmem_shared>> -> memref<10240x32xf32, #tpu.memory_space<vmem_shared>>
      tpu.enqueue_indirect_dma source(%dma_start3A_110 : memref<125x32xf32, #tpu.memory_space<vmem>>) target(%dma_start3A_116 : memref<10240x32xf32, #tpu.memory_space<vmem_shared>>) offsets(%dma_start3A_113 : memref<125xi32, #tpu.memory_space<vmem>>) semaphore(%arg16 : memref<!tpu.dma_semaphore, #tpu.memory_space<semaphore_mem>>) {add = true}
      %add3A_117 = arith.constant 2 : i32
      %add3A_118 = arith.addi %add3A_69, %add3A_117 : i32
      %dma_wait3A_119 = arith.constant 2 : i32
      %dma_wait3A_120 = arith.constant 0 : i32
      %dma_wait3A_121 = arith.constant 0 : i32
      %dma_wait3A_122 = tpu.memref_slice %arg9[%dma_wait3A_119, %dma_wait3A_120, %dma_wait3A_121] : memref<4x125x32xf32, #tpu.memory_space<vmem>> -> memref<1x125x32xf32, #tpu.memory_space<vmem>>
      %dma_wait3A_123 = tpu.memref_squeeze %dma_wait3A_122 : memref<1x125x32xf32, #tpu.memory_space<vmem>> -> memref<125x32xf32, #tpu.memory_space<vmem>>
      %dma_wait3A_124 = arith.constant 0 : i32
      %dma_wait3A_125 = tpu.memref_slice %arg7[%add3A_118, %dma_wait3A_124] : memref<80x125xi32, #tpu.memory_space<vmem>> -> memref<1x125xi32, #tpu.memory_space<vmem>>
      %dma_wait3A_126 = tpu.memref_squeeze %dma_wait3A_125 : memref<1x125xi32, #tpu.memory_space<vmem>> -> memref<125xi32, #tpu.memory_space<vmem>>
      %dma_wait3A_127 = arith.constant 0 : i32
      %dma_wait3A_128 = arith.constant 0 : i32
      %dma_wait3A_129 = tpu.memref_slice %arg11[%dma_wait3A_127, %dma_wait3A_128] : memref<10240x32xf32, #tpu.memory_space<vmem_shared>> -> memref<10240x32xf32, #tpu.memory_space<vmem_shared>>
      tpu.wait_indirect_dma semaphore(%arg14 : memref<!tpu.dma_semaphore, #tpu.memory_space<semaphore_mem>>) src(%dma_wait3A_129 : memref<10240x32xf32, #tpu.memory_space<vmem_shared>>) dst(%dma_wait3A_123 : memref<125x32xf32, #tpu.memory_space<vmem>>)
      %dma_start3A_130 = arith.constant 2 : i32
      %dma_start3A_131 = arith.constant 0 : i32
      %dma_start3A_132 = arith.constant 0 : i32
      %dma_start3A_133 = tpu.memref_slice %arg9[%dma_start3A_130, %dma_start3A_131, %dma_start3A_132] : memref<4x125x32xf32, #tpu.memory_space<vmem>> -> memref<1x125x32xf32, #tpu.memory_space<vmem>>
      %dma_start3A_134 = tpu.memref_squeeze %dma_start3A_133 : memref<1x125x32xf32, #tpu.memory_space<vmem>> -> memref<125x32xf32, #tpu.memory_space<vmem>>
      %dma_start3A_135 = arith.constant 0 : i32
      %dma_start3A_136 = tpu.memref_slice %arg8[%add3A_118, %dma_start3A_135] : memref<80x125xi32, #tpu.memory_space<vmem>> -> memref<1x125xi32, #tpu.memory_space<vmem>>
      %dma_start3A_137 = tpu.memref_squeeze %dma_start3A_136 : memref<1x125xi32, #tpu.memory_space<vmem>> -> memref<125xi32, #tpu.memory_space<vmem>>
      %dma_start3A_138 = arith.constant 0 : i32
      %dma_start3A_139 = arith.constant 0 : i32
      %dma_start3A_140 = tpu.memref_slice %arg10[%dma_start3A_138, %dma_start3A_139] : memref<10240x32xf32, #tpu.memory_space<vmem_shared>> -> memref<10240x32xf32, #tpu.memory_space<vmem_shared>>
      tpu.enqueue_indirect_dma source(%dma_start3A_134 : memref<125x32xf32, #tpu.memory_space<vmem>>) target(%dma_start3A_140 : memref<10240x32xf32, #tpu.memory_space<vmem_shared>>) offsets(%dma_start3A_137 : memref<125xi32, #tpu.memory_space<vmem>>) semaphore(%arg16 : memref<!tpu.dma_semaphore, #tpu.memory_space<semaphore_mem>>) {add = true}
      %add3A_141 = arith.constant 3 : i32
      %add3A_142 = arith.addi %add3A_69, %add3A_141 : i32
      %dma_wait3A_143 = arith.constant 3 : i32
      %dma_wait3A_144 = arith.constant 0 : i32
      %dma_wait3A_145 = arith.constant 0 : i32
      %dma_wait3A_146 = tpu.memref_slice %arg9[%dma_wait3A_143, %dma_wait3A_144, %dma_wait3A_145] : memref<4x125x32xf32, #tpu.memory_space<vmem>> -> memref<1x125x32xf32, #tpu.memory_space<vmem>>
      %dma_wait3A_147 = tpu.memref_squeeze %dma_wait3A_146 : memref<1x125x32xf32, #tpu.memory_space<vmem>> -> memref<125x32xf32, #tpu.memory_space<vmem>>
      %dma_wait3A_148 = arith.constant 0 : i32
      %dma_wait3A_149 = tpu.memref_slice %arg7[%add3A_142, %dma_wait3A_148] : memref<80x125xi32, #tpu.memory_space<vmem>> -> memref<1x125xi32, #tpu.memory_space<vmem>>
      %dma_wait3A_150 = tpu.memref_squeeze %dma_wait3A_149 : memref<1x125xi32, #tpu.memory_space<vmem>> -> memref<125xi32, #tpu.memory_space<vmem>>
      %dma_wait3A_151 = arith.constant 0 : i32
      %dma_wait3A_152 = arith.constant 0 : i32
      %dma_wait3A_153 = tpu.memref_slice %arg11[%dma_wait3A_151, %dma_wait3A_152] : memref<10240x32xf32, #tpu.memory_space<vmem_shared>> -> memref<10240x32xf32, #tpu.memory_space<vmem_shared>>
      tpu.wait_indirect_dma semaphore(%arg15 : memref<!tpu.dma_semaphore, #tpu.memory_space<semaphore_mem>>) src(%dma_wait3A_153 : memref<10240x32xf32, #tpu.memory_space<vmem_shared>>) dst(%dma_wait3A_147 : memref<125x32xf32, #tpu.memory_space<vmem>>)
      %dma_start3A_154 = arith.constant 3 : i32
      %dma_start3A_155 = arith.constant 0 : i32
      %dma_start3A_156 = arith.constant 0 : i32
      %dma_start3A_157 = tpu.memref_slice %arg9[%dma_start3A_154, %dma_start3A_155, %dma_start3A_156] : memref<4x125x32xf32, #tpu.memory_space<vmem>> -> memref<1x125x32xf32, #tpu.memory_space<vmem>>
      %dma_start3A_158 = tpu.memref_squeeze %dma_start3A_157 : memref<1x125x32xf32, #tpu.memory_space<vmem>> -> memref<125x32xf32, #tpu.memory_space<vmem>>
      %dma_start3A_159 = arith.constant 0 : i32
      %dma_start3A_160 = tpu.memref_slice %arg8[%add3A_142, %dma_start3A_159] : memref<80x125xi32, #tpu.memory_space<vmem>> -> memref<1x125xi32, #tpu.memory_space<vmem>>
      %dma_start3A_161 = tpu.memref_squeeze %dma_start3A_160 : memref<1x125xi32, #tpu.memory_space<vmem>> -> memref<125xi32, #tpu.memory_space<vmem>>
      %dma_start3A_162 = arith.constant 0 : i32
      %dma_start3A_163 = arith.constant 0 : i32
      %dma_start3A_164 = tpu.memref_slice %arg10[%dma_start3A_162, %dma_start3A_163] : memref<10240x32xf32, #tpu.memory_space<vmem_shared>> -> memref<10240x32xf32, #tpu.memory_space<vmem_shared>>
      tpu.enqueue_indirect_dma source(%dma_start3A_158 : memref<125x32xf32, #tpu.memory_space<vmem>>) target(%dma_start3A_164 : memref<10240x32xf32, #tpu.memory_space<vmem_shared>>) offsets(%dma_start3A_161 : memref<125xi32, #tpu.memory_space<vmem>>) semaphore(%arg16 : memref<!tpu.dma_semaphore, #tpu.memory_space<semaphore_mem>>) {add = true}
      %add3A_165 = arith.constant 0 : i32
      %add3A_166 = arith.addi %add3A_69, %add3A_165 : i32
      %dma_wait3A_167 = arith.constant 0 : i32
      %dma_wait3A_168 = arith.constant 0 : i32
      %dma_wait3A_169 = arith.constant 0 : i32
      %dma_wait3A_170 = tpu.memref_slice %arg9[%dma_wait3A_167, %dma_wait3A_168, %dma_wait3A_169] : memref<4x125x32xf32, #tpu.memory_space<vmem>> -> memref<1x125x32xf32, #tpu.memory_space<vmem>>
      %dma_wait3A_171 = tpu.memref_squeeze %dma_wait3A_170 : memref<1x125x32xf32, #tpu.memory_space<vmem>> -> memref<125x32xf32, #tpu.memory_space<vmem>>
      %dma_wait3A_172 = arith.constant 0 : i32
      %dma_wait3A_173 = tpu.memref_slice %arg8[%add3A_166, %dma_wait3A_172] : memref<80x125xi32, #tpu.memory_space<vmem>> -> memref<1x125xi32, #tpu.memory_space<vmem>>
      %dma_wait3A_174 = tpu.memref_squeeze %dma_wait3A_173 : memref<1x125xi32, #tpu.memory_space<vmem>> -> memref<125xi32, #tpu.memory_space<vmem>>
      %dma_wait3A_175 = arith.constant 0 : i32
      %dma_wait3A_176 = arith.constant 0 : i32
      %dma_wait3A_177 = tpu.memref_slice %arg10[%dma_wait3A_175, %dma_wait3A_176] : memref<10240x32xf32, #tpu.memory_space<vmem_shared>> -> memref<10240x32xf32, #tpu.memory_space<vmem_shared>>
      tpu.wait_indirect_dma semaphore(%arg16 : memref<!tpu.dma_semaphore, #tpu.memory_space<semaphore_mem>>) src(%dma_wait3A_171 : memref<125x32xf32, #tpu.memory_space<vmem>>) dst(%dma_wait3A_177 : memref<10240x32xf32, #tpu.memory_space<vmem_shared>>)
      %add3A_178 = arith.constant 4 : i32
      %add3A_179 = arith.addi %add3A_166, %add3A_178 : i32
      %lt3A = arith.constant 80 : i32
      %lt3A_180 = arith.cmpi slt, %add3A_179, %lt3A : i32
      %convert_element_type3A = arith.extui %lt3A_180 : i1 to i32
      %cond3A = arith.constant 0 : i32
      %cond3A_181 = arith.cmpi ne, %convert_element_type3A, %cond3A : i32
      scf.if %cond3A_181 {
        %add3A_242 = arith.constant 4 : i32
        %add3A_243 = arith.addi %add3A_166, %add3A_242 : i32
        %dma_start3A_244 = arith.constant 0 : i32
        %dma_start3A_245 = arith.constant 0 : i32
        %dma_start3A_246 = arith.constant 0 : i32
        %dma_start3A_247 = tpu.memref_slice %arg9[%dma_start3A_244, %dma_start3A_245, %dma_start3A_246] : memref<4x125x32xf32, #tpu.memory_space<vmem>> -> memref<1x125x32xf32, #tpu.memory_space<vmem>>
        %dma_start3A_248 = tpu.memref_squeeze %dma_start3A_247 : memref<1x125x32xf32, #tpu.memory_space<vmem>> -> memref<125x32xf32, #tpu.memory_space<vmem>>
        %dma_start3A_249 = arith.constant 0 : i32
        %dma_start3A_250 = tpu.memref_slice %arg7[%add3A_243, %dma_start3A_249] : memref<80x125xi32, #tpu.memory_space<vmem>> -> memref<1x125xi32, #tpu.memory_space<vmem>>
        %dma_start3A_251 = tpu.memref_squeeze %dma_start3A_250 : memref<1x125xi32, #tpu.memory_space<vmem>> -> memref<125xi32, #tpu.memory_space<vmem>>
        %dma_start3A_252 = arith.constant 0 : i32
        %dma_start3A_253 = arith.constant 0 : i32
        %dma_start3A_254 = tpu.memref_slice %arg11[%dma_start3A_252, %dma_start3A_253] : memref<10240x32xf32, #tpu.memory_space<vmem_shared>> -> memref<10240x32xf32, #tpu.memory_space<vmem_shared>>
        tpu.enqueue_indirect_dma source(%dma_start3A_254 : memref<10240x32xf32, #tpu.memory_space<vmem_shared>>) target(%dma_start3A_248 : memref<125x32xf32, #tpu.memory_space<vmem>>) offsets(%dma_start3A_251 : memref<125xi32, #tpu.memory_space<vmem>>) semaphore(%arg12 : memref<!tpu.dma_semaphore, #tpu.memory_space<semaphore_mem>>)
      } else {
      }
      %add3A_182 = arith.constant 1 : i32
      %add3A_183 = arith.addi %add3A_69, %add3A_182 : i32
      %dma_wait3A_184 = arith.constant 1 : i32
      %dma_wait3A_185 = arith.constant 0 : i32
      %dma_wait3A_186 = arith.constant 0 : i32
      %dma_wait3A_187 = tpu.memref_slice %arg9[%dma_wait3A_184, %dma_wait3A_185, %dma_wait3A_186] : memref<4x125x32xf32, #tpu.memory_space<vmem>> -> memref<1x125x32xf32, #tpu.memory_space<vmem>>
      %dma_wait3A_188 = tpu.memref_squeeze %dma_wait3A_187 : memref<1x125x32xf32, #tpu.memory_space<vmem>> -> memref<125x32xf32, #tpu.memory_space<vmem>>
      %dma_wait3A_189 = arith.constant 0 : i32
      %dma_wait3A_190 = tpu.memref_slice %arg8[%add3A_183, %dma_wait3A_189] : memref<80x125xi32, #tpu.memory_space<vmem>> -> memref<1x125xi32, #tpu.memory_space<vmem>>
      %dma_wait3A_191 = tpu.memref_squeeze %dma_wait3A_190 : memref<1x125xi32, #tpu.memory_space<vmem>> -> memref<125xi32, #tpu.memory_space<vmem>>
      %dma_wait3A_192 = arith.constant 0 : i32
      %dma_wait3A_193 = arith.constant 0 : i32
      %dma_wait3A_194 = tpu.memref_slice %arg10[%dma_wait3A_192, %dma_wait3A_193] : memref<10240x32xf32, #tpu.memory_space<vmem_shared>> -> memref<10240x32xf32, #tpu.memory_space<vmem_shared>>
      tpu.wait_indirect_dma semaphore(%arg16 : memref<!tpu.dma_semaphore, #tpu.memory_space<semaphore_mem>>) src(%dma_wait3A_188 : memref<125x32xf32, #tpu.memory_space<vmem>>) dst(%dma_wait3A_194 : memref<10240x32xf32, #tpu.memory_space<vmem_shared>>)
      %add3A_195 = arith.constant 4 : i32
      %add3A_196 = arith.addi %add3A_183, %add3A_195 : i32
      %lt3A_197 = arith.constant 80 : i32
      %lt3A_198 = arith.cmpi slt, %add3A_196, %lt3A_197 : i32
      %convert_element_type3A_199 = arith.extui %lt3A_198 : i1 to i32
      %cond3A_200 = arith.constant 0 : i32
      %cond3A_201 = arith.cmpi ne, %convert_element_type3A_199, %cond3A_200 : i32
      scf.if %cond3A_201 {
        %add3A_242 = arith.constant 4 : i32
        %add3A_243 = arith.addi %add3A_183, %add3A_242 : i32
        %dma_start3A_244 = arith.constant 1 : i32
        %dma_start3A_245 = arith.constant 0 : i32
        %dma_start3A_246 = arith.constant 0 : i32
        %dma_start3A_247 = tpu.memref_slice %arg9[%dma_start3A_244, %dma_start3A_245, %dma_start3A_246] : memref<4x125x32xf32, #tpu.memory_space<vmem>> -> memref<1x125x32xf32, #tpu.memory_space<vmem>>
        %dma_start3A_248 = tpu.memref_squeeze %dma_start3A_247 : memref<1x125x32xf32, #tpu.memory_space<vmem>> -> memref<125x32xf32, #tpu.memory_space<vmem>>
        %dma_start3A_249 = arith.constant 0 : i32
        %dma_start3A_250 = tpu.memref_slice %arg7[%add3A_243, %dma_start3A_249] : memref<80x125xi32, #tpu.memory_space<vmem>> -> memref<1x125xi32, #tpu.memory_space<vmem>>
        %dma_start3A_251 = tpu.memref_squeeze %dma_start3A_250 : memref<1x125xi32, #tpu.memory_space<vmem>> -> memref<125xi32, #tpu.memory_space<vmem>>
        %dma_start3A_252 = arith.constant 0 : i32
        %dma_start3A_253 = arith.constant 0 : i32
        %dma_start3A_254 = tpu.memref_slice %arg11[%dma_start3A_252, %dma_start3A_253] : memref<10240x32xf32, #tpu.memory_space<vmem_shared>> -> memref<10240x32xf32, #tpu.memory_space<vmem_shared>>
        tpu.enqueue_indirect_dma source(%dma_start3A_254 : memref<10240x32xf32, #tpu.memory_space<vmem_shared>>) target(%dma_start3A_248 : memref<125x32xf32, #tpu.memory_space<vmem>>) offsets(%dma_start3A_251 : memref<125xi32, #tpu.memory_space<vmem>>) semaphore(%arg13 : memref<!tpu.dma_semaphore, #tpu.memory_space<semaphore_mem>>)
      } else {
      }
      %add3A_202 = arith.constant 2 : i32
      %add3A_203 = arith.addi %add3A_69, %add3A_202 : i32
      %dma_wait3A_204 = arith.constant 2 : i32
      %dma_wait3A_205 = arith.constant 0 : i32
      %dma_wait3A_206 = arith.constant 0 : i32
      %dma_wait3A_207 = tpu.memref_slice %arg9[%dma_wait3A_204, %dma_wait3A_205, %dma_wait3A_206] : memref<4x125x32xf32, #tpu.memory_space<vmem>> -> memref<1x125x32xf32, #tpu.memory_space<vmem>>
      %dma_wait3A_208 = tpu.memref_squeeze %dma_wait3A_207 : memref<1x125x32xf32, #tpu.memory_space<vmem>> -> memref<125x32xf32, #tpu.memory_space<vmem>>
      %dma_wait3A_209 = arith.constant 0 : i32
      %dma_wait3A_210 = tpu.memref_slice %arg8[%add3A_203, %dma_wait3A_209] : memref<80x125xi32, #tpu.memory_space<vmem>> -> memref<1x125xi32, #tpu.memory_space<vmem>>
      %dma_wait3A_211 = tpu.memref_squeeze %dma_wait3A_210 : memref<1x125xi32, #tpu.memory_space<vmem>> -> memref<125xi32, #tpu.memory_space<vmem>>
      %dma_wait3A_212 = arith.constant 0 : i32
      %dma_wait3A_213 = arith.constant 0 : i32
      %dma_wait3A_214 = tpu.memref_slice %arg10[%dma_wait3A_212, %dma_wait3A_213] : memref<10240x32xf32, #tpu.memory_space<vmem_shared>> -> memref<10240x32xf32, #tpu.memory_space<vmem_shared>>
      tpu.wait_indirect_dma semaphore(%arg16 : memref<!tpu.dma_semaphore, #tpu.memory_space<semaphore_mem>>) src(%dma_wait3A_208 : memref<125x32xf32, #tpu.memory_space<vmem>>) dst(%dma_wait3A_214 : memref<10240x32xf32, #tpu.memory_space<vmem_shared>>)
      %add3A_215 = arith.constant 4 : i32
      %add3A_216 = arith.addi %add3A_203, %add3A_215 : i32
      %lt3A_217 = arith.constant 80 : i32
      %lt3A_218 = arith.cmpi slt, %add3A_216, %lt3A_217 : i32
      %convert_element_type3A_219 = arith.extui %lt3A_218 : i1 to i32
      %cond3A_220 = arith.constant 0 : i32
      %cond3A_221 = arith.cmpi ne, %convert_element_type3A_219, %cond3A_220 : i32
      scf.if %cond3A_221 {
        %add3A_242 = arith.constant 4 : i32
        %add3A_243 = arith.addi %add3A_203, %add3A_242 : i32
        %dma_start3A_244 = arith.constant 2 : i32
        %dma_start3A_245 = arith.constant 0 : i32
        %dma_start3A_246 = arith.constant 0 : i32
        %dma_start3A_247 = tpu.memref_slice %arg9[%dma_start3A_244, %dma_start3A_245, %dma_start3A_246] : memref<4x125x32xf32, #tpu.memory_space<vmem>> -> memref<1x125x32xf32, #tpu.memory_space<vmem>>
        %dma_start3A_248 = tpu.memref_squeeze %dma_start3A_247 : memref<1x125x32xf32, #tpu.memory_space<vmem>> -> memref<125x32xf32, #tpu.memory_space<vmem>>
        %dma_start3A_249 = arith.constant 0 : i32
        %dma_start3A_250 = tpu.memref_slice %arg7[%add3A_243, %dma_start3A_249] : memref<80x125xi32, #tpu.memory_space<vmem>> -> memref<1x125xi32, #tpu.memory_space<vmem>>
        %dma_start3A_251 = tpu.memref_squeeze %dma_start3A_250 : memref<1x125xi32, #tpu.memory_space<vmem>> -> memref<125xi32, #tpu.memory_space<vmem>>
        %dma_start3A_252 = arith.constant 0 : i32
        %dma_start3A_253 = arith.constant 0 : i32
        %dma_start3A_254 = tpu.memref_slice %arg11[%dma_start3A_252, %dma_start3A_253] : memref<10240x32xf32, #tpu.memory_space<vmem_shared>> -> memref<10240x32xf32, #tpu.memory_space<vmem_shared>>
        tpu.enqueue_indirect_dma source(%dma_start3A_254 : memref<10240x32xf32, #tpu.memory_space<vmem_shared>>) target(%dma_start3A_248 : memref<125x32xf32, #tpu.memory_space<vmem>>) offsets(%dma_start3A_251 : memref<125xi32, #tpu.memory_space<vmem>>) semaphore(%arg14 : memref<!tpu.dma_semaphore, #tpu.memory_space<semaphore_mem>>)
      } else {
      }
      %add3A_222 = arith.constant 3 : i32
      %add3A_223 = arith.addi %add3A_69, %add3A_222 : i32
      %dma_wait3A_224 = arith.constant 3 : i32
      %dma_wait3A_225 = arith.constant 0 : i32
      %dma_wait3A_226 = arith.constant 0 : i32
      %dma_wait3A_227 = tpu.memref_slice %arg9[%dma_wait3A_224, %dma_wait3A_225, %dma_wait3A_226] : memref<4x125x32xf32, #tpu.memory_space<vmem>> -> memref<1x125x32xf32, #tpu.memory_space<vmem>>
      %dma_wait3A_228 = tpu.memref_squeeze %dma_wait3A_227 : memref<1x125x32xf32, #tpu.memory_space<vmem>> -> memref<125x32xf32, #tpu.memory_space<vmem>>
      %dma_wait3A_229 = arith.constant 0 : i32
      %dma_wait3A_230 = tpu.memref_slice %arg8[%add3A_223, %dma_wait3A_229] : memref<80x125xi32, #tpu.memory_space<vmem>> -> memref<1x125xi32, #tpu.memory_space<vmem>>
      %dma_wait3A_231 = tpu.memref_squeeze %dma_wait3A_230 : memref<1x125xi32, #tpu.memory_space<vmem>> -> memref<125xi32, #tpu.memory_space<vmem>>
      %dma_wait3A_232 = arith.constant 0 : i32
      %dma_wait3A_233 = arith.constant 0 : i32
      %dma_wait3A_234 = tpu.memref_slice %arg10[%dma_wait3A_232, %dma_wait3A_233] : memref<10240x32xf32, #tpu.memory_space<vmem_shared>> -> memref<10240x32xf32, #tpu.memory_space<vmem_shared>>
      tpu.wait_indirect_dma semaphore(%arg16 : memref<!tpu.dma_semaphore, #tpu.memory_space<semaphore_mem>>) src(%dma_wait3A_228 : memref<125x32xf32, #tpu.memory_space<vmem>>) dst(%dma_wait3A_234 : memref<10240x32xf32, #tpu.memory_space<vmem_shared>>)
      %add3A_235 = arith.constant 4 : i32
      %add3A_236 = arith.addi %add3A_223, %add3A_235 : i32
      %lt3A_237 = arith.constant 80 : i32
      %lt3A_238 = arith.cmpi slt, %add3A_236, %lt3A_237 : i32
      %convert_element_type3A_239 = arith.extui %lt3A_238 : i1 to i32
      %cond3A_240 = arith.constant 0 : i32
      %cond3A_241 = arith.cmpi ne, %convert_element_type3A_239, %cond3A_240 : i32
      scf.if %cond3A_241 {
        %add3A_242 = arith.constant 4 : i32
        %add3A_243 = arith.addi %add3A_223, %add3A_242 : i32
        %dma_start3A_244 = arith.constant 3 : i32
        %dma_start3A_245 = arith.constant 0 : i32
        %dma_start3A_246 = arith.constant 0 : i32
        %dma_start3A_247 = tpu.memref_slice %arg9[%dma_start3A_244, %dma_start3A_245, %dma_start3A_246] : memref<4x125x32xf32, #tpu.memory_space<vmem>> -> memref<1x125x32xf32, #tpu.memory_space<vmem>>
        %dma_start3A_248 = tpu.memref_squeeze %dma_start3A_247 : memref<1x125x32xf32, #tpu.memory_space<vmem>> -> memref<125x32xf32, #tpu.memory_space<vmem>>
        %dma_start3A_249 = arith.constant 0 : i32
        %dma_start3A_250 = tpu.memref_slice %arg7[%add3A_243, %dma_start3A_249] : memref<80x125xi32, #tpu.memory_space<vmem>> -> memref<1x125xi32, #tpu.memory_space<vmem>>
        %dma_start3A_251 = tpu.memref_squeeze %dma_start3A_250 : memref<1x125xi32, #tpu.memory_space<vmem>> -> memref<125xi32, #tpu.memory_space<vmem>>
        %dma_start3A_252 = arith.constant 0 : i32
        %dma_start3A_253 = arith.constant 0 : i32
        %dma_start3A_254 = tpu.memref_slice %arg11[%dma_start3A_252, %dma_start3A_253] : memref<10240x32xf32, #tpu.memory_space<vmem_shared>> -> memref<10240x32xf32, #tpu.memory_space<vmem_shared>>
        tpu.enqueue_indirect_dma source(%dma_start3A_254 : memref<10240x32xf32, #tpu.memory_space<vmem_shared>>) target(%dma_start3A_248 : memref<125x32xf32, #tpu.memory_space<vmem>>) offsets(%dma_start3A_251 : memref<125xi32, #tpu.memory_space<vmem>>) semaphore(%arg15 : memref<!tpu.dma_semaphore, #tpu.memory_space<semaphore_mem>>)
      } else {
      }
    }
    %scan3A_59 = arith.constant 20 : i32
    %barrier3A_60 = arith.constant 0 : index
    tpu.barrier barrier_id(%barrier3A_60)
    %mul3A_61 = arith.constant 640 : i32
    %mul3A_62 = arith.muli %arg1, %mul3A_61 : i32
    %mul3A_63 = arith.constant 640 : i32
    %mul3A_64 = arith.muli %arg1, %mul3A_63 : i32
    "tpu.region"() ({
      %run_scoped3A = tpu.sem_alloc : memref<!tpu.dma_semaphore, #tpu.memory_space<semaphore_mem>>
      %dma_start3A_65 = arith.constant 0 : i32
      %dma_start3A_66 = tpu.memref_slice %arg6[%arg0, %mul3A_64, %dma_start3A_65] : memref<2x10240x32xf32, #tpu.memory_space<hbm>> -> memref<1x640x32xf32, #tpu.memory_space<hbm>>
      %dma_start3A_67 = tpu.memref_squeeze %dma_start3A_66 : memref<1x640x32xf32, #tpu.memory_space<hbm>> -> memref<640x32xf32, #tpu.memory_space<hbm>>
      %dma_start3A_68 = arith.constant 0 : i32
      %dma_start3A_69 = tpu.memref_slice %arg10[%mul3A_62, %dma_start3A_68] : memref<10240x32xf32, #tpu.memory_space<vmem_shared>> -> memref<640x32xf32, #tpu.memory_space<vmem_shared>>
      tpu.enqueue_dma source(%dma_start3A_69 : memref<640x32xf32, #tpu.memory_space<vmem_shared>>) target(%dma_start3A_67 : memref<640x32xf32, #tpu.memory_space<hbm>>) target_semaphore(%run_scoped3A : memref<!tpu.dma_semaphore, #tpu.memory_space<semaphore_mem>>)
      %dma_wait3A = arith.constant 0 : i32
      %dma_wait3A_70 = tpu.memref_slice %arg6[%arg0, %mul3A_64, %dma_wait3A] : memref<2x10240x32xf32, #tpu.memory_space<hbm>> -> memref<1x640x32xf32, #tpu.memory_space<hbm>>
      %dma_wait3A_71 = tpu.memref_squeeze %dma_wait3A_70 : memref<1x640x32xf32, #tpu.memory_space<hbm>> -> memref<640x32xf32, #tpu.memory_space<hbm>>
      %dma_wait3A_72 = arith.constant 0 : i32
      %dma_wait3A_73 = tpu.memref_slice %arg10[%mul3A_62, %dma_wait3A_72] : memref<10240x32xf32, #tpu.memory_space<vmem_shared>> -> memref<640x32xf32, #tpu.memory_space<vmem_shared>>
      tpu.wait_dma2 semaphore(%run_scoped3A : memref<!tpu.dma_semaphore, #tpu.memory_space<semaphore_mem>>) src(%dma_wait3A_73 : memref<640x32xf32, #tpu.memory_space<vmem_shared>>) dst(%dma_wait3A_71 : memref<640x32xf32, #tpu.memory_space<hbm>>)
      tpu.yield
    }) : () -> ()
    return
  }
}

#map = affine_map<(d0, d1) -> (0, 0, 0)>
#map1 = affine_map<(d0, d1) -> (0, 0)>
module attributes {stable_mosaic.version = 14 : i64} {
  func.func @scat_kernel(%arg0: i32, %arg1: i32, %arg2: memref<16x160x125xi32, #tpu.memory_space<hbm>>, %arg3: memref<16x160x125xi32, #tpu.memory_space<hbm>>, %arg4: memref<10240x64xf32, #tpu.memory_space<hbm>>, %arg5: memref<10240x64xf32, #tpu.memory_space<hbm>>, %arg6: memref<10240x64xf32, #tpu.memory_space<hbm>>, %arg7: memref<2x10240x64xf32, #tpu.memory_space<hbm>>, %arg8: memref<80x125xi32, #tpu.memory_space<vmem>>, %arg9: memref<80x125xi32, #tpu.memory_space<vmem>>, %arg10: memref<2x125x64xf32, #tpu.memory_space<vmem>>, %arg11: memref<10240x64xf32, #tpu.memory_space<vmem_shared>>, %arg12: memref<10240x64xf32, #tpu.memory_space<vmem_shared>>, %arg13: memref<!tpu.dma_semaphore, #tpu.memory_space<semaphore_mem>>, %arg14: memref<!tpu.dma_semaphore, #tpu.memory_space<semaphore_mem>>, %arg15: memref<!tpu.dma_semaphore, #tpu.memory_space<semaphore_mem>>) attributes {dimension_semantics = [#tpu.dimension_semantics<core_parallel>, #tpu.dimension_semantics<subcore_parallel>], iteration_bounds = array<i64: 2, 16>, scalar_prefetch = 0 : i64, scratch_operands = 8 : i64, tpu.core_type = #tpu.core_type<sc_vector_subcore>, window_params = [{transform_indices = #map}, {transform_indices = #map}, {transform_indices = #map1}, {transform_indices = #map1}, {transform_indices = #map1}, {transform_indices = #map}]} {
    %eq3A = arith.constant 0 : i32
    %eq3A_0 = arith.cmpi eq, %arg0, %eq3A : i32
    %convert_element_type3A = arith.extui %eq3A_0 : i1 to i32
    %cond3A = arith.constant 0 : i32
    %cond3A_1 = arith.cmpi ne, %convert_element_type3A, %cond3A : i32
    scf.if %cond3A_1 {
      %mul3A_71 = arith.constant 640 : i32
      %mul3A_72 = arith.muli %arg1, %mul3A_71 : i32
      %mul3A_73 = arith.constant 640 : i32
      %mul3A_74 = arith.muli %arg1, %mul3A_73 : i32
      "tpu.region"() ({
        %run_scoped3A = tpu.sem_alloc : memref<!tpu.dma_semaphore, #tpu.memory_space<semaphore_mem>>
        %dma_start3A_75 = arith.constant 0 : i32
        %dma_start3A_76 = tpu.memref_slice %arg12[%mul3A_74, %dma_start3A_75] : memref<10240x64xf32, #tpu.memory_space<vmem_shared>> -> memref<640x64xf32, #tpu.memory_space<vmem_shared>>
        %dma_start3A_77 = arith.constant 0 : i32
        %dma_start3A_78 = tpu.memref_slice %arg4[%mul3A_72, %dma_start3A_77] : memref<10240x64xf32, #tpu.memory_space<hbm>> -> memref<640x64xf32, #tpu.memory_space<hbm>>
        tpu.enqueue_dma source(%dma_start3A_78 : memref<640x64xf32, #tpu.memory_space<hbm>>) target(%dma_start3A_76 : memref<640x64xf32, #tpu.memory_space<vmem_shared>>) target_semaphore(%run_scoped3A : memref<!tpu.dma_semaphore, #tpu.memory_space<semaphore_mem>>)
        %dma_wait3A = arith.constant 0 : i32
        %dma_wait3A_79 = tpu.memref_slice %arg12[%mul3A_74, %dma_wait3A] : memref<10240x64xf32, #tpu.memory_space<vmem_shared>> -> memref<640x64xf32, #tpu.memory_space<vmem_shared>>
        %dma_wait3A_80 = arith.constant 0 : i32
        %dma_wait3A_81 = tpu.memref_slice %arg4[%mul3A_72, %dma_wait3A_80] : memref<10240x64xf32, #tpu.memory_space<hbm>> -> memref<640x64xf32, #tpu.memory_space<hbm>>
        tpu.wait_dma2 semaphore(%run_scoped3A : memref<!tpu.dma_semaphore, #tpu.memory_space<semaphore_mem>>) src(%dma_wait3A_81 : memref<640x64xf32, #tpu.memory_space<hbm>>) dst(%dma_wait3A_79 : memref<640x64xf32, #tpu.memory_space<vmem_shared>>)
        tpu.yield
      }) : () -> ()
    } else {
    }
    %eq3A_2 = arith.constant 1 : i32
    %eq3A_3 = arith.cmpi eq, %arg0, %eq3A_2 : i32
    %convert_element_type3A_4 = arith.extui %eq3A_3 : i1 to i32
    %cond3A_5 = arith.constant 0 : i32
    %cond3A_6 = arith.cmpi ne, %convert_element_type3A_4, %cond3A_5 : i32
    scf.if %cond3A_6 {
      %mul3A_71 = arith.constant 640 : i32
      %mul3A_72 = arith.muli %arg1, %mul3A_71 : i32
      %mul3A_73 = arith.constant 640 : i32
      %mul3A_74 = arith.muli %arg1, %mul3A_73 : i32
      "tpu.region"() ({
        %run_scoped3A = tpu.sem_alloc : memref<!tpu.dma_semaphore, #tpu.memory_space<semaphore_mem>>
        %dma_start3A_75 = arith.constant 0 : i32
        %dma_start3A_76 = tpu.memref_slice %arg12[%mul3A_74, %dma_start3A_75] : memref<10240x64xf32, #tpu.memory_space<vmem_shared>> -> memref<640x64xf32, #tpu.memory_space<vmem_shared>>
        %dma_start3A_77 = arith.constant 0 : i32
        %dma_start3A_78 = tpu.memref_slice %arg5[%mul3A_72, %dma_start3A_77] : memref<10240x64xf32, #tpu.memory_space<hbm>> -> memref<640x64xf32, #tpu.memory_space<hbm>>
        tpu.enqueue_dma source(%dma_start3A_78 : memref<640x64xf32, #tpu.memory_space<hbm>>) target(%dma_start3A_76 : memref<640x64xf32, #tpu.memory_space<vmem_shared>>) target_semaphore(%run_scoped3A : memref<!tpu.dma_semaphore, #tpu.memory_space<semaphore_mem>>)
        %dma_wait3A = arith.constant 0 : i32
        %dma_wait3A_79 = tpu.memref_slice %arg12[%mul3A_74, %dma_wait3A] : memref<10240x64xf32, #tpu.memory_space<vmem_shared>> -> memref<640x64xf32, #tpu.memory_space<vmem_shared>>
        %dma_wait3A_80 = arith.constant 0 : i32
        %dma_wait3A_81 = tpu.memref_slice %arg5[%mul3A_72, %dma_wait3A_80] : memref<10240x64xf32, #tpu.memory_space<hbm>> -> memref<640x64xf32, #tpu.memory_space<hbm>>
        tpu.wait_dma2 semaphore(%run_scoped3A : memref<!tpu.dma_semaphore, #tpu.memory_space<semaphore_mem>>) src(%dma_wait3A_81 : memref<640x64xf32, #tpu.memory_space<hbm>>) dst(%dma_wait3A_79 : memref<640x64xf32, #tpu.memory_space<vmem_shared>>)
        tpu.yield
      }) : () -> ()
    } else {
    }
    %mul3A = arith.constant 640 : i32
    %mul3A_7 = arith.muli %arg1, %mul3A : i32
    %mul3A_8 = arith.constant 640 : i32
    %mul3A_9 = arith.muli %arg1, %mul3A_8 : i32
    "tpu.region"() ({
      %run_scoped3A = tpu.sem_alloc : memref<!tpu.dma_semaphore, #tpu.memory_space<semaphore_mem>>
      %dma_start3A_71 = arith.constant 0 : i32
      %dma_start3A_72 = tpu.memref_slice %arg11[%mul3A_9, %dma_start3A_71] : memref<10240x64xf32, #tpu.memory_space<vmem_shared>> -> memref<640x64xf32, #tpu.memory_space<vmem_shared>>
      %dma_start3A_73 = arith.constant 0 : i32
      %dma_start3A_74 = tpu.memref_slice %arg6[%mul3A_7, %dma_start3A_73] : memref<10240x64xf32, #tpu.memory_space<hbm>> -> memref<640x64xf32, #tpu.memory_space<hbm>>
      tpu.enqueue_dma source(%dma_start3A_74 : memref<640x64xf32, #tpu.memory_space<hbm>>) target(%dma_start3A_72 : memref<640x64xf32, #tpu.memory_space<vmem_shared>>) target_semaphore(%run_scoped3A : memref<!tpu.dma_semaphore, #tpu.memory_space<semaphore_mem>>)
      %dma_wait3A = arith.constant 0 : i32
      %dma_wait3A_75 = tpu.memref_slice %arg11[%mul3A_9, %dma_wait3A] : memref<10240x64xf32, #tpu.memory_space<vmem_shared>> -> memref<640x64xf32, #tpu.memory_space<vmem_shared>>
      %dma_wait3A_76 = arith.constant 0 : i32
      %dma_wait3A_77 = tpu.memref_slice %arg6[%mul3A_7, %dma_wait3A_76] : memref<10240x64xf32, #tpu.memory_space<hbm>> -> memref<640x64xf32, #tpu.memory_space<hbm>>
      tpu.wait_dma2 semaphore(%run_scoped3A : memref<!tpu.dma_semaphore, #tpu.memory_space<semaphore_mem>>) src(%dma_wait3A_77 : memref<640x64xf32, #tpu.memory_space<hbm>>) dst(%dma_wait3A_75 : memref<640x64xf32, #tpu.memory_space<vmem_shared>>)
      tpu.yield
    }) : () -> ()
    %barrier3A = arith.constant 0 : index
    tpu.barrier barrier_id(%barrier3A)
    "tpu.region"() ({
      %run_scoped3A = tpu.sem_alloc : memref<!tpu.dma_semaphore, #tpu.memory_space<semaphore_mem>>
      %dma_start3A_71 = arith.constant 0 : i32
      %dma_start3A_72 = arith.constant 0 : i32
      %dma_start3A_73 = tpu.memref_slice %arg2[%arg1, %dma_start3A_71, %dma_start3A_72] : memref<16x160x125xi32, #tpu.memory_space<hbm>> -> memref<1x80x125xi32, #tpu.memory_space<hbm>>
      %dma_start3A_74 = tpu.memref_squeeze %dma_start3A_73 : memref<1x80x125xi32, #tpu.memory_space<hbm>> -> memref<80x125xi32, #tpu.memory_space<hbm>>
      %dma_start3A_75 = arith.constant 0 : i32
      %dma_start3A_76 = arith.constant 0 : i32
      %dma_start3A_77 = tpu.memref_slice %arg2[%arg1, %dma_start3A_75, %dma_start3A_76] : memref<16x160x125xi32, #tpu.memory_space<hbm>> -> memref<1x80x125xi32, #tpu.memory_space<hbm>>
      %dma_start3A_78 = tpu.memref_squeeze %dma_start3A_77 : memref<1x80x125xi32, #tpu.memory_space<hbm>> -> memref<80x125xi32, #tpu.memory_space<hbm>>
      tpu.enqueue_dma source(%dma_start3A_78 : memref<80x125xi32, #tpu.memory_space<hbm>>) target(%arg8 : memref<80x125xi32, #tpu.memory_space<vmem>>) target_semaphore(%run_scoped3A : memref<!tpu.dma_semaphore, #tpu.memory_space<semaphore_mem>>)
      %dma_wait3A = arith.constant 0 : i32
      %dma_wait3A_79 = arith.constant 0 : i32
      %dma_wait3A_80 = tpu.memref_slice %arg2[%arg1, %dma_wait3A, %dma_wait3A_79] : memref<16x160x125xi32, #tpu.memory_space<hbm>> -> memref<1x80x125xi32, #tpu.memory_space<hbm>>
      %dma_wait3A_81 = tpu.memref_squeeze %dma_wait3A_80 : memref<1x80x125xi32, #tpu.memory_space<hbm>> -> memref<80x125xi32, #tpu.memory_space<hbm>>
      %dma_wait3A_82 = arith.constant 0 : i32
      %dma_wait3A_83 = arith.constant 0 : i32
      %dma_wait3A_84 = tpu.memref_slice %arg2[%arg1, %dma_wait3A_82, %dma_wait3A_83] : memref<16x160x125xi32, #tpu.memory_space<hbm>> -> memref<1x80x125xi32, #tpu.memory_space<hbm>>
      %dma_wait3A_85 = tpu.memref_squeeze %dma_wait3A_84 : memref<1x80x125xi32, #tpu.memory_space<hbm>> -> memref<80x125xi32, #tpu.memory_space<hbm>>
      tpu.wait_dma2 semaphore(%run_scoped3A : memref<!tpu.dma_semaphore, #tpu.memory_space<semaphore_mem>>) src(%dma_wait3A_85 : memref<80x125xi32, #tpu.memory_space<hbm>>) dst(%arg8 : memref<80x125xi32, #tpu.memory_space<vmem>>)
      tpu.yield
    }) : () -> ()
    "tpu.region"() ({
      %run_scoped3A = tpu.sem_alloc : memref<!tpu.dma_semaphore, #tpu.memory_space<semaphore_mem>>
      %dma_start3A_71 = arith.constant 0 : i32
      %dma_start3A_72 = arith.constant 0 : i32
      %dma_start3A_73 = tpu.memref_slice %arg3[%arg1, %dma_start3A_71, %dma_start3A_72] : memref<16x160x125xi32, #tpu.memory_space<hbm>> -> memref<1x80x125xi32, #tpu.memory_space<hbm>>
      %dma_start3A_74 = tpu.memref_squeeze %dma_start3A_73 : memref<1x80x125xi32, #tpu.memory_space<hbm>> -> memref<80x125xi32, #tpu.memory_space<hbm>>
      %dma_start3A_75 = arith.constant 0 : i32
      %dma_start3A_76 = arith.constant 0 : i32
      %dma_start3A_77 = tpu.memref_slice %arg3[%arg1, %dma_start3A_75, %dma_start3A_76] : memref<16x160x125xi32, #tpu.memory_space<hbm>> -> memref<1x80x125xi32, #tpu.memory_space<hbm>>
      %dma_start3A_78 = tpu.memref_squeeze %dma_start3A_77 : memref<1x80x125xi32, #tpu.memory_space<hbm>> -> memref<80x125xi32, #tpu.memory_space<hbm>>
      tpu.enqueue_dma source(%dma_start3A_78 : memref<80x125xi32, #tpu.memory_space<hbm>>) target(%arg9 : memref<80x125xi32, #tpu.memory_space<vmem>>) target_semaphore(%run_scoped3A : memref<!tpu.dma_semaphore, #tpu.memory_space<semaphore_mem>>)
      %dma_wait3A = arith.constant 0 : i32
      %dma_wait3A_79 = arith.constant 0 : i32
      %dma_wait3A_80 = tpu.memref_slice %arg3[%arg1, %dma_wait3A, %dma_wait3A_79] : memref<16x160x125xi32, #tpu.memory_space<hbm>> -> memref<1x80x125xi32, #tpu.memory_space<hbm>>
      %dma_wait3A_81 = tpu.memref_squeeze %dma_wait3A_80 : memref<1x80x125xi32, #tpu.memory_space<hbm>> -> memref<80x125xi32, #tpu.memory_space<hbm>>
      %dma_wait3A_82 = arith.constant 0 : i32
      %dma_wait3A_83 = arith.constant 0 : i32
      %dma_wait3A_84 = tpu.memref_slice %arg3[%arg1, %dma_wait3A_82, %dma_wait3A_83] : memref<16x160x125xi32, #tpu.memory_space<hbm>> -> memref<1x80x125xi32, #tpu.memory_space<hbm>>
      %dma_wait3A_85 = tpu.memref_squeeze %dma_wait3A_84 : memref<1x80x125xi32, #tpu.memory_space<hbm>> -> memref<80x125xi32, #tpu.memory_space<hbm>>
      tpu.wait_dma2 semaphore(%run_scoped3A : memref<!tpu.dma_semaphore, #tpu.memory_space<semaphore_mem>>) src(%dma_wait3A_85 : memref<80x125xi32, #tpu.memory_space<hbm>>) dst(%arg9 : memref<80x125xi32, #tpu.memory_space<vmem>>)
      tpu.yield
    }) : () -> ()
    %dma_start3A = arith.constant 0 : i32
    %dma_start3A_10 = arith.constant 0 : i32
    %dma_start3A_11 = arith.constant 0 : i32
    %dma_start3A_12 = arith.constant 0 : i32
    %dma_start3A_13 = tpu.memref_slice %arg10[%dma_start3A_10, %dma_start3A_11, %dma_start3A_12] : memref<2x125x64xf32, #tpu.memory_space<vmem>> -> memref<1x125x64xf32, #tpu.memory_space<vmem>>
    %dma_start3A_14 = tpu.memref_squeeze %dma_start3A_13 : memref<1x125x64xf32, #tpu.memory_space<vmem>> -> memref<125x64xf32, #tpu.memory_space<vmem>>
    %dma_start3A_15 = arith.constant 0 : i32
    %dma_start3A_16 = tpu.memref_slice %arg8[%dma_start3A, %dma_start3A_15] : memref<80x125xi32, #tpu.memory_space<vmem>> -> memref<1x125xi32, #tpu.memory_space<vmem>>
    %dma_start3A_17 = tpu.memref_squeeze %dma_start3A_16 : memref<1x125xi32, #tpu.memory_space<vmem>> -> memref<125xi32, #tpu.memory_space<vmem>>
    %dma_start3A_18 = arith.constant 0 : i32
    %dma_start3A_19 = arith.constant 0 : i32
    %dma_start3A_20 = tpu.memref_slice %arg12[%dma_start3A_18, %dma_start3A_19] : memref<10240x64xf32, #tpu.memory_space<vmem_shared>> -> memref<10240x64xf32, #tpu.memory_space<vmem_shared>>
    tpu.enqueue_indirect_dma source(%dma_start3A_20 : memref<10240x64xf32, #tpu.memory_space<vmem_shared>>) target(%dma_start3A_14 : memref<125x64xf32, #tpu.memory_space<vmem>>) offsets(%dma_start3A_17 : memref<125xi32, #tpu.memory_space<vmem>>) semaphore(%arg13 : memref<!tpu.dma_semaphore, #tpu.memory_space<semaphore_mem>>)
    %dma_start3A_21 = arith.constant 1 : i32
    %dma_start3A_22 = arith.constant 1 : i32
    %dma_start3A_23 = arith.constant 0 : i32
    %dma_start3A_24 = arith.constant 0 : i32
    %dma_start3A_25 = tpu.memref_slice %arg10[%dma_start3A_22, %dma_start3A_23, %dma_start3A_24] : memref<2x125x64xf32, #tpu.memory_space<vmem>> -> memref<1x125x64xf32, #tpu.memory_space<vmem>>
    %dma_start3A_26 = tpu.memref_squeeze %dma_start3A_25 : memref<1x125x64xf32, #tpu.memory_space<vmem>> -> memref<125x64xf32, #tpu.memory_space<vmem>>
    %dma_start3A_27 = arith.constant 0 : i32
    %dma_start3A_28 = tpu.memref_slice %arg8[%dma_start3A_21, %dma_start3A_27] : memref<80x125xi32, #tpu.memory_space<vmem>> -> memref<1x125xi32, #tpu.memory_space<vmem>>
    %dma_start3A_29 = tpu.memref_squeeze %dma_start3A_28 : memref<1x125xi32, #tpu.memory_space<vmem>> -> memref<125xi32, #tpu.memory_space<vmem>>
    %dma_start3A_30 = arith.constant 0 : i32
    %dma_start3A_31 = arith.constant 0 : i32
    %dma_start3A_32 = tpu.memref_slice %arg12[%dma_start3A_30, %dma_start3A_31] : memref<10240x64xf32, #tpu.memory_space<vmem_shared>> -> memref<10240x64xf32, #tpu.memory_space<vmem_shared>>
    tpu.enqueue_indirect_dma source(%dma_start3A_32 : memref<10240x64xf32, #tpu.memory_space<vmem_shared>>) target(%dma_start3A_26 : memref<125x64xf32, #tpu.memory_space<vmem>>) offsets(%dma_start3A_29 : memref<125xi32, #tpu.memory_space<vmem>>) semaphore(%arg14 : memref<!tpu.dma_semaphore, #tpu.memory_space<semaphore_mem>>)
    %scan3A = arith.constant 0 : i32
    %scan3A_33 = arith.constant 40 : i32
    %scan3A_34 = arith.addi %scan3A, %scan3A_33 : i32
    %scan3A_35 = arith.constant 1 : i32
    scf.for %scan3A_71 = %scan3A to %scan3A_34 step %scan3A_35  : i32 {
      %mul3A_72 = arith.constant 2 : i32
      %mul3A_73 = arith.muli %scan3A_71, %mul3A_72 : i32
      %add3A = arith.constant 0 : i32
      %add3A_74 = arith.addi %add3A, %mul3A_73 : i32
      %add3A_75 = arith.constant 0 : i32
      %add3A_76 = arith.addi %add3A_74, %add3A_75 : i32
      %dma_wait3A = arith.constant 0 : i32
      %dma_wait3A_77 = arith.constant 0 : i32
      %dma_wait3A_78 = arith.constant 0 : i32
      %dma_wait3A_79 = tpu.memref_slice %arg10[%dma_wait3A, %dma_wait3A_77, %dma_wait3A_78] : memref<2x125x64xf32, #tpu.memory_space<vmem>> -> memref<1x125x64xf32, #tpu.memory_space<vmem>>
      %dma_wait3A_80 = tpu.memref_squeeze %dma_wait3A_79 : memref<1x125x64xf32, #tpu.memory_space<vmem>> -> memref<125x64xf32, #tpu.memory_space<vmem>>
      %dma_wait3A_81 = arith.constant 0 : i32
      %dma_wait3A_82 = tpu.memref_slice %arg8[%add3A_76, %dma_wait3A_81] : memref<80x125xi32, #tpu.memory_space<vmem>> -> memref<1x125xi32, #tpu.memory_space<vmem>>
      %dma_wait3A_83 = tpu.memref_squeeze %dma_wait3A_82 : memref<1x125xi32, #tpu.memory_space<vmem>> -> memref<125xi32, #tpu.memory_space<vmem>>
      %dma_wait3A_84 = arith.constant 0 : i32
      %dma_wait3A_85 = arith.constant 0 : i32
      %dma_wait3A_86 = tpu.memref_slice %arg12[%dma_wait3A_84, %dma_wait3A_85] : memref<10240x64xf32, #tpu.memory_space<vmem_shared>> -> memref<10240x64xf32, #tpu.memory_space<vmem_shared>>
      tpu.wait_indirect_dma semaphore(%arg13 : memref<!tpu.dma_semaphore, #tpu.memory_space<semaphore_mem>>) src(%dma_wait3A_86 : memref<10240x64xf32, #tpu.memory_space<vmem_shared>>) dst(%dma_wait3A_80 : memref<125x64xf32, #tpu.memory_space<vmem>>)
      %dma_start3A_87 = arith.constant 0 : i32
      %dma_start3A_88 = arith.constant 0 : i32
      %dma_start3A_89 = arith.constant 0 : i32
      %dma_start3A_90 = tpu.memref_slice %arg10[%dma_start3A_87, %dma_start3A_88, %dma_start3A_89] : memref<2x125x64xf32, #tpu.memory_space<vmem>> -> memref<1x125x64xf32, #tpu.memory_space<vmem>>
      %dma_start3A_91 = tpu.memref_squeeze %dma_start3A_90 : memref<1x125x64xf32, #tpu.memory_space<vmem>> -> memref<125x64xf32, #tpu.memory_space<vmem>>
      %dma_start3A_92 = arith.constant 0 : i32
      %dma_start3A_93 = tpu.memref_slice %arg9[%add3A_76, %dma_start3A_92] : memref<80x125xi32, #tpu.memory_space<vmem>> -> memref<1x125xi32, #tpu.memory_space<vmem>>
      %dma_start3A_94 = tpu.memref_squeeze %dma_start3A_93 : memref<1x125xi32, #tpu.memory_space<vmem>> -> memref<125xi32, #tpu.memory_space<vmem>>
      %dma_start3A_95 = arith.constant 0 : i32
      %dma_start3A_96 = arith.constant 0 : i32
      %dma_start3A_97 = tpu.memref_slice %arg11[%dma_start3A_95, %dma_start3A_96] : memref<10240x64xf32, #tpu.memory_space<vmem_shared>> -> memref<10240x64xf32, #tpu.memory_space<vmem_shared>>
      tpu.enqueue_indirect_dma source(%dma_start3A_91 : memref<125x64xf32, #tpu.memory_space<vmem>>) target(%dma_start3A_97 : memref<10240x64xf32, #tpu.memory_space<vmem_shared>>) offsets(%dma_start3A_94 : memref<125xi32, #tpu.memory_space<vmem>>) semaphore(%arg15 : memref<!tpu.dma_semaphore, #tpu.memory_space<semaphore_mem>>) {add = true}
      %add3A_98 = arith.constant 1 : i32
      %add3A_99 = arith.addi %add3A_74, %add3A_98 : i32
      %dma_wait3A_100 = arith.constant 1 : i32
      %dma_wait3A_101 = arith.constant 0 : i32
      %dma_wait3A_102 = arith.constant 0 : i32
      %dma_wait3A_103 = tpu.memref_slice %arg10[%dma_wait3A_100, %dma_wait3A_101, %dma_wait3A_102] : memref<2x125x64xf32, #tpu.memory_space<vmem>> -> memref<1x125x64xf32, #tpu.memory_space<vmem>>
      %dma_wait3A_104 = tpu.memref_squeeze %dma_wait3A_103 : memref<1x125x64xf32, #tpu.memory_space<vmem>> -> memref<125x64xf32, #tpu.memory_space<vmem>>
      %dma_wait3A_105 = arith.constant 0 : i32
      %dma_wait3A_106 = tpu.memref_slice %arg8[%add3A_99, %dma_wait3A_105] : memref<80x125xi32, #tpu.memory_space<vmem>> -> memref<1x125xi32, #tpu.memory_space<vmem>>
      %dma_wait3A_107 = tpu.memref_squeeze %dma_wait3A_106 : memref<1x125xi32, #tpu.memory_space<vmem>> -> memref<125xi32, #tpu.memory_space<vmem>>
      %dma_wait3A_108 = arith.constant 0 : i32
      %dma_wait3A_109 = arith.constant 0 : i32
      %dma_wait3A_110 = tpu.memref_slice %arg12[%dma_wait3A_108, %dma_wait3A_109] : memref<10240x64xf32, #tpu.memory_space<vmem_shared>> -> memref<10240x64xf32, #tpu.memory_space<vmem_shared>>
      tpu.wait_indirect_dma semaphore(%arg14 : memref<!tpu.dma_semaphore, #tpu.memory_space<semaphore_mem>>) src(%dma_wait3A_110 : memref<10240x64xf32, #tpu.memory_space<vmem_shared>>) dst(%dma_wait3A_104 : memref<125x64xf32, #tpu.memory_space<vmem>>)
      %dma_start3A_111 = arith.constant 1 : i32
      %dma_start3A_112 = arith.constant 0 : i32
      %dma_start3A_113 = arith.constant 0 : i32
      %dma_start3A_114 = tpu.memref_slice %arg10[%dma_start3A_111, %dma_start3A_112, %dma_start3A_113] : memref<2x125x64xf32, #tpu.memory_space<vmem>> -> memref<1x125x64xf32, #tpu.memory_space<vmem>>
      %dma_start3A_115 = tpu.memref_squeeze %dma_start3A_114 : memref<1x125x64xf32, #tpu.memory_space<vmem>> -> memref<125x64xf32, #tpu.memory_space<vmem>>
      %dma_start3A_116 = arith.constant 0 : i32
      %dma_start3A_117 = tpu.memref_slice %arg9[%add3A_99, %dma_start3A_116] : memref<80x125xi32, #tpu.memory_space<vmem>> -> memref<1x125xi32, #tpu.memory_space<vmem>>
      %dma_start3A_118 = tpu.memref_squeeze %dma_start3A_117 : memref<1x125xi32, #tpu.memory_space<vmem>> -> memref<125xi32, #tpu.memory_space<vmem>>
      %dma_start3A_119 = arith.constant 0 : i32
      %dma_start3A_120 = arith.constant 0 : i32
      %dma_start3A_121 = tpu.memref_slice %arg11[%dma_start3A_119, %dma_start3A_120] : memref<10240x64xf32, #tpu.memory_space<vmem_shared>> -> memref<10240x64xf32, #tpu.memory_space<vmem_shared>>
      tpu.enqueue_indirect_dma source(%dma_start3A_115 : memref<125x64xf32, #tpu.memory_space<vmem>>) target(%dma_start3A_121 : memref<10240x64xf32, #tpu.memory_space<vmem_shared>>) offsets(%dma_start3A_118 : memref<125xi32, #tpu.memory_space<vmem>>) semaphore(%arg15 : memref<!tpu.dma_semaphore, #tpu.memory_space<semaphore_mem>>) {add = true}
      %add3A_122 = arith.constant 0 : i32
      %add3A_123 = arith.addi %add3A_74, %add3A_122 : i32
      %dma_wait3A_124 = arith.constant 0 : i32
      %dma_wait3A_125 = arith.constant 0 : i32
      %dma_wait3A_126 = arith.constant 0 : i32
      %dma_wait3A_127 = tpu.memref_slice %arg10[%dma_wait3A_124, %dma_wait3A_125, %dma_wait3A_126] : memref<2x125x64xf32, #tpu.memory_space<vmem>> -> memref<1x125x64xf32, #tpu.memory_space<vmem>>
      %dma_wait3A_128 = tpu.memref_squeeze %dma_wait3A_127 : memref<1x125x64xf32, #tpu.memory_space<vmem>> -> memref<125x64xf32, #tpu.memory_space<vmem>>
      %dma_wait3A_129 = arith.constant 0 : i32
      %dma_wait3A_130 = tpu.memref_slice %arg9[%add3A_123, %dma_wait3A_129] : memref<80x125xi32, #tpu.memory_space<vmem>> -> memref<1x125xi32, #tpu.memory_space<vmem>>
      %dma_wait3A_131 = tpu.memref_squeeze %dma_wait3A_130 : memref<1x125xi32, #tpu.memory_space<vmem>> -> memref<125xi32, #tpu.memory_space<vmem>>
      %dma_wait3A_132 = arith.constant 0 : i32
      %dma_wait3A_133 = arith.constant 0 : i32
      %dma_wait3A_134 = tpu.memref_slice %arg11[%dma_wait3A_132, %dma_wait3A_133] : memref<10240x64xf32, #tpu.memory_space<vmem_shared>> -> memref<10240x64xf32, #tpu.memory_space<vmem_shared>>
      tpu.wait_indirect_dma semaphore(%arg15 : memref<!tpu.dma_semaphore, #tpu.memory_space<semaphore_mem>>) src(%dma_wait3A_128 : memref<125x64xf32, #tpu.memory_space<vmem>>) dst(%dma_wait3A_134 : memref<10240x64xf32, #tpu.memory_space<vmem_shared>>)
      %add3A_135 = arith.constant 2 : i32
      %add3A_136 = arith.addi %add3A_123, %add3A_135 : i32
      %lt3A = arith.constant 80 : i32
      %lt3A_137 = arith.cmpi slt, %add3A_136, %lt3A : i32
      %convert_element_type3A_138 = arith.extui %lt3A_137 : i1 to i32
      %cond3A_139 = arith.constant 0 : i32
      %cond3A_140 = arith.cmpi ne, %convert_element_type3A_138, %cond3A_139 : i32
      scf.if %cond3A_140 {
        %add3A_161 = arith.constant 2 : i32
        %add3A_162 = arith.addi %add3A_123, %add3A_161 : i32
        %dma_start3A_163 = arith.constant 0 : i32
        %dma_start3A_164 = arith.constant 0 : i32
        %dma_start3A_165 = arith.constant 0 : i32
        %dma_start3A_166 = tpu.memref_slice %arg10[%dma_start3A_163, %dma_start3A_164, %dma_start3A_165] : memref<2x125x64xf32, #tpu.memory_space<vmem>> -> memref<1x125x64xf32, #tpu.memory_space<vmem>>
        %dma_start3A_167 = tpu.memref_squeeze %dma_start3A_166 : memref<1x125x64xf32, #tpu.memory_space<vmem>> -> memref<125x64xf32, #tpu.memory_space<vmem>>
        %dma_start3A_168 = arith.constant 0 : i32
        %dma_start3A_169 = tpu.memref_slice %arg8[%add3A_162, %dma_start3A_168] : memref<80x125xi32, #tpu.memory_space<vmem>> -> memref<1x125xi32, #tpu.memory_space<vmem>>
        %dma_start3A_170 = tpu.memref_squeeze %dma_start3A_169 : memref<1x125xi32, #tpu.memory_space<vmem>> -> memref<125xi32, #tpu.memory_space<vmem>>
        %dma_start3A_171 = arith.constant 0 : i32
        %dma_start3A_172 = arith.constant 0 : i32
        %dma_start3A_173 = tpu.memref_slice %arg12[%dma_start3A_171, %dma_start3A_172] : memref<10240x64xf32, #tpu.memory_space<vmem_shared>> -> memref<10240x64xf32, #tpu.memory_space<vmem_shared>>
        tpu.enqueue_indirect_dma source(%dma_start3A_173 : memref<10240x64xf32, #tpu.memory_space<vmem_shared>>) target(%dma_start3A_167 : memref<125x64xf32, #tpu.memory_space<vmem>>) offsets(%dma_start3A_170 : memref<125xi32, #tpu.memory_space<vmem>>) semaphore(%arg13 : memref<!tpu.dma_semaphore, #tpu.memory_space<semaphore_mem>>)
      } else {
      }
      %add3A_141 = arith.constant 1 : i32
      %add3A_142 = arith.addi %add3A_74, %add3A_141 : i32
      %dma_wait3A_143 = arith.constant 1 : i32
      %dma_wait3A_144 = arith.constant 0 : i32
      %dma_wait3A_145 = arith.constant 0 : i32
      %dma_wait3A_146 = tpu.memref_slice %arg10[%dma_wait3A_143, %dma_wait3A_144, %dma_wait3A_145] : memref<2x125x64xf32, #tpu.memory_space<vmem>> -> memref<1x125x64xf32, #tpu.memory_space<vmem>>
      %dma_wait3A_147 = tpu.memref_squeeze %dma_wait3A_146 : memref<1x125x64xf32, #tpu.memory_space<vmem>> -> memref<125x64xf32, #tpu.memory_space<vmem>>
      %dma_wait3A_148 = arith.constant 0 : i32
      %dma_wait3A_149 = tpu.memref_slice %arg9[%add3A_142, %dma_wait3A_148] : memref<80x125xi32, #tpu.memory_space<vmem>> -> memref<1x125xi32, #tpu.memory_space<vmem>>
      %dma_wait3A_150 = tpu.memref_squeeze %dma_wait3A_149 : memref<1x125xi32, #tpu.memory_space<vmem>> -> memref<125xi32, #tpu.memory_space<vmem>>
      %dma_wait3A_151 = arith.constant 0 : i32
      %dma_wait3A_152 = arith.constant 0 : i32
      %dma_wait3A_153 = tpu.memref_slice %arg11[%dma_wait3A_151, %dma_wait3A_152] : memref<10240x64xf32, #tpu.memory_space<vmem_shared>> -> memref<10240x64xf32, #tpu.memory_space<vmem_shared>>
      tpu.wait_indirect_dma semaphore(%arg15 : memref<!tpu.dma_semaphore, #tpu.memory_space<semaphore_mem>>) src(%dma_wait3A_147 : memref<125x64xf32, #tpu.memory_space<vmem>>) dst(%dma_wait3A_153 : memref<10240x64xf32, #tpu.memory_space<vmem_shared>>)
      %add3A_154 = arith.constant 2 : i32
      %add3A_155 = arith.addi %add3A_142, %add3A_154 : i32
      %lt3A_156 = arith.constant 80 : i32
      %lt3A_157 = arith.cmpi slt, %add3A_155, %lt3A_156 : i32
      %convert_element_type3A_158 = arith.extui %lt3A_157 : i1 to i32
      %cond3A_159 = arith.constant 0 : i32
      %cond3A_160 = arith.cmpi ne, %convert_element_type3A_158, %cond3A_159 : i32
      scf.if %cond3A_160 {
        %add3A_161 = arith.constant 2 : i32
        %add3A_162 = arith.addi %add3A_142, %add3A_161 : i32
        %dma_start3A_163 = arith.constant 1 : i32
        %dma_start3A_164 = arith.constant 0 : i32
        %dma_start3A_165 = arith.constant 0 : i32
        %dma_start3A_166 = tpu.memref_slice %arg10[%dma_start3A_163, %dma_start3A_164, %dma_start3A_165] : memref<2x125x64xf32, #tpu.memory_space<vmem>> -> memref<1x125x64xf32, #tpu.memory_space<vmem>>
        %dma_start3A_167 = tpu.memref_squeeze %dma_start3A_166 : memref<1x125x64xf32, #tpu.memory_space<vmem>> -> memref<125x64xf32, #tpu.memory_space<vmem>>
        %dma_start3A_168 = arith.constant 0 : i32
        %dma_start3A_169 = tpu.memref_slice %arg8[%add3A_162, %dma_start3A_168] : memref<80x125xi32, #tpu.memory_space<vmem>> -> memref<1x125xi32, #tpu.memory_space<vmem>>
        %dma_start3A_170 = tpu.memref_squeeze %dma_start3A_169 : memref<1x125xi32, #tpu.memory_space<vmem>> -> memref<125xi32, #tpu.memory_space<vmem>>
        %dma_start3A_171 = arith.constant 0 : i32
        %dma_start3A_172 = arith.constant 0 : i32
        %dma_start3A_173 = tpu.memref_slice %arg12[%dma_start3A_171, %dma_start3A_172] : memref<10240x64xf32, #tpu.memory_space<vmem_shared>> -> memref<10240x64xf32, #tpu.memory_space<vmem_shared>>
        tpu.enqueue_indirect_dma source(%dma_start3A_173 : memref<10240x64xf32, #tpu.memory_space<vmem_shared>>) target(%dma_start3A_167 : memref<125x64xf32, #tpu.memory_space<vmem>>) offsets(%dma_start3A_170 : memref<125xi32, #tpu.memory_space<vmem>>) semaphore(%arg14 : memref<!tpu.dma_semaphore, #tpu.memory_space<semaphore_mem>>)
      } else {
      }
    }
    %scan3A_36 = arith.constant 40 : i32
    "tpu.region"() ({
      %run_scoped3A = tpu.sem_alloc : memref<!tpu.dma_semaphore, #tpu.memory_space<semaphore_mem>>
      %dma_start3A_71 = arith.constant 80 : i32
      %dma_start3A_72 = arith.constant 0 : i32
      %dma_start3A_73 = tpu.memref_slice %arg2[%arg1, %dma_start3A_71, %dma_start3A_72] : memref<16x160x125xi32, #tpu.memory_space<hbm>> -> memref<1x80x125xi32, #tpu.memory_space<hbm>>
      %dma_start3A_74 = tpu.memref_squeeze %dma_start3A_73 : memref<1x80x125xi32, #tpu.memory_space<hbm>> -> memref<80x125xi32, #tpu.memory_space<hbm>>
      %dma_start3A_75 = arith.constant 80 : i32
      %dma_start3A_76 = arith.constant 0 : i32
      %dma_start3A_77 = tpu.memref_slice %arg2[%arg1, %dma_start3A_75, %dma_start3A_76] : memref<16x160x125xi32, #tpu.memory_space<hbm>> -> memref<1x80x125xi32, #tpu.memory_space<hbm>>
      %dma_start3A_78 = tpu.memref_squeeze %dma_start3A_77 : memref<1x80x125xi32, #tpu.memory_space<hbm>> -> memref<80x125xi32, #tpu.memory_space<hbm>>
      tpu.enqueue_dma source(%dma_start3A_78 : memref<80x125xi32, #tpu.memory_space<hbm>>) target(%arg8 : memref<80x125xi32, #tpu.memory_space<vmem>>) target_semaphore(%run_scoped3A : memref<!tpu.dma_semaphore, #tpu.memory_space<semaphore_mem>>)
      %dma_wait3A = arith.constant 80 : i32
      %dma_wait3A_79 = arith.constant 0 : i32
      %dma_wait3A_80 = tpu.memref_slice %arg2[%arg1, %dma_wait3A, %dma_wait3A_79] : memref<16x160x125xi32, #tpu.memory_space<hbm>> -> memref<1x80x125xi32, #tpu.memory_space<hbm>>
      %dma_wait3A_81 = tpu.memref_squeeze %dma_wait3A_80 : memref<1x80x125xi32, #tpu.memory_space<hbm>> -> memref<80x125xi32, #tpu.memory_space<hbm>>
      %dma_wait3A_82 = arith.constant 80 : i32
      %dma_wait3A_83 = arith.constant 0 : i32
      %dma_wait3A_84 = tpu.memref_slice %arg2[%arg1, %dma_wait3A_82, %dma_wait3A_83] : memref<16x160x125xi32, #tpu.memory_space<hbm>> -> memref<1x80x125xi32, #tpu.memory_space<hbm>>
      %dma_wait3A_85 = tpu.memref_squeeze %dma_wait3A_84 : memref<1x80x125xi32, #tpu.memory_space<hbm>> -> memref<80x125xi32, #tpu.memory_space<hbm>>
      tpu.wait_dma2 semaphore(%run_scoped3A : memref<!tpu.dma_semaphore, #tpu.memory_space<semaphore_mem>>) src(%dma_wait3A_85 : memref<80x125xi32, #tpu.memory_space<hbm>>) dst(%arg8 : memref<80x125xi32, #tpu.memory_space<vmem>>)
      tpu.yield
    }) : () -> ()
    "tpu.region"() ({
      %run_scoped3A = tpu.sem_alloc : memref<!tpu.dma_semaphore, #tpu.memory_space<semaphore_mem>>
      %dma_start3A_71 = arith.constant 80 : i32
      %dma_start3A_72 = arith.constant 0 : i32
      %dma_start3A_73 = tpu.memref_slice %arg3[%arg1, %dma_start3A_71, %dma_start3A_72] : memref<16x160x125xi32, #tpu.memory_space<hbm>> -> memref<1x80x125xi32, #tpu.memory_space<hbm>>
      %dma_start3A_74 = tpu.memref_squeeze %dma_start3A_73 : memref<1x80x125xi32, #tpu.memory_space<hbm>> -> memref<80x125xi32, #tpu.memory_space<hbm>>
      %dma_start3A_75 = arith.constant 80 : i32
      %dma_start3A_76 = arith.constant 0 : i32
      %dma_start3A_77 = tpu.memref_slice %arg3[%arg1, %dma_start3A_75, %dma_start3A_76] : memref<16x160x125xi32, #tpu.memory_space<hbm>> -> memref<1x80x125xi32, #tpu.memory_space<hbm>>
      %dma_start3A_78 = tpu.memref_squeeze %dma_start3A_77 : memref<1x80x125xi32, #tpu.memory_space<hbm>> -> memref<80x125xi32, #tpu.memory_space<hbm>>
      tpu.enqueue_dma source(%dma_start3A_78 : memref<80x125xi32, #tpu.memory_space<hbm>>) target(%arg9 : memref<80x125xi32, #tpu.memory_space<vmem>>) target_semaphore(%run_scoped3A : memref<!tpu.dma_semaphore, #tpu.memory_space<semaphore_mem>>)
      %dma_wait3A = arith.constant 80 : i32
      %dma_wait3A_79 = arith.constant 0 : i32
      %dma_wait3A_80 = tpu.memref_slice %arg3[%arg1, %dma_wait3A, %dma_wait3A_79] : memref<16x160x125xi32, #tpu.memory_space<hbm>> -> memref<1x80x125xi32, #tpu.memory_space<hbm>>
      %dma_wait3A_81 = tpu.memref_squeeze %dma_wait3A_80 : memref<1x80x125xi32, #tpu.memory_space<hbm>> -> memref<80x125xi32, #tpu.memory_space<hbm>>
      %dma_wait3A_82 = arith.constant 80 : i32
      %dma_wait3A_83 = arith.constant 0 : i32
      %dma_wait3A_84 = tpu.memref_slice %arg3[%arg1, %dma_wait3A_82, %dma_wait3A_83] : memref<16x160x125xi32, #tpu.memory_space<hbm>> -> memref<1x80x125xi32, #tpu.memory_space<hbm>>
      %dma_wait3A_85 = tpu.memref_squeeze %dma_wait3A_84 : memref<1x80x125xi32, #tpu.memory_space<hbm>> -> memref<80x125xi32, #tpu.memory_space<hbm>>
      tpu.wait_dma2 semaphore(%run_scoped3A : memref<!tpu.dma_semaphore, #tpu.memory_space<semaphore_mem>>) src(%dma_wait3A_85 : memref<80x125xi32, #tpu.memory_space<hbm>>) dst(%arg9 : memref<80x125xi32, #tpu.memory_space<vmem>>)
      tpu.yield
    }) : () -> ()
    %dma_start3A_37 = arith.constant 0 : i32
    %dma_start3A_38 = arith.constant 0 : i32
    %dma_start3A_39 = arith.constant 0 : i32
    %dma_start3A_40 = arith.constant 0 : i32
    %dma_start3A_41 = tpu.memref_slice %arg10[%dma_start3A_38, %dma_start3A_39, %dma_start3A_40] : memref<2x125x64xf32, #tpu.memory_space<vmem>> -> memref<1x125x64xf32, #tpu.memory_space<vmem>>
    %dma_start3A_42 = tpu.memref_squeeze %dma_start3A_41 : memref<1x125x64xf32, #tpu.memory_space<vmem>> -> memref<125x64xf32, #tpu.memory_space<vmem>>
    %dma_start3A_43 = arith.constant 0 : i32
    %dma_start3A_44 = tpu.memref_slice %arg8[%dma_start3A_37, %dma_start3A_43] : memref<80x125xi32, #tpu.memory_space<vmem>> -> memref<1x125xi32, #tpu.memory_space<vmem>>
    %dma_start3A_45 = tpu.memref_squeeze %dma_start3A_44 : memref<1x125xi32, #tpu.memory_space<vmem>> -> memref<125xi32, #tpu.memory_space<vmem>>
    %dma_start3A_46 = arith.constant 0 : i32
    %dma_start3A_47 = arith.constant 0 : i32
    %dma_start3A_48 = tpu.memref_slice %arg12[%dma_start3A_46, %dma_start3A_47] : memref<10240x64xf32, #tpu.memory_space<vmem_shared>> -> memref<10240x64xf32, #tpu.memory_space<vmem_shared>>
    tpu.enqueue_indirect_dma source(%dma_start3A_48 : memref<10240x64xf32, #tpu.memory_space<vmem_shared>>) target(%dma_start3A_42 : memref<125x64xf32, #tpu.memory_space<vmem>>) offsets(%dma_start3A_45 : memref<125xi32, #tpu.memory_space<vmem>>) semaphore(%arg13 : memref<!tpu.dma_semaphore, #tpu.memory_space<semaphore_mem>>)
    %dma_start3A_49 = arith.constant 1 : i32
    %dma_start3A_50 = arith.constant 1 : i32
    %dma_start3A_51 = arith.constant 0 : i32
    %dma_start3A_52 = arith.constant 0 : i32
    %dma_start3A_53 = tpu.memref_slice %arg10[%dma_start3A_50, %dma_start3A_51, %dma_start3A_52] : memref<2x125x64xf32, #tpu.memory_space<vmem>> -> memref<1x125x64xf32, #tpu.memory_space<vmem>>
    %dma_start3A_54 = tpu.memref_squeeze %dma_start3A_53 : memref<1x125x64xf32, #tpu.memory_space<vmem>> -> memref<125x64xf32, #tpu.memory_space<vmem>>
    %dma_start3A_55 = arith.constant 0 : i32
    %dma_start3A_56 = tpu.memref_slice %arg8[%dma_start3A_49, %dma_start3A_55] : memref<80x125xi32, #tpu.memory_space<vmem>> -> memref<1x125xi32, #tpu.memory_space<vmem>>
    %dma_start3A_57 = tpu.memref_squeeze %dma_start3A_56 : memref<1x125xi32, #tpu.memory_space<vmem>> -> memref<125xi32, #tpu.memory_space<vmem>>
    %dma_start3A_58 = arith.constant 0 : i32
    %dma_start3A_59 = arith.constant 0 : i32
    %dma_start3A_60 = tpu.memref_slice %arg12[%dma_start3A_58, %dma_start3A_59] : memref<10240x64xf32, #tpu.memory_space<vmem_shared>> -> memref<10240x64xf32, #tpu.memory_space<vmem_shared>>
    tpu.enqueue_indirect_dma source(%dma_start3A_60 : memref<10240x64xf32, #tpu.memory_space<vmem_shared>>) target(%dma_start3A_54 : memref<125x64xf32, #tpu.memory_space<vmem>>) offsets(%dma_start3A_57 : memref<125xi32, #tpu.memory_space<vmem>>) semaphore(%arg14 : memref<!tpu.dma_semaphore, #tpu.memory_space<semaphore_mem>>)
    %scan3A_61 = arith.constant 0 : i32
    %scan3A_62 = arith.constant 40 : i32
    %scan3A_63 = arith.addi %scan3A_61, %scan3A_62 : i32
    %scan3A_64 = arith.constant 1 : i32
    scf.for %scan3A_71 = %scan3A_61 to %scan3A_63 step %scan3A_64  : i32 {
      %mul3A_72 = arith.constant 2 : i32
      %mul3A_73 = arith.muli %scan3A_71, %mul3A_72 : i32
      %add3A = arith.constant 0 : i32
      %add3A_74 = arith.addi %add3A, %mul3A_73 : i32
      %add3A_75 = arith.constant 0 : i32
      %add3A_76 = arith.addi %add3A_74, %add3A_75 : i32
      %dma_wait3A = arith.constant 0 : i32
      %dma_wait3A_77 = arith.constant 0 : i32
      %dma_wait3A_78 = arith.constant 0 : i32
      %dma_wait3A_79 = tpu.memref_slice %arg10[%dma_wait3A, %dma_wait3A_77, %dma_wait3A_78] : memref<2x125x64xf32, #tpu.memory_space<vmem>> -> memref<1x125x64xf32, #tpu.memory_space<vmem>>
      %dma_wait3A_80 = tpu.memref_squeeze %dma_wait3A_79 : memref<1x125x64xf32, #tpu.memory_space<vmem>> -> memref<125x64xf32, #tpu.memory_space<vmem>>
      %dma_wait3A_81 = arith.constant 0 : i32
      %dma_wait3A_82 = tpu.memref_slice %arg8[%add3A_76, %dma_wait3A_81] : memref<80x125xi32, #tpu.memory_space<vmem>> -> memref<1x125xi32, #tpu.memory_space<vmem>>
      %dma_wait3A_83 = tpu.memref_squeeze %dma_wait3A_82 : memref<1x125xi32, #tpu.memory_space<vmem>> -> memref<125xi32, #tpu.memory_space<vmem>>
      %dma_wait3A_84 = arith.constant 0 : i32
      %dma_wait3A_85 = arith.constant 0 : i32
      %dma_wait3A_86 = tpu.memref_slice %arg12[%dma_wait3A_84, %dma_wait3A_85] : memref<10240x64xf32, #tpu.memory_space<vmem_shared>> -> memref<10240x64xf32, #tpu.memory_space<vmem_shared>>
      tpu.wait_indirect_dma semaphore(%arg13 : memref<!tpu.dma_semaphore, #tpu.memory_space<semaphore_mem>>) src(%dma_wait3A_86 : memref<10240x64xf32, #tpu.memory_space<vmem_shared>>) dst(%dma_wait3A_80 : memref<125x64xf32, #tpu.memory_space<vmem>>)
      %dma_start3A_87 = arith.constant 0 : i32
      %dma_start3A_88 = arith.constant 0 : i32
      %dma_start3A_89 = arith.constant 0 : i32
      %dma_start3A_90 = tpu.memref_slice %arg10[%dma_start3A_87, %dma_start3A_88, %dma_start3A_89] : memref<2x125x64xf32, #tpu.memory_space<vmem>> -> memref<1x125x64xf32, #tpu.memory_space<vmem>>
      %dma_start3A_91 = tpu.memref_squeeze %dma_start3A_90 : memref<1x125x64xf32, #tpu.memory_space<vmem>> -> memref<125x64xf32, #tpu.memory_space<vmem>>
      %dma_start3A_92 = arith.constant 0 : i32
      %dma_start3A_93 = tpu.memref_slice %arg9[%add3A_76, %dma_start3A_92] : memref<80x125xi32, #tpu.memory_space<vmem>> -> memref<1x125xi32, #tpu.memory_space<vmem>>
      %dma_start3A_94 = tpu.memref_squeeze %dma_start3A_93 : memref<1x125xi32, #tpu.memory_space<vmem>> -> memref<125xi32, #tpu.memory_space<vmem>>
      %dma_start3A_95 = arith.constant 0 : i32
      %dma_start3A_96 = arith.constant 0 : i32
      %dma_start3A_97 = tpu.memref_slice %arg11[%dma_start3A_95, %dma_start3A_96] : memref<10240x64xf32, #tpu.memory_space<vmem_shared>> -> memref<10240x64xf32, #tpu.memory_space<vmem_shared>>
      tpu.enqueue_indirect_dma source(%dma_start3A_91 : memref<125x64xf32, #tpu.memory_space<vmem>>) target(%dma_start3A_97 : memref<10240x64xf32, #tpu.memory_space<vmem_shared>>) offsets(%dma_start3A_94 : memref<125xi32, #tpu.memory_space<vmem>>) semaphore(%arg15 : memref<!tpu.dma_semaphore, #tpu.memory_space<semaphore_mem>>) {add = true}
      %add3A_98 = arith.constant 1 : i32
      %add3A_99 = arith.addi %add3A_74, %add3A_98 : i32
      %dma_wait3A_100 = arith.constant 1 : i32
      %dma_wait3A_101 = arith.constant 0 : i32
      %dma_wait3A_102 = arith.constant 0 : i32
      %dma_wait3A_103 = tpu.memref_slice %arg10[%dma_wait3A_100, %dma_wait3A_101, %dma_wait3A_102] : memref<2x125x64xf32, #tpu.memory_space<vmem>> -> memref<1x125x64xf32, #tpu.memory_space<vmem>>
      %dma_wait3A_104 = tpu.memref_squeeze %dma_wait3A_103 : memref<1x125x64xf32, #tpu.memory_space<vmem>> -> memref<125x64xf32, #tpu.memory_space<vmem>>
      %dma_wait3A_105 = arith.constant 0 : i32
      %dma_wait3A_106 = tpu.memref_slice %arg8[%add3A_99, %dma_wait3A_105] : memref<80x125xi32, #tpu.memory_space<vmem>> -> memref<1x125xi32, #tpu.memory_space<vmem>>
      %dma_wait3A_107 = tpu.memref_squeeze %dma_wait3A_106 : memref<1x125xi32, #tpu.memory_space<vmem>> -> memref<125xi32, #tpu.memory_space<vmem>>
      %dma_wait3A_108 = arith.constant 0 : i32
      %dma_wait3A_109 = arith.constant 0 : i32
      %dma_wait3A_110 = tpu.memref_slice %arg12[%dma_wait3A_108, %dma_wait3A_109] : memref<10240x64xf32, #tpu.memory_space<vmem_shared>> -> memref<10240x64xf32, #tpu.memory_space<vmem_shared>>
      tpu.wait_indirect_dma semaphore(%arg14 : memref<!tpu.dma_semaphore, #tpu.memory_space<semaphore_mem>>) src(%dma_wait3A_110 : memref<10240x64xf32, #tpu.memory_space<vmem_shared>>) dst(%dma_wait3A_104 : memref<125x64xf32, #tpu.memory_space<vmem>>)
      %dma_start3A_111 = arith.constant 1 : i32
      %dma_start3A_112 = arith.constant 0 : i32
      %dma_start3A_113 = arith.constant 0 : i32
      %dma_start3A_114 = tpu.memref_slice %arg10[%dma_start3A_111, %dma_start3A_112, %dma_start3A_113] : memref<2x125x64xf32, #tpu.memory_space<vmem>> -> memref<1x125x64xf32, #tpu.memory_space<vmem>>
      %dma_start3A_115 = tpu.memref_squeeze %dma_start3A_114 : memref<1x125x64xf32, #tpu.memory_space<vmem>> -> memref<125x64xf32, #tpu.memory_space<vmem>>
      %dma_start3A_116 = arith.constant 0 : i32
      %dma_start3A_117 = tpu.memref_slice %arg9[%add3A_99, %dma_start3A_116] : memref<80x125xi32, #tpu.memory_space<vmem>> -> memref<1x125xi32, #tpu.memory_space<vmem>>
      %dma_start3A_118 = tpu.memref_squeeze %dma_start3A_117 : memref<1x125xi32, #tpu.memory_space<vmem>> -> memref<125xi32, #tpu.memory_space<vmem>>
      %dma_start3A_119 = arith.constant 0 : i32
      %dma_start3A_120 = arith.constant 0 : i32
      %dma_start3A_121 = tpu.memref_slice %arg11[%dma_start3A_119, %dma_start3A_120] : memref<10240x64xf32, #tpu.memory_space<vmem_shared>> -> memref<10240x64xf32, #tpu.memory_space<vmem_shared>>
      tpu.enqueue_indirect_dma source(%dma_start3A_115 : memref<125x64xf32, #tpu.memory_space<vmem>>) target(%dma_start3A_121 : memref<10240x64xf32, #tpu.memory_space<vmem_shared>>) offsets(%dma_start3A_118 : memref<125xi32, #tpu.memory_space<vmem>>) semaphore(%arg15 : memref<!tpu.dma_semaphore, #tpu.memory_space<semaphore_mem>>) {add = true}
      %add3A_122 = arith.constant 0 : i32
      %add3A_123 = arith.addi %add3A_74, %add3A_122 : i32
      %dma_wait3A_124 = arith.constant 0 : i32
      %dma_wait3A_125 = arith.constant 0 : i32
      %dma_wait3A_126 = arith.constant 0 : i32
      %dma_wait3A_127 = tpu.memref_slice %arg10[%dma_wait3A_124, %dma_wait3A_125, %dma_wait3A_126] : memref<2x125x64xf32, #tpu.memory_space<vmem>> -> memref<1x125x64xf32, #tpu.memory_space<vmem>>
      %dma_wait3A_128 = tpu.memref_squeeze %dma_wait3A_127 : memref<1x125x64xf32, #tpu.memory_space<vmem>> -> memref<125x64xf32, #tpu.memory_space<vmem>>
      %dma_wait3A_129 = arith.constant 0 : i32
      %dma_wait3A_130 = tpu.memref_slice %arg9[%add3A_123, %dma_wait3A_129] : memref<80x125xi32, #tpu.memory_space<vmem>> -> memref<1x125xi32, #tpu.memory_space<vmem>>
      %dma_wait3A_131 = tpu.memref_squeeze %dma_wait3A_130 : memref<1x125xi32, #tpu.memory_space<vmem>> -> memref<125xi32, #tpu.memory_space<vmem>>
      %dma_wait3A_132 = arith.constant 0 : i32
      %dma_wait3A_133 = arith.constant 0 : i32
      %dma_wait3A_134 = tpu.memref_slice %arg11[%dma_wait3A_132, %dma_wait3A_133] : memref<10240x64xf32, #tpu.memory_space<vmem_shared>> -> memref<10240x64xf32, #tpu.memory_space<vmem_shared>>
      tpu.wait_indirect_dma semaphore(%arg15 : memref<!tpu.dma_semaphore, #tpu.memory_space<semaphore_mem>>) src(%dma_wait3A_128 : memref<125x64xf32, #tpu.memory_space<vmem>>) dst(%dma_wait3A_134 : memref<10240x64xf32, #tpu.memory_space<vmem_shared>>)
      %add3A_135 = arith.constant 2 : i32
      %add3A_136 = arith.addi %add3A_123, %add3A_135 : i32
      %lt3A = arith.constant 80 : i32
      %lt3A_137 = arith.cmpi slt, %add3A_136, %lt3A : i32
      %convert_element_type3A_138 = arith.extui %lt3A_137 : i1 to i32
      %cond3A_139 = arith.constant 0 : i32
      %cond3A_140 = arith.cmpi ne, %convert_element_type3A_138, %cond3A_139 : i32
      scf.if %cond3A_140 {
        %add3A_161 = arith.constant 2 : i32
        %add3A_162 = arith.addi %add3A_123, %add3A_161 : i32
        %dma_start3A_163 = arith.constant 0 : i32
        %dma_start3A_164 = arith.constant 0 : i32
        %dma_start3A_165 = arith.constant 0 : i32
        %dma_start3A_166 = tpu.memref_slice %arg10[%dma_start3A_163, %dma_start3A_164, %dma_start3A_165] : memref<2x125x64xf32, #tpu.memory_space<vmem>> -> memref<1x125x64xf32, #tpu.memory_space<vmem>>
        %dma_start3A_167 = tpu.memref_squeeze %dma_start3A_166 : memref<1x125x64xf32, #tpu.memory_space<vmem>> -> memref<125x64xf32, #tpu.memory_space<vmem>>
        %dma_start3A_168 = arith.constant 0 : i32
        %dma_start3A_169 = tpu.memref_slice %arg8[%add3A_162, %dma_start3A_168] : memref<80x125xi32, #tpu.memory_space<vmem>> -> memref<1x125xi32, #tpu.memory_space<vmem>>
        %dma_start3A_170 = tpu.memref_squeeze %dma_start3A_169 : memref<1x125xi32, #tpu.memory_space<vmem>> -> memref<125xi32, #tpu.memory_space<vmem>>
        %dma_start3A_171 = arith.constant 0 : i32
        %dma_start3A_172 = arith.constant 0 : i32
        %dma_start3A_173 = tpu.memref_slice %arg12[%dma_start3A_171, %dma_start3A_172] : memref<10240x64xf32, #tpu.memory_space<vmem_shared>> -> memref<10240x64xf32, #tpu.memory_space<vmem_shared>>
        tpu.enqueue_indirect_dma source(%dma_start3A_173 : memref<10240x64xf32, #tpu.memory_space<vmem_shared>>) target(%dma_start3A_167 : memref<125x64xf32, #tpu.memory_space<vmem>>) offsets(%dma_start3A_170 : memref<125xi32, #tpu.memory_space<vmem>>) semaphore(%arg13 : memref<!tpu.dma_semaphore, #tpu.memory_space<semaphore_mem>>)
      } else {
      }
      %add3A_141 = arith.constant 1 : i32
      %add3A_142 = arith.addi %add3A_74, %add3A_141 : i32
      %dma_wait3A_143 = arith.constant 1 : i32
      %dma_wait3A_144 = arith.constant 0 : i32
      %dma_wait3A_145 = arith.constant 0 : i32
      %dma_wait3A_146 = tpu.memref_slice %arg10[%dma_wait3A_143, %dma_wait3A_144, %dma_wait3A_145] : memref<2x125x64xf32, #tpu.memory_space<vmem>> -> memref<1x125x64xf32, #tpu.memory_space<vmem>>
      %dma_wait3A_147 = tpu.memref_squeeze %dma_wait3A_146 : memref<1x125x64xf32, #tpu.memory_space<vmem>> -> memref<125x64xf32, #tpu.memory_space<vmem>>
      %dma_wait3A_148 = arith.constant 0 : i32
      %dma_wait3A_149 = tpu.memref_slice %arg9[%add3A_142, %dma_wait3A_148] : memref<80x125xi32, #tpu.memory_space<vmem>> -> memref<1x125xi32, #tpu.memory_space<vmem>>
      %dma_wait3A_150 = tpu.memref_squeeze %dma_wait3A_149 : memref<1x125xi32, #tpu.memory_space<vmem>> -> memref<125xi32, #tpu.memory_space<vmem>>
      %dma_wait3A_151 = arith.constant 0 : i32
      %dma_wait3A_152 = arith.constant 0 : i32
      %dma_wait3A_153 = tpu.memref_slice %arg11[%dma_wait3A_151, %dma_wait3A_152] : memref<10240x64xf32, #tpu.memory_space<vmem_shared>> -> memref<10240x64xf32, #tpu.memory_space<vmem_shared>>
      tpu.wait_indirect_dma semaphore(%arg15 : memref<!tpu.dma_semaphore, #tpu.memory_space<semaphore_mem>>) src(%dma_wait3A_147 : memref<125x64xf32, #tpu.memory_space<vmem>>) dst(%dma_wait3A_153 : memref<10240x64xf32, #tpu.memory_space<vmem_shared>>)
      %add3A_154 = arith.constant 2 : i32
      %add3A_155 = arith.addi %add3A_142, %add3A_154 : i32
      %lt3A_156 = arith.constant 80 : i32
      %lt3A_157 = arith.cmpi slt, %add3A_155, %lt3A_156 : i32
      %convert_element_type3A_158 = arith.extui %lt3A_157 : i1 to i32
      %cond3A_159 = arith.constant 0 : i32
      %cond3A_160 = arith.cmpi ne, %convert_element_type3A_158, %cond3A_159 : i32
      scf.if %cond3A_160 {
        %add3A_161 = arith.constant 2 : i32
        %add3A_162 = arith.addi %add3A_142, %add3A_161 : i32
        %dma_start3A_163 = arith.constant 1 : i32
        %dma_start3A_164 = arith.constant 0 : i32
        %dma_start3A_165 = arith.constant 0 : i32
        %dma_start3A_166 = tpu.memref_slice %arg10[%dma_start3A_163, %dma_start3A_164, %dma_start3A_165] : memref<2x125x64xf32, #tpu.memory_space<vmem>> -> memref<1x125x64xf32, #tpu.memory_space<vmem>>
        %dma_start3A_167 = tpu.memref_squeeze %dma_start3A_166 : memref<1x125x64xf32, #tpu.memory_space<vmem>> -> memref<125x64xf32, #tpu.memory_space<vmem>>
        %dma_start3A_168 = arith.constant 0 : i32
        %dma_start3A_169 = tpu.memref_slice %arg8[%add3A_162, %dma_start3A_168] : memref<80x125xi32, #tpu.memory_space<vmem>> -> memref<1x125xi32, #tpu.memory_space<vmem>>
        %dma_start3A_170 = tpu.memref_squeeze %dma_start3A_169 : memref<1x125xi32, #tpu.memory_space<vmem>> -> memref<125xi32, #tpu.memory_space<vmem>>
        %dma_start3A_171 = arith.constant 0 : i32
        %dma_start3A_172 = arith.constant 0 : i32
        %dma_start3A_173 = tpu.memref_slice %arg12[%dma_start3A_171, %dma_start3A_172] : memref<10240x64xf32, #tpu.memory_space<vmem_shared>> -> memref<10240x64xf32, #tpu.memory_space<vmem_shared>>
        tpu.enqueue_indirect_dma source(%dma_start3A_173 : memref<10240x64xf32, #tpu.memory_space<vmem_shared>>) target(%dma_start3A_167 : memref<125x64xf32, #tpu.memory_space<vmem>>) offsets(%dma_start3A_170 : memref<125xi32, #tpu.memory_space<vmem>>) semaphore(%arg14 : memref<!tpu.dma_semaphore, #tpu.memory_space<semaphore_mem>>)
      } else {
      }
    }
    %scan3A_65 = arith.constant 40 : i32
    %barrier3A_66 = arith.constant 0 : index
    tpu.barrier barrier_id(%barrier3A_66)
    %mul3A_67 = arith.constant 640 : i32
    %mul3A_68 = arith.muli %arg1, %mul3A_67 : i32
    %mul3A_69 = arith.constant 640 : i32
    %mul3A_70 = arith.muli %arg1, %mul3A_69 : i32
    "tpu.region"() ({
      %run_scoped3A = tpu.sem_alloc : memref<!tpu.dma_semaphore, #tpu.memory_space<semaphore_mem>>
      %dma_start3A_71 = arith.constant 0 : i32
      %dma_start3A_72 = tpu.memref_slice %arg7[%arg0, %mul3A_70, %dma_start3A_71] : memref<2x10240x64xf32, #tpu.memory_space<hbm>> -> memref<1x640x64xf32, #tpu.memory_space<hbm>>
      %dma_start3A_73 = tpu.memref_squeeze %dma_start3A_72 : memref<1x640x64xf32, #tpu.memory_space<hbm>> -> memref<640x64xf32, #tpu.memory_space<hbm>>
      %dma_start3A_74 = arith.constant 0 : i32
      %dma_start3A_75 = tpu.memref_slice %arg11[%mul3A_68, %dma_start3A_74] : memref<10240x64xf32, #tpu.memory_space<vmem_shared>> -> memref<640x64xf32, #tpu.memory_space<vmem_shared>>
      tpu.enqueue_dma source(%dma_start3A_75 : memref<640x64xf32, #tpu.memory_space<vmem_shared>>) target(%dma_start3A_73 : memref<640x64xf32, #tpu.memory_space<hbm>>) target_semaphore(%run_scoped3A : memref<!tpu.dma_semaphore, #tpu.memory_space<semaphore_mem>>)
      %dma_wait3A = arith.constant 0 : i32
      %dma_wait3A_76 = tpu.memref_slice %arg7[%arg0, %mul3A_70, %dma_wait3A] : memref<2x10240x64xf32, #tpu.memory_space<hbm>> -> memref<1x640x64xf32, #tpu.memory_space<hbm>>
      %dma_wait3A_77 = tpu.memref_squeeze %dma_wait3A_76 : memref<1x640x64xf32, #tpu.memory_space<hbm>> -> memref<640x64xf32, #tpu.memory_space<hbm>>
      %dma_wait3A_78 = arith.constant 0 : i32
      %dma_wait3A_79 = tpu.memref_slice %arg11[%mul3A_68, %dma_wait3A_78] : memref<10240x64xf32, #tpu.memory_space<vmem_shared>> -> memref<640x64xf32, #tpu.memory_space<vmem_shared>>
      tpu.wait_dma2 semaphore(%run_scoped3A : memref<!tpu.dma_semaphore, #tpu.memory_space<semaphore_mem>>) src(%dma_wait3A_79 : memref<640x64xf32, #tpu.memory_space<vmem_shared>>) dst(%dma_wait3A_77 : memref<640x64xf32, #tpu.memory_space<hbm>>)
      tpu.yield
    }) : () -> ()
    return
  }
}

#map = affine_map<(d0, d1) -> (0, 0, 0)>
#map1 = affine_map<(d0, d1) -> (0, 0)>
module attributes {stable_mosaic.version = 14 : i64} {
  func.func @scat_kernel(%arg0: i32, %arg1: i32, %arg2: memref<32x80x125xi32, #tpu.memory_space<hbm>>, %arg3: memref<32x80x125xi32, #tpu.memory_space<hbm>>, %arg4: memref<10240x16xf32, #tpu.memory_space<hbm>>, %arg5: memref<10240x16xf32, #tpu.memory_space<hbm>>, %arg6: memref<2x10240x16xf32, #tpu.memory_space<hbm>>, %arg7: memref<80x125xi32, #tpu.memory_space<vmem>>, %arg8: memref<80x125xi32, #tpu.memory_space<vmem>>, %arg9: memref<4x125x16xf32, #tpu.memory_space<vmem>>, %arg10: memref<10240x16xf32, #tpu.memory_space<vmem_shared>>, %arg11: memref<10240x16xf32, #tpu.memory_space<vmem_shared>>, %arg12: memref<!tpu.dma_semaphore, #tpu.memory_space<semaphore_mem>>, %arg13: memref<!tpu.dma_semaphore, #tpu.memory_space<semaphore_mem>>, %arg14: memref<!tpu.dma_semaphore, #tpu.memory_space<semaphore_mem>>, %arg15: memref<!tpu.dma_semaphore, #tpu.memory_space<semaphore_mem>>, %arg16: memref<!tpu.dma_semaphore, #tpu.memory_space<semaphore_mem>>) attributes {dimension_semantics = [#tpu.dimension_semantics<core_parallel>, #tpu.dimension_semantics<subcore_parallel>], iteration_bounds = array<i64: 2, 16>, scalar_prefetch = 0 : i64, scratch_operands = 10 : i64, tpu.core_type = #tpu.core_type<sc_vector_subcore>, window_params = [{transform_indices = #map}, {transform_indices = #map}, {transform_indices = #map1}, {transform_indices = #map1}, {transform_indices = #map}]} {
    %mul3A = arith.constant 16 : i32
    %mul3A_0 = arith.muli %arg0, %mul3A : i32
    %add3A = arith.addi %mul3A_0, %arg1 : i32
    "tpu.region"() ({
      %run_scoped3A = tpu.sem_alloc : memref<!tpu.dma_semaphore, #tpu.memory_space<semaphore_mem>>
      %dma_start3A_65 = arith.constant 0 : i32
      %dma_start3A_66 = arith.constant 0 : i32
      %dma_start3A_67 = tpu.memref_slice %arg2[%add3A, %dma_start3A_65, %dma_start3A_66] : memref<32x80x125xi32, #tpu.memory_space<hbm>> -> memref<1x80x125xi32, #tpu.memory_space<hbm>>
      %dma_start3A_68 = tpu.memref_squeeze %dma_start3A_67 : memref<1x80x125xi32, #tpu.memory_space<hbm>> -> memref<80x125xi32, #tpu.memory_space<hbm>>
      %dma_start3A_69 = arith.constant 0 : i32
      %dma_start3A_70 = arith.constant 0 : i32
      %dma_start3A_71 = tpu.memref_slice %arg2[%add3A, %dma_start3A_69, %dma_start3A_70] : memref<32x80x125xi32, #tpu.memory_space<hbm>> -> memref<1x80x125xi32, #tpu.memory_space<hbm>>
      %dma_start3A_72 = tpu.memref_squeeze %dma_start3A_71 : memref<1x80x125xi32, #tpu.memory_space<hbm>> -> memref<80x125xi32, #tpu.memory_space<hbm>>
      tpu.enqueue_dma source(%dma_start3A_72 : memref<80x125xi32, #tpu.memory_space<hbm>>) target(%arg7 : memref<80x125xi32, #tpu.memory_space<vmem>>) target_semaphore(%run_scoped3A : memref<!tpu.dma_semaphore, #tpu.memory_space<semaphore_mem>>)
      %dma_wait3A = arith.constant 0 : i32
      %dma_wait3A_73 = arith.constant 0 : i32
      %dma_wait3A_74 = tpu.memref_slice %arg2[%add3A, %dma_wait3A, %dma_wait3A_73] : memref<32x80x125xi32, #tpu.memory_space<hbm>> -> memref<1x80x125xi32, #tpu.memory_space<hbm>>
      %dma_wait3A_75 = tpu.memref_squeeze %dma_wait3A_74 : memref<1x80x125xi32, #tpu.memory_space<hbm>> -> memref<80x125xi32, #tpu.memory_space<hbm>>
      %dma_wait3A_76 = arith.constant 0 : i32
      %dma_wait3A_77 = arith.constant 0 : i32
      %dma_wait3A_78 = tpu.memref_slice %arg2[%add3A, %dma_wait3A_76, %dma_wait3A_77] : memref<32x80x125xi32, #tpu.memory_space<hbm>> -> memref<1x80x125xi32, #tpu.memory_space<hbm>>
      %dma_wait3A_79 = tpu.memref_squeeze %dma_wait3A_78 : memref<1x80x125xi32, #tpu.memory_space<hbm>> -> memref<80x125xi32, #tpu.memory_space<hbm>>
      tpu.wait_dma2 semaphore(%run_scoped3A : memref<!tpu.dma_semaphore, #tpu.memory_space<semaphore_mem>>) src(%dma_wait3A_79 : memref<80x125xi32, #tpu.memory_space<hbm>>) dst(%arg7 : memref<80x125xi32, #tpu.memory_space<vmem>>)
      tpu.yield
    }) : () -> ()
    "tpu.region"() ({
      %run_scoped3A = tpu.sem_alloc : memref<!tpu.dma_semaphore, #tpu.memory_space<semaphore_mem>>
      %dma_start3A_65 = arith.constant 0 : i32
      %dma_start3A_66 = arith.constant 0 : i32
      %dma_start3A_67 = tpu.memref_slice %arg3[%add3A, %dma_start3A_65, %dma_start3A_66] : memref<32x80x125xi32, #tpu.memory_space<hbm>> -> memref<1x80x125xi32, #tpu.memory_space<hbm>>
      %dma_start3A_68 = tpu.memref_squeeze %dma_start3A_67 : memref<1x80x125xi32, #tpu.memory_space<hbm>> -> memref<80x125xi32, #tpu.memory_space<hbm>>
      %dma_start3A_69 = arith.constant 0 : i32
      %dma_start3A_70 = arith.constant 0 : i32
      %dma_start3A_71 = tpu.memref_slice %arg3[%add3A, %dma_start3A_69, %dma_start3A_70] : memref<32x80x125xi32, #tpu.memory_space<hbm>> -> memref<1x80x125xi32, #tpu.memory_space<hbm>>
      %dma_start3A_72 = tpu.memref_squeeze %dma_start3A_71 : memref<1x80x125xi32, #tpu.memory_space<hbm>> -> memref<80x125xi32, #tpu.memory_space<hbm>>
      tpu.enqueue_dma source(%dma_start3A_72 : memref<80x125xi32, #tpu.memory_space<hbm>>) target(%arg8 : memref<80x125xi32, #tpu.memory_space<vmem>>) target_semaphore(%run_scoped3A : memref<!tpu.dma_semaphore, #tpu.memory_space<semaphore_mem>>)
      %dma_wait3A = arith.constant 0 : i32
      %dma_wait3A_73 = arith.constant 0 : i32
      %dma_wait3A_74 = tpu.memref_slice %arg3[%add3A, %dma_wait3A, %dma_wait3A_73] : memref<32x80x125xi32, #tpu.memory_space<hbm>> -> memref<1x80x125xi32, #tpu.memory_space<hbm>>
      %dma_wait3A_75 = tpu.memref_squeeze %dma_wait3A_74 : memref<1x80x125xi32, #tpu.memory_space<hbm>> -> memref<80x125xi32, #tpu.memory_space<hbm>>
      %dma_wait3A_76 = arith.constant 0 : i32
      %dma_wait3A_77 = arith.constant 0 : i32
      %dma_wait3A_78 = tpu.memref_slice %arg3[%add3A, %dma_wait3A_76, %dma_wait3A_77] : memref<32x80x125xi32, #tpu.memory_space<hbm>> -> memref<1x80x125xi32, #tpu.memory_space<hbm>>
      %dma_wait3A_79 = tpu.memref_squeeze %dma_wait3A_78 : memref<1x80x125xi32, #tpu.memory_space<hbm>> -> memref<80x125xi32, #tpu.memory_space<hbm>>
      tpu.wait_dma2 semaphore(%run_scoped3A : memref<!tpu.dma_semaphore, #tpu.memory_space<semaphore_mem>>) src(%dma_wait3A_79 : memref<80x125xi32, #tpu.memory_space<hbm>>) dst(%arg8 : memref<80x125xi32, #tpu.memory_space<vmem>>)
      tpu.yield
    }) : () -> ()
    %mul3A_1 = arith.constant 640 : i32
    %mul3A_2 = arith.muli %arg1, %mul3A_1 : i32
    %mul3A_3 = arith.constant 640 : i32
    %mul3A_4 = arith.muli %arg1, %mul3A_3 : i32
    "tpu.region"() ({
      %run_scoped3A = tpu.sem_alloc : memref<!tpu.dma_semaphore, #tpu.memory_space<semaphore_mem>>
      %dma_start3A_65 = arith.constant 0 : i32
      %dma_start3A_66 = tpu.memref_slice %arg11[%mul3A_4, %dma_start3A_65] : memref<10240x16xf32, #tpu.memory_space<vmem_shared>> -> memref<640x16xf32, #tpu.memory_space<vmem_shared>>
      %dma_start3A_67 = arith.constant 0 : i32
      %dma_start3A_68 = tpu.memref_slice %arg4[%mul3A_2, %dma_start3A_67] : memref<10240x16xf32, #tpu.memory_space<hbm>> -> memref<640x16xf32, #tpu.memory_space<hbm>>
      tpu.enqueue_dma source(%dma_start3A_68 : memref<640x16xf32, #tpu.memory_space<hbm>>) target(%dma_start3A_66 : memref<640x16xf32, #tpu.memory_space<vmem_shared>>) target_semaphore(%run_scoped3A : memref<!tpu.dma_semaphore, #tpu.memory_space<semaphore_mem>>)
      %dma_wait3A = arith.constant 0 : i32
      %dma_wait3A_69 = tpu.memref_slice %arg11[%mul3A_4, %dma_wait3A] : memref<10240x16xf32, #tpu.memory_space<vmem_shared>> -> memref<640x16xf32, #tpu.memory_space<vmem_shared>>
      %dma_wait3A_70 = arith.constant 0 : i32
      %dma_wait3A_71 = tpu.memref_slice %arg4[%mul3A_2, %dma_wait3A_70] : memref<10240x16xf32, #tpu.memory_space<hbm>> -> memref<640x16xf32, #tpu.memory_space<hbm>>
      tpu.wait_dma2 semaphore(%run_scoped3A : memref<!tpu.dma_semaphore, #tpu.memory_space<semaphore_mem>>) src(%dma_wait3A_71 : memref<640x16xf32, #tpu.memory_space<hbm>>) dst(%dma_wait3A_69 : memref<640x16xf32, #tpu.memory_space<vmem_shared>>)
      tpu.yield
    }) : () -> ()
    %mul3A_5 = arith.constant 640 : i32
    %mul3A_6 = arith.muli %arg1, %mul3A_5 : i32
    %mul3A_7 = arith.constant 640 : i32
    %mul3A_8 = arith.muli %arg1, %mul3A_7 : i32
    "tpu.region"() ({
      %run_scoped3A = tpu.sem_alloc : memref<!tpu.dma_semaphore, #tpu.memory_space<semaphore_mem>>
      %dma_start3A_65 = arith.constant 0 : i32
      %dma_start3A_66 = tpu.memref_slice %arg10[%mul3A_8, %dma_start3A_65] : memref<10240x16xf32, #tpu.memory_space<vmem_shared>> -> memref<640x16xf32, #tpu.memory_space<vmem_shared>>
      %dma_start3A_67 = arith.constant 0 : i32
      %dma_start3A_68 = tpu.memref_slice %arg5[%mul3A_6, %dma_start3A_67] : memref<10240x16xf32, #tpu.memory_space<hbm>> -> memref<640x16xf32, #tpu.memory_space<hbm>>
      tpu.enqueue_dma source(%dma_start3A_68 : memref<640x16xf32, #tpu.memory_space<hbm>>) target(%dma_start3A_66 : memref<640x16xf32, #tpu.memory_space<vmem_shared>>) target_semaphore(%run_scoped3A : memref<!tpu.dma_semaphore, #tpu.memory_space<semaphore_mem>>)
      %dma_wait3A = arith.constant 0 : i32
      %dma_wait3A_69 = tpu.memref_slice %arg10[%mul3A_8, %dma_wait3A] : memref<10240x16xf32, #tpu.memory_space<vmem_shared>> -> memref<640x16xf32, #tpu.memory_space<vmem_shared>>
      %dma_wait3A_70 = arith.constant 0 : i32
      %dma_wait3A_71 = tpu.memref_slice %arg5[%mul3A_6, %dma_wait3A_70] : memref<10240x16xf32, #tpu.memory_space<hbm>> -> memref<640x16xf32, #tpu.memory_space<hbm>>
      tpu.wait_dma2 semaphore(%run_scoped3A : memref<!tpu.dma_semaphore, #tpu.memory_space<semaphore_mem>>) src(%dma_wait3A_71 : memref<640x16xf32, #tpu.memory_space<hbm>>) dst(%dma_wait3A_69 : memref<640x16xf32, #tpu.memory_space<vmem_shared>>)
      tpu.yield
    }) : () -> ()
    %barrier3A = arith.constant 0 : index
    tpu.barrier barrier_id(%barrier3A)
    %dma_start3A = arith.constant 0 : i32
    %dma_start3A_9 = arith.constant 0 : i32
    %dma_start3A_10 = arith.constant 0 : i32
    %dma_start3A_11 = arith.constant 0 : i32
    %dma_start3A_12 = tpu.memref_slice %arg9[%dma_start3A_9, %dma_start3A_10, %dma_start3A_11] : memref<4x125x16xf32, #tpu.memory_space<vmem>> -> memref<1x125x16xf32, #tpu.memory_space<vmem>>
    %dma_start3A_13 = tpu.memref_squeeze %dma_start3A_12 : memref<1x125x16xf32, #tpu.memory_space<vmem>> -> memref<125x16xf32, #tpu.memory_space<vmem>>
    %dma_start3A_14 = arith.constant 0 : i32
    %dma_start3A_15 = tpu.memref_slice %arg7[%dma_start3A, %dma_start3A_14] : memref<80x125xi32, #tpu.memory_space<vmem>> -> memref<1x125xi32, #tpu.memory_space<vmem>>
    %dma_start3A_16 = tpu.memref_squeeze %dma_start3A_15 : memref<1x125xi32, #tpu.memory_space<vmem>> -> memref<125xi32, #tpu.memory_space<vmem>>
    %dma_start3A_17 = arith.constant 0 : i32
    %dma_start3A_18 = arith.constant 0 : i32
    %dma_start3A_19 = tpu.memref_slice %arg11[%dma_start3A_17, %dma_start3A_18] : memref<10240x16xf32, #tpu.memory_space<vmem_shared>> -> memref<10240x16xf32, #tpu.memory_space<vmem_shared>>
    tpu.enqueue_indirect_dma source(%dma_start3A_19 : memref<10240x16xf32, #tpu.memory_space<vmem_shared>>) target(%dma_start3A_13 : memref<125x16xf32, #tpu.memory_space<vmem>>) offsets(%dma_start3A_16 : memref<125xi32, #tpu.memory_space<vmem>>) semaphore(%arg12 : memref<!tpu.dma_semaphore, #tpu.memory_space<semaphore_mem>>)
    %dma_start3A_20 = arith.constant 1 : i32
    %dma_start3A_21 = arith.constant 1 : i32
    %dma_start3A_22 = arith.constant 0 : i32
    %dma_start3A_23 = arith.constant 0 : i32
    %dma_start3A_24 = tpu.memref_slice %arg9[%dma_start3A_21, %dma_start3A_22, %dma_start3A_23] : memref<4x125x16xf32, #tpu.memory_space<vmem>> -> memref<1x125x16xf32, #tpu.memory_space<vmem>>
    %dma_start3A_25 = tpu.memref_squeeze %dma_start3A_24 : memref<1x125x16xf32, #tpu.memory_space<vmem>> -> memref<125x16xf32, #tpu.memory_space<vmem>>
    %dma_start3A_26 = arith.constant 0 : i32
    %dma_start3A_27 = tpu.memref_slice %arg7[%dma_start3A_20, %dma_start3A_26] : memref<80x125xi32, #tpu.memory_space<vmem>> -> memref<1x125xi32, #tpu.memory_space<vmem>>
    %dma_start3A_28 = tpu.memref_squeeze %dma_start3A_27 : memref<1x125xi32, #tpu.memory_space<vmem>> -> memref<125xi32, #tpu.memory_space<vmem>>
    %dma_start3A_29 = arith.constant 0 : i32
    %dma_start3A_30 = arith.constant 0 : i32
    %dma_start3A_31 = tpu.memref_slice %arg11[%dma_start3A_29, %dma_start3A_30] : memref<10240x16xf32, #tpu.memory_space<vmem_shared>> -> memref<10240x16xf32, #tpu.memory_space<vmem_shared>>
    tpu.enqueue_indirect_dma source(%dma_start3A_31 : memref<10240x16xf32, #tpu.memory_space<vmem_shared>>) target(%dma_start3A_25 : memref<125x16xf32, #tpu.memory_space<vmem>>) offsets(%dma_start3A_28 : memref<125xi32, #tpu.memory_space<vmem>>) semaphore(%arg13 : memref<!tpu.dma_semaphore, #tpu.memory_space<semaphore_mem>>)
    %dma_start3A_32 = arith.constant 2 : i32
    %dma_start3A_33 = arith.constant 2 : i32
    %dma_start3A_34 = arith.constant 0 : i32
    %dma_start3A_35 = arith.constant 0 : i32
    %dma_start3A_36 = tpu.memref_slice %arg9[%dma_start3A_33, %dma_start3A_34, %dma_start3A_35] : memref<4x125x16xf32, #tpu.memory_space<vmem>> -> memref<1x125x16xf32, #tpu.memory_space<vmem>>
    %dma_start3A_37 = tpu.memref_squeeze %dma_start3A_36 : memref<1x125x16xf32, #tpu.memory_space<vmem>> -> memref<125x16xf32, #tpu.memory_space<vmem>>
    %dma_start3A_38 = arith.constant 0 : i32
    %dma_start3A_39 = tpu.memref_slice %arg7[%dma_start3A_32, %dma_start3A_38] : memref<80x125xi32, #tpu.memory_space<vmem>> -> memref<1x125xi32, #tpu.memory_space<vmem>>
    %dma_start3A_40 = tpu.memref_squeeze %dma_start3A_39 : memref<1x125xi32, #tpu.memory_space<vmem>> -> memref<125xi32, #tpu.memory_space<vmem>>
    %dma_start3A_41 = arith.constant 0 : i32
    %dma_start3A_42 = arith.constant 0 : i32
    %dma_start3A_43 = tpu.memref_slice %arg11[%dma_start3A_41, %dma_start3A_42] : memref<10240x16xf32, #tpu.memory_space<vmem_shared>> -> memref<10240x16xf32, #tpu.memory_space<vmem_shared>>
    tpu.enqueue_indirect_dma source(%dma_start3A_43 : memref<10240x16xf32, #tpu.memory_space<vmem_shared>>) target(%dma_start3A_37 : memref<125x16xf32, #tpu.memory_space<vmem>>) offsets(%dma_start3A_40 : memref<125xi32, #tpu.memory_space<vmem>>) semaphore(%arg14 : memref<!tpu.dma_semaphore, #tpu.memory_space<semaphore_mem>>)
    %dma_start3A_44 = arith.constant 3 : i32
    %dma_start3A_45 = arith.constant 3 : i32
    %dma_start3A_46 = arith.constant 0 : i32
    %dma_start3A_47 = arith.constant 0 : i32
    %dma_start3A_48 = tpu.memref_slice %arg9[%dma_start3A_45, %dma_start3A_46, %dma_start3A_47] : memref<4x125x16xf32, #tpu.memory_space<vmem>> -> memref<1x125x16xf32, #tpu.memory_space<vmem>>
    %dma_start3A_49 = tpu.memref_squeeze %dma_start3A_48 : memref<1x125x16xf32, #tpu.memory_space<vmem>> -> memref<125x16xf32, #tpu.memory_space<vmem>>
    %dma_start3A_50 = arith.constant 0 : i32
    %dma_start3A_51 = tpu.memref_slice %arg7[%dma_start3A_44, %dma_start3A_50] : memref<80x125xi32, #tpu.memory_space<vmem>> -> memref<1x125xi32, #tpu.memory_space<vmem>>
    %dma_start3A_52 = tpu.memref_squeeze %dma_start3A_51 : memref<1x125xi32, #tpu.memory_space<vmem>> -> memref<125xi32, #tpu.memory_space<vmem>>
    %dma_start3A_53 = arith.constant 0 : i32
    %dma_start3A_54 = arith.constant 0 : i32
    %dma_start3A_55 = tpu.memref_slice %arg11[%dma_start3A_53, %dma_start3A_54] : memref<10240x16xf32, #tpu.memory_space<vmem_shared>> -> memref<10240x16xf32, #tpu.memory_space<vmem_shared>>
    tpu.enqueue_indirect_dma source(%dma_start3A_55 : memref<10240x16xf32, #tpu.memory_space<vmem_shared>>) target(%dma_start3A_49 : memref<125x16xf32, #tpu.memory_space<vmem>>) offsets(%dma_start3A_52 : memref<125xi32, #tpu.memory_space<vmem>>) semaphore(%arg15 : memref<!tpu.dma_semaphore, #tpu.memory_space<semaphore_mem>>)
    %scan3A = arith.constant 0 : i32
    %scan3A_56 = arith.constant 20 : i32
    %scan3A_57 = arith.addi %scan3A, %scan3A_56 : i32
    %scan3A_58 = arith.constant 1 : i32
    scf.for %scan3A_65 = %scan3A to %scan3A_57 step %scan3A_58  : i32 {
      %mul3A_66 = arith.constant 4 : i32
      %mul3A_67 = arith.muli %scan3A_65, %mul3A_66 : i32
      %add3A_68 = arith.constant 0 : i32
      %add3A_69 = arith.addi %add3A_68, %mul3A_67 : i32
      %add3A_70 = arith.constant 0 : i32
      %add3A_71 = arith.addi %add3A_69, %add3A_70 : i32
      %dma_wait3A = arith.constant 0 : i32
      %dma_wait3A_72 = arith.constant 0 : i32
      %dma_wait3A_73 = arith.constant 0 : i32
      %dma_wait3A_74 = tpu.memref_slice %arg9[%dma_wait3A, %dma_wait3A_72, %dma_wait3A_73] : memref<4x125x16xf32, #tpu.memory_space<vmem>> -> memref<1x125x16xf32, #tpu.memory_space<vmem>>
      %dma_wait3A_75 = tpu.memref_squeeze %dma_wait3A_74 : memref<1x125x16xf32, #tpu.memory_space<vmem>> -> memref<125x16xf32, #tpu.memory_space<vmem>>
      %dma_wait3A_76 = arith.constant 0 : i32
      %dma_wait3A_77 = tpu.memref_slice %arg7[%add3A_71, %dma_wait3A_76] : memref<80x125xi32, #tpu.memory_space<vmem>> -> memref<1x125xi32, #tpu.memory_space<vmem>>
      %dma_wait3A_78 = tpu.memref_squeeze %dma_wait3A_77 : memref<1x125xi32, #tpu.memory_space<vmem>> -> memref<125xi32, #tpu.memory_space<vmem>>
      %dma_wait3A_79 = arith.constant 0 : i32
      %dma_wait3A_80 = arith.constant 0 : i32
      %dma_wait3A_81 = tpu.memref_slice %arg11[%dma_wait3A_79, %dma_wait3A_80] : memref<10240x16xf32, #tpu.memory_space<vmem_shared>> -> memref<10240x16xf32, #tpu.memory_space<vmem_shared>>
      tpu.wait_indirect_dma semaphore(%arg12 : memref<!tpu.dma_semaphore, #tpu.memory_space<semaphore_mem>>) src(%dma_wait3A_81 : memref<10240x16xf32, #tpu.memory_space<vmem_shared>>) dst(%dma_wait3A_75 : memref<125x16xf32, #tpu.memory_space<vmem>>)
      %dma_start3A_82 = arith.constant 0 : i32
      %dma_start3A_83 = arith.constant 0 : i32
      %dma_start3A_84 = arith.constant 0 : i32
      %dma_start3A_85 = tpu.memref_slice %arg9[%dma_start3A_82, %dma_start3A_83, %dma_start3A_84] : memref<4x125x16xf32, #tpu.memory_space<vmem>> -> memref<1x125x16xf32, #tpu.memory_space<vmem>>
      %dma_start3A_86 = tpu.memref_squeeze %dma_start3A_85 : memref<1x125x16xf32, #tpu.memory_space<vmem>> -> memref<125x16xf32, #tpu.memory_space<vmem>>
      %dma_start3A_87 = arith.constant 0 : i32
      %dma_start3A_88 = tpu.memref_slice %arg8[%add3A_71, %dma_start3A_87] : memref<80x125xi32, #tpu.memory_space<vmem>> -> memref<1x125xi32, #tpu.memory_space<vmem>>
      %dma_start3A_89 = tpu.memref_squeeze %dma_start3A_88 : memref<1x125xi32, #tpu.memory_space<vmem>> -> memref<125xi32, #tpu.memory_space<vmem>>
      %dma_start3A_90 = arith.constant 0 : i32
      %dma_start3A_91 = arith.constant 0 : i32
      %dma_start3A_92 = tpu.memref_slice %arg10[%dma_start3A_90, %dma_start3A_91] : memref<10240x16xf32, #tpu.memory_space<vmem_shared>> -> memref<10240x16xf32, #tpu.memory_space<vmem_shared>>
      tpu.enqueue_indirect_dma source(%dma_start3A_86 : memref<125x16xf32, #tpu.memory_space<vmem>>) target(%dma_start3A_92 : memref<10240x16xf32, #tpu.memory_space<vmem_shared>>) offsets(%dma_start3A_89 : memref<125xi32, #tpu.memory_space<vmem>>) semaphore(%arg16 : memref<!tpu.dma_semaphore, #tpu.memory_space<semaphore_mem>>) {add = true}
      %add3A_93 = arith.constant 1 : i32
      %add3A_94 = arith.addi %add3A_69, %add3A_93 : i32
      %dma_wait3A_95 = arith.constant 1 : i32
      %dma_wait3A_96 = arith.constant 0 : i32
      %dma_wait3A_97 = arith.constant 0 : i32
      %dma_wait3A_98 = tpu.memref_slice %arg9[%dma_wait3A_95, %dma_wait3A_96, %dma_wait3A_97] : memref<4x125x16xf32, #tpu.memory_space<vmem>> -> memref<1x125x16xf32, #tpu.memory_space<vmem>>
      %dma_wait3A_99 = tpu.memref_squeeze %dma_wait3A_98 : memref<1x125x16xf32, #tpu.memory_space<vmem>> -> memref<125x16xf32, #tpu.memory_space<vmem>>
      %dma_wait3A_100 = arith.constant 0 : i32
      %dma_wait3A_101 = tpu.memref_slice %arg7[%add3A_94, %dma_wait3A_100] : memref<80x125xi32, #tpu.memory_space<vmem>> -> memref<1x125xi32, #tpu.memory_space<vmem>>
      %dma_wait3A_102 = tpu.memref_squeeze %dma_wait3A_101 : memref<1x125xi32, #tpu.memory_space<vmem>> -> memref<125xi32, #tpu.memory_space<vmem>>
      %dma_wait3A_103 = arith.constant 0 : i32
      %dma_wait3A_104 = arith.constant 0 : i32
      %dma_wait3A_105 = tpu.memref_slice %arg11[%dma_wait3A_103, %dma_wait3A_104] : memref<10240x16xf32, #tpu.memory_space<vmem_shared>> -> memref<10240x16xf32, #tpu.memory_space<vmem_shared>>
      tpu.wait_indirect_dma semaphore(%arg13 : memref<!tpu.dma_semaphore, #tpu.memory_space<semaphore_mem>>) src(%dma_wait3A_105 : memref<10240x16xf32, #tpu.memory_space<vmem_shared>>) dst(%dma_wait3A_99 : memref<125x16xf32, #tpu.memory_space<vmem>>)
      %dma_start3A_106 = arith.constant 1 : i32
      %dma_start3A_107 = arith.constant 0 : i32
      %dma_start3A_108 = arith.constant 0 : i32
      %dma_start3A_109 = tpu.memref_slice %arg9[%dma_start3A_106, %dma_start3A_107, %dma_start3A_108] : memref<4x125x16xf32, #tpu.memory_space<vmem>> -> memref<1x125x16xf32, #tpu.memory_space<vmem>>
      %dma_start3A_110 = tpu.memref_squeeze %dma_start3A_109 : memref<1x125x16xf32, #tpu.memory_space<vmem>> -> memref<125x16xf32, #tpu.memory_space<vmem>>
      %dma_start3A_111 = arith.constant 0 : i32
      %dma_start3A_112 = tpu.memref_slice %arg8[%add3A_94, %dma_start3A_111] : memref<80x125xi32, #tpu.memory_space<vmem>> -> memref<1x125xi32, #tpu.memory_space<vmem>>
      %dma_start3A_113 = tpu.memref_squeeze %dma_start3A_112 : memref<1x125xi32, #tpu.memory_space<vmem>> -> memref<125xi32, #tpu.memory_space<vmem>>
      %dma_start3A_114 = arith.constant 0 : i32
      %dma_start3A_115 = arith.constant 0 : i32
      %dma_start3A_116 = tpu.memref_slice %arg10[%dma_start3A_114, %dma_start3A_115] : memref<10240x16xf32, #tpu.memory_space<vmem_shared>> -> memref<10240x16xf32, #tpu.memory_space<vmem_shared>>
      tpu.enqueue_indirect_dma source(%dma_start3A_110 : memref<125x16xf32, #tpu.memory_space<vmem>>) target(%dma_start3A_116 : memref<10240x16xf32, #tpu.memory_space<vmem_shared>>) offsets(%dma_start3A_113 : memref<125xi32, #tpu.memory_space<vmem>>) semaphore(%arg16 : memref<!tpu.dma_semaphore, #tpu.memory_space<semaphore_mem>>) {add = true}
      %add3A_117 = arith.constant 2 : i32
      %add3A_118 = arith.addi %add3A_69, %add3A_117 : i32
      %dma_wait3A_119 = arith.constant 2 : i32
      %dma_wait3A_120 = arith.constant 0 : i32
      %dma_wait3A_121 = arith.constant 0 : i32
      %dma_wait3A_122 = tpu.memref_slice %arg9[%dma_wait3A_119, %dma_wait3A_120, %dma_wait3A_121] : memref<4x125x16xf32, #tpu.memory_space<vmem>> -> memref<1x125x16xf32, #tpu.memory_space<vmem>>
      %dma_wait3A_123 = tpu.memref_squeeze %dma_wait3A_122 : memref<1x125x16xf32, #tpu.memory_space<vmem>> -> memref<125x16xf32, #tpu.memory_space<vmem>>
      %dma_wait3A_124 = arith.constant 0 : i32
      %dma_wait3A_125 = tpu.memref_slice %arg7[%add3A_118, %dma_wait3A_124] : memref<80x125xi32, #tpu.memory_space<vmem>> -> memref<1x125xi32, #tpu.memory_space<vmem>>
      %dma_wait3A_126 = tpu.memref_squeeze %dma_wait3A_125 : memref<1x125xi32, #tpu.memory_space<vmem>> -> memref<125xi32, #tpu.memory_space<vmem>>
      %dma_wait3A_127 = arith.constant 0 : i32
      %dma_wait3A_128 = arith.constant 0 : i32
      %dma_wait3A_129 = tpu.memref_slice %arg11[%dma_wait3A_127, %dma_wait3A_128] : memref<10240x16xf32, #tpu.memory_space<vmem_shared>> -> memref<10240x16xf32, #tpu.memory_space<vmem_shared>>
      tpu.wait_indirect_dma semaphore(%arg14 : memref<!tpu.dma_semaphore, #tpu.memory_space<semaphore_mem>>) src(%dma_wait3A_129 : memref<10240x16xf32, #tpu.memory_space<vmem_shared>>) dst(%dma_wait3A_123 : memref<125x16xf32, #tpu.memory_space<vmem>>)
      %dma_start3A_130 = arith.constant 2 : i32
      %dma_start3A_131 = arith.constant 0 : i32
      %dma_start3A_132 = arith.constant 0 : i32
      %dma_start3A_133 = tpu.memref_slice %arg9[%dma_start3A_130, %dma_start3A_131, %dma_start3A_132] : memref<4x125x16xf32, #tpu.memory_space<vmem>> -> memref<1x125x16xf32, #tpu.memory_space<vmem>>
      %dma_start3A_134 = tpu.memref_squeeze %dma_start3A_133 : memref<1x125x16xf32, #tpu.memory_space<vmem>> -> memref<125x16xf32, #tpu.memory_space<vmem>>
      %dma_start3A_135 = arith.constant 0 : i32
      %dma_start3A_136 = tpu.memref_slice %arg8[%add3A_118, %dma_start3A_135] : memref<80x125xi32, #tpu.memory_space<vmem>> -> memref<1x125xi32, #tpu.memory_space<vmem>>
      %dma_start3A_137 = tpu.memref_squeeze %dma_start3A_136 : memref<1x125xi32, #tpu.memory_space<vmem>> -> memref<125xi32, #tpu.memory_space<vmem>>
      %dma_start3A_138 = arith.constant 0 : i32
      %dma_start3A_139 = arith.constant 0 : i32
      %dma_start3A_140 = tpu.memref_slice %arg10[%dma_start3A_138, %dma_start3A_139] : memref<10240x16xf32, #tpu.memory_space<vmem_shared>> -> memref<10240x16xf32, #tpu.memory_space<vmem_shared>>
      tpu.enqueue_indirect_dma source(%dma_start3A_134 : memref<125x16xf32, #tpu.memory_space<vmem>>) target(%dma_start3A_140 : memref<10240x16xf32, #tpu.memory_space<vmem_shared>>) offsets(%dma_start3A_137 : memref<125xi32, #tpu.memory_space<vmem>>) semaphore(%arg16 : memref<!tpu.dma_semaphore, #tpu.memory_space<semaphore_mem>>) {add = true}
      %add3A_141 = arith.constant 3 : i32
      %add3A_142 = arith.addi %add3A_69, %add3A_141 : i32
      %dma_wait3A_143 = arith.constant 3 : i32
      %dma_wait3A_144 = arith.constant 0 : i32
      %dma_wait3A_145 = arith.constant 0 : i32
      %dma_wait3A_146 = tpu.memref_slice %arg9[%dma_wait3A_143, %dma_wait3A_144, %dma_wait3A_145] : memref<4x125x16xf32, #tpu.memory_space<vmem>> -> memref<1x125x16xf32, #tpu.memory_space<vmem>>
      %dma_wait3A_147 = tpu.memref_squeeze %dma_wait3A_146 : memref<1x125x16xf32, #tpu.memory_space<vmem>> -> memref<125x16xf32, #tpu.memory_space<vmem>>
      %dma_wait3A_148 = arith.constant 0 : i32
      %dma_wait3A_149 = tpu.memref_slice %arg7[%add3A_142, %dma_wait3A_148] : memref<80x125xi32, #tpu.memory_space<vmem>> -> memref<1x125xi32, #tpu.memory_space<vmem>>
      %dma_wait3A_150 = tpu.memref_squeeze %dma_wait3A_149 : memref<1x125xi32, #tpu.memory_space<vmem>> -> memref<125xi32, #tpu.memory_space<vmem>>
      %dma_wait3A_151 = arith.constant 0 : i32
      %dma_wait3A_152 = arith.constant 0 : i32
      %dma_wait3A_153 = tpu.memref_slice %arg11[%dma_wait3A_151, %dma_wait3A_152] : memref<10240x16xf32, #tpu.memory_space<vmem_shared>> -> memref<10240x16xf32, #tpu.memory_space<vmem_shared>>
      tpu.wait_indirect_dma semaphore(%arg15 : memref<!tpu.dma_semaphore, #tpu.memory_space<semaphore_mem>>) src(%dma_wait3A_153 : memref<10240x16xf32, #tpu.memory_space<vmem_shared>>) dst(%dma_wait3A_147 : memref<125x16xf32, #tpu.memory_space<vmem>>)
      %dma_start3A_154 = arith.constant 3 : i32
      %dma_start3A_155 = arith.constant 0 : i32
      %dma_start3A_156 = arith.constant 0 : i32
      %dma_start3A_157 = tpu.memref_slice %arg9[%dma_start3A_154, %dma_start3A_155, %dma_start3A_156] : memref<4x125x16xf32, #tpu.memory_space<vmem>> -> memref<1x125x16xf32, #tpu.memory_space<vmem>>
      %dma_start3A_158 = tpu.memref_squeeze %dma_start3A_157 : memref<1x125x16xf32, #tpu.memory_space<vmem>> -> memref<125x16xf32, #tpu.memory_space<vmem>>
      %dma_start3A_159 = arith.constant 0 : i32
      %dma_start3A_160 = tpu.memref_slice %arg8[%add3A_142, %dma_start3A_159] : memref<80x125xi32, #tpu.memory_space<vmem>> -> memref<1x125xi32, #tpu.memory_space<vmem>>
      %dma_start3A_161 = tpu.memref_squeeze %dma_start3A_160 : memref<1x125xi32, #tpu.memory_space<vmem>> -> memref<125xi32, #tpu.memory_space<vmem>>
      %dma_start3A_162 = arith.constant 0 : i32
      %dma_start3A_163 = arith.constant 0 : i32
      %dma_start3A_164 = tpu.memref_slice %arg10[%dma_start3A_162, %dma_start3A_163] : memref<10240x16xf32, #tpu.memory_space<vmem_shared>> -> memref<10240x16xf32, #tpu.memory_space<vmem_shared>>
      tpu.enqueue_indirect_dma source(%dma_start3A_158 : memref<125x16xf32, #tpu.memory_space<vmem>>) target(%dma_start3A_164 : memref<10240x16xf32, #tpu.memory_space<vmem_shared>>) offsets(%dma_start3A_161 : memref<125xi32, #tpu.memory_space<vmem>>) semaphore(%arg16 : memref<!tpu.dma_semaphore, #tpu.memory_space<semaphore_mem>>) {add = true}
      %add3A_165 = arith.constant 0 : i32
      %add3A_166 = arith.addi %add3A_69, %add3A_165 : i32
      %dma_wait3A_167 = arith.constant 0 : i32
      %dma_wait3A_168 = arith.constant 0 : i32
      %dma_wait3A_169 = arith.constant 0 : i32
      %dma_wait3A_170 = tpu.memref_slice %arg9[%dma_wait3A_167, %dma_wait3A_168, %dma_wait3A_169] : memref<4x125x16xf32, #tpu.memory_space<vmem>> -> memref<1x125x16xf32, #tpu.memory_space<vmem>>
      %dma_wait3A_171 = tpu.memref_squeeze %dma_wait3A_170 : memref<1x125x16xf32, #tpu.memory_space<vmem>> -> memref<125x16xf32, #tpu.memory_space<vmem>>
      %dma_wait3A_172 = arith.constant 0 : i32
      %dma_wait3A_173 = tpu.memref_slice %arg8[%add3A_166, %dma_wait3A_172] : memref<80x125xi32, #tpu.memory_space<vmem>> -> memref<1x125xi32, #tpu.memory_space<vmem>>
      %dma_wait3A_174 = tpu.memref_squeeze %dma_wait3A_173 : memref<1x125xi32, #tpu.memory_space<vmem>> -> memref<125xi32, #tpu.memory_space<vmem>>
      %dma_wait3A_175 = arith.constant 0 : i32
      %dma_wait3A_176 = arith.constant 0 : i32
      %dma_wait3A_177 = tpu.memref_slice %arg10[%dma_wait3A_175, %dma_wait3A_176] : memref<10240x16xf32, #tpu.memory_space<vmem_shared>> -> memref<10240x16xf32, #tpu.memory_space<vmem_shared>>
      tpu.wait_indirect_dma semaphore(%arg16 : memref<!tpu.dma_semaphore, #tpu.memory_space<semaphore_mem>>) src(%dma_wait3A_171 : memref<125x16xf32, #tpu.memory_space<vmem>>) dst(%dma_wait3A_177 : memref<10240x16xf32, #tpu.memory_space<vmem_shared>>)
      %add3A_178 = arith.constant 4 : i32
      %add3A_179 = arith.addi %add3A_166, %add3A_178 : i32
      %lt3A = arith.constant 80 : i32
      %lt3A_180 = arith.cmpi slt, %add3A_179, %lt3A : i32
      %convert_element_type3A = arith.extui %lt3A_180 : i1 to i32
      %cond3A = arith.constant 0 : i32
      %cond3A_181 = arith.cmpi ne, %convert_element_type3A, %cond3A : i32
      scf.if %cond3A_181 {
        %add3A_242 = arith.constant 4 : i32
        %add3A_243 = arith.addi %add3A_166, %add3A_242 : i32
        %dma_start3A_244 = arith.constant 0 : i32
        %dma_start3A_245 = arith.constant 0 : i32
        %dma_start3A_246 = arith.constant 0 : i32
        %dma_start3A_247 = tpu.memref_slice %arg9[%dma_start3A_244, %dma_start3A_245, %dma_start3A_246] : memref<4x125x16xf32, #tpu.memory_space<vmem>> -> memref<1x125x16xf32, #tpu.memory_space<vmem>>
        %dma_start3A_248 = tpu.memref_squeeze %dma_start3A_247 : memref<1x125x16xf32, #tpu.memory_space<vmem>> -> memref<125x16xf32, #tpu.memory_space<vmem>>
        %dma_start3A_249 = arith.constant 0 : i32
        %dma_start3A_250 = tpu.memref_slice %arg7[%add3A_243, %dma_start3A_249] : memref<80x125xi32, #tpu.memory_space<vmem>> -> memref<1x125xi32, #tpu.memory_space<vmem>>
        %dma_start3A_251 = tpu.memref_squeeze %dma_start3A_250 : memref<1x125xi32, #tpu.memory_space<vmem>> -> memref<125xi32, #tpu.memory_space<vmem>>
        %dma_start3A_252 = arith.constant 0 : i32
        %dma_start3A_253 = arith.constant 0 : i32
        %dma_start3A_254 = tpu.memref_slice %arg11[%dma_start3A_252, %dma_start3A_253] : memref<10240x16xf32, #tpu.memory_space<vmem_shared>> -> memref<10240x16xf32, #tpu.memory_space<vmem_shared>>
        tpu.enqueue_indirect_dma source(%dma_start3A_254 : memref<10240x16xf32, #tpu.memory_space<vmem_shared>>) target(%dma_start3A_248 : memref<125x16xf32, #tpu.memory_space<vmem>>) offsets(%dma_start3A_251 : memref<125xi32, #tpu.memory_space<vmem>>) semaphore(%arg12 : memref<!tpu.dma_semaphore, #tpu.memory_space<semaphore_mem>>)
      } else {
      }
      %add3A_182 = arith.constant 1 : i32
      %add3A_183 = arith.addi %add3A_69, %add3A_182 : i32
      %dma_wait3A_184 = arith.constant 1 : i32
      %dma_wait3A_185 = arith.constant 0 : i32
      %dma_wait3A_186 = arith.constant 0 : i32
      %dma_wait3A_187 = tpu.memref_slice %arg9[%dma_wait3A_184, %dma_wait3A_185, %dma_wait3A_186] : memref<4x125x16xf32, #tpu.memory_space<vmem>> -> memref<1x125x16xf32, #tpu.memory_space<vmem>>
      %dma_wait3A_188 = tpu.memref_squeeze %dma_wait3A_187 : memref<1x125x16xf32, #tpu.memory_space<vmem>> -> memref<125x16xf32, #tpu.memory_space<vmem>>
      %dma_wait3A_189 = arith.constant 0 : i32
      %dma_wait3A_190 = tpu.memref_slice %arg8[%add3A_183, %dma_wait3A_189] : memref<80x125xi32, #tpu.memory_space<vmem>> -> memref<1x125xi32, #tpu.memory_space<vmem>>
      %dma_wait3A_191 = tpu.memref_squeeze %dma_wait3A_190 : memref<1x125xi32, #tpu.memory_space<vmem>> -> memref<125xi32, #tpu.memory_space<vmem>>
      %dma_wait3A_192 = arith.constant 0 : i32
      %dma_wait3A_193 = arith.constant 0 : i32
      %dma_wait3A_194 = tpu.memref_slice %arg10[%dma_wait3A_192, %dma_wait3A_193] : memref<10240x16xf32, #tpu.memory_space<vmem_shared>> -> memref<10240x16xf32, #tpu.memory_space<vmem_shared>>
      tpu.wait_indirect_dma semaphore(%arg16 : memref<!tpu.dma_semaphore, #tpu.memory_space<semaphore_mem>>) src(%dma_wait3A_188 : memref<125x16xf32, #tpu.memory_space<vmem>>) dst(%dma_wait3A_194 : memref<10240x16xf32, #tpu.memory_space<vmem_shared>>)
      %add3A_195 = arith.constant 4 : i32
      %add3A_196 = arith.addi %add3A_183, %add3A_195 : i32
      %lt3A_197 = arith.constant 80 : i32
      %lt3A_198 = arith.cmpi slt, %add3A_196, %lt3A_197 : i32
      %convert_element_type3A_199 = arith.extui %lt3A_198 : i1 to i32
      %cond3A_200 = arith.constant 0 : i32
      %cond3A_201 = arith.cmpi ne, %convert_element_type3A_199, %cond3A_200 : i32
      scf.if %cond3A_201 {
        %add3A_242 = arith.constant 4 : i32
        %add3A_243 = arith.addi %add3A_183, %add3A_242 : i32
        %dma_start3A_244 = arith.constant 1 : i32
        %dma_start3A_245 = arith.constant 0 : i32
        %dma_start3A_246 = arith.constant 0 : i32
        %dma_start3A_247 = tpu.memref_slice %arg9[%dma_start3A_244, %dma_start3A_245, %dma_start3A_246] : memref<4x125x16xf32, #tpu.memory_space<vmem>> -> memref<1x125x16xf32, #tpu.memory_space<vmem>>
        %dma_start3A_248 = tpu.memref_squeeze %dma_start3A_247 : memref<1x125x16xf32, #tpu.memory_space<vmem>> -> memref<125x16xf32, #tpu.memory_space<vmem>>
        %dma_start3A_249 = arith.constant 0 : i32
        %dma_start3A_250 = tpu.memref_slice %arg7[%add3A_243, %dma_start3A_249] : memref<80x125xi32, #tpu.memory_space<vmem>> -> memref<1x125xi32, #tpu.memory_space<vmem>>
        %dma_start3A_251 = tpu.memref_squeeze %dma_start3A_250 : memref<1x125xi32, #tpu.memory_space<vmem>> -> memref<125xi32, #tpu.memory_space<vmem>>
        %dma_start3A_252 = arith.constant 0 : i32
        %dma_start3A_253 = arith.constant 0 : i32
        %dma_start3A_254 = tpu.memref_slice %arg11[%dma_start3A_252, %dma_start3A_253] : memref<10240x16xf32, #tpu.memory_space<vmem_shared>> -> memref<10240x16xf32, #tpu.memory_space<vmem_shared>>
        tpu.enqueue_indirect_dma source(%dma_start3A_254 : memref<10240x16xf32, #tpu.memory_space<vmem_shared>>) target(%dma_start3A_248 : memref<125x16xf32, #tpu.memory_space<vmem>>) offsets(%dma_start3A_251 : memref<125xi32, #tpu.memory_space<vmem>>) semaphore(%arg13 : memref<!tpu.dma_semaphore, #tpu.memory_space<semaphore_mem>>)
      } else {
      }
      %add3A_202 = arith.constant 2 : i32
      %add3A_203 = arith.addi %add3A_69, %add3A_202 : i32
      %dma_wait3A_204 = arith.constant 2 : i32
      %dma_wait3A_205 = arith.constant 0 : i32
      %dma_wait3A_206 = arith.constant 0 : i32
      %dma_wait3A_207 = tpu.memref_slice %arg9[%dma_wait3A_204, %dma_wait3A_205, %dma_wait3A_206] : memref<4x125x16xf32, #tpu.memory_space<vmem>> -> memref<1x125x16xf32, #tpu.memory_space<vmem>>
      %dma_wait3A_208 = tpu.memref_squeeze %dma_wait3A_207 : memref<1x125x16xf32, #tpu.memory_space<vmem>> -> memref<125x16xf32, #tpu.memory_space<vmem>>
      %dma_wait3A_209 = arith.constant 0 : i32
      %dma_wait3A_210 = tpu.memref_slice %arg8[%add3A_203, %dma_wait3A_209] : memref<80x125xi32, #tpu.memory_space<vmem>> -> memref<1x125xi32, #tpu.memory_space<vmem>>
      %dma_wait3A_211 = tpu.memref_squeeze %dma_wait3A_210 : memref<1x125xi32, #tpu.memory_space<vmem>> -> memref<125xi32, #tpu.memory_space<vmem>>
      %dma_wait3A_212 = arith.constant 0 : i32
      %dma_wait3A_213 = arith.constant 0 : i32
      %dma_wait3A_214 = tpu.memref_slice %arg10[%dma_wait3A_212, %dma_wait3A_213] : memref<10240x16xf32, #tpu.memory_space<vmem_shared>> -> memref<10240x16xf32, #tpu.memory_space<vmem_shared>>
      tpu.wait_indirect_dma semaphore(%arg16 : memref<!tpu.dma_semaphore, #tpu.memory_space<semaphore_mem>>) src(%dma_wait3A_208 : memref<125x16xf32, #tpu.memory_space<vmem>>) dst(%dma_wait3A_214 : memref<10240x16xf32, #tpu.memory_space<vmem_shared>>)
      %add3A_215 = arith.constant 4 : i32
      %add3A_216 = arith.addi %add3A_203, %add3A_215 : i32
      %lt3A_217 = arith.constant 80 : i32
      %lt3A_218 = arith.cmpi slt, %add3A_216, %lt3A_217 : i32
      %convert_element_type3A_219 = arith.extui %lt3A_218 : i1 to i32
      %cond3A_220 = arith.constant 0 : i32
      %cond3A_221 = arith.cmpi ne, %convert_element_type3A_219, %cond3A_220 : i32
      scf.if %cond3A_221 {
        %add3A_242 = arith.constant 4 : i32
        %add3A_243 = arith.addi %add3A_203, %add3A_242 : i32
        %dma_start3A_244 = arith.constant 2 : i32
        %dma_start3A_245 = arith.constant 0 : i32
        %dma_start3A_246 = arith.constant 0 : i32
        %dma_start3A_247 = tpu.memref_slice %arg9[%dma_start3A_244, %dma_start3A_245, %dma_start3A_246] : memref<4x125x16xf32, #tpu.memory_space<vmem>> -> memref<1x125x16xf32, #tpu.memory_space<vmem>>
        %dma_start3A_248 = tpu.memref_squeeze %dma_start3A_247 : memref<1x125x16xf32, #tpu.memory_space<vmem>> -> memref<125x16xf32, #tpu.memory_space<vmem>>
        %dma_start3A_249 = arith.constant 0 : i32
        %dma_start3A_250 = tpu.memref_slice %arg7[%add3A_243, %dma_start3A_249] : memref<80x125xi32, #tpu.memory_space<vmem>> -> memref<1x125xi32, #tpu.memory_space<vmem>>
        %dma_start3A_251 = tpu.memref_squeeze %dma_start3A_250 : memref<1x125xi32, #tpu.memory_space<vmem>> -> memref<125xi32, #tpu.memory_space<vmem>>
        %dma_start3A_252 = arith.constant 0 : i32
        %dma_start3A_253 = arith.constant 0 : i32
        %dma_start3A_254 = tpu.memref_slice %arg11[%dma_start3A_252, %dma_start3A_253] : memref<10240x16xf32, #tpu.memory_space<vmem_shared>> -> memref<10240x16xf32, #tpu.memory_space<vmem_shared>>
        tpu.enqueue_indirect_dma source(%dma_start3A_254 : memref<10240x16xf32, #tpu.memory_space<vmem_shared>>) target(%dma_start3A_248 : memref<125x16xf32, #tpu.memory_space<vmem>>) offsets(%dma_start3A_251 : memref<125xi32, #tpu.memory_space<vmem>>) semaphore(%arg14 : memref<!tpu.dma_semaphore, #tpu.memory_space<semaphore_mem>>)
      } else {
      }
      %add3A_222 = arith.constant 3 : i32
      %add3A_223 = arith.addi %add3A_69, %add3A_222 : i32
      %dma_wait3A_224 = arith.constant 3 : i32
      %dma_wait3A_225 = arith.constant 0 : i32
      %dma_wait3A_226 = arith.constant 0 : i32
      %dma_wait3A_227 = tpu.memref_slice %arg9[%dma_wait3A_224, %dma_wait3A_225, %dma_wait3A_226] : memref<4x125x16xf32, #tpu.memory_space<vmem>> -> memref<1x125x16xf32, #tpu.memory_space<vmem>>
      %dma_wait3A_228 = tpu.memref_squeeze %dma_wait3A_227 : memref<1x125x16xf32, #tpu.memory_space<vmem>> -> memref<125x16xf32, #tpu.memory_space<vmem>>
      %dma_wait3A_229 = arith.constant 0 : i32
      %dma_wait3A_230 = tpu.memref_slice %arg8[%add3A_223, %dma_wait3A_229] : memref<80x125xi32, #tpu.memory_space<vmem>> -> memref<1x125xi32, #tpu.memory_space<vmem>>
      %dma_wait3A_231 = tpu.memref_squeeze %dma_wait3A_230 : memref<1x125xi32, #tpu.memory_space<vmem>> -> memref<125xi32, #tpu.memory_space<vmem>>
      %dma_wait3A_232 = arith.constant 0 : i32
      %dma_wait3A_233 = arith.constant 0 : i32
      %dma_wait3A_234 = tpu.memref_slice %arg10[%dma_wait3A_232, %dma_wait3A_233] : memref<10240x16xf32, #tpu.memory_space<vmem_shared>> -> memref<10240x16xf32, #tpu.memory_space<vmem_shared>>
      tpu.wait_indirect_dma semaphore(%arg16 : memref<!tpu.dma_semaphore, #tpu.memory_space<semaphore_mem>>) src(%dma_wait3A_228 : memref<125x16xf32, #tpu.memory_space<vmem>>) dst(%dma_wait3A_234 : memref<10240x16xf32, #tpu.memory_space<vmem_shared>>)
      %add3A_235 = arith.constant 4 : i32
      %add3A_236 = arith.addi %add3A_223, %add3A_235 : i32
      %lt3A_237 = arith.constant 80 : i32
      %lt3A_238 = arith.cmpi slt, %add3A_236, %lt3A_237 : i32
      %convert_element_type3A_239 = arith.extui %lt3A_238 : i1 to i32
      %cond3A_240 = arith.constant 0 : i32
      %cond3A_241 = arith.cmpi ne, %convert_element_type3A_239, %cond3A_240 : i32
      scf.if %cond3A_241 {
        %add3A_242 = arith.constant 4 : i32
        %add3A_243 = arith.addi %add3A_223, %add3A_242 : i32
        %dma_start3A_244 = arith.constant 3 : i32
        %dma_start3A_245 = arith.constant 0 : i32
        %dma_start3A_246 = arith.constant 0 : i32
        %dma_start3A_247 = tpu.memref_slice %arg9[%dma_start3A_244, %dma_start3A_245, %dma_start3A_246] : memref<4x125x16xf32, #tpu.memory_space<vmem>> -> memref<1x125x16xf32, #tpu.memory_space<vmem>>
        %dma_start3A_248 = tpu.memref_squeeze %dma_start3A_247 : memref<1x125x16xf32, #tpu.memory_space<vmem>> -> memref<125x16xf32, #tpu.memory_space<vmem>>
        %dma_start3A_249 = arith.constant 0 : i32
        %dma_start3A_250 = tpu.memref_slice %arg7[%add3A_243, %dma_start3A_249] : memref<80x125xi32, #tpu.memory_space<vmem>> -> memref<1x125xi32, #tpu.memory_space<vmem>>
        %dma_start3A_251 = tpu.memref_squeeze %dma_start3A_250 : memref<1x125xi32, #tpu.memory_space<vmem>> -> memref<125xi32, #tpu.memory_space<vmem>>
        %dma_start3A_252 = arith.constant 0 : i32
        %dma_start3A_253 = arith.constant 0 : i32
        %dma_start3A_254 = tpu.memref_slice %arg11[%dma_start3A_252, %dma_start3A_253] : memref<10240x16xf32, #tpu.memory_space<vmem_shared>> -> memref<10240x16xf32, #tpu.memory_space<vmem_shared>>
        tpu.enqueue_indirect_dma source(%dma_start3A_254 : memref<10240x16xf32, #tpu.memory_space<vmem_shared>>) target(%dma_start3A_248 : memref<125x16xf32, #tpu.memory_space<vmem>>) offsets(%dma_start3A_251 : memref<125xi32, #tpu.memory_space<vmem>>) semaphore(%arg15 : memref<!tpu.dma_semaphore, #tpu.memory_space<semaphore_mem>>)
      } else {
      }
    }
    %scan3A_59 = arith.constant 20 : i32
    %barrier3A_60 = arith.constant 0 : index
    tpu.barrier barrier_id(%barrier3A_60)
    %mul3A_61 = arith.constant 640 : i32
    %mul3A_62 = arith.muli %arg1, %mul3A_61 : i32
    %mul3A_63 = arith.constant 640 : i32
    %mul3A_64 = arith.muli %arg1, %mul3A_63 : i32
    "tpu.region"() ({
      %run_scoped3A = tpu.sem_alloc : memref<!tpu.dma_semaphore, #tpu.memory_space<semaphore_mem>>
      %dma_start3A_65 = arith.constant 0 : i32
      %dma_start3A_66 = tpu.memref_slice %arg6[%arg0, %mul3A_64, %dma_start3A_65] : memref<2x10240x16xf32, #tpu.memory_space<hbm>> -> memref<1x640x16xf32, #tpu.memory_space<hbm>>
      %dma_start3A_67 = tpu.memref_squeeze %dma_start3A_66 : memref<1x640x16xf32, #tpu.memory_space<hbm>> -> memref<640x16xf32, #tpu.memory_space<hbm>>
      %dma_start3A_68 = arith.constant 0 : i32
      %dma_start3A_69 = tpu.memref_slice %arg10[%mul3A_62, %dma_start3A_68] : memref<10240x16xf32, #tpu.memory_space<vmem_shared>> -> memref<640x16xf32, #tpu.memory_space<vmem_shared>>
      tpu.enqueue_dma source(%dma_start3A_69 : memref<640x16xf32, #tpu.memory_space<vmem_shared>>) target(%dma_start3A_67 : memref<640x16xf32, #tpu.memory_space<hbm>>) target_semaphore(%run_scoped3A : memref<!tpu.dma_semaphore, #tpu.memory_space<semaphore_mem>>)
      %dma_wait3A = arith.constant 0 : i32
      %dma_wait3A_70 = tpu.memref_slice %arg6[%arg0, %mul3A_64, %dma_wait3A] : memref<2x10240x16xf32, #tpu.memory_space<hbm>> -> memref<1x640x16xf32, #tpu.memory_space<hbm>>
      %dma_wait3A_71 = tpu.memref_squeeze %dma_wait3A_70 : memref<1x640x16xf32, #tpu.memory_space<hbm>> -> memref<640x16xf32, #tpu.memory_space<hbm>>
      %dma_wait3A_72 = arith.constant 0 : i32
      %dma_wait3A_73 = tpu.memref_slice %arg10[%mul3A_62, %dma_wait3A_72] : memref<10240x16xf32, #tpu.memory_space<vmem_shared>> -> memref<640x16xf32, #tpu.memory_space<vmem_shared>>
      tpu.wait_dma2 semaphore(%run_scoped3A : memref<!tpu.dma_semaphore, #tpu.memory_space<semaphore_mem>>) src(%dma_wait3A_73 : memref<640x16xf32, #tpu.memory_space<vmem_shared>>) dst(%dma_wait3A_71 : memref<640x16xf32, #tpu.memory_space<hbm>>)
      tpu.yield
    }) : () -> ()
    return
  }
}

#map = affine_map<(d0, d1) -> (0, 0, 0)>
#map1 = affine_map<(d0, d1) -> (0, 0)>
module attributes {stable_mosaic.version = 14 : i64} {
  func.func @scat_kernel(%arg0: i32, %arg1: i32, %arg2: memref<32x80x125xi32, #tpu.memory_space<hbm>>, %arg3: memref<32x80x125xi32, #tpu.memory_space<hbm>>, %arg4: memref<10240x16xf32, #tpu.memory_space<hbm>>, %arg5: memref<10240x16xf32, #tpu.memory_space<hbm>>, %arg6: memref<2x10240x16xf32, #tpu.memory_space<hbm>>, %arg7: memref<80x125xi32, #tpu.memory_space<vmem>>, %arg8: memref<80x125xi32, #tpu.memory_space<vmem>>, %arg9: memref<4x125x16xf32, #tpu.memory_space<vmem>>, %arg10: memref<10240x16xf32, #tpu.memory_space<vmem_shared>>, %arg11: memref<10240x16xf32, #tpu.memory_space<vmem_shared>>, %arg12: memref<!tpu.dma_semaphore, #tpu.memory_space<semaphore_mem>>, %arg13: memref<!tpu.dma_semaphore, #tpu.memory_space<semaphore_mem>>, %arg14: memref<!tpu.dma_semaphore, #tpu.memory_space<semaphore_mem>>, %arg15: memref<!tpu.dma_semaphore, #tpu.memory_space<semaphore_mem>>, %arg16: memref<!tpu.dma_semaphore, #tpu.memory_space<semaphore_mem>>) attributes {dimension_semantics = [#tpu.dimension_semantics<core_parallel>, #tpu.dimension_semantics<subcore_parallel>], iteration_bounds = array<i64: 2, 16>, scalar_prefetch = 0 : i64, scratch_operands = 10 : i64, tpu.core_type = #tpu.core_type<sc_vector_subcore>, window_params = [{transform_indices = #map}, {transform_indices = #map}, {transform_indices = #map1}, {transform_indices = #map1}, {transform_indices = #map}]} {
    %mul3A = arith.constant 16 : i32
    %mul3A_0 = arith.muli %arg0, %mul3A : i32
    %add3A = arith.addi %mul3A_0, %arg1 : i32
    "tpu.region"() ({
      %run_scoped3A = tpu.sem_alloc : memref<!tpu.dma_semaphore, #tpu.memory_space<semaphore_mem>>
      %dma_start3A_65 = arith.constant 0 : i32
      %dma_start3A_66 = arith.constant 0 : i32
      %dma_start3A_67 = tpu.memref_slice %arg2[%add3A, %dma_start3A_65, %dma_start3A_66] : memref<32x80x125xi32, #tpu.memory_space<hbm>> -> memref<1x80x125xi32, #tpu.memory_space<hbm>>
      %dma_start3A_68 = tpu.memref_squeeze %dma_start3A_67 : memref<1x80x125xi32, #tpu.memory_space<hbm>> -> memref<80x125xi32, #tpu.memory_space<hbm>>
      %dma_start3A_69 = arith.constant 0 : i32
      %dma_start3A_70 = arith.constant 0 : i32
      %dma_start3A_71 = tpu.memref_slice %arg2[%add3A, %dma_start3A_69, %dma_start3A_70] : memref<32x80x125xi32, #tpu.memory_space<hbm>> -> memref<1x80x125xi32, #tpu.memory_space<hbm>>
      %dma_start3A_72 = tpu.memref_squeeze %dma_start3A_71 : memref<1x80x125xi32, #tpu.memory_space<hbm>> -> memref<80x125xi32, #tpu.memory_space<hbm>>
      tpu.enqueue_dma source(%dma_start3A_72 : memref<80x125xi32, #tpu.memory_space<hbm>>) target(%arg7 : memref<80x125xi32, #tpu.memory_space<vmem>>) target_semaphore(%run_scoped3A : memref<!tpu.dma_semaphore, #tpu.memory_space<semaphore_mem>>)
      %dma_wait3A = arith.constant 0 : i32
      %dma_wait3A_73 = arith.constant 0 : i32
      %dma_wait3A_74 = tpu.memref_slice %arg2[%add3A, %dma_wait3A, %dma_wait3A_73] : memref<32x80x125xi32, #tpu.memory_space<hbm>> -> memref<1x80x125xi32, #tpu.memory_space<hbm>>
      %dma_wait3A_75 = tpu.memref_squeeze %dma_wait3A_74 : memref<1x80x125xi32, #tpu.memory_space<hbm>> -> memref<80x125xi32, #tpu.memory_space<hbm>>
      %dma_wait3A_76 = arith.constant 0 : i32
      %dma_wait3A_77 = arith.constant 0 : i32
      %dma_wait3A_78 = tpu.memref_slice %arg2[%add3A, %dma_wait3A_76, %dma_wait3A_77] : memref<32x80x125xi32, #tpu.memory_space<hbm>> -> memref<1x80x125xi32, #tpu.memory_space<hbm>>
      %dma_wait3A_79 = tpu.memref_squeeze %dma_wait3A_78 : memref<1x80x125xi32, #tpu.memory_space<hbm>> -> memref<80x125xi32, #tpu.memory_space<hbm>>
      tpu.wait_dma2 semaphore(%run_scoped3A : memref<!tpu.dma_semaphore, #tpu.memory_space<semaphore_mem>>) src(%dma_wait3A_79 : memref<80x125xi32, #tpu.memory_space<hbm>>) dst(%arg7 : memref<80x125xi32, #tpu.memory_space<vmem>>)
      tpu.yield
    }) : () -> ()
    "tpu.region"() ({
      %run_scoped3A = tpu.sem_alloc : memref<!tpu.dma_semaphore, #tpu.memory_space<semaphore_mem>>
      %dma_start3A_65 = arith.constant 0 : i32
      %dma_start3A_66 = arith.constant 0 : i32
      %dma_start3A_67 = tpu.memref_slice %arg3[%add3A, %dma_start3A_65, %dma_start3A_66] : memref<32x80x125xi32, #tpu.memory_space<hbm>> -> memref<1x80x125xi32, #tpu.memory_space<hbm>>
      %dma_start3A_68 = tpu.memref_squeeze %dma_start3A_67 : memref<1x80x125xi32, #tpu.memory_space<hbm>> -> memref<80x125xi32, #tpu.memory_space<hbm>>
      %dma_start3A_69 = arith.constant 0 : i32
      %dma_start3A_70 = arith.constant 0 : i32
      %dma_start3A_71 = tpu.memref_slice %arg3[%add3A, %dma_start3A_69, %dma_start3A_70] : memref<32x80x125xi32, #tpu.memory_space<hbm>> -> memref<1x80x125xi32, #tpu.memory_space<hbm>>
      %dma_start3A_72 = tpu.memref_squeeze %dma_start3A_71 : memref<1x80x125xi32, #tpu.memory_space<hbm>> -> memref<80x125xi32, #tpu.memory_space<hbm>>
      tpu.enqueue_dma source(%dma_start3A_72 : memref<80x125xi32, #tpu.memory_space<hbm>>) target(%arg8 : memref<80x125xi32, #tpu.memory_space<vmem>>) target_semaphore(%run_scoped3A : memref<!tpu.dma_semaphore, #tpu.memory_space<semaphore_mem>>)
      %dma_wait3A = arith.constant 0 : i32
      %dma_wait3A_73 = arith.constant 0 : i32
      %dma_wait3A_74 = tpu.memref_slice %arg3[%add3A, %dma_wait3A, %dma_wait3A_73] : memref<32x80x125xi32, #tpu.memory_space<hbm>> -> memref<1x80x125xi32, #tpu.memory_space<hbm>>
      %dma_wait3A_75 = tpu.memref_squeeze %dma_wait3A_74 : memref<1x80x125xi32, #tpu.memory_space<hbm>> -> memref<80x125xi32, #tpu.memory_space<hbm>>
      %dma_wait3A_76 = arith.constant 0 : i32
      %dma_wait3A_77 = arith.constant 0 : i32
      %dma_wait3A_78 = tpu.memref_slice %arg3[%add3A, %dma_wait3A_76, %dma_wait3A_77] : memref<32x80x125xi32, #tpu.memory_space<hbm>> -> memref<1x80x125xi32, #tpu.memory_space<hbm>>
      %dma_wait3A_79 = tpu.memref_squeeze %dma_wait3A_78 : memref<1x80x125xi32, #tpu.memory_space<hbm>> -> memref<80x125xi32, #tpu.memory_space<hbm>>
      tpu.wait_dma2 semaphore(%run_scoped3A : memref<!tpu.dma_semaphore, #tpu.memory_space<semaphore_mem>>) src(%dma_wait3A_79 : memref<80x125xi32, #tpu.memory_space<hbm>>) dst(%arg8 : memref<80x125xi32, #tpu.memory_space<vmem>>)
      tpu.yield
    }) : () -> ()
    %mul3A_1 = arith.constant 640 : i32
    %mul3A_2 = arith.muli %arg1, %mul3A_1 : i32
    %mul3A_3 = arith.constant 640 : i32
    %mul3A_4 = arith.muli %arg1, %mul3A_3 : i32
    "tpu.region"() ({
      %run_scoped3A = tpu.sem_alloc : memref<!tpu.dma_semaphore, #tpu.memory_space<semaphore_mem>>
      %dma_start3A_65 = arith.constant 0 : i32
      %dma_start3A_66 = tpu.memref_slice %arg11[%mul3A_4, %dma_start3A_65] : memref<10240x16xf32, #tpu.memory_space<vmem_shared>> -> memref<640x16xf32, #tpu.memory_space<vmem_shared>>
      %dma_start3A_67 = arith.constant 0 : i32
      %dma_start3A_68 = tpu.memref_slice %arg4[%mul3A_2, %dma_start3A_67] : memref<10240x16xf32, #tpu.memory_space<hbm>> -> memref<640x16xf32, #tpu.memory_space<hbm>>
      tpu.enqueue_dma source(%dma_start3A_68 : memref<640x16xf32, #tpu.memory_space<hbm>>) target(%dma_start3A_66 : memref<640x16xf32, #tpu.memory_space<vmem_shared>>) target_semaphore(%run_scoped3A : memref<!tpu.dma_semaphore, #tpu.memory_space<semaphore_mem>>)
      %dma_wait3A = arith.constant 0 : i32
      %dma_wait3A_69 = tpu.memref_slice %arg11[%mul3A_4, %dma_wait3A] : memref<10240x16xf32, #tpu.memory_space<vmem_shared>> -> memref<640x16xf32, #tpu.memory_space<vmem_shared>>
      %dma_wait3A_70 = arith.constant 0 : i32
      %dma_wait3A_71 = tpu.memref_slice %arg4[%mul3A_2, %dma_wait3A_70] : memref<10240x16xf32, #tpu.memory_space<hbm>> -> memref<640x16xf32, #tpu.memory_space<hbm>>
      tpu.wait_dma2 semaphore(%run_scoped3A : memref<!tpu.dma_semaphore, #tpu.memory_space<semaphore_mem>>) src(%dma_wait3A_71 : memref<640x16xf32, #tpu.memory_space<hbm>>) dst(%dma_wait3A_69 : memref<640x16xf32, #tpu.memory_space<vmem_shared>>)
      tpu.yield
    }) : () -> ()
    %mul3A_5 = arith.constant 640 : i32
    %mul3A_6 = arith.muli %arg1, %mul3A_5 : i32
    %mul3A_7 = arith.constant 640 : i32
    %mul3A_8 = arith.muli %arg1, %mul3A_7 : i32
    "tpu.region"() ({
      %run_scoped3A = tpu.sem_alloc : memref<!tpu.dma_semaphore, #tpu.memory_space<semaphore_mem>>
      %dma_start3A_65 = arith.constant 0 : i32
      %dma_start3A_66 = tpu.memref_slice %arg10[%mul3A_8, %dma_start3A_65] : memref<10240x16xf32, #tpu.memory_space<vmem_shared>> -> memref<640x16xf32, #tpu.memory_space<vmem_shared>>
      %dma_start3A_67 = arith.constant 0 : i32
      %dma_start3A_68 = tpu.memref_slice %arg5[%mul3A_6, %dma_start3A_67] : memref<10240x16xf32, #tpu.memory_space<hbm>> -> memref<640x16xf32, #tpu.memory_space<hbm>>
      tpu.enqueue_dma source(%dma_start3A_68 : memref<640x16xf32, #tpu.memory_space<hbm>>) target(%dma_start3A_66 : memref<640x16xf32, #tpu.memory_space<vmem_shared>>) target_semaphore(%run_scoped3A : memref<!tpu.dma_semaphore, #tpu.memory_space<semaphore_mem>>)
      %dma_wait3A = arith.constant 0 : i32
      %dma_wait3A_69 = tpu.memref_slice %arg10[%mul3A_8, %dma_wait3A] : memref<10240x16xf32, #tpu.memory_space<vmem_shared>> -> memref<640x16xf32, #tpu.memory_space<vmem_shared>>
      %dma_wait3A_70 = arith.constant 0 : i32
      %dma_wait3A_71 = tpu.memref_slice %arg5[%mul3A_6, %dma_wait3A_70] : memref<10240x16xf32, #tpu.memory_space<hbm>> -> memref<640x16xf32, #tpu.memory_space<hbm>>
      tpu.wait_dma2 semaphore(%run_scoped3A : memref<!tpu.dma_semaphore, #tpu.memory_space<semaphore_mem>>) src(%dma_wait3A_71 : memref<640x16xf32, #tpu.memory_space<hbm>>) dst(%dma_wait3A_69 : memref<640x16xf32, #tpu.memory_space<vmem_shared>>)
      tpu.yield
    }) : () -> ()
    %barrier3A = arith.constant 0 : index
    tpu.barrier barrier_id(%barrier3A)
    %dma_start3A = arith.constant 0 : i32
    %dma_start3A_9 = arith.constant 0 : i32
    %dma_start3A_10 = arith.constant 0 : i32
    %dma_start3A_11 = arith.constant 0 : i32
    %dma_start3A_12 = tpu.memref_slice %arg9[%dma_start3A_9, %dma_start3A_10, %dma_start3A_11] : memref<4x125x16xf32, #tpu.memory_space<vmem>> -> memref<1x125x16xf32, #tpu.memory_space<vmem>>
    %dma_start3A_13 = tpu.memref_squeeze %dma_start3A_12 : memref<1x125x16xf32, #tpu.memory_space<vmem>> -> memref<125x16xf32, #tpu.memory_space<vmem>>
    %dma_start3A_14 = arith.constant 0 : i32
    %dma_start3A_15 = tpu.memref_slice %arg7[%dma_start3A, %dma_start3A_14] : memref<80x125xi32, #tpu.memory_space<vmem>> -> memref<1x125xi32, #tpu.memory_space<vmem>>
    %dma_start3A_16 = tpu.memref_squeeze %dma_start3A_15 : memref<1x125xi32, #tpu.memory_space<vmem>> -> memref<125xi32, #tpu.memory_space<vmem>>
    %dma_start3A_17 = arith.constant 0 : i32
    %dma_start3A_18 = arith.constant 0 : i32
    %dma_start3A_19 = tpu.memref_slice %arg11[%dma_start3A_17, %dma_start3A_18] : memref<10240x16xf32, #tpu.memory_space<vmem_shared>> -> memref<10240x16xf32, #tpu.memory_space<vmem_shared>>
    tpu.enqueue_indirect_dma source(%dma_start3A_19 : memref<10240x16xf32, #tpu.memory_space<vmem_shared>>) target(%dma_start3A_13 : memref<125x16xf32, #tpu.memory_space<vmem>>) offsets(%dma_start3A_16 : memref<125xi32, #tpu.memory_space<vmem>>) semaphore(%arg12 : memref<!tpu.dma_semaphore, #tpu.memory_space<semaphore_mem>>)
    %dma_start3A_20 = arith.constant 1 : i32
    %dma_start3A_21 = arith.constant 1 : i32
    %dma_start3A_22 = arith.constant 0 : i32
    %dma_start3A_23 = arith.constant 0 : i32
    %dma_start3A_24 = tpu.memref_slice %arg9[%dma_start3A_21, %dma_start3A_22, %dma_start3A_23] : memref<4x125x16xf32, #tpu.memory_space<vmem>> -> memref<1x125x16xf32, #tpu.memory_space<vmem>>
    %dma_start3A_25 = tpu.memref_squeeze %dma_start3A_24 : memref<1x125x16xf32, #tpu.memory_space<vmem>> -> memref<125x16xf32, #tpu.memory_space<vmem>>
    %dma_start3A_26 = arith.constant 0 : i32
    %dma_start3A_27 = tpu.memref_slice %arg7[%dma_start3A_20, %dma_start3A_26] : memref<80x125xi32, #tpu.memory_space<vmem>> -> memref<1x125xi32, #tpu.memory_space<vmem>>
    %dma_start3A_28 = tpu.memref_squeeze %dma_start3A_27 : memref<1x125xi32, #tpu.memory_space<vmem>> -> memref<125xi32, #tpu.memory_space<vmem>>
    %dma_start3A_29 = arith.constant 0 : i32
    %dma_start3A_30 = arith.constant 0 : i32
    %dma_start3A_31 = tpu.memref_slice %arg11[%dma_start3A_29, %dma_start3A_30] : memref<10240x16xf32, #tpu.memory_space<vmem_shared>> -> memref<10240x16xf32, #tpu.memory_space<vmem_shared>>
    tpu.enqueue_indirect_dma source(%dma_start3A_31 : memref<10240x16xf32, #tpu.memory_space<vmem_shared>>) target(%dma_start3A_25 : memref<125x16xf32, #tpu.memory_space<vmem>>) offsets(%dma_start3A_28 : memref<125xi32, #tpu.memory_space<vmem>>) semaphore(%arg13 : memref<!tpu.dma_semaphore, #tpu.memory_space<semaphore_mem>>)
    %dma_start3A_32 = arith.constant 2 : i32
    %dma_start3A_33 = arith.constant 2 : i32
    %dma_start3A_34 = arith.constant 0 : i32
    %dma_start3A_35 = arith.constant 0 : i32
    %dma_start3A_36 = tpu.memref_slice %arg9[%dma_start3A_33, %dma_start3A_34, %dma_start3A_35] : memref<4x125x16xf32, #tpu.memory_space<vmem>> -> memref<1x125x16xf32, #tpu.memory_space<vmem>>
    %dma_start3A_37 = tpu.memref_squeeze %dma_start3A_36 : memref<1x125x16xf32, #tpu.memory_space<vmem>> -> memref<125x16xf32, #tpu.memory_space<vmem>>
    %dma_start3A_38 = arith.constant 0 : i32
    %dma_start3A_39 = tpu.memref_slice %arg7[%dma_start3A_32, %dma_start3A_38] : memref<80x125xi32, #tpu.memory_space<vmem>> -> memref<1x125xi32, #tpu.memory_space<vmem>>
    %dma_start3A_40 = tpu.memref_squeeze %dma_start3A_39 : memref<1x125xi32, #tpu.memory_space<vmem>> -> memref<125xi32, #tpu.memory_space<vmem>>
    %dma_start3A_41 = arith.constant 0 : i32
    %dma_start3A_42 = arith.constant 0 : i32
    %dma_start3A_43 = tpu.memref_slice %arg11[%dma_start3A_41, %dma_start3A_42] : memref<10240x16xf32, #tpu.memory_space<vmem_shared>> -> memref<10240x16xf32, #tpu.memory_space<vmem_shared>>
    tpu.enqueue_indirect_dma source(%dma_start3A_43 : memref<10240x16xf32, #tpu.memory_space<vmem_shared>>) target(%dma_start3A_37 : memref<125x16xf32, #tpu.memory_space<vmem>>) offsets(%dma_start3A_40 : memref<125xi32, #tpu.memory_space<vmem>>) semaphore(%arg14 : memref<!tpu.dma_semaphore, #tpu.memory_space<semaphore_mem>>)
    %dma_start3A_44 = arith.constant 3 : i32
    %dma_start3A_45 = arith.constant 3 : i32
    %dma_start3A_46 = arith.constant 0 : i32
    %dma_start3A_47 = arith.constant 0 : i32
    %dma_start3A_48 = tpu.memref_slice %arg9[%dma_start3A_45, %dma_start3A_46, %dma_start3A_47] : memref<4x125x16xf32, #tpu.memory_space<vmem>> -> memref<1x125x16xf32, #tpu.memory_space<vmem>>
    %dma_start3A_49 = tpu.memref_squeeze %dma_start3A_48 : memref<1x125x16xf32, #tpu.memory_space<vmem>> -> memref<125x16xf32, #tpu.memory_space<vmem>>
    %dma_start3A_50 = arith.constant 0 : i32
    %dma_start3A_51 = tpu.memref_slice %arg7[%dma_start3A_44, %dma_start3A_50] : memref<80x125xi32, #tpu.memory_space<vmem>> -> memref<1x125xi32, #tpu.memory_space<vmem>>
    %dma_start3A_52 = tpu.memref_squeeze %dma_start3A_51 : memref<1x125xi32, #tpu.memory_space<vmem>> -> memref<125xi32, #tpu.memory_space<vmem>>
    %dma_start3A_53 = arith.constant 0 : i32
    %dma_start3A_54 = arith.constant 0 : i32
    %dma_start3A_55 = tpu.memref_slice %arg11[%dma_start3A_53, %dma_start3A_54] : memref<10240x16xf32, #tpu.memory_space<vmem_shared>> -> memref<10240x16xf32, #tpu.memory_space<vmem_shared>>
    tpu.enqueue_indirect_dma source(%dma_start3A_55 : memref<10240x16xf32, #tpu.memory_space<vmem_shared>>) target(%dma_start3A_49 : memref<125x16xf32, #tpu.memory_space<vmem>>) offsets(%dma_start3A_52 : memref<125xi32, #tpu.memory_space<vmem>>) semaphore(%arg15 : memref<!tpu.dma_semaphore, #tpu.memory_space<semaphore_mem>>)
    %scan3A = arith.constant 0 : i32
    %scan3A_56 = arith.constant 20 : i32
    %scan3A_57 = arith.addi %scan3A, %scan3A_56 : i32
    %scan3A_58 = arith.constant 1 : i32
    scf.for %scan3A_65 = %scan3A to %scan3A_57 step %scan3A_58  : i32 {
      %mul3A_66 = arith.constant 4 : i32
      %mul3A_67 = arith.muli %scan3A_65, %mul3A_66 : i32
      %add3A_68 = arith.constant 0 : i32
      %add3A_69 = arith.addi %add3A_68, %mul3A_67 : i32
      %add3A_70 = arith.constant 0 : i32
      %add3A_71 = arith.addi %add3A_69, %add3A_70 : i32
      %dma_wait3A = arith.constant 0 : i32
      %dma_wait3A_72 = arith.constant 0 : i32
      %dma_wait3A_73 = arith.constant 0 : i32
      %dma_wait3A_74 = tpu.memref_slice %arg9[%dma_wait3A, %dma_wait3A_72, %dma_wait3A_73] : memref<4x125x16xf32, #tpu.memory_space<vmem>> -> memref<1x125x16xf32, #tpu.memory_space<vmem>>
      %dma_wait3A_75 = tpu.memref_squeeze %dma_wait3A_74 : memref<1x125x16xf32, #tpu.memory_space<vmem>> -> memref<125x16xf32, #tpu.memory_space<vmem>>
      %dma_wait3A_76 = arith.constant 0 : i32
      %dma_wait3A_77 = tpu.memref_slice %arg7[%add3A_71, %dma_wait3A_76] : memref<80x125xi32, #tpu.memory_space<vmem>> -> memref<1x125xi32, #tpu.memory_space<vmem>>
      %dma_wait3A_78 = tpu.memref_squeeze %dma_wait3A_77 : memref<1x125xi32, #tpu.memory_space<vmem>> -> memref<125xi32, #tpu.memory_space<vmem>>
      %dma_wait3A_79 = arith.constant 0 : i32
      %dma_wait3A_80 = arith.constant 0 : i32
      %dma_wait3A_81 = tpu.memref_slice %arg11[%dma_wait3A_79, %dma_wait3A_80] : memref<10240x16xf32, #tpu.memory_space<vmem_shared>> -> memref<10240x16xf32, #tpu.memory_space<vmem_shared>>
      tpu.wait_indirect_dma semaphore(%arg12 : memref<!tpu.dma_semaphore, #tpu.memory_space<semaphore_mem>>) src(%dma_wait3A_81 : memref<10240x16xf32, #tpu.memory_space<vmem_shared>>) dst(%dma_wait3A_75 : memref<125x16xf32, #tpu.memory_space<vmem>>)
      %dma_start3A_82 = arith.constant 0 : i32
      %dma_start3A_83 = arith.constant 0 : i32
      %dma_start3A_84 = arith.constant 0 : i32
      %dma_start3A_85 = tpu.memref_slice %arg9[%dma_start3A_82, %dma_start3A_83, %dma_start3A_84] : memref<4x125x16xf32, #tpu.memory_space<vmem>> -> memref<1x125x16xf32, #tpu.memory_space<vmem>>
      %dma_start3A_86 = tpu.memref_squeeze %dma_start3A_85 : memref<1x125x16xf32, #tpu.memory_space<vmem>> -> memref<125x16xf32, #tpu.memory_space<vmem>>
      %dma_start3A_87 = arith.constant 0 : i32
      %dma_start3A_88 = tpu.memref_slice %arg8[%add3A_71, %dma_start3A_87] : memref<80x125xi32, #tpu.memory_space<vmem>> -> memref<1x125xi32, #tpu.memory_space<vmem>>
      %dma_start3A_89 = tpu.memref_squeeze %dma_start3A_88 : memref<1x125xi32, #tpu.memory_space<vmem>> -> memref<125xi32, #tpu.memory_space<vmem>>
      %dma_start3A_90 = arith.constant 0 : i32
      %dma_start3A_91 = arith.constant 0 : i32
      %dma_start3A_92 = tpu.memref_slice %arg10[%dma_start3A_90, %dma_start3A_91] : memref<10240x16xf32, #tpu.memory_space<vmem_shared>> -> memref<10240x16xf32, #tpu.memory_space<vmem_shared>>
      tpu.enqueue_indirect_dma source(%dma_start3A_86 : memref<125x16xf32, #tpu.memory_space<vmem>>) target(%dma_start3A_92 : memref<10240x16xf32, #tpu.memory_space<vmem_shared>>) offsets(%dma_start3A_89 : memref<125xi32, #tpu.memory_space<vmem>>) semaphore(%arg16 : memref<!tpu.dma_semaphore, #tpu.memory_space<semaphore_mem>>) {add = true}
      %add3A_93 = arith.constant 1 : i32
      %add3A_94 = arith.addi %add3A_69, %add3A_93 : i32
      %dma_wait3A_95 = arith.constant 1 : i32
      %dma_wait3A_96 = arith.constant 0 : i32
      %dma_wait3A_97 = arith.constant 0 : i32
      %dma_wait3A_98 = tpu.memref_slice %arg9[%dma_wait3A_95, %dma_wait3A_96, %dma_wait3A_97] : memref<4x125x16xf32, #tpu.memory_space<vmem>> -> memref<1x125x16xf32, #tpu.memory_space<vmem>>
      %dma_wait3A_99 = tpu.memref_squeeze %dma_wait3A_98 : memref<1x125x16xf32, #tpu.memory_space<vmem>> -> memref<125x16xf32, #tpu.memory_space<vmem>>
      %dma_wait3A_100 = arith.constant 0 : i32
      %dma_wait3A_101 = tpu.memref_slice %arg7[%add3A_94, %dma_wait3A_100] : memref<80x125xi32, #tpu.memory_space<vmem>> -> memref<1x125xi32, #tpu.memory_space<vmem>>
      %dma_wait3A_102 = tpu.memref_squeeze %dma_wait3A_101 : memref<1x125xi32, #tpu.memory_space<vmem>> -> memref<125xi32, #tpu.memory_space<vmem>>
      %dma_wait3A_103 = arith.constant 0 : i32
      %dma_wait3A_104 = arith.constant 0 : i32
      %dma_wait3A_105 = tpu.memref_slice %arg11[%dma_wait3A_103, %dma_wait3A_104] : memref<10240x16xf32, #tpu.memory_space<vmem_shared>> -> memref<10240x16xf32, #tpu.memory_space<vmem_shared>>
      tpu.wait_indirect_dma semaphore(%arg13 : memref<!tpu.dma_semaphore, #tpu.memory_space<semaphore_mem>>) src(%dma_wait3A_105 : memref<10240x16xf32, #tpu.memory_space<vmem_shared>>) dst(%dma_wait3A_99 : memref<125x16xf32, #tpu.memory_space<vmem>>)
      %dma_start3A_106 = arith.constant 1 : i32
      %dma_start3A_107 = arith.constant 0 : i32
      %dma_start3A_108 = arith.constant 0 : i32
      %dma_start3A_109 = tpu.memref_slice %arg9[%dma_start3A_106, %dma_start3A_107, %dma_start3A_108] : memref<4x125x16xf32, #tpu.memory_space<vmem>> -> memref<1x125x16xf32, #tpu.memory_space<vmem>>
      %dma_start3A_110 = tpu.memref_squeeze %dma_start3A_109 : memref<1x125x16xf32, #tpu.memory_space<vmem>> -> memref<125x16xf32, #tpu.memory_space<vmem>>
      %dma_start3A_111 = arith.constant 0 : i32
      %dma_start3A_112 = tpu.memref_slice %arg8[%add3A_94, %dma_start3A_111] : memref<80x125xi32, #tpu.memory_space<vmem>> -> memref<1x125xi32, #tpu.memory_space<vmem>>
      %dma_start3A_113 = tpu.memref_squeeze %dma_start3A_112 : memref<1x125xi32, #tpu.memory_space<vmem>> -> memref<125xi32, #tpu.memory_space<vmem>>
      %dma_start3A_114 = arith.constant 0 : i32
      %dma_start3A_115 = arith.constant 0 : i32
      %dma_start3A_116 = tpu.memref_slice %arg10[%dma_start3A_114, %dma_start3A_115] : memref<10240x16xf32, #tpu.memory_space<vmem_shared>> -> memref<10240x16xf32, #tpu.memory_space<vmem_shared>>
      tpu.enqueue_indirect_dma source(%dma_start3A_110 : memref<125x16xf32, #tpu.memory_space<vmem>>) target(%dma_start3A_116 : memref<10240x16xf32, #tpu.memory_space<vmem_shared>>) offsets(%dma_start3A_113 : memref<125xi32, #tpu.memory_space<vmem>>) semaphore(%arg16 : memref<!tpu.dma_semaphore, #tpu.memory_space<semaphore_mem>>) {add = true}
      %add3A_117 = arith.constant 2 : i32
      %add3A_118 = arith.addi %add3A_69, %add3A_117 : i32
      %dma_wait3A_119 = arith.constant 2 : i32
      %dma_wait3A_120 = arith.constant 0 : i32
      %dma_wait3A_121 = arith.constant 0 : i32
      %dma_wait3A_122 = tpu.memref_slice %arg9[%dma_wait3A_119, %dma_wait3A_120, %dma_wait3A_121] : memref<4x125x16xf32, #tpu.memory_space<vmem>> -> memref<1x125x16xf32, #tpu.memory_space<vmem>>
      %dma_wait3A_123 = tpu.memref_squeeze %dma_wait3A_122 : memref<1x125x16xf32, #tpu.memory_space<vmem>> -> memref<125x16xf32, #tpu.memory_space<vmem>>
      %dma_wait3A_124 = arith.constant 0 : i32
      %dma_wait3A_125 = tpu.memref_slice %arg7[%add3A_118, %dma_wait3A_124] : memref<80x125xi32, #tpu.memory_space<vmem>> -> memref<1x125xi32, #tpu.memory_space<vmem>>
      %dma_wait3A_126 = tpu.memref_squeeze %dma_wait3A_125 : memref<1x125xi32, #tpu.memory_space<vmem>> -> memref<125xi32, #tpu.memory_space<vmem>>
      %dma_wait3A_127 = arith.constant 0 : i32
      %dma_wait3A_128 = arith.constant 0 : i32
      %dma_wait3A_129 = tpu.memref_slice %arg11[%dma_wait3A_127, %dma_wait3A_128] : memref<10240x16xf32, #tpu.memory_space<vmem_shared>> -> memref<10240x16xf32, #tpu.memory_space<vmem_shared>>
      tpu.wait_indirect_dma semaphore(%arg14 : memref<!tpu.dma_semaphore, #tpu.memory_space<semaphore_mem>>) src(%dma_wait3A_129 : memref<10240x16xf32, #tpu.memory_space<vmem_shared>>) dst(%dma_wait3A_123 : memref<125x16xf32, #tpu.memory_space<vmem>>)
      %dma_start3A_130 = arith.constant 2 : i32
      %dma_start3A_131 = arith.constant 0 : i32
      %dma_start3A_132 = arith.constant 0 : i32
      %dma_start3A_133 = tpu.memref_slice %arg9[%dma_start3A_130, %dma_start3A_131, %dma_start3A_132] : memref<4x125x16xf32, #tpu.memory_space<vmem>> -> memref<1x125x16xf32, #tpu.memory_space<vmem>>
      %dma_start3A_134 = tpu.memref_squeeze %dma_start3A_133 : memref<1x125x16xf32, #tpu.memory_space<vmem>> -> memref<125x16xf32, #tpu.memory_space<vmem>>
      %dma_start3A_135 = arith.constant 0 : i32
      %dma_start3A_136 = tpu.memref_slice %arg8[%add3A_118, %dma_start3A_135] : memref<80x125xi32, #tpu.memory_space<vmem>> -> memref<1x125xi32, #tpu.memory_space<vmem>>
      %dma_start3A_137 = tpu.memref_squeeze %dma_start3A_136 : memref<1x125xi32, #tpu.memory_space<vmem>> -> memref<125xi32, #tpu.memory_space<vmem>>
      %dma_start3A_138 = arith.constant 0 : i32
      %dma_start3A_139 = arith.constant 0 : i32
      %dma_start3A_140 = tpu.memref_slice %arg10[%dma_start3A_138, %dma_start3A_139] : memref<10240x16xf32, #tpu.memory_space<vmem_shared>> -> memref<10240x16xf32, #tpu.memory_space<vmem_shared>>
      tpu.enqueue_indirect_dma source(%dma_start3A_134 : memref<125x16xf32, #tpu.memory_space<vmem>>) target(%dma_start3A_140 : memref<10240x16xf32, #tpu.memory_space<vmem_shared>>) offsets(%dma_start3A_137 : memref<125xi32, #tpu.memory_space<vmem>>) semaphore(%arg16 : memref<!tpu.dma_semaphore, #tpu.memory_space<semaphore_mem>>) {add = true}
      %add3A_141 = arith.constant 3 : i32
      %add3A_142 = arith.addi %add3A_69, %add3A_141 : i32
      %dma_wait3A_143 = arith.constant 3 : i32
      %dma_wait3A_144 = arith.constant 0 : i32
      %dma_wait3A_145 = arith.constant 0 : i32
      %dma_wait3A_146 = tpu.memref_slice %arg9[%dma_wait3A_143, %dma_wait3A_144, %dma_wait3A_145] : memref<4x125x16xf32, #tpu.memory_space<vmem>> -> memref<1x125x16xf32, #tpu.memory_space<vmem>>
      %dma_wait3A_147 = tpu.memref_squeeze %dma_wait3A_146 : memref<1x125x16xf32, #tpu.memory_space<vmem>> -> memref<125x16xf32, #tpu.memory_space<vmem>>
      %dma_wait3A_148 = arith.constant 0 : i32
      %dma_wait3A_149 = tpu.memref_slice %arg7[%add3A_142, %dma_wait3A_148] : memref<80x125xi32, #tpu.memory_space<vmem>> -> memref<1x125xi32, #tpu.memory_space<vmem>>
      %dma_wait3A_150 = tpu.memref_squeeze %dma_wait3A_149 : memref<1x125xi32, #tpu.memory_space<vmem>> -> memref<125xi32, #tpu.memory_space<vmem>>
      %dma_wait3A_151 = arith.constant 0 : i32
      %dma_wait3A_152 = arith.constant 0 : i32
      %dma_wait3A_153 = tpu.memref_slice %arg11[%dma_wait3A_151, %dma_wait3A_152] : memref<10240x16xf32, #tpu.memory_space<vmem_shared>> -> memref<10240x16xf32, #tpu.memory_space<vmem_shared>>
      tpu.wait_indirect_dma semaphore(%arg15 : memref<!tpu.dma_semaphore, #tpu.memory_space<semaphore_mem>>) src(%dma_wait3A_153 : memref<10240x16xf32, #tpu.memory_space<vmem_shared>>) dst(%dma_wait3A_147 : memref<125x16xf32, #tpu.memory_space<vmem>>)
      %dma_start3A_154 = arith.constant 3 : i32
      %dma_start3A_155 = arith.constant 0 : i32
      %dma_start3A_156 = arith.constant 0 : i32
      %dma_start3A_157 = tpu.memref_slice %arg9[%dma_start3A_154, %dma_start3A_155, %dma_start3A_156] : memref<4x125x16xf32, #tpu.memory_space<vmem>> -> memref<1x125x16xf32, #tpu.memory_space<vmem>>
      %dma_start3A_158 = tpu.memref_squeeze %dma_start3A_157 : memref<1x125x16xf32, #tpu.memory_space<vmem>> -> memref<125x16xf32, #tpu.memory_space<vmem>>
      %dma_start3A_159 = arith.constant 0 : i32
      %dma_start3A_160 = tpu.memref_slice %arg8[%add3A_142, %dma_start3A_159] : memref<80x125xi32, #tpu.memory_space<vmem>> -> memref<1x125xi32, #tpu.memory_space<vmem>>
      %dma_start3A_161 = tpu.memref_squeeze %dma_start3A_160 : memref<1x125xi32, #tpu.memory_space<vmem>> -> memref<125xi32, #tpu.memory_space<vmem>>
      %dma_start3A_162 = arith.constant 0 : i32
      %dma_start3A_163 = arith.constant 0 : i32
      %dma_start3A_164 = tpu.memref_slice %arg10[%dma_start3A_162, %dma_start3A_163] : memref<10240x16xf32, #tpu.memory_space<vmem_shared>> -> memref<10240x16xf32, #tpu.memory_space<vmem_shared>>
      tpu.enqueue_indirect_dma source(%dma_start3A_158 : memref<125x16xf32, #tpu.memory_space<vmem>>) target(%dma_start3A_164 : memref<10240x16xf32, #tpu.memory_space<vmem_shared>>) offsets(%dma_start3A_161 : memref<125xi32, #tpu.memory_space<vmem>>) semaphore(%arg16 : memref<!tpu.dma_semaphore, #tpu.memory_space<semaphore_mem>>) {add = true}
      %add3A_165 = arith.constant 0 : i32
      %add3A_166 = arith.addi %add3A_69, %add3A_165 : i32
      %dma_wait3A_167 = arith.constant 0 : i32
      %dma_wait3A_168 = arith.constant 0 : i32
      %dma_wait3A_169 = arith.constant 0 : i32
      %dma_wait3A_170 = tpu.memref_slice %arg9[%dma_wait3A_167, %dma_wait3A_168, %dma_wait3A_169] : memref<4x125x16xf32, #tpu.memory_space<vmem>> -> memref<1x125x16xf32, #tpu.memory_space<vmem>>
      %dma_wait3A_171 = tpu.memref_squeeze %dma_wait3A_170 : memref<1x125x16xf32, #tpu.memory_space<vmem>> -> memref<125x16xf32, #tpu.memory_space<vmem>>
      %dma_wait3A_172 = arith.constant 0 : i32
      %dma_wait3A_173 = tpu.memref_slice %arg8[%add3A_166, %dma_wait3A_172] : memref<80x125xi32, #tpu.memory_space<vmem>> -> memref<1x125xi32, #tpu.memory_space<vmem>>
      %dma_wait3A_174 = tpu.memref_squeeze %dma_wait3A_173 : memref<1x125xi32, #tpu.memory_space<vmem>> -> memref<125xi32, #tpu.memory_space<vmem>>
      %dma_wait3A_175 = arith.constant 0 : i32
      %dma_wait3A_176 = arith.constant 0 : i32
      %dma_wait3A_177 = tpu.memref_slice %arg10[%dma_wait3A_175, %dma_wait3A_176] : memref<10240x16xf32, #tpu.memory_space<vmem_shared>> -> memref<10240x16xf32, #tpu.memory_space<vmem_shared>>
      tpu.wait_indirect_dma semaphore(%arg16 : memref<!tpu.dma_semaphore, #tpu.memory_space<semaphore_mem>>) src(%dma_wait3A_171 : memref<125x16xf32, #tpu.memory_space<vmem>>) dst(%dma_wait3A_177 : memref<10240x16xf32, #tpu.memory_space<vmem_shared>>)
      %add3A_178 = arith.constant 4 : i32
      %add3A_179 = arith.addi %add3A_166, %add3A_178 : i32
      %lt3A = arith.constant 80 : i32
      %lt3A_180 = arith.cmpi slt, %add3A_179, %lt3A : i32
      %convert_element_type3A = arith.extui %lt3A_180 : i1 to i32
      %cond3A = arith.constant 0 : i32
      %cond3A_181 = arith.cmpi ne, %convert_element_type3A, %cond3A : i32
      scf.if %cond3A_181 {
        %add3A_242 = arith.constant 4 : i32
        %add3A_243 = arith.addi %add3A_166, %add3A_242 : i32
        %dma_start3A_244 = arith.constant 0 : i32
        %dma_start3A_245 = arith.constant 0 : i32
        %dma_start3A_246 = arith.constant 0 : i32
        %dma_start3A_247 = tpu.memref_slice %arg9[%dma_start3A_244, %dma_start3A_245, %dma_start3A_246] : memref<4x125x16xf32, #tpu.memory_space<vmem>> -> memref<1x125x16xf32, #tpu.memory_space<vmem>>
        %dma_start3A_248 = tpu.memref_squeeze %dma_start3A_247 : memref<1x125x16xf32, #tpu.memory_space<vmem>> -> memref<125x16xf32, #tpu.memory_space<vmem>>
        %dma_start3A_249 = arith.constant 0 : i32
        %dma_start3A_250 = tpu.memref_slice %arg7[%add3A_243, %dma_start3A_249] : memref<80x125xi32, #tpu.memory_space<vmem>> -> memref<1x125xi32, #tpu.memory_space<vmem>>
        %dma_start3A_251 = tpu.memref_squeeze %dma_start3A_250 : memref<1x125xi32, #tpu.memory_space<vmem>> -> memref<125xi32, #tpu.memory_space<vmem>>
        %dma_start3A_252 = arith.constant 0 : i32
        %dma_start3A_253 = arith.constant 0 : i32
        %dma_start3A_254 = tpu.memref_slice %arg11[%dma_start3A_252, %dma_start3A_253] : memref<10240x16xf32, #tpu.memory_space<vmem_shared>> -> memref<10240x16xf32, #tpu.memory_space<vmem_shared>>
        tpu.enqueue_indirect_dma source(%dma_start3A_254 : memref<10240x16xf32, #tpu.memory_space<vmem_shared>>) target(%dma_start3A_248 : memref<125x16xf32, #tpu.memory_space<vmem>>) offsets(%dma_start3A_251 : memref<125xi32, #tpu.memory_space<vmem>>) semaphore(%arg12 : memref<!tpu.dma_semaphore, #tpu.memory_space<semaphore_mem>>)
      } else {
      }
      %add3A_182 = arith.constant 1 : i32
      %add3A_183 = arith.addi %add3A_69, %add3A_182 : i32
      %dma_wait3A_184 = arith.constant 1 : i32
      %dma_wait3A_185 = arith.constant 0 : i32
      %dma_wait3A_186 = arith.constant 0 : i32
      %dma_wait3A_187 = tpu.memref_slice %arg9[%dma_wait3A_184, %dma_wait3A_185, %dma_wait3A_186] : memref<4x125x16xf32, #tpu.memory_space<vmem>> -> memref<1x125x16xf32, #tpu.memory_space<vmem>>
      %dma_wait3A_188 = tpu.memref_squeeze %dma_wait3A_187 : memref<1x125x16xf32, #tpu.memory_space<vmem>> -> memref<125x16xf32, #tpu.memory_space<vmem>>
      %dma_wait3A_189 = arith.constant 0 : i32
      %dma_wait3A_190 = tpu.memref_slice %arg8[%add3A_183, %dma_wait3A_189] : memref<80x125xi32, #tpu.memory_space<vmem>> -> memref<1x125xi32, #tpu.memory_space<vmem>>
      %dma_wait3A_191 = tpu.memref_squeeze %dma_wait3A_190 : memref<1x125xi32, #tpu.memory_space<vmem>> -> memref<125xi32, #tpu.memory_space<vmem>>
      %dma_wait3A_192 = arith.constant 0 : i32
      %dma_wait3A_193 = arith.constant 0 : i32
      %dma_wait3A_194 = tpu.memref_slice %arg10[%dma_wait3A_192, %dma_wait3A_193] : memref<10240x16xf32, #tpu.memory_space<vmem_shared>> -> memref<10240x16xf32, #tpu.memory_space<vmem_shared>>
      tpu.wait_indirect_dma semaphore(%arg16 : memref<!tpu.dma_semaphore, #tpu.memory_space<semaphore_mem>>) src(%dma_wait3A_188 : memref<125x16xf32, #tpu.memory_space<vmem>>) dst(%dma_wait3A_194 : memref<10240x16xf32, #tpu.memory_space<vmem_shared>>)
      %add3A_195 = arith.constant 4 : i32
      %add3A_196 = arith.addi %add3A_183, %add3A_195 : i32
      %lt3A_197 = arith.constant 80 : i32
      %lt3A_198 = arith.cmpi slt, %add3A_196, %lt3A_197 : i32
      %convert_element_type3A_199 = arith.extui %lt3A_198 : i1 to i32
      %cond3A_200 = arith.constant 0 : i32
      %cond3A_201 = arith.cmpi ne, %convert_element_type3A_199, %cond3A_200 : i32
      scf.if %cond3A_201 {
        %add3A_242 = arith.constant 4 : i32
        %add3A_243 = arith.addi %add3A_183, %add3A_242 : i32
        %dma_start3A_244 = arith.constant 1 : i32
        %dma_start3A_245 = arith.constant 0 : i32
        %dma_start3A_246 = arith.constant 0 : i32
        %dma_start3A_247 = tpu.memref_slice %arg9[%dma_start3A_244, %dma_start3A_245, %dma_start3A_246] : memref<4x125x16xf32, #tpu.memory_space<vmem>> -> memref<1x125x16xf32, #tpu.memory_space<vmem>>
        %dma_start3A_248 = tpu.memref_squeeze %dma_start3A_247 : memref<1x125x16xf32, #tpu.memory_space<vmem>> -> memref<125x16xf32, #tpu.memory_space<vmem>>
        %dma_start3A_249 = arith.constant 0 : i32
        %dma_start3A_250 = tpu.memref_slice %arg7[%add3A_243, %dma_start3A_249] : memref<80x125xi32, #tpu.memory_space<vmem>> -> memref<1x125xi32, #tpu.memory_space<vmem>>
        %dma_start3A_251 = tpu.memref_squeeze %dma_start3A_250 : memref<1x125xi32, #tpu.memory_space<vmem>> -> memref<125xi32, #tpu.memory_space<vmem>>
        %dma_start3A_252 = arith.constant 0 : i32
        %dma_start3A_253 = arith.constant 0 : i32
        %dma_start3A_254 = tpu.memref_slice %arg11[%dma_start3A_252, %dma_start3A_253] : memref<10240x16xf32, #tpu.memory_space<vmem_shared>> -> memref<10240x16xf32, #tpu.memory_space<vmem_shared>>
        tpu.enqueue_indirect_dma source(%dma_start3A_254 : memref<10240x16xf32, #tpu.memory_space<vmem_shared>>) target(%dma_start3A_248 : memref<125x16xf32, #tpu.memory_space<vmem>>) offsets(%dma_start3A_251 : memref<125xi32, #tpu.memory_space<vmem>>) semaphore(%arg13 : memref<!tpu.dma_semaphore, #tpu.memory_space<semaphore_mem>>)
      } else {
      }
      %add3A_202 = arith.constant 2 : i32
      %add3A_203 = arith.addi %add3A_69, %add3A_202 : i32
      %dma_wait3A_204 = arith.constant 2 : i32
      %dma_wait3A_205 = arith.constant 0 : i32
      %dma_wait3A_206 = arith.constant 0 : i32
      %dma_wait3A_207 = tpu.memref_slice %arg9[%dma_wait3A_204, %dma_wait3A_205, %dma_wait3A_206] : memref<4x125x16xf32, #tpu.memory_space<vmem>> -> memref<1x125x16xf32, #tpu.memory_space<vmem>>
      %dma_wait3A_208 = tpu.memref_squeeze %dma_wait3A_207 : memref<1x125x16xf32, #tpu.memory_space<vmem>> -> memref<125x16xf32, #tpu.memory_space<vmem>>
      %dma_wait3A_209 = arith.constant 0 : i32
      %dma_wait3A_210 = tpu.memref_slice %arg8[%add3A_203, %dma_wait3A_209] : memref<80x125xi32, #tpu.memory_space<vmem>> -> memref<1x125xi32, #tpu.memory_space<vmem>>
      %dma_wait3A_211 = tpu.memref_squeeze %dma_wait3A_210 : memref<1x125xi32, #tpu.memory_space<vmem>> -> memref<125xi32, #tpu.memory_space<vmem>>
      %dma_wait3A_212 = arith.constant 0 : i32
      %dma_wait3A_213 = arith.constant 0 : i32
      %dma_wait3A_214 = tpu.memref_slice %arg10[%dma_wait3A_212, %dma_wait3A_213] : memref<10240x16xf32, #tpu.memory_space<vmem_shared>> -> memref<10240x16xf32, #tpu.memory_space<vmem_shared>>
      tpu.wait_indirect_dma semaphore(%arg16 : memref<!tpu.dma_semaphore, #tpu.memory_space<semaphore_mem>>) src(%dma_wait3A_208 : memref<125x16xf32, #tpu.memory_space<vmem>>) dst(%dma_wait3A_214 : memref<10240x16xf32, #tpu.memory_space<vmem_shared>>)
      %add3A_215 = arith.constant 4 : i32
      %add3A_216 = arith.addi %add3A_203, %add3A_215 : i32
      %lt3A_217 = arith.constant 80 : i32
      %lt3A_218 = arith.cmpi slt, %add3A_216, %lt3A_217 : i32
      %convert_element_type3A_219 = arith.extui %lt3A_218 : i1 to i32
      %cond3A_220 = arith.constant 0 : i32
      %cond3A_221 = arith.cmpi ne, %convert_element_type3A_219, %cond3A_220 : i32
      scf.if %cond3A_221 {
        %add3A_242 = arith.constant 4 : i32
        %add3A_243 = arith.addi %add3A_203, %add3A_242 : i32
        %dma_start3A_244 = arith.constant 2 : i32
        %dma_start3A_245 = arith.constant 0 : i32
        %dma_start3A_246 = arith.constant 0 : i32
        %dma_start3A_247 = tpu.memref_slice %arg9[%dma_start3A_244, %dma_start3A_245, %dma_start3A_246] : memref<4x125x16xf32, #tpu.memory_space<vmem>> -> memref<1x125x16xf32, #tpu.memory_space<vmem>>
        %dma_start3A_248 = tpu.memref_squeeze %dma_start3A_247 : memref<1x125x16xf32, #tpu.memory_space<vmem>> -> memref<125x16xf32, #tpu.memory_space<vmem>>
        %dma_start3A_249 = arith.constant 0 : i32
        %dma_start3A_250 = tpu.memref_slice %arg7[%add3A_243, %dma_start3A_249] : memref<80x125xi32, #tpu.memory_space<vmem>> -> memref<1x125xi32, #tpu.memory_space<vmem>>
        %dma_start3A_251 = tpu.memref_squeeze %dma_start3A_250 : memref<1x125xi32, #tpu.memory_space<vmem>> -> memref<125xi32, #tpu.memory_space<vmem>>
        %dma_start3A_252 = arith.constant 0 : i32
        %dma_start3A_253 = arith.constant 0 : i32
        %dma_start3A_254 = tpu.memref_slice %arg11[%dma_start3A_252, %dma_start3A_253] : memref<10240x16xf32, #tpu.memory_space<vmem_shared>> -> memref<10240x16xf32, #tpu.memory_space<vmem_shared>>
        tpu.enqueue_indirect_dma source(%dma_start3A_254 : memref<10240x16xf32, #tpu.memory_space<vmem_shared>>) target(%dma_start3A_248 : memref<125x16xf32, #tpu.memory_space<vmem>>) offsets(%dma_start3A_251 : memref<125xi32, #tpu.memory_space<vmem>>) semaphore(%arg14 : memref<!tpu.dma_semaphore, #tpu.memory_space<semaphore_mem>>)
      } else {
      }
      %add3A_222 = arith.constant 3 : i32
      %add3A_223 = arith.addi %add3A_69, %add3A_222 : i32
      %dma_wait3A_224 = arith.constant 3 : i32
      %dma_wait3A_225 = arith.constant 0 : i32
      %dma_wait3A_226 = arith.constant 0 : i32
      %dma_wait3A_227 = tpu.memref_slice %arg9[%dma_wait3A_224, %dma_wait3A_225, %dma_wait3A_226] : memref<4x125x16xf32, #tpu.memory_space<vmem>> -> memref<1x125x16xf32, #tpu.memory_space<vmem>>
      %dma_wait3A_228 = tpu.memref_squeeze %dma_wait3A_227 : memref<1x125x16xf32, #tpu.memory_space<vmem>> -> memref<125x16xf32, #tpu.memory_space<vmem>>
      %dma_wait3A_229 = arith.constant 0 : i32
      %dma_wait3A_230 = tpu.memref_slice %arg8[%add3A_223, %dma_wait3A_229] : memref<80x125xi32, #tpu.memory_space<vmem>> -> memref<1x125xi32, #tpu.memory_space<vmem>>
      %dma_wait3A_231 = tpu.memref_squeeze %dma_wait3A_230 : memref<1x125xi32, #tpu.memory_space<vmem>> -> memref<125xi32, #tpu.memory_space<vmem>>
      %dma_wait3A_232 = arith.constant 0 : i32
      %dma_wait3A_233 = arith.constant 0 : i32
      %dma_wait3A_234 = tpu.memref_slice %arg10[%dma_wait3A_232, %dma_wait3A_233] : memref<10240x16xf32, #tpu.memory_space<vmem_shared>> -> memref<10240x16xf32, #tpu.memory_space<vmem_shared>>
      tpu.wait_indirect_dma semaphore(%arg16 : memref<!tpu.dma_semaphore, #tpu.memory_space<semaphore_mem>>) src(%dma_wait3A_228 : memref<125x16xf32, #tpu.memory_space<vmem>>) dst(%dma_wait3A_234 : memref<10240x16xf32, #tpu.memory_space<vmem_shared>>)
      %add3A_235 = arith.constant 4 : i32
      %add3A_236 = arith.addi %add3A_223, %add3A_235 : i32
      %lt3A_237 = arith.constant 80 : i32
      %lt3A_238 = arith.cmpi slt, %add3A_236, %lt3A_237 : i32
      %convert_element_type3A_239 = arith.extui %lt3A_238 : i1 to i32
      %cond3A_240 = arith.constant 0 : i32
      %cond3A_241 = arith.cmpi ne, %convert_element_type3A_239, %cond3A_240 : i32
      scf.if %cond3A_241 {
        %add3A_242 = arith.constant 4 : i32
        %add3A_243 = arith.addi %add3A_223, %add3A_242 : i32
        %dma_start3A_244 = arith.constant 3 : i32
        %dma_start3A_245 = arith.constant 0 : i32
        %dma_start3A_246 = arith.constant 0 : i32
        %dma_start3A_247 = tpu.memref_slice %arg9[%dma_start3A_244, %dma_start3A_245, %dma_start3A_246] : memref<4x125x16xf32, #tpu.memory_space<vmem>> -> memref<1x125x16xf32, #tpu.memory_space<vmem>>
        %dma_start3A_248 = tpu.memref_squeeze %dma_start3A_247 : memref<1x125x16xf32, #tpu.memory_space<vmem>> -> memref<125x16xf32, #tpu.memory_space<vmem>>
        %dma_start3A_249 = arith.constant 0 : i32
        %dma_start3A_250 = tpu.memref_slice %arg7[%add3A_243, %dma_start3A_249] : memref<80x125xi32, #tpu.memory_space<vmem>> -> memref<1x125xi32, #tpu.memory_space<vmem>>
        %dma_start3A_251 = tpu.memref_squeeze %dma_start3A_250 : memref<1x125xi32, #tpu.memory_space<vmem>> -> memref<125xi32, #tpu.memory_space<vmem>>
        %dma_start3A_252 = arith.constant 0 : i32
        %dma_start3A_253 = arith.constant 0 : i32
        %dma_start3A_254 = tpu.memref_slice %arg11[%dma_start3A_252, %dma_start3A_253] : memref<10240x16xf32, #tpu.memory_space<vmem_shared>> -> memref<10240x16xf32, #tpu.memory_space<vmem_shared>>
        tpu.enqueue_indirect_dma source(%dma_start3A_254 : memref<10240x16xf32, #tpu.memory_space<vmem_shared>>) target(%dma_start3A_248 : memref<125x16xf32, #tpu.memory_space<vmem>>) offsets(%dma_start3A_251 : memref<125xi32, #tpu.memory_space<vmem>>) semaphore(%arg15 : memref<!tpu.dma_semaphore, #tpu.memory_space<semaphore_mem>>)
      } else {
      }
    }
    %scan3A_59 = arith.constant 20 : i32
    %barrier3A_60 = arith.constant 0 : index
    tpu.barrier barrier_id(%barrier3A_60)
    %mul3A_61 = arith.constant 640 : i32
    %mul3A_62 = arith.muli %arg1, %mul3A_61 : i32
    %mul3A_63 = arith.constant 640 : i32
    %mul3A_64 = arith.muli %arg1, %mul3A_63 : i32
    "tpu.region"() ({
      %run_scoped3A = tpu.sem_alloc : memref<!tpu.dma_semaphore, #tpu.memory_space<semaphore_mem>>
      %dma_start3A_65 = arith.constant 0 : i32
      %dma_start3A_66 = tpu.memref_slice %arg6[%arg0, %mul3A_64, %dma_start3A_65] : memref<2x10240x16xf32, #tpu.memory_space<hbm>> -> memref<1x640x16xf32, #tpu.memory_space<hbm>>
      %dma_start3A_67 = tpu.memref_squeeze %dma_start3A_66 : memref<1x640x16xf32, #tpu.memory_space<hbm>> -> memref<640x16xf32, #tpu.memory_space<hbm>>
      %dma_start3A_68 = arith.constant 0 : i32
      %dma_start3A_69 = tpu.memref_slice %arg10[%mul3A_62, %dma_start3A_68] : memref<10240x16xf32, #tpu.memory_space<vmem_shared>> -> memref<640x16xf32, #tpu.memory_space<vmem_shared>>
      tpu.enqueue_dma source(%dma_start3A_69 : memref<640x16xf32, #tpu.memory_space<vmem_shared>>) target(%dma_start3A_67 : memref<640x16xf32, #tpu.memory_space<hbm>>) target_semaphore(%run_scoped3A : memref<!tpu.dma_semaphore, #tpu.memory_space<semaphore_mem>>)
      %dma_wait3A = arith.constant 0 : i32
      %dma_wait3A_70 = tpu.memref_slice %arg6[%arg0, %mul3A_64, %dma_wait3A] : memref<2x10240x16xf32, #tpu.memory_space<hbm>> -> memref<1x640x16xf32, #tpu.memory_space<hbm>>
      %dma_wait3A_71 = tpu.memref_squeeze %dma_wait3A_70 : memref<1x640x16xf32, #tpu.memory_space<hbm>> -> memref<640x16xf32, #tpu.memory_space<hbm>>
      %dma_wait3A_72 = arith.constant 0 : i32
      %dma_wait3A_73 = tpu.memref_slice %arg10[%mul3A_62, %dma_wait3A_72] : memref<10240x16xf32, #tpu.memory_space<vmem_shared>> -> memref<640x16xf32, #tpu.memory_space<vmem_shared>>
      tpu.wait_dma2 semaphore(%run_scoped3A : memref<!tpu.dma_semaphore, #tpu.memory_space<semaphore_mem>>) src(%dma_wait3A_73 : memref<640x16xf32, #tpu.memory_space<vmem_shared>>) dst(%dma_wait3A_71 : memref<640x16xf32, #tpu.memory_space<hbm>>)
      tpu.yield
    }) : () -> ()
    return
  }
}

module attributes {stable_mosaic.version = 14 : i64} {
  func.func @body(%arg0: memref<10000x128xf32, #tpu.memory_space<vmem>>, %arg1: memref<128x128xf32, #tpu.memory_space<vmem>>, %arg2: memref<10240x128xf32, #tpu.memory_space<vmem>>) attributes {dimension_semantics = [], scalar_prefetch = 0 : i64, scratch_operands = 0 : i64, tpu.core_type = #tpu.core_type<tc>} {
    %get3A = arith.constant 0 : index
    %get3A_0 = arith.constant 0 : index
    %get3A_1 = vector.load %arg0[%get3A, %get3A_0] : memref<10000x128xf32, #tpu.memory_space<vmem>>, vector<10000x128xf32>
    %get3A_2 = arith.constant 0 : index
    %get3A_3 = arith.constant 0 : index
    %get3A_4 = vector.load %arg1[%get3A_2, %get3A_3] : memref<128x128xf32, #tpu.memory_space<vmem>>, vector<128x128xf32>
    %dot_general3A = arith.constant dense<0.000000e+00> : vector<10000x128xf32>
    %dot_general3A_5 = tpu.matmul %get3A_1, %get3A_4, %dot_general3A {dimension_numbers = #tpu.dot_dimension_numbers<[1], [0], [0], [1], [0, 0, 1, 1], [], []>, transpose_lhs_hint = false} : vector<10000x128xf32>, vector<128x128xf32>, vector<10000x128xf32> -> vector<10000x128xf32>
    %swap3A = arith.constant 0 : index
    %swap3A_6 = arith.constant 0 : index
    %swap3A_7 = vector.load %arg2[%swap3A, %swap3A_6] : memref<10240x128xf32, #tpu.memory_space<vmem>>, vector<10000x128xf32>
    tpu.vector_store %arg2[%swap3A, %swap3A_6], %dot_general3A_5 {strides = array<i32>} : memref<10240x128xf32, #tpu.memory_space<vmem>>, vector<10000x128xf32>,
    %broadcast_in_dim3A = arith.constant 0.000000e+00 : f32
    %broadcast_in_dim3A_8 = vector.broadcast %broadcast_in_dim3A : f32 to vector<240x128xf32>
    %swap3A_9 = arith.constant 10000 : index
    %swap3A_10 = arith.constant 0 : index
    %swap3A_11 = vector.load %arg2[%swap3A_9, %swap3A_10] : memref<10240x128xf32, #tpu.memory_space<vmem>>, vector<240x128xf32>
    tpu.vector_store %arg2[%swap3A_9, %swap3A_10], %broadcast_in_dim3A_8 {strides = array<i32>} : memref<10240x128xf32, #tpu.memory_space<vmem>>, vector<240x128xf32>,
    return
  }
}

module attributes {stable_mosaic.version = 14 : i64} {
  func.func @body(%arg0: memref<2x10240x16xf32, #tpu.memory_space<vmem>>, %arg1: memref<10240x128xf32, #tpu.memory_space<vmem>>, %arg2: memref<10240x1xf32, #tpu.memory_space<vmem>>, %arg3: memref<10240x64xf32, #tpu.memory_space<vmem>>, %arg4: memref<10240x64xf32, #tpu.memory_space<vmem>>) attributes {dimension_semantics = [], scalar_prefetch = 0 : i64, scratch_operands = 0 : i64, tpu.core_type = #tpu.core_type<tc>} {
    %get3A = arith.constant 0 : index
    %get3A_0 = arith.constant 0 : index
    %get3A_1 = arith.constant 0 : index
    %get3A_2 = vector.load %arg0[%get3A, %get3A_0, %get3A_1] : memref<2x10240x16xf32, #tpu.memory_space<vmem>>, vector<1x10240x1xf32>
    %get3A_3 = vector.shape_cast %get3A_2 : vector<1x10240x1xf32> to vector<10240x1xf32>
    %get3A_4 = arith.constant 1 : index
    %get3A_5 = arith.constant 0 : index
    %get3A_6 = arith.constant 0 : index
    %get3A_7 = vector.load %arg0[%get3A_4, %get3A_5, %get3A_6] : memref<2x10240x16xf32, #tpu.memory_space<vmem>>, vector<1x10240x1xf32>
    %get3A_8 = vector.shape_cast %get3A_7 : vector<1x10240x1xf32> to vector<10240x1xf32>
    %add3A = arith.addf %get3A_3, %get3A_8 : vector<10240x1xf32>
    %add3A_9 = arith.constant 1.000000e+00 : f32
    %add3A_10 = vector.broadcast %add3A_9 : f32 to vector<10240x1xf32>
    %add3A_11 = arith.addf %add3A, %add3A_10 : vector<10240x1xf32>
    %rsqrt3A = math.rsqrt %add3A_11 : vector<10240x1xf32>
    %iota3A = tpu.iota {dimensions = array<i32: 0>} : vector<10240x1xi32>
    %lt3A = arith.constant 10000 : i32
    %lt3A_12 = vector.broadcast %lt3A : i32 to vector<10240x1xi32>
    %lt3A_13 = arith.cmpi slt, %iota3A, %lt3A_12 : vector<10240x1xi32>
    %jit3A = arith.constant 0.000000e+00 : f32
    %broadcast_in_dim3A = vector.broadcast %jit3A : f32 to vector<10240x1xf32>
    %select_n3A = arith.select %lt3A_13, %rsqrt3A, %broadcast_in_dim3A : vector<10240x1xi1>, vector<10240x1xf32>
    %swap3A = arith.constant 0 : index
    %swap3A_14 = arith.constant 0 : index
    %swap3A_15 = vector.load %arg2[%swap3A, %swap3A_14] : memref<10240x1xf32, #tpu.memory_space<vmem>>, vector<10240x1xf32>
    tpu.vector_store %arg2[%swap3A, %swap3A_14], %select_n3A {strides = array<i32>} : memref<10240x1xf32, #tpu.memory_space<vmem>>, vector<10240x1xf32>,
    %get3A_16 = arith.constant 0 : index
    %get3A_17 = arith.constant 0 : index
    %get3A_18 = vector.load %arg1[%get3A_16, %get3A_17] : memref<10240x128xf32, #tpu.memory_space<vmem>>, vector<10240x64xf32>
    %mul3A = vector.broadcast %select_n3A : vector<10240x1xf32> to vector<10240x64xf32>
    %mul3A_19 = arith.mulf %mul3A, %get3A_18 : vector<10240x64xf32>
    %swap3A_20 = arith.constant 0 : index
    %swap3A_21 = arith.constant 0 : index
    %swap3A_22 = vector.load %arg3[%swap3A_20, %swap3A_21] : memref<10240x64xf32, #tpu.memory_space<vmem>>, vector<10240x64xf32>
    tpu.vector_store %arg3[%swap3A_20, %swap3A_21], %mul3A_19 {strides = array<i32>} : memref<10240x64xf32, #tpu.memory_space<vmem>>, vector<10240x64xf32>,
    %get3A_23 = arith.constant 0 : index
    %get3A_24 = arith.constant 64 : index
    %get3A_25 = vector.load %arg1[%get3A_23, %get3A_24] : memref<10240x128xf32, #tpu.memory_space<vmem>>, vector<10240x64xf32>
    %mul3A_26 = vector.broadcast %select_n3A : vector<10240x1xf32> to vector<10240x64xf32>
    %mul3A_27 = arith.mulf %mul3A_26, %get3A_25 : vector<10240x64xf32>
    %swap3A_28 = arith.constant 0 : index
    %swap3A_29 = arith.constant 0 : index
    %swap3A_30 = vector.load %arg4[%swap3A_28, %swap3A_29] : memref<10240x64xf32, #tpu.memory_space<vmem>>, vector<10240x64xf32>
    tpu.vector_store %arg4[%swap3A_28, %swap3A_29], %mul3A_27 {strides = array<i32>} : memref<10240x64xf32, #tpu.memory_space<vmem>>, vector<10240x64xf32>,
    return
  }
}

module attributes {stable_mosaic.version = 14 : i64} {
  func.func @body(%arg0: memref<2x10240x64xf32, #tpu.memory_space<vmem>>, %arg1: memref<10240x64xf32, #tpu.memory_space<vmem>>, %arg2: memref<10240x64xf32, #tpu.memory_space<vmem>>, %arg3: memref<10240x1xf32, #tpu.memory_space<vmem>>, %arg4: memref<1x128xf32, #tpu.memory_space<vmem>>, %arg5: memref<128x64xf32, #tpu.memory_space<vmem>>, %arg6: memref<10240x64xf32, #tpu.memory_space<vmem>>) attributes {dimension_semantics = [], scalar_prefetch = 0 : i64, scratch_operands = 0 : i64, tpu.core_type = #tpu.core_type<tc>} {
    %get3A = arith.constant 0 : index
    %get3A_0 = arith.constant 0 : index
    %get3A_1 = vector.load %arg3[%get3A, %get3A_0] : memref<10240x1xf32, #tpu.memory_space<vmem>>, vector<10240x1xf32>
    %get3A_2 = arith.constant 0 : index
    %get3A_3 = arith.constant 0 : index
    %get3A_4 = arith.constant 0 : index
    %get3A_5 = vector.load %arg0[%get3A_2, %get3A_3, %get3A_4] : memref<2x10240x64xf32, #tpu.memory_space<vmem>>, vector<1x10240x64xf32>
    %get3A_6 = vector.shape_cast %get3A_5 : vector<1x10240x64xf32> to vector<10240x64xf32>
    %get3A_7 = arith.constant 0 : index
    %get3A_8 = arith.constant 0 : index
    %get3A_9 = vector.load %arg1[%get3A_7, %get3A_8] : memref<10240x64xf32, #tpu.memory_space<vmem>>, vector<10240x64xf32>
    %add3A = arith.addf %get3A_6, %get3A_9 : vector<10240x64xf32>
    %get3A_10 = arith.constant 1 : index
    %get3A_11 = arith.constant 0 : index
    %get3A_12 = arith.constant 0 : index
    %get3A_13 = vector.load %arg0[%get3A_10, %get3A_11, %get3A_12] : memref<2x10240x64xf32, #tpu.memory_space<vmem>>, vector<1x10240x64xf32>
    %get3A_14 = vector.shape_cast %get3A_13 : vector<1x10240x64xf32> to vector<10240x64xf32>
    %get3A_15 = arith.constant 0 : index
    %get3A_16 = arith.constant 0 : index
    %get3A_17 = vector.load %arg2[%get3A_15, %get3A_16] : memref<10240x64xf32, #tpu.memory_space<vmem>>, vector<10240x64xf32>
    %add3A_18 = arith.addf %get3A_14, %get3A_17 : vector<10240x64xf32>
    %concatenate3A = tpu.concatenate %add3A, %add3A_18 in 1 : vector<10240x64xf32>, vector<10240x64xf32> -> vector<10240x128xf32>
    %mul3A = vector.broadcast %get3A_1 : vector<10240x1xf32> to vector<10240x128xf32>
    %mul3A_19 = arith.mulf %mul3A, %concatenate3A : vector<10240x128xf32>
    %get3A_20 = arith.constant 0 : index
    %get3A_21 = arith.constant 0 : index
    %get3A_22 = vector.load %arg4[%get3A_20, %get3A_21] : memref<1x128xf32, #tpu.memory_space<vmem>>, vector<1x128xf32>
    %add3A_23 = vector.broadcast %get3A_22 : vector<1x128xf32> to vector<10240x128xf32>
    %add3A_24 = arith.addf %mul3A_19, %add3A_23 : vector<10240x128xf32>
    %max3A = arith.constant 0.000000e+00 : f32
    %max3A_25 = vector.broadcast %max3A : f32 to vector<10240x128xf32>
    %max3A_26 = arith.maximumf %add3A_24, %max3A_25 : vector<10240x128xf32>
    %get3A_27 = arith.constant 0 : index
    %get3A_28 = arith.constant 0 : index
    %get3A_29 = vector.load %arg5[%get3A_27, %get3A_28] : memref<128x64xf32, #tpu.memory_space<vmem>>, vector<128x64xf32>
    %dot_general3A = arith.constant dense<0.000000e+00> : vector<10240x64xf32>
    %dot_general3A_30 = tpu.matmul %max3A_26, %get3A_29, %dot_general3A {dimension_numbers = #tpu.dot_dimension_numbers<[1], [0], [0], [1], [0, 0, 1, 1], [], []>, transpose_lhs_hint = false} : vector<10240x128xf32>, vector<128x64xf32>, vector<10240x64xf32> -> vector<10240x64xf32>
    %mul3A_31 = vector.broadcast %get3A_1 : vector<10240x1xf32> to vector<10240x64xf32>
    %mul3A_32 = arith.mulf %mul3A_31, %dot_general3A_30 : vector<10240x64xf32>
    %swap3A = arith.constant 0 : index
    %swap3A_33 = arith.constant 0 : index
    %swap3A_34 = vector.load %arg6[%swap3A, %swap3A_33] : memref<10240x64xf32, #tpu.memory_space<vmem>>, vector<10240x64xf32>
    tpu.vector_store %arg6[%swap3A, %swap3A_33], %mul3A_32 {strides = array<i32>} : memref<10240x64xf32, #tpu.memory_space<vmem>>, vector<10240x64xf32>,
    return
  }
}

module attributes {stable_mosaic.version = 14 : i64} {
  func.func @body(%arg0: memref<2x10240x64xf32, #tpu.memory_space<vmem>>, %arg1: memref<10240x64xf32, #tpu.memory_space<vmem>>, %arg2: memref<10240x1xf32, #tpu.memory_space<vmem>>, %arg3: memref<1x64xf32, #tpu.memory_space<vmem>>, %arg4: memref<64x32xf32, #tpu.memory_space<vmem>>, %arg5: memref<10240x32xf32, #tpu.memory_space<vmem>>) attributes {dimension_semantics = [], scalar_prefetch = 0 : i64, scratch_operands = 0 : i64, tpu.core_type = #tpu.core_type<tc>} {
    %get3A = arith.constant 0 : index
    %get3A_0 = arith.constant 0 : index
    %get3A_1 = vector.load %arg2[%get3A, %get3A_0] : memref<10240x1xf32, #tpu.memory_space<vmem>>, vector<10240x1xf32>
    %get3A_2 = arith.constant 0 : index
    %get3A_3 = arith.constant 0 : index
    %get3A_4 = arith.constant 0 : index
    %get3A_5 = vector.load %arg0[%get3A_2, %get3A_3, %get3A_4] : memref<2x10240x64xf32, #tpu.memory_space<vmem>>, vector<1x10240x64xf32>
    %get3A_6 = vector.shape_cast %get3A_5 : vector<1x10240x64xf32> to vector<10240x64xf32>
    %get3A_7 = arith.constant 1 : index
    %get3A_8 = arith.constant 0 : index
    %get3A_9 = arith.constant 0 : index
    %get3A_10 = vector.load %arg0[%get3A_7, %get3A_8, %get3A_9] : memref<2x10240x64xf32, #tpu.memory_space<vmem>>, vector<1x10240x64xf32>
    %get3A_11 = vector.shape_cast %get3A_10 : vector<1x10240x64xf32> to vector<10240x64xf32>
    %add3A = arith.addf %get3A_6, %get3A_11 : vector<10240x64xf32>
    %get3A_12 = arith.constant 0 : index
    %get3A_13 = arith.constant 0 : index
    %get3A_14 = vector.load %arg1[%get3A_12, %get3A_13] : memref<10240x64xf32, #tpu.memory_space<vmem>>, vector<10240x64xf32>
    %add3A_15 = arith.addf %add3A, %get3A_14 : vector<10240x64xf32>
    %mul3A = vector.broadcast %get3A_1 : vector<10240x1xf32> to vector<10240x64xf32>
    %mul3A_16 = arith.mulf %mul3A, %add3A_15 : vector<10240x64xf32>
    %get3A_17 = arith.constant 0 : index
    %get3A_18 = arith.constant 0 : index
    %get3A_19 = vector.load %arg3[%get3A_17, %get3A_18] : memref<1x64xf32, #tpu.memory_space<vmem>>, vector<1x64xf32>
    %add3A_20 = vector.broadcast %get3A_19 : vector<1x64xf32> to vector<10240x64xf32>
    %add3A_21 = arith.addf %mul3A_16, %add3A_20 : vector<10240x64xf32>
    %max3A = arith.constant 0.000000e+00 : f32
    %max3A_22 = vector.broadcast %max3A : f32 to vector<10240x64xf32>
    %max3A_23 = arith.maximumf %add3A_21, %max3A_22 : vector<10240x64xf32>
    %get3A_24 = arith.constant 0 : index
    %get3A_25 = arith.constant 0 : index
    %get3A_26 = vector.load %arg4[%get3A_24, %get3A_25] : memref<64x32xf32, #tpu.memory_space<vmem>>, vector<64x32xf32>
    %dot_general3A = arith.constant dense<0.000000e+00> : vector<10240x32xf32>
    %dot_general3A_27 = tpu.matmul %max3A_23, %get3A_26, %dot_general3A {dimension_numbers = #tpu.dot_dimension_numbers<[1], [0], [0], [1], [0, 0, 1, 1], [], []>, transpose_lhs_hint = false} : vector<10240x64xf32>, vector<64x32xf32>, vector<10240x32xf32> -> vector<10240x32xf32>
    %mul3A_28 = vector.broadcast %get3A_1 : vector<10240x1xf32> to vector<10240x32xf32>
    %mul3A_29 = arith.mulf %mul3A_28, %dot_general3A_27 : vector<10240x32xf32>
    %swap3A = arith.constant 0 : index
    %swap3A_30 = arith.constant 0 : index
    %swap3A_31 = vector.load %arg5[%swap3A, %swap3A_30] : memref<10240x32xf32, #tpu.memory_space<vmem>>, vector<10240x32xf32>
    tpu.vector_store %arg5[%swap3A, %swap3A_30], %mul3A_29 {strides = array<i32>} : memref<10240x32xf32, #tpu.memory_space<vmem>>, vector<10240x32xf32>,
    return
  }
}

module attributes {stable_mosaic.version = 14 : i64} {
  func.func @body(%arg0: memref<2x10240x32xf32, #tpu.memory_space<vmem>>, %arg1: memref<10240x32xf32, #tpu.memory_space<vmem>>, %arg2: memref<10240x1xf32, #tpu.memory_space<vmem>>, %arg3: memref<1x32xf32, #tpu.memory_space<vmem>>, %arg4: memref<32x16xf32, #tpu.memory_space<vmem>>, %arg5: memref<10240x16xf32, #tpu.memory_space<vmem>>) attributes {dimension_semantics = [], scalar_prefetch = 0 : i64, scratch_operands = 0 : i64, tpu.core_type = #tpu.core_type<tc>} {
    %get3A = arith.constant 0 : index
    %get3A_0 = arith.constant 0 : index
    %get3A_1 = vector.load %arg2[%get3A, %get3A_0] : memref<10240x1xf32, #tpu.memory_space<vmem>>, vector<10240x1xf32>
    %get3A_2 = arith.constant 0 : index
    %get3A_3 = arith.constant 0 : index
    %get3A_4 = arith.constant 0 : index
    %get3A_5 = vector.load %arg0[%get3A_2, %get3A_3, %get3A_4] : memref<2x10240x32xf32, #tpu.memory_space<vmem>>, vector<1x10240x32xf32>
    %get3A_6 = vector.shape_cast %get3A_5 : vector<1x10240x32xf32> to vector<10240x32xf32>
    %get3A_7 = arith.constant 1 : index
    %get3A_8 = arith.constant 0 : index
    %get3A_9 = arith.constant 0 : index
    %get3A_10 = vector.load %arg0[%get3A_7, %get3A_8, %get3A_9] : memref<2x10240x32xf32, #tpu.memory_space<vmem>>, vector<1x10240x32xf32>
    %get3A_11 = vector.shape_cast %get3A_10 : vector<1x10240x32xf32> to vector<10240x32xf32>
    %add3A = arith.addf %get3A_6, %get3A_11 : vector<10240x32xf32>
    %get3A_12 = arith.constant 0 : index
    %get3A_13 = arith.constant 0 : index
    %get3A_14 = vector.load %arg1[%get3A_12, %get3A_13] : memref<10240x32xf32, #tpu.memory_space<vmem>>, vector<10240x32xf32>
    %add3A_15 = arith.addf %add3A, %get3A_14 : vector<10240x32xf32>
    %mul3A = vector.broadcast %get3A_1 : vector<10240x1xf32> to vector<10240x32xf32>
    %mul3A_16 = arith.mulf %mul3A, %add3A_15 : vector<10240x32xf32>
    %get3A_17 = arith.constant 0 : index
    %get3A_18 = arith.constant 0 : index
    %get3A_19 = vector.load %arg3[%get3A_17, %get3A_18] : memref<1x32xf32, #tpu.memory_space<vmem>>, vector<1x32xf32>
    %add3A_20 = vector.broadcast %get3A_19 : vector<1x32xf32> to vector<10240x32xf32>
    %add3A_21 = arith.addf %mul3A_16, %add3A_20 : vector<10240x32xf32>
    %max3A = arith.constant 0.000000e+00 : f32
    %max3A_22 = vector.broadcast %max3A : f32 to vector<10240x32xf32>
    %max3A_23 = arith.maximumf %add3A_21, %max3A_22 : vector<10240x32xf32>
    %get3A_24 = arith.constant 0 : index
    %get3A_25 = arith.constant 0 : index
    %get3A_26 = vector.load %arg4[%get3A_24, %get3A_25] : memref<32x16xf32, #tpu.memory_space<vmem>>, vector<32x16xf32>
    %dot_general3A = arith.constant dense<0.000000e+00> : vector<10240x16xf32>
    %dot_general3A_27 = tpu.matmul %max3A_23, %get3A_26, %dot_general3A {dimension_numbers = #tpu.dot_dimension_numbers<[1], [0], [0], [1], [0, 0, 1, 1], [], []>, transpose_lhs_hint = false} : vector<10240x32xf32>, vector<32x16xf32>, vector<10240x16xf32> -> vector<10240x16xf32>
    %mul3A_28 = vector.broadcast %get3A_1 : vector<10240x1xf32> to vector<10240x16xf32>
    %mul3A_29 = arith.mulf %mul3A_28, %dot_general3A_27 : vector<10240x16xf32>
    %swap3A = arith.constant 0 : index
    %swap3A_30 = arith.constant 0 : index
    %swap3A_31 = vector.load %arg5[%swap3A, %swap3A_30] : memref<10240x16xf32, #tpu.memory_space<vmem>>, vector<10240x16xf32>
    tpu.vector_store %arg5[%swap3A, %swap3A_30], %mul3A_29 {strides = array<i32>} : memref<10240x16xf32, #tpu.memory_space<vmem>>, vector<10240x16xf32>,
    return
  }
}

module attributes {stable_mosaic.version = 14 : i64} {
  func.func @body(%arg0: memref<2x10240x16xf32, #tpu.memory_space<vmem>>, %arg1: memref<10240x16xf32, #tpu.memory_space<vmem>>, %arg2: memref<10240x1xf32, #tpu.memory_space<vmem>>, %arg3: memref<1x16xf32, #tpu.memory_space<vmem>>, %arg4: memref<16x16xf32, #tpu.memory_space<vmem>>, %arg5: memref<10240x16xf32, #tpu.memory_space<vmem>>) attributes {dimension_semantics = [], scalar_prefetch = 0 : i64, scratch_operands = 0 : i64, tpu.core_type = #tpu.core_type<tc>} {
    %get3A = arith.constant 0 : index
    %get3A_0 = arith.constant 0 : index
    %get3A_1 = vector.load %arg2[%get3A, %get3A_0] : memref<10240x1xf32, #tpu.memory_space<vmem>>, vector<10240x1xf32>
    %get3A_2 = arith.constant 0 : index
    %get3A_3 = arith.constant 0 : index
    %get3A_4 = arith.constant 0 : index
    %get3A_5 = vector.load %arg0[%get3A_2, %get3A_3, %get3A_4] : memref<2x10240x16xf32, #tpu.memory_space<vmem>>, vector<1x10240x16xf32>
    %get3A_6 = vector.shape_cast %get3A_5 : vector<1x10240x16xf32> to vector<10240x16xf32>
    %get3A_7 = arith.constant 1 : index
    %get3A_8 = arith.constant 0 : index
    %get3A_9 = arith.constant 0 : index
    %get3A_10 = vector.load %arg0[%get3A_7, %get3A_8, %get3A_9] : memref<2x10240x16xf32, #tpu.memory_space<vmem>>, vector<1x10240x16xf32>
    %get3A_11 = vector.shape_cast %get3A_10 : vector<1x10240x16xf32> to vector<10240x16xf32>
    %add3A = arith.addf %get3A_6, %get3A_11 : vector<10240x16xf32>
    %get3A_12 = arith.constant 0 : index
    %get3A_13 = arith.constant 0 : index
    %get3A_14 = vector.load %arg1[%get3A_12, %get3A_13] : memref<10240x16xf32, #tpu.memory_space<vmem>>, vector<10240x16xf32>
    %add3A_15 = arith.addf %add3A, %get3A_14 : vector<10240x16xf32>
    %mul3A = vector.broadcast %get3A_1 : vector<10240x1xf32> to vector<10240x16xf32>
    %mul3A_16 = arith.mulf %mul3A, %add3A_15 : vector<10240x16xf32>
    %get3A_17 = arith.constant 0 : index
    %get3A_18 = arith.constant 0 : index
    %get3A_19 = vector.load %arg3[%get3A_17, %get3A_18] : memref<1x16xf32, #tpu.memory_space<vmem>>, vector<1x16xf32>
    %add3A_20 = vector.broadcast %get3A_19 : vector<1x16xf32> to vector<10240x16xf32>
    %add3A_21 = arith.addf %mul3A_16, %add3A_20 : vector<10240x16xf32>
    %max3A = arith.constant 0.000000e+00 : f32
    %max3A_22 = vector.broadcast %max3A : f32 to vector<10240x16xf32>
    %max3A_23 = arith.maximumf %add3A_21, %max3A_22 : vector<10240x16xf32>
    %get3A_24 = arith.constant 0 : index
    %get3A_25 = arith.constant 0 : index
    %get3A_26 = vector.load %arg4[%get3A_24, %get3A_25] : memref<16x16xf32, #tpu.memory_space<vmem>>, vector<16x16xf32>
    %dot_general3A = arith.constant dense<0.000000e+00> : vector<10240x16xf32>
    %dot_general3A_27 = tpu.matmul %max3A_23, %get3A_26, %dot_general3A {dimension_numbers = #tpu.dot_dimension_numbers<[1], [0], [0], [1], [0, 0, 1, 1], [], []>, transpose_lhs_hint = false} : vector<10240x16xf32>, vector<16x16xf32>, vector<10240x16xf32> -> vector<10240x16xf32>
    %mul3A_28 = vector.broadcast %get3A_1 : vector<10240x1xf32> to vector<10240x16xf32>
    %mul3A_29 = arith.mulf %mul3A_28, %dot_general3A_27 : vector<10240x16xf32>
    %swap3A = arith.constant 0 : index
    %swap3A_30 = arith.constant 0 : index
    %swap3A_31 = vector.load %arg5[%swap3A, %swap3A_30] : memref<10240x16xf32, #tpu.memory_space<vmem>>, vector<10240x16xf32>
    tpu.vector_store %arg5[%swap3A, %swap3A_30], %mul3A_29 {strides = array<i32>} : memref<10240x16xf32, #tpu.memory_space<vmem>>, vector<10240x16xf32>,
    return
  }
}

module attributes {stable_mosaic.version = 14 : i64} {
  func.func @body(%arg0: memref<2x10240x16xf32, #tpu.memory_space<vmem>>, %arg1: memref<10240x16xf32, #tpu.memory_space<vmem>>, %arg2: memref<10240x1xf32, #tpu.memory_space<vmem>>, %arg3: memref<1x16xf32, #tpu.memory_space<vmem>>, %arg4: memref<10000x8xf32, #tpu.memory_space<vmem>>) attributes {dimension_semantics = [], scalar_prefetch = 0 : i64, scratch_operands = 0 : i64, tpu.core_type = #tpu.core_type<tc>} {
    %get3A = arith.constant 0 : index
    %get3A_0 = arith.constant 0 : index
    %get3A_1 = vector.load %arg2[%get3A, %get3A_0] : memref<10240x1xf32, #tpu.memory_space<vmem>>, vector<10000x1xf32>
    %get3A_2 = arith.constant 0 : index
    %get3A_3 = arith.constant 0 : index
    %get3A_4 = arith.constant 0 : index
    %get3A_5 = vector.load %arg0[%get3A_2, %get3A_3, %get3A_4] : memref<2x10240x16xf32, #tpu.memory_space<vmem>>, vector<1x10000x8xf32>
    %get3A_6 = vector.shape_cast %get3A_5 : vector<1x10000x8xf32> to vector<10000x8xf32>
    %get3A_7 = arith.constant 1 : index
    %get3A_8 = arith.constant 0 : index
    %get3A_9 = arith.constant 0 : index
    %get3A_10 = vector.load %arg0[%get3A_7, %get3A_8, %get3A_9] : memref<2x10240x16xf32, #tpu.memory_space<vmem>>, vector<1x10000x8xf32>
    %get3A_11 = vector.shape_cast %get3A_10 : vector<1x10000x8xf32> to vector<10000x8xf32>
    %add3A = arith.addf %get3A_6, %get3A_11 : vector<10000x8xf32>
    %get3A_12 = arith.constant 0 : index
    %get3A_13 = arith.constant 0 : index
    %get3A_14 = vector.load %arg1[%get3A_12, %get3A_13] : memref<10240x16xf32, #tpu.memory_space<vmem>>, vector<10000x8xf32>
    %add3A_15 = arith.addf %add3A, %get3A_14 : vector<10000x8xf32>
    %mul3A = vector.broadcast %get3A_1 : vector<10000x1xf32> to vector<10000x8xf32>
    %mul3A_16 = arith.mulf %mul3A, %add3A_15 : vector<10000x8xf32>
    %get3A_17 = arith.constant 0 : index
    %get3A_18 = arith.constant 0 : index
    %get3A_19 = vector.load %arg3[%get3A_17, %get3A_18] : memref<1x16xf32, #tpu.memory_space<vmem>>, vector<1x8xf32>
    %add3A_20 = vector.broadcast %get3A_19 : vector<1x8xf32> to vector<10000x8xf32>
    %add3A_21 = arith.addf %mul3A_16, %add3A_20 : vector<10000x8xf32>
    %max3A = arith.constant 0.000000e+00 : f32
    %max3A_22 = vector.broadcast %max3A : f32 to vector<10000x8xf32>
    %max3A_23 = arith.maximumf %add3A_21, %max3A_22 : vector<10000x8xf32>
    %swap3A = arith.constant 0 : index
    %swap3A_24 = arith.constant 0 : index
    %swap3A_25 = vector.load %arg4[%swap3A, %swap3A_24] : memref<10000x8xf32, #tpu.memory_space<vmem>>, vector<10000x8xf32>
    tpu.vector_store %arg4[%swap3A, %swap3A_24], %max3A_23 {strides = array<i32>} : memref<10000x8xf32, #tpu.memory_space<vmem>>, vector<10000x8xf32>,
    return
  }
}

</mosaic_0001>

<sc_bundles>
// kernel: kernel.15.cloned.1.call-start
scs
__scs_entry_jumppad:
0x0: {  	(pc) =	sbr.rel $0x88, $3  }
0x1: {  	(tag) =	ssettag $0x0;
	lr =	simm.s32 $0x1  }
0x2: {  	[smem:$0x3F95] =	sst lr;
	_ =	strace $0xD0000000  }
0x3: {  	_ = 	snop  }
0x4: {  	_ = 	snop  }
0x5: {  	_ = 	snop  }
0x6: {  	_ = 	snop  }
0x7: {  	_ = 	snop  }
__scs_overlays_trampoline_lowered:
0x8: {  	[smem:$0x3FA4] =	sst s0  }
0x9: {  	[smem:$0x3FA5] =	sst s1  }
0xa: {  	[smem:$0x3FA6] =	sst s2  }
0xb: {  	[smem:$0x3FA7] =	sst s3  }
0xc: {  	[smem:$0x3FA8] =	sst s4  }
0xd: {  	[smem:$0x3FA9] =	sst s5  }
0xe: {  	[smem:$0x3FAA] =	sst s6  }
0xf: {  	[smem:$0x3FAB] =	sst s7  }
0x10: {  	[smem:$0x3FAC] =	sst s8  }
0x11: {  	[smem:$0x3FAD] =	sst s9;
	s0 =	simm.s32 @!p0 $0x0  }
0x12: {  	s1 =	sld [smem:$0x3F93];
	s0 =	simm.s32 @p0 $0x1  }
0x13: {  	[smem:$0x3FAE] =	sst s0;
	s0 =	simm.s32 @!p1 $0x0  }
0x14: {  	s2 =	sld [smem:$0x3F92];
	s0 =	simm.s32 @p1 $0x1  }
0x15: {  	[smem:$0x3FAF] =	sst s0;
	s0 =	simm.s32 @!p2 $0x0  }
0x16: {  	s3 =	sld [smem:$0x3FDB];
	s0 =	simm.s32 @p2 $0x1  }
0x17: {  	s4 =	simm.s32 $0x1BF5;
	[smem:$0x3FB1] =	sst s0  }
0x18: {  	s0 =	sld [smem:$0x3F94];
	_ =	swait.ge [sflag:s4], $0x0  }
0x19: {  	s7 =	sld [smem:$0x3F95]  }
0x1a: {  	s8 =	sadd.s32 $0xFFFFE003, lr  }
0x1b: {  	s9 =	sadd.s32 $0xFFFFFEF7, lr;
	s5 =	simm.s32 $0xFFFFFFFF;
	p2 =	slt.u32 s8, $0xFFFFF086  }
0x1c: {  	p1 =	slt.u32 s9, $0xF7A;
	s5 =	simm.s32 @!p2 $0x0  }
0x1d: {  	s5 =	simm.s32 @p1 $0x1;
	p0 =	seq.s32 s7, s2  }
0x1e: {  	s7 =	smul.u32 @!p0 $0xF7A, s2;
	p2 =	seq.s32 @!p0 s5, $0x0  }
0x1f: {  	s9 =	smul.u32 $0xF7A, s1;
	s8 =	simm.s32 @!p0 $0x1BF5;
	p2 =	por !p2, p0  }
0x20: {  	[sflag:s8] =	ssyncset.s32 @!p0 $0xFFFFF086;
	s6 =	sadd.s32 @!p0 s3, s7;
	s7 =	simm.s32 @!p0 $0x108  }
0x21: {  	s3 =	sadd.s32 s3, s9;
	s6 =	sadd.s32 @!p0 $0x88, s6;
	s7 =	simm.s32 @p2 $0x1082  }
0x22: {  	[simem:s7], [sflag:s8] =	dma.local @!p0 [hbm:s6], $0xF7A  }
0x23: {  	s9 =	sor.u32 $0xD0000000, s2;
	s6 =	simm.s32 $0x108;
	_ =	swait.ge @!p0 [sflag:s8], $0x0  }
0x24: {  	s3 =	sadd.s32 $0x88, s3;
	s6 =	simm.s32 @!p1 $0x1082;
	[sflag:s4] =	ssyncset.s32 $0xFFFFF086  }
0x25: {  	[simem:s6], [sflag:s4] =	dma.local [hbm:s3], $0xF7A  }
0x26: {  	[smem:$0x3F95] =	sst s1;
	(tag) =	ssettag s2;
	_ =	strace s9  }
0x27: {  	s1 =	sld [smem:$0x3FA5]  }
0x28: {  	s2 =	sld [smem:$0x3FA6]  }
0x29: {  	s4 =	sld [smem:$0x3FA8]  }
0x2a: {  	p0 =	seq.s32 s5, $0x0;
	s5 =	sld [smem:$0x3FA9]  }
0x2b: {  	s6 =	sld [smem:$0x3FAA]  }
0x2c: {  	s7 =	sld [smem:$0x3FAB]  }
0x2d: {  	s3 =	simm.s32 $0x108;
	s8 =	sld [smem:$0x3FAC]  }
0x2e: {  	s3 =	simm.s32 @!p0 $0x1082;
	s9 =	sld [smem:$0x3FAD]  }
0x2f: {  	lr =	sadd.s32 s0, s3;
	s0 =	sld [smem:$0x3FA4]  }
0x30: {  	s3 =	sld [smem:$0x3FA7]  }
0x31: {  	[smem:$0x3FB0] =	sst s10  }
0x32: {  	s10 =	sld [smem:$0x3FAE];
	_ =	sdelay $0x3  }
0x33: {  	p0 =	seq.s32 s10, $0x1;
	s10 =	sld [smem:$0x3FB0];
	_ =	sdelay $0x3  }
0x34: {  	[smem:$0x3FB0] =	sst s10  }
0x35: {  	s10 =	sld [smem:$0x3FAF];
	_ =	sdelay $0x3  }
0x36: {  	p1 =	seq.s32 s10, $0x1;
	s10 =	sld [smem:$0x3FB0];
	_ =	sdelay $0x3  }
0x37: {  	[smem:$0x3FB0] =	sst s10  }
0x38: {  	s10 =	sld [smem:$0x3FB1]  }
0x39: {  	_ = 	snop;
	(pc) =	sbr.ind lr, $3  }
0x3a: {  	_ = 	snop  }
0x3b: {  	_ = 	snop  }
0x3c: {  	p2 =	seq.s32 s10, $0x1;
	s10 =	sld [smem:$0x3FB0]  }
0x3d: {  	_ =	shalt  }
0x3e: {  	_ =	shalt  }
0x3f: {  	_ =	shalt  }
0x40: {  	_ =	shalt  }
0x41: {  	_ =	shalt  }
0x42: {  	_ =	shalt  }
0x43: {  	_ =	shalt  }
0x44: {  	_ =	shalt  }
0x45: {  	_ =	shalt  }
0x46: {  	_ =	shalt  }
0x47: {  	_ =	shalt  }
0x48: {  	_ =	shalt  }
0x49: {  	_ =	shalt  }
0x4a: {  	_ =	shalt  }
0x4b: {  	_ =	shalt  }
0x4c: {  	_ =	shalt  }
0x4d: {  	_ =	shalt  }
0x4e: {  	_ =	shalt  }
0x4f: {  	_ =	shalt  }
0x50: {  	_ =	shalt  }
0x51: {  	_ =	shalt  }
0x52: {  	_ =	shalt  }
0x53: {  	_ =	shalt  }
0x54: {  	_ =	shalt  }
0x55: {  	_ =	shalt  }
0x56: {  	_ =	shalt  }
0x57: {  	_ =	shalt  }
0x58: {  	_ =	shalt  }
0x59: {  	_ =	shalt  }
0x5a: {  	_ =	shalt  }
0x5b: {  	_ =	shalt  }
0x5c: {  	_ =	shalt  }
0x5d: {  	_ =	shalt  }
0x5e: {  	_ =	shalt  }
0x5f: {  	_ =	shalt  }
0x60: {  	_ =	shalt  }
0x61: {  	_ =	shalt  }
0x62: {  	_ =	shalt  }
0x63: {  	_ =	shalt  }
0x64: {  	_ =	shalt  }
0x65: {  	_ =	shalt  }
0x66: {  	_ =	shalt  }
0x67: {  	_ =	shalt  }
0x68: {  	_ =	shalt  }
0x69: {  	_ =	shalt  }
0x6a: {  	_ =	shalt  }
0x6b: {  	_ =	shalt  }
0x6c: {  	_ =	shalt  }
0x6d: {  	_ =	shalt  }
0x6e: {  	_ =	shalt  }
0x6f: {  	_ =	shalt  }
0x70: {  	_ =	shalt  }
0x71: {  	_ =	shalt  }
0x72: {  	_ =	shalt  }
0x73: {  	_ =	shalt  }
0x74: {  	_ =	shalt  }
0x75: {  	_ =	shalt  }
0x76: {  	_ =	shalt  }
0x77: {  	_ =	shalt  }
0x78: {  	_ =	shalt  }
0x79: {  	_ =	shalt  }
0x7a: {  	_ =	shalt  }
0x7b: {  	_ =	shalt  }
0x7c: {  	_ =	shalt  }
0x7d: {  	_ =	shalt  }
0x7e: {  	_ =	shalt  }
0x7f: {  	_ =	shalt  }
0x80: {  	_ =	shalt  }
0x81: {  	_ =	shalt  }
0x82: {  	_ =	shalt  }
0x83: {  	_ =	shalt  }
0x84: {  	_ =	shalt  }
0x85: {  	_ =	shalt  }
0x86: {  	_ =	shalt  }
0x87: {  	_ =	shalt  }
.Lfunc_end0:
.L_simem_size_0:
called_computation_lowered:
.L_overlay_start_0:
0x88: {  	s2 =	sld [smem:$0x3FD9]  }
0x89: {  	s3 =	sld [smem:$0x3FFE];
	_ =	sdelay $0x1  }
0x8a: {  	s1 =	srdreg.scid  }
0x8b: {  	s0 =	sand.u32 $0x1, s1  }
0x8c: {  	s17 =	sshll.u32 s0, $0xA;
	s2 =	sadd.s32 s3, s2  }
0x8d: {  	s2 =	sadd.s32 s2, s17  }
0x8e: {  	[smem:$0x3FBC] =	sst s2  }
0x8f: {  	_ = 	snop  }
0x90: {  	s2 =	sld [smem:$0x3FD0];
	(tm) =	ssettm $0x1  }
0x91: {  	s18 =	sld [smem:$0x3FFB];
	_ =	sdelay $0x3  }
0x92: {  	_ =	strace s18  }
0x93: {  	s3 =	sld [smem:$0x3FFC];
	_ =	sdelay $0x3  }
0x94: {  	_ =	strace s3  }
0x95: {  	s3 =	sld [smem:$0x3FFD];
	_ =	sdelay $0x3  }
0x96: {  	_ =	strace s3  }
0x97: {  	_ =	strace $0x8FFFFFFF  }
0x98: {  	s19 =	sld [smem:$0x3FDB];
	_ =	sdelay $0x1  }
0x99: {  	s4 =	simm.s32 $_scs_section_size  }
0x9a: {  	s5 =	simm.s32 $_size__tile_overlayer_lowered;
	s6 =	simm.s32 $_tile_overlayer_lowered  }
0x9b: {  	s22 =	simm.s32 $0x1BFF;
	s21 =	sshll.u32 s6, $0x1;
	s3 =	sadd.s32 s4, s19  }
0x9c: {  	s7 =	simm.s32 $0x0;
	s20 =	sshll.u32 s5, $0x1;
	s5 =	sadd.s32 s21, s3  }
0x9d: {  	[timem:s7], [sflag:s22] =	dma.local [hbm:s5], s20  }
0x9e: {  	_ =	swait.ge [sflag:s22], s20  }
0x9f: {  	s4 =	ssub.s32 $0x0, s20;
	[sflag:s22] =	ssyncset.done $0x0  }
0xa0: {  	[sflag:s22] =	ssyncadd.s32 s4;
	_ =	sdelay $0x1  }
0xa1: {  	s23 =	simm.s32 $0x1B8B  }
0xa2: {  	_ =	swait.ge [sflag:s23], $0x1  }
0xa3: {  	[sflag:s23] =	ssyncset.done $0x0  }
0xa4: {  	s25 =	simm.s32 $0x1B8E;
	s24 =	sld [smem:$0x3FFE];
	[sflag:s23] =	ssyncadd.s32 $0xFFFFFFFF  }
0xa5: {  	s26 =	simm.s32 $execute0_lowered;
	[smem:$0x3FD2] =	sst s25  }
0xa6: {  	s5 =	sshll.u32 s26, $0x1;
	_ =	strace $0x80000046;
	[dreg:$0x1] =	wrdreg $0xFFFFFFFF  }
0xa7: {  	s28 =	simm.s32 $_size_execute0_lowered;
	s3 =	sadd.s32 s3, s5;
	[dreg:$0x0] =	wrdreg $0x0  }
0xa8: {  	s5 =	sshll.u32 s28, $0x1;
	[dreg:$0x2] =	wrdreg s3  }
0xa9: {  	[dreg:$0x3] =	wrdreg s5  }
0xaa: {  	[dreg:$0x4] =	wrdreg $0xC0  }
0xab: {  	_ =	task [dreg:s7], $0x5FFFF  }
0xac: {  	[dreg:$0x1] =	wrdreg $0xFFFFFFFF  }
0xad: {  	[dreg:$0x0] =	wrdreg $0x60  }
0xae: {  	[dreg:$0x2] =	wrdreg s24  }
0xaf: {  	[dreg:$0x3] =	wrdreg s2  }
0xb0: {  	[dreg:$0x4] =	wrdreg $0x2FD00  }
0xb1: {  	[dreg:$0x5] =	wrdreg $0x9  }
0xb2: {  	_ =	task.clear_ibuf [dreg:s7], $0x6FFFF;
	_ =	strace $0x90000046  }
0xb3: {  	s29 =	simm.s32 $0x9;
	_ =	strace $0x80000048  }
0xb4: {  	_ =	swait.ge [sflag:s29], $0x1  }
0xb5: {  	[sflag:s29] =	ssyncadd.s32 $0xFFFFFFFF  }
0xb6: {  	_ =	strace $0x90000048  }
0xb7: {  	_ =	sfence  }
0xb8: {  	s30 =	sld [smem:$0x0];
	_ =	sdelay $0x2  }
0xb9: {  	s31 =	sshll.u32 s1, $0xD;
	s1 =	sshrl.u32 s1, $0x2  }
0xba: {  	s3 =	sand.u32 $0x4000, s31;
	s1 =	sadd.s32 s1, s30  }
0xbb: {  	s0 =	sor.u32 s3, s0;
	s1 =	sshll.u32 s1, $0x11  }
0xbc: {  	s0 =	sor.u32 s1, s0  }
0xbd: {  	s0 =	sadd.s32 $0x8F2B, s0  }
0xbe: {  	[sflag:s0] =	ssyncadd.remote.s32 $0x1  }
0xbf: {  	_ =	sfence.sel $0xFFFF  }
0xc0: {  	[dreg:$0x0] =	wrdreg $0xFFFFFFFF;
	(pc) =	sbr.abs _section_cstart, $3  }
0xc1: {  	[dreg:$0x1] =	wrdreg $0xFFFFFFFF  }
0xc2: {  	_ =	task.clear_ibuf [dreg:s7], $0x2FFFF;
	_ =	strace $0x9FFFFFFF  }
0xc3: {  	(tm) =	ssettm $0x7FFFFFFF  }
tec
execute0_lowered:
.L_overlay_start_1:
0x0: {  	(tag) =	ssettag $0x1  }
0x1: {  	s6 =	rddreg [dreg:$0x0]  }
0x2: {  	s2 =	rddreg [dreg:$0x1]  }
0x3: {  	s0 =	srdreg.scid;
	s3 =	rddreg [dreg:$0x2]  }
0x4: {  	s4 =	simm.s32 $0x0;
	s13 =	simm.s32 $0x7D;
	s14 =	simm.s32 $0x1  }
0x5: {  	s15 =	simm.s32 $0x0;
	s5 =	sand.u32 $0x1, s0;
	s0 =	stileid.u32  }
0x6: {  	[smem:$0x7FF] =	sst s4;
	s1 =	sshll.u32 s5, $0x4;
	s8 =	smul.u32 $0x2800, s0  }
0x7: {  	s9 =	smul.u32 $0x28000, s5;
	s5 =	ssub.s32 $0x2, s5;
	s1 =	sor.u32 s0, s1  }
0x8: {  	s31 =	sshll.u32 s0, $0x6;
	s11 =	sshrl.u32 s5, $0x1;
	s7 =	smul.u32 $0x500, s1  }
0x9: {  	s1 =	rddreg [dreg:$0x3];
	_ =	strace $0x80000047;
	s10 =	sshrl.u32 s8, $0x3  }
0xa: {  	s9 =	sadd.s32 s8, s9;
	s11 =	ssub.s32 s5, s11;
	s12 =	sadd.s32 s8, s3  }
0xb: {  	s10 =	sadd.s32 s10, s6;
	s9 =	sshrl.u32 s9, $0x3;
	s8 =	smax.u32 s11, $0x1  }
0xc: {  	s11 =	sor.u32 $0x1C02, s31;
	s12 =	sshrl.u32 s12, $0x3;
	s7 =	sadd.s32 s7, s6  }
0xd: {  	s9 =	sadd.s32 s9, s6;
	s6 =	sadd.s32 $0xCE00, s10;
	s10 =	simm.s32 $0x2800  }
0xe: {  	s5 =	sadd.s32 $0x2E00, s7;
	s7 =	sadd.s32 $0x11E00, s9;
	s9 =	simm.s32 $0x2  }
.LBB2_1:
0xf: {  	[tilespmem:s4], [sflag:$0x2] =	stream.linear.gather [hbm4b:s5+s4], $0x2800, $0x38;
	[tilespmem:$0x57D0] =	vst v63  }
0x10: {  	_ =	swait.ge [sflag:s9], $0x2800  }
0x11: {  	[sflag:s9] =	ssyncset.done $0x0  }
0x12: {  	[sflag:s9] =	ssyncadd.s32 $0xFFFFD800  }
0x13: {  	[tilespmem:s10], [sflag:$0x2] =	stream.linear.gather [hbm4b:s2+s4], $0x7D0, $0x38;
	[tilespmem:$0x57D0] =	vst v63  }
0x14: {  	_ =	swait.ge [sflag:s9], $0x7D0  }
0x15: {  	[sflag:s9] =	ssyncset.done $0x0  }
0x16: {  	[sflag:s9] =	ssyncadd.s32 $0xFFFFF830  }
0x17: {  	[spmem:s12], [sflag:s11] =	dma.local [hbm:s6], $0x500  }
0x18: {  	_ =	swait.ge [sflag:s9], $0x500  }
0x19: {  	[sflag:s9] =	ssyncset.done $0x0  }
0x1a: {  	[sflag:s9] =	ssyncadd.s32 $0xFFFFFB00  }
0x1b: {  	s16 =	simm.s32 $0x0;
	[bflag:$0x0] =	sbarrier.arrive $0xFFFF  }
.LBB2_2:
0x1c: {  	p0 =	sne.s32 s16, $0x9E00  }
.Ltmp0:
0x1d: {  	_ = 	snop;
	(pc) =	sbr.rel @p0 .LBB2_2-.Ltmp0, $3  }
0x1e: {  	_ =	sdelay $0x1  }
0x1f: {  	s17 =	sshra.s32 s16, $0x2;
	s16 =	sadd.s32 $0x200, s16  }
0x20: {  	[spmem:s3] =	stream.indirect.scatter.add.f32 [tilespmem:s10], [sflag:$0x1], $0x10, s17, s13, $0xb8;
	[tilespmem:$0x57D0] =	vst v63  }
0x21: {  	_ =	swait.ge [sflag:s14], $0x7D0  }
0x22: {  	s16 =	simm.s32 $0x4F;
	[sflag:s14] =	ssyncset.done $0x0  }
.LBB2_4:
0x23: {  	p0 =	sne.s32 s16, $0x1;
	s16 =	sadd.s32 $0xFFFFFFFF, s16;
	[sflag:s14] =	ssyncadd.s32 $0xFFFFF830  }
.Ltmp1:
0x24: {  	(pc) =	sbr.rel @p0 .LBB2_4-.Ltmp1, $3  }
0x25: {  	_ =	sdelay $0x1  }
0x26: {  	_ =	swait.ge [sflag:s14], $0x7D0  }
0x27: {  	[sflag:s14] =	ssyncset.done $0x0  }
0x28: {  	s15 =	sadd.s32 $0x1, s15  }
0x29: {  	[sflag:s14] =	ssyncadd.s32 $0xFFFFF830;
	p0 =	sne.s32 s15, s8  }
.Ltmp2:
0x2a: {  	[bflag:$0x0] =	sbarrier.arrive $0xFFFF;
	(pc) =	sbr.rel @p0 .LBB2_1-.Ltmp2, $4  }
0x2b: {  	[hbm:s7], [sflag:s11] =	dma.local [spmem:s12], $0x500  }
0x2c: {  	_ =	swait.ge [sflag:s9], $0x500  }
0x2d: {  	[sflag:s9] =	ssyncset.done $0x0  }
0x2e: {  	[sflag:s9] =	ssyncadd.s32 $0xFFFFFB00  }
0x2f: {  	_ =	sfence.sel $0x180000  }
0x30: {  	[bflag:$0x0] =	sbarrier.arrive $0xFFFF  }
0x31: {  	p0 =	sne.s32 s0, $0x0;
	_ =	strace $0x90000047  }
0x32: {  	s0 =	sadd.s32 @!p0 $0x100000, s1;
	[bflag:$0x2] =	sbarrier.arrive $0xFFFF  }
0x33: {  	[sflag:s0] =	ssyncadd.tile.s32 @!p0 $0x1;
	_ =	shalt  }
.Lfunc_end2:
_tile_overlayer_lowered:
.L_overlay_start_2:
0x34: {  	(tag) =	ssettag $0x2  }
0x35: {  	s0 =	rddreg [dreg:$0x0];
	s2 =	stileid.u32  }
0x36: {  	s1 =	rddreg [dreg:$0x1];
	p0 =	sne.s32 s2, $0x0  }
0x37: {  	s3 =	rddreg [dreg:$0x2];
	[bflag:$0x3] =	sbarrier.arrive $0xFFFF;
	s2 =	simm.s32 @!p0 $0x1C02  }
0x38: {  	[timem:s3], [sflag:s2] =	dma.local @!p0 [hbm:s0], s1  }
0x39: {  	s0 =	simm.s32 @!p0 $0x2  }
0x3a: {  	_ =	swait.ge @!p0 [sflag:s0], s1  }
0x3b: {  	s1 =	ssub.s32 @!p0 $0x0, s1;
	[sflag:s0] =	ssyncset.done @!p0 $0x0  }
0x3c: {  	[sflag:s0] =	ssyncadd.s32 @!p0 s1  }
0x3d: {  	[bflag:$0x3] =	sbarrier.arrive $0xFFFF  }
0x3e: {  	_ =	shalt  }

// kernel: kernel.18.cloned.1.call-start
scs
__scs_entry_jumppad:
0x0: {  	(pc) =	sbr.rel $0x88, $3  }
0x1: {  	(tag) =	ssettag $0x0;
	lr =	simm.s32 $0x1  }
0x2: {  	[smem:$0x3F95] =	sst lr;
	_ =	strace $0xD0000000  }
0x3: {  	_ = 	snop  }
0x4: {  	_ = 	snop  }
0x5: {  	_ = 	snop  }
0x6: {  	_ = 	snop  }
0x7: {  	_ = 	snop  }
__scs_overlays_trampoline_lowered:
0x8: {  	[smem:$0x3FA4] =	sst s0  }
0x9: {  	[smem:$0x3FA5] =	sst s1  }
0xa: {  	[smem:$0x3FA6] =	sst s2  }
0xb: {  	[smem:$0x3FA7] =	sst s3  }
0xc: {  	[smem:$0x3FA8] =	sst s4  }
0xd: {  	[smem:$0x3FA9] =	sst s5  }
0xe: {  	[smem:$0x3FAA] =	sst s6  }
0xf: {  	[smem:$0x3FAB] =	sst s7  }
0x10: {  	[smem:$0x3FAC] =	sst s8  }
0x11: {  	[smem:$0x3FAD] =	sst s9;
	s0 =	simm.s32 @!p0 $0x0  }
0x12: {  	s1 =	sld [smem:$0x3F93];
	s0 =	simm.s32 @p0 $0x1  }
0x13: {  	[smem:$0x3FAE] =	sst s0;
	s0 =	simm.s32 @!p1 $0x0  }
0x14: {  	s2 =	sld [smem:$0x3F92];
	s0 =	simm.s32 @p1 $0x1  }
0x15: {  	[smem:$0x3FAF] =	sst s0;
	s0 =	simm.s32 @!p2 $0x0  }
0x16: {  	s3 =	sld [smem:$0x3FDB];
	s0 =	simm.s32 @p2 $0x1  }
0x17: {  	s4 =	simm.s32 $0x1BF5;
	[smem:$0x3FB1] =	sst s0  }
0x18: {  	s0 =	sld [smem:$0x3F94];
	_ =	swait.ge [sflag:s4], $0x0  }
0x19: {  	s7 =	sld [smem:$0x3F95]  }
0x1a: {  	s8 =	sadd.s32 $0xFFFFE003, lr  }
0x1b: {  	s9 =	sadd.s32 $0xFFFFFEF7, lr;
	s5 =	simm.s32 $0xFFFFFFFF;
	p2 =	slt.u32 s8, $0xFFFFF086  }
0x1c: {  	p1 =	slt.u32 s9, $0xF7A;
	s5 =	simm.s32 @!p2 $0x0  }
0x1d: {  	s5 =	simm.s32 @p1 $0x1;
	p0 =	seq.s32 s7, s2  }
0x1e: {  	s7 =	smul.u32 @!p0 $0xF7A, s2;
	p2 =	seq.s32 @!p0 s5, $0x0  }
0x1f: {  	s9 =	smul.u32 $0xF7A, s1;
	s8 =	simm.s32 @!p0 $0x1BF5;
	p2 =	por !p2, p0  }
0x20: {  	[sflag:s8] =	ssyncset.s32 @!p0 $0xFFFFF086;
	s6 =	sadd.s32 @!p0 s3, s7;
	s7 =	simm.s32 @!p0 $0x108  }
0x21: {  	s3 =	sadd.s32 s3, s9;
	s6 =	sadd.s32 @!p0 $0x88, s6;
	s7 =	simm.s32 @p2 $0x1082  }
0x22: {  	[simem:s7], [sflag:s8] =	dma.local @!p0 [hbm:s6], $0xF7A  }
0x23: {  	s9 =	sor.u32 $0xD0000000, s2;
	s6 =	simm.s32 $0x108;
	_ =	swait.ge @!p0 [sflag:s8], $0x0  }
0x24: {  	s3 =	sadd.s32 $0x88, s3;
	s6 =	simm.s32 @!p1 $0x1082;
	[sflag:s4] =	ssyncset.s32 $0xFFFFF086  }
0x25: {  	[simem:s6], [sflag:s4] =	dma.local [hbm:s3], $0xF7A  }
0x26: {  	[smem:$0x3F95] =	sst s1;
	(tag) =	ssettag s2;
	_ =	strace s9  }
0x27: {  	s1 =	sld [smem:$0x3FA5]  }
0x28: {  	s2 =	sld [smem:$0x3FA6]  }
0x29: {  	s4 =	sld [smem:$0x3FA8]  }
0x2a: {  	p0 =	seq.s32 s5, $0x0;
	s5 =	sld [smem:$0x3FA9]  }
0x2b: {  	s6 =	sld [smem:$0x3FAA]  }
0x2c: {  	s7 =	sld [smem:$0x3FAB]  }
0x2d: {  	s3 =	simm.s32 $0x108;
	s8 =	sld [smem:$0x3FAC]  }
0x2e: {  	s3 =	simm.s32 @!p0 $0x1082;
	s9 =	sld [smem:$0x3FAD]  }
0x2f: {  	lr =	sadd.s32 s0, s3;
	s0 =	sld [smem:$0x3FA4]  }
0x30: {  	s3 =	sld [smem:$0x3FA7]  }
0x31: {  	[smem:$0x3FB0] =	sst s10  }
0x32: {  	s10 =	sld [smem:$0x3FAE];
	_ =	sdelay $0x3  }
0x33: {  	p0 =	seq.s32 s10, $0x1;
	s10 =	sld [smem:$0x3FB0];
	_ =	sdelay $0x3  }
0x34: {  	[smem:$0x3FB0] =	sst s10  }
0x35: {  	s10 =	sld [smem:$0x3FAF];
	_ =	sdelay $0x3  }
0x36: {  	p1 =	seq.s32 s10, $0x1;
	s10 =	sld [smem:$0x3FB0];
	_ =	sdelay $0x3  }
0x37: {  	[smem:$0x3FB0] =	sst s10  }
0x38: {  	s10 =	sld [smem:$0x3FB1]  }
0x39: {  	_ = 	snop;
	(pc) =	sbr.ind lr, $3  }
0x3a: {  	_ = 	snop  }
0x3b: {  	_ = 	snop  }
0x3c: {  	p2 =	seq.s32 s10, $0x1;
	s10 =	sld [smem:$0x3FB0]  }
0x3d: {  	_ =	shalt  }
0x3e: {  	_ =	shalt  }
0x3f: {  	_ =	shalt  }
0x40: {  	_ =	shalt  }
0x41: {  	_ =	shalt  }
0x42: {  	_ =	shalt  }
0x43: {  	_ =	shalt  }
0x44: {  	_ =	shalt  }
0x45: {  	_ =	shalt  }
0x46: {  	_ =	shalt  }
0x47: {  	_ =	shalt  }
0x48: {  	_ =	shalt  }
0x49: {  	_ =	shalt  }
0x4a: {  	_ =	shalt  }
0x4b: {  	_ =	shalt  }
0x4c: {  	_ =	shalt  }
0x4d: {  	_ =	shalt  }
0x4e: {  	_ =	shalt  }
0x4f: {  	_ =	shalt  }
0x50: {  	_ =	shalt  }
0x51: {  	_ =	shalt  }
0x52: {  	_ =	shalt  }
0x53: {  	_ =	shalt  }
0x54: {  	_ =	shalt  }
0x55: {  	_ =	shalt  }
0x56: {  	_ =	shalt  }
0x57: {  	_ =	shalt  }
0x58: {  	_ =	shalt  }
0x59: {  	_ =	shalt  }
0x5a: {  	_ =	shalt  }
0x5b: {  	_ =	shalt  }
0x5c: {  	_ =	shalt  }
0x5d: {  	_ =	shalt  }
0x5e: {  	_ =	shalt  }
0x5f: {  	_ =	shalt  }
0x60: {  	_ =	shalt  }
0x61: {  	_ =	shalt  }
0x62: {  	_ =	shalt  }
0x63: {  	_ =	shalt  }
0x64: {  	_ =	shalt  }
0x65: {  	_ =	shalt  }
0x66: {  	_ =	shalt  }
0x67: {  	_ =	shalt  }
0x68: {  	_ =	shalt  }
0x69: {  	_ =	shalt  }
0x6a: {  	_ =	shalt  }
0x6b: {  	_ =	shalt  }
0x6c: {  	_ =	shalt  }
0x6d: {  	_ =	shalt  }
0x6e: {  	_ =	shalt  }
0x6f: {  	_ =	shalt  }
0x70: {  	_ =	shalt  }
0x71: {  	_ =	shalt  }
0x72: {  	_ =	shalt  }
0x73: {  	_ =	shalt  }
0x74: {  	_ =	shalt  }
0x75: {  	_ =	shalt  }
0x76: {  	_ =	shalt  }
0x77: {  	_ =	shalt  }
0x78: {  	_ =	shalt  }
0x79: {  	_ =	shalt  }
0x7a: {  	_ =	shalt  }
0x7b: {  	_ =	shalt  }
0x7c: {  	_ =	shalt  }
0x7d: {  	_ =	shalt  }
0x7e: {  	_ =	shalt  }
0x7f: {  	_ =	shalt  }
0x80: {  	_ =	shalt  }
0x81: {  	_ =	shalt  }
0x82: {  	_ =	shalt  }
0x83: {  	_ =	shalt  }
0x84: {  	_ =	shalt  }
0x85: {  	_ =	shalt  }
0x86: {  	_ =	shalt  }
0x87: {  	_ =	shalt  }
.Lfunc_end0:
.L_simem_size_0:
called_computation.1_lowered:
.L_overlay_start_0:
0x88: {  	s2 =	sld [smem:$0x3FD9]  }
0x89: {  	s3 =	sld [smem:$0x3FFE];
	_ =	sdelay $0x1  }
0x8a: {  	s1 =	srdreg.scid  }
0x8b: {  	s0 =	sand.u32 $0x1, s1  }
0x8c: {  	s16 =	sshll.u32 s0, $0xA;
	s2 =	sadd.s32 s3, s2  }
0x8d: {  	s2 =	sadd.s32 s2, s16  }
0x8e: {  	[smem:$0x3FBC] =	sst s2  }
0x8f: {  	_ = 	snop  }
0x90: {  	(tm) =	ssettm $0x1  }
0x91: {  	s17 =	sld [smem:$0x3FFB];
	_ =	sdelay $0x3  }
0x92: {  	_ =	strace s17  }
0x93: {  	s2 =	sld [smem:$0x3FFC];
	_ =	sdelay $0x3  }
0x94: {  	_ =	strace s2  }
0x95: {  	s2 =	sld [smem:$0x3FFD];
	_ =	sdelay $0x3  }
0x96: {  	_ =	strace s2  }
0x97: {  	_ =	strace $0x8FFFFFFF  }
0x98: {  	s18 =	sld [smem:$0x3FDB];
	_ =	sdelay $0x1  }
0x99: {  	s19 =	simm.s32 $_scs_section_size  }
0x9a: {  	s4 =	simm.s32 $_size__tile_overlayer_lowered;
	s5 =	simm.s32 $_tile_overlayer_lowered  }
0x9b: {  	s22 =	simm.s32 $0x1BFF;
	s21 =	sshll.u32 s5, $0x1;
	s2 =	sadd.s32 s19, s18  }
0x9c: {  	s6 =	simm.s32 $0x0;
	s20 =	sshll.u32 s4, $0x1;
	s4 =	sadd.s32 s21, s2  }
0x9d: {  	[timem:s6], [sflag:s22] =	dma.local [hbm:s4], s20  }
0x9e: {  	_ =	swait.ge [sflag:s22], s20  }
0x9f: {  	s3 =	ssub.s32 $0x0, s20;
	[sflag:s22] =	ssyncset.done $0x0  }
0xa0: {  	[sflag:s22] =	ssyncadd.s32 s3;
	_ =	sdelay $0x1  }
0xa1: {  	s23 =	simm.s32 $0x1B8B  }
0xa2: {  	_ =	swait.ge [sflag:s23], $0x1  }
0xa3: {  	[sflag:s23] =	ssyncset.done $0x0  }
0xa4: {  	s25 =	simm.s32 $0x1B8E;
	s24 =	sld [smem:$0x3FFE];
	[sflag:s23] =	ssyncadd.s32 $0xFFFFFFFF  }
0xa5: {  	s26 =	simm.s32 $execute0_lowered;
	[smem:$0x3FD2] =	sst s25  }
0xa6: {  	s4 =	sshll.u32 s26, $0x1;
	_ =	strace $0x80000049;
	[dreg:$0x1] =	wrdreg $0xFFFFFFFF  }
0xa7: {  	s28 =	simm.s32 $_size_execute0_lowered;
	s2 =	sadd.s32 s2, s4;
	[dreg:$0x0] =	wrdreg $0x0  }
0xa8: {  	s4 =	sshll.u32 s28, $0x1;
	[dreg:$0x2] =	wrdreg s2  }
0xa9: {  	[dreg:$0x3] =	wrdreg s4  }
0xaa: {  	[dreg:$0x4] =	wrdreg $0xC0  }
0xab: {  	_ =	task [dreg:s6], $0x5FFFF  }
0xac: {  	[dreg:$0x1] =	wrdreg $0xFFFFFFFF  }
0xad: {  	[dreg:$0x0] =	wrdreg $0x60  }
0xae: {  	[dreg:$0x2] =	wrdreg s24  }
0xaf: {  	[dreg:$0x3] =	wrdreg $0x12E800  }
0xb0: {  	[dreg:$0x4] =	wrdreg $0x8E800  }
0xb1: {  	[dreg:$0x5] =	wrdreg $0x9  }
0xb2: {  	_ =	task.clear_ibuf [dreg:s6], $0x6FFFF;
	_ =	strace $0x90000049  }
0xb3: {  	s29 =	simm.s32 $0x9;
	_ =	strace $0x8000004B  }
0xb4: {  	_ =	swait.ge [sflag:s29], $0x1  }
0xb5: {  	[sflag:s29] =	ssyncadd.s32 $0xFFFFFFFF  }
0xb6: {  	_ =	strace $0x9000004B  }
0xb7: {  	_ =	sfence  }
0xb8: {  	s30 =	sld [smem:$0x0];
	_ =	sdelay $0x2  }
0xb9: {  	s31 =	sshll.u32 s1, $0xD;
	s1 =	sshrl.u32 s1, $0x2  }
0xba: {  	s3 =	sand.u32 $0x4000, s31;
	s1 =	sadd.s32 s1, s30  }
0xbb: {  	s0 =	sor.u32 s3, s0;
	s1 =	sshll.u32 s1, $0x11  }
0xbc: {  	s0 =	sor.u32 s1, s0  }
0xbd: {  	s0 =	sadd.s32 $0x8F2B, s0  }
0xbe: {  	[sflag:s0] =	ssyncadd.remote.s32 $0x1  }
0xbf: {  	_ =	sfence.sel $0xFFFF  }
0xc0: {  	[dreg:$0x0] =	wrdreg $0xFFFFFFFF;
	(pc) =	sbr.abs _section_cstart, $3  }
0xc1: {  	[dreg:$0x1] =	wrdreg $0xFFFFFFFF  }
0xc2: {  	_ =	task.clear_ibuf [dreg:s6], $0x2FFFF;
	_ =	strace $0x9FFFFFFF  }
0xc3: {  	(tm) =	ssettm $0x7FFFFFFF  }
tec
execute0_lowered:
.L_overlay_start_1:
0x0: {  	(tag) =	ssettag $0x1  }
0x1: {  	s5 =	rddreg [dreg:$0x0]  }
0x2: {  	s2 =	rddreg [dreg:$0x1]  }
0x3: {  	s3 =	rddreg [dreg:$0x2]  }
0x4: {  	s0 =	rddreg [dreg:$0x3];
	s4 =	simm.s32 $0x0;
	s1 =	stileid.u32  }
0x5: {  	s6 =	srdreg.scid;
	s18 =	simm.s32 $0x7D;
	s19 =	simm.s32 $0x5000  }
0x6: {  	s20 =	simm.s32 $0x80;
	s21 =	simm.s32 $0x6F40;
	s22 =	simm.s32 $0x1  }
0x7: {  	s23 =	simm.s32 $0x2;
	s24 =	simm.s32 $0x3;
	s25 =	simm.s32 $0x4F00  }
0x8: {  	s28 =	simm.s32 $0x0;
	[smem:$0x7FF] =	sst s4;
	s7 =	smul.u32 $0xA000, s1  }
0x9: {  	s6 =	sand.u32 $0x1, s6;
	s9 =	sadd.s32 $0x25E00, s5;
	s10 =	sadd.s32 $0x1BE00, s5  }
0xa: {  	s14 =	smul.u32 $0x5000, s1;
	s31 =	sshll.u32 s1, $0x6;
	_ =	strace $0x8000004A  }
0xb: {  	s8 =	smul.u32 $0xA0000, s6;
	s26 =	ssub.s32 $0x2, s6;
	p0 =	seq.s32 s6, $0x1  }
0xc: {  	s11 =	sshrl.u32 s7, $0x3;
	s13 =	sshrl.u32 s26, $0x1;
	s16 =	sadd.s32 s7, s2  }
0xd: {  	s17 =	sadd.s32 s7, s3;
	s29 =	sshrl.u32 s14, $0x3;
	s14 =	simm.s32 $0x2FE00  }
0xe: {  	s12 =	sadd.s32 s11, s5;
	s8 =	sadd.s32 s7, s8;
	s11 =	ssub.s32 s26, s13  }
0xf: {  	s6 =	sadd.s32 s9, s29;
	s30 =	sadd.s32 $0x500, s29;
	s7 =	sadd.s32 s10, s29  }
0x10: {  	s14 =	simm.s32 @!p0 $0x43E00;
	s13 =	sor.u32 $0x1C04, s31;
	s8 =	sshrl.u32 s8, $0x3  }
0x11: {  	s26 =	simm.s32 $0x4F80;
	s11 =	smax.u32 s11, $0x1;
	s15 =	sadd.s32 s8, s5  }
0x12: {  	s5 =	sadd.s32 $0x57E00, s12;
	s8 =	sadd.s32 s9, s30;
	s9 =	sadd.s32 s10, s30  }
0x13: {  	s12 =	sadd.s32 s14, s12;
	s14 =	sshrl.u32 s16, $0x3;
	s16 =	sshrl.u32 s17, $0x3  }
0x14: {  	s17 =	simm.s32 $0x2800;
	s10 =	sadd.s32 $0x6BE00, s15;
	s15 =	simm.s32 $0x4  }
.LBB2_1:
0x15: {  	[spmem:s14], [sflag:s13] =	dma.local [hbm:s12], $0x1400  }
0x16: {  	_ =	swait.ge [sflag:s15], $0x1400  }
0x17: {  	[sflag:s15] =	ssyncset.done $0x0  }
0x18: {  	[sflag:s15] =	ssyncadd.s32 $0xFFFFEC00  }
0x19: {  	[spmem:s16], [sflag:s13] =	dma.local [hbm:s5], $0x1400  }
0x1a: {  	_ =	swait.ge [sflag:s15], $0x1400  }
0x1b: {  	[sflag:s15] =	ssyncset.done $0x0  }
0x1c: {  	[sflag:s15] =	ssyncadd.s32 $0xFFFFEC00  }
0x1d: {  	[bflag:$0x0] =	sbarrier.arrive $0xFFFF  }
0x1e: {  	[tilespmem:s4], [sflag:$0x4] =	stream.linear.gather [hbm4b:s6+s4], $0x2800, $0x38;
	[tilespmem:$0x1CE80] =	vst v63  }
0x1f: {  	_ =	swait.ge [sflag:s15], $0x2800  }
0x20: {  	[sflag:s15] =	ssyncset.done $0x0  }
0x21: {  	[sflag:s15] =	ssyncadd.s32 $0xFFFFD800  }
0x22: {  	[tilespmem:s17], [sflag:$0x4] =	stream.linear.gather [hbm4b:s7+s4], $0x2800, $0x38;
	[tilespmem:$0x1CE80] =	vst v63  }
0x23: {  	_ =	swait.ge [sflag:s15], $0x2800  }
0x24: {  	[sflag:s15] =	ssyncset.done $0x0  }
0x25: {  	[sflag:s15] =	ssyncadd.s32 $0xFFFFD800  }
0x26: {  	[tilespmem:s19], [sflag:$0x1] =	stream.indirect.gather [spmem:s2], $0x40, s4, s18, $0xb8;
	[tilespmem:$0x1CE80] =	vst v63  }
0x27: {  	_ = 	snop  }
0x28: {  	[tilespmem:s21], [sflag:$0x2] =	stream.indirect.gather [spmem:s2], $0x40, s20, s18, $0xb8;
	[tilespmem:$0x1CE80] =	vst v63  }
0x29: {  	_ =	swait.ge [sflag:s22], $0x1F40  }
0x2a: {  	[sflag:s22] =	ssyncset.done $0x0  }
0x2b: {  	s29 =	simm.s32 $0x2800;
	[sflag:s22] =	ssyncadd.s32 $0xFFFFE0C0  }
0x2c: {  	[spmem:s3] =	stream.indirect.scatter.add.f32 [tilespmem:s19], [sflag:$0x3], $0x40, s29, s18, $0xb8;
	[tilespmem:$0x1CE80] =	vst v63  }
0x2d: {  	_ =	swait.ge [sflag:s23], $0x1F40  }
0x2e: {  	[sflag:s23] =	ssyncset.done $0x0  }
0x2f: {  	s29 =	simm.s32 $0x2880;
	[sflag:s23] =	ssyncadd.s32 $0xFFFFE0C0  }
0x30: {  	[spmem:s3] =	stream.indirect.scatter.add.f32 [tilespmem:s21], [sflag:$0x3], $0x40, s29, s18, $0xb8;
	[tilespmem:$0x1CE80] =	vst v63  }
0x31: {  	_ =	swait.ge [sflag:s24], $0x1F40  }
0x32: {  	[sflag:s24] =	ssyncset.done $0x0  }
0x33: {  	s29 =	simm.s32 $0x100;
	[sflag:s24] =	ssyncadd.s32 $0xFFFFE0C0  }
0x34: {  	[tilespmem:s19], [sflag:$0x1] =	stream.indirect.gather [spmem:s2], $0x40, s29, s18, $0xb8;
	[tilespmem:$0x1CE80] =	vst v63  }
0x35: {  	_ =	swait.ge [sflag:s24], $0x1F40  }
0x36: {  	[sflag:s24] =	ssyncset.done $0x0  }
0x37: {  	s30 =	simm.s32 $0x180;
	s29 =	simm.s32 $0x400;
	[sflag:s24] =	ssyncadd.s32 $0xFFFFE0C0  }
.LBB2_2:
0x38: {  	[tilespmem:s21], [sflag:$0x2] =	stream.indirect.gather [spmem:s2], $0x40, s30, s18, $0xb8;
	[tilespmem:$0x1CE80] =	vst v63  }
0x39: {  	s30 =	smov.u32 s29  }
0x3a: {  	p0 =	sne.s32 s29, $0x9800;
	s29 =	sadd.s32 $0x400, s29;
	_ =	swait.ge [sflag:s22], $0x1F40  }
0x3b: {  	s30 =	sshra.s32 s30, $0x2;
	[sflag:s22] =	ssyncset.done $0x0  }
0x3c: {  	s31 =	sadd.s32 $0x2800, s30;
	[sflag:s22] =	ssyncadd.s32 $0xFFFFE0C0  }
0x3d: {  	[spmem:s3] =	stream.indirect.scatter.add.f32 [tilespmem:s19], [sflag:$0x3], $0x40, s31, s18, $0xb8;
	[tilespmem:$0x1CE80] =	vst v63  }
0x3e: {  	_ =	swait.ge [sflag:s23], $0x1F40  }
0x3f: {  	[sflag:s23] =	ssyncset.done $0x0  }
0x40: {  	s31 =	sadd.s32 $0x2880, s30;
	[sflag:s23] =	ssyncadd.s32 $0xFFFFE0C0  }
0x41: {  	[spmem:s3] =	stream.indirect.scatter.add.f32 [tilespmem:s21], [sflag:$0x3], $0x40, s31, s18, $0xb8;
	[tilespmem:$0x1CE80] =	vst v63  }
0x42: {  	_ =	swait.ge [sflag:s24], $0x1F40  }
0x43: {  	[sflag:s24] =	ssyncset.done $0x0  }
.Ltmp0:
0x44: {  	s31 =	sadd.s32 $0x100, s30;
	[sflag:s24] =	ssyncadd.s32 $0xFFFFE0C0;
	(pc) =	sbr.rel @p0 .LBB2_2-.Ltmp0, $4  }
0x45: {  	[tilespmem:s19], [sflag:$0x1] =	stream.indirect.gather [spmem:s2], $0x40, s31, s18, $0xb8;
	[tilespmem:$0x1CE80] =	vst v63  }
0x46: {  	_ =	swait.ge [sflag:s24], $0x1F40  }
0x47: {  	[sflag:s24] =	ssyncset.done $0x0  }
0x48: {  	s30 =	sadd.s32 $0x180, s30;
	[sflag:s24] =	ssyncadd.s32 $0xFFFFE0C0  }
0x49: {  	[tilespmem:s21], [sflag:$0x2] =	stream.indirect.gather [spmem:s2], $0x40, s30, s18, $0xb8;
	[tilespmem:$0x1CE80] =	vst v63  }
0x4a: {  	_ =	swait.ge [sflag:s22], $0x1F40  }
0x4b: {  	[sflag:s22] =	ssyncset.done $0x0  }
0x4c: {  	[sflag:s22] =	ssyncadd.s32 $0xFFFFE0C0  }
0x4d: {  	[spmem:s3] =	stream.indirect.scatter.add.f32 [tilespmem:s19], [sflag:$0x3], $0x40, s25, s18, $0xb8;
	[tilespmem:$0x1CE80] =	vst v63  }
0x4e: {  	_ =	swait.ge [sflag:s23], $0x1F40  }
0x4f: {  	[sflag:s23] =	ssyncset.done $0x0  }
0x50: {  	[sflag:s23] =	ssyncadd.s32 $0xFFFFE0C0  }
0x51: {  	[spmem:s3] =	stream.indirect.scatter.add.f32 [tilespmem:s21], [sflag:$0x3], $0x40, s26, s18, $0xb8;
	[tilespmem:$0x1CE80] =	vst v63  }
0x52: {  	_ =	swait.ge [sflag:s24], $0x1F40  }
0x53: {  	[sflag:s24] =	ssyncset.done $0x0  }
0x54: {  	[sflag:s24] =	ssyncadd.s32 $0xFFFFE0C0  }
0x55: {  	_ =	swait.ge [sflag:s24], $0x1F40  }
0x56: {  	[sflag:s24] =	ssyncset.done $0x0  }
0x57: {  	s29 =	simm.s32 $0x0;
	[sflag:s24] =	ssyncadd.s32 $0xFFFFE0C0  }
0x58: {  	[tilespmem:s29], [sflag:$0x4] =	stream.linear.gather [hbm4b:s8+s29], $0x2800, $0x38;
	[tilespmem:$0x1CE80] =	vst v63  }
0x59: {  	_ =	swait.ge [sflag:s15], $0x2800  }
0x5a: {  	[sflag:s15] =	ssyncset.done $0x0  }
0x5b: {  	[sflag:s15] =	ssyncadd.s32 $0xFFFFD800  }
0x5c: {  	[tilespmem:s17], [sflag:$0x4] =	stream.linear.gather [hbm4b:s9+s29], $0x2800, $0x38;
	[tilespmem:$0x1CE80] =	vst v63  }
0x5d: {  	_ =	swait.ge [sflag:s15], $0x2800  }
0x5e: {  	[sflag:s15] =	ssyncset.done $0x0  }
0x5f: {  	[sflag:s15] =	ssyncadd.s32 $0xFFFFD800  }
0x60: {  	[tilespmem:s19], [sflag:$0x1] =	stream.indirect.gather [spmem:s2], $0x40, s29, s18, $0xb8;
	[tilespmem:$0x1CE80] =	vst v63  }
0x61: {  	_ = 	snop  }
0x62: {  	[tilespmem:s21], [sflag:$0x2] =	stream.indirect.gather [spmem:s2], $0x40, s20, s18, $0xb8;
	[tilespmem:$0x1CE80] =	vst v63  }
0x63: {  	_ =	swait.ge [sflag:s22], $0x1F40  }
0x64: {  	[sflag:s22] =	ssyncset.done $0x0  }
0x65: {  	s29 =	simm.s32 $0x2800;
	[sflag:s22] =	ssyncadd.s32 $0xFFFFE0C0  }
0x66: {  	[spmem:s3] =	stream.indirect.scatter.add.f32 [tilespmem:s19], [sflag:$0x3], $0x40, s29, s18, $0xb8;
	[tilespmem:$0x1CE80] =	vst v63  }
0x67: {  	_ =	swait.ge [sflag:s23], $0x1F40  }
0x68: {  	[sflag:s23] =	ssyncset.done $0x0  }
0x69: {  	s29 =	simm.s32 $0x2880;
	[sflag:s23] =	ssyncadd.s32 $0xFFFFE0C0  }
0x6a: {  	[spmem:s3] =	stream.indirect.scatter.add.f32 [tilespmem:s21], [sflag:$0x3], $0x40, s29, s18, $0xb8;
	[tilespmem:$0x1CE80] =	vst v63  }
0x6b: {  	_ =	swait.ge [sflag:s24], $0x1F40  }
0x6c: {  	[sflag:s24] =	ssyncset.done $0x0  }
0x6d: {  	s29 =	simm.s32 $0x100;
	[sflag:s24] =	ssyncadd.s32 $0xFFFFE0C0  }
0x6e: {  	[tilespmem:s19], [sflag:$0x1] =	stream.indirect.gather [spmem:s2], $0x40, s29, s18, $0xb8;
	[tilespmem:$0x1CE80] =	vst v63  }
0x6f: {  	_ =	swait.ge [sflag:s24], $0x1F40  }
0x70: {  	[sflag:s24] =	ssyncset.done $0x0  }
0x71: {  	s30 =	simm.s32 $0x180;
	s29 =	simm.s32 $0x400;
	[sflag:s24] =	ssyncadd.s32 $0xFFFFE0C0  }
.LBB2_4:
0x72: {  	[tilespmem:s21], [sflag:$0x2] =	stream.indirect.gather [spmem:s2], $0x40, s30, s18, $0xb8;
	[tilespmem:$0x1CE80] =	vst v63  }
0x73: {  	s30 =	smov.u32 s29  }
0x74: {  	p0 =	sne.s32 s29, $0x9800;
	s29 =	sadd.s32 $0x400, s29;
	_ =	swait.ge [sflag:s22], $0x1F40  }
0x75: {  	s30 =	sshra.s32 s30, $0x2;
	[sflag:s22] =	ssyncset.done $0x0  }
0x76: {  	s31 =	sadd.s32 $0x2800, s30;
	[sflag:s22] =	ssyncadd.s32 $0xFFFFE0C0  }
0x77: {  	[spmem:s3] =	stream.indirect.scatter.add.f32 [tilespmem:s19], [sflag:$0x3], $0x40, s31, s18, $0xb8;
	[tilespmem:$0x1CE80] =	vst v63  }
0x78: {  	_ =	swait.ge [sflag:s23], $0x1F40  }
0x79: {  	[sflag:s23] =	ssyncset.done $0x0  }
0x7a: {  	s31 =	sadd.s32 $0x2880, s30;
	[sflag:s23] =	ssyncadd.s32 $0xFFFFE0C0  }
0x7b: {  	[spmem:s3] =	stream.indirect.scatter.add.f32 [tilespmem:s21], [sflag:$0x3], $0x40, s31, s18, $0xb8;
	[tilespmem:$0x1CE80] =	vst v63  }
0x7c: {  	_ =	swait.ge [sflag:s24], $0x1F40  }
0x7d: {  	[sflag:s24] =	ssyncset.done $0x0  }
.Ltmp1:
0x7e: {  	s31 =	sadd.s32 $0x100, s30;
	[sflag:s24] =	ssyncadd.s32 $0xFFFFE0C0;
	(pc) =	sbr.rel @p0 .LBB2_4-.Ltmp1, $4  }
0x7f: {  	[tilespmem:s19], [sflag:$0x1] =	stream.indirect.gather [spmem:s2], $0x40, s31, s18, $0xb8;
	[tilespmem:$0x1CE80] =	vst v63  }
0x80: {  	_ =	swait.ge [sflag:s24], $0x1F40  }
0x81: {  	[sflag:s24] =	ssyncset.done $0x0  }
0x82: {  	s30 =	sadd.s32 $0x180, s30;
	[sflag:s24] =	ssyncadd.s32 $0xFFFFE0C0  }
0x83: {  	[tilespmem:s21], [sflag:$0x2] =	stream.indirect.gather [spmem:s2], $0x40, s30, s18, $0xb8;
	[tilespmem:$0x1CE80] =	vst v63  }
0x84: {  	_ =	swait.ge [sflag:s22], $0x1F40  }
0x85: {  	[sflag:s22] =	ssyncset.done $0x0  }
0x86: {  	[sflag:s22] =	ssyncadd.s32 $0xFFFFE0C0  }
0x87: {  	[spmem:s3] =	stream.indirect.scatter.add.f32 [tilespmem:s19], [sflag:$0x3], $0x40, s25, s18, $0xb8;
	[tilespmem:$0x1CE80] =	vst v63  }
0x88: {  	_ =	swait.ge [sflag:s23], $0x1F40  }
0x89: {  	[sflag:s23] =	ssyncset.done $0x0  }
0x8a: {  	[sflag:s23] =	ssyncadd.s32 $0xFFFFE0C0  }
0x8b: {  	[spmem:s3] =	stream.indirect.scatter.add.f32 [tilespmem:s21], [sflag:$0x3], $0x40, s26, s18, $0xb8;
	[tilespmem:$0x1CE80] =	vst v63  }
0x8c: {  	_ =	swait.ge [sflag:s24], $0x1F40  }
0x8d: {  	[sflag:s24] =	ssyncset.done $0x0  }
0x8e: {  	[sflag:s24] =	ssyncadd.s32 $0xFFFFE0C0  }
0x8f: {  	_ =	swait.ge [sflag:s24], $0x1F40  }
0x90: {  	s28 =	sadd.s32 $0x1, s28;
	[sflag:s24] =	ssyncset.done $0x0  }
0x91: {  	p0 =	sne.s32 s28, s11;
	[sflag:s24] =	ssyncadd.s32 $0xFFFFE0C0  }
.Ltmp2:
0x92: {  	[bflag:$0x0] =	sbarrier.arrive $0xFFFF;
	(pc) =	sbr.rel @p0 .LBB2_1-.Ltmp2, $4  }
0x93: {  	[hbm:s10], [sflag:s13] =	dma.local [spmem:s16], $0x1400  }
0x94: {  	_ =	swait.ge [sflag:s15], $0x1400  }
0x95: {  	[sflag:s15] =	ssyncset.done $0x0  }
0x96: {  	[sflag:s15] =	ssyncadd.s32 $0xFFFFEC00  }
0x97: {  	_ =	sfence.sel $0x180000  }
0x98: {  	[bflag:$0x0] =	sbarrier.arrive $0xFFFF  }
0x99: {  	p0 =	sne.s32 s1, $0x0;
	_ =	strace $0x9000004A  }
0x9a: {  	s0 =	sadd.s32 @!p0 $0x100000, s0;
	[bflag:$0x2] =	sbarrier.arrive $0xFFFF  }
0x9b: {  	[sflag:s0] =	ssyncadd.tile.s32 @!p0 $0x1;
	_ =	shalt  }
.Lfunc_end2:
_tile_overlayer_lowered:
.L_overlay_start_2:
0x9c: {  	(tag) =	ssettag $0x2  }
0x9d: {  	s0 =	rddreg [dreg:$0x0];
	s2 =	stileid.u32  }
0x9e: {  	s1 =	rddreg [dreg:$0x1];
	p0 =	sne.s32 s2, $0x0  }
0x9f: {  	s3 =	rddreg [dreg:$0x2];
	[bflag:$0x3] =	sbarrier.arrive $0xFFFF;
	s2 =	simm.s32 @!p0 $0x1C04  }
0xa0: {  	[timem:s3], [sflag:s2] =	dma.local @!p0 [hbm:s0], s1  }
0xa1: {  	s0 =	simm.s32 @!p0 $0x4  }
0xa2: {  	_ =	swait.ge @!p0 [sflag:s0], s1  }
0xa3: {  	s1 =	ssub.s32 @!p0 $0x0, s1;
	[sflag:s0] =	ssyncset.done @!p0 $0x0  }
0xa4: {  	[sflag:s0] =	ssyncadd.s32 @!p0 s1  }
0xa5: {  	[bflag:$0x3] =	sbarrier.arrive $0xFFFF  }
0xa6: {  	_ =	shalt  }

// kernel: kernel.21.cloned.1.call-start
scs
__scs_entry_jumppad:
0x0: {  	(pc) =	sbr.rel $0x88, $3  }
0x1: {  	(tag) =	ssettag $0x0;
	lr =	simm.s32 $0x1  }
0x2: {  	[smem:$0x3F95] =	sst lr;
	_ =	strace $0xD0000000  }
0x3: {  	_ = 	snop  }
0x4: {  	_ = 	snop  }
0x5: {  	_ = 	snop  }
0x6: {  	_ = 	snop  }
0x7: {  	_ = 	snop  }
__scs_overlays_trampoline_lowered:
0x8: {  	[smem:$0x3FA4] =	sst s0  }
0x9: {  	[smem:$0x3FA5] =	sst s1  }
0xa: {  	[smem:$0x3FA6] =	sst s2  }
0xb: {  	[smem:$0x3FA7] =	sst s3  }
0xc: {  	[smem:$0x3FA8] =	sst s4  }
0xd: {  	[smem:$0x3FA9] =	sst s5  }
0xe: {  	[smem:$0x3FAA] =	sst s6  }
0xf: {  	[smem:$0x3FAB] =	sst s7  }
0x10: {  	[smem:$0x3FAC] =	sst s8  }
0x11: {  	[smem:$0x3FAD] =	sst s9;
	s0 =	simm.s32 @!p0 $0x0  }
0x12: {  	s1 =	sld [smem:$0x3F93];
	s0 =	simm.s32 @p0 $0x1  }
0x13: {  	[smem:$0x3FAE] =	sst s0;
	s0 =	simm.s32 @!p1 $0x0  }
0x14: {  	s2 =	sld [smem:$0x3F92];
	s0 =	simm.s32 @p1 $0x1  }
0x15: {  	[smem:$0x3FAF] =	sst s0;
	s0 =	simm.s32 @!p2 $0x0  }
0x16: {  	s3 =	sld [smem:$0x3FDB];
	s0 =	simm.s32 @p2 $0x1  }
0x17: {  	s4 =	simm.s32 $0x1BF5;
	[smem:$0x3FB1] =	sst s0  }
0x18: {  	s0 =	sld [smem:$0x3F94];
	_ =	swait.ge [sflag:s4], $0x0  }
0x19: {  	s7 =	sld [smem:$0x3F95]  }
0x1a: {  	s8 =	sadd.s32 $0xFFFFE003, lr  }
0x1b: {  	s9 =	sadd.s32 $0xFFFFFEF7, lr;
	s5 =	simm.s32 $0xFFFFFFFF;
	p2 =	slt.u32 s8, $0xFFFFF086  }
0x1c: {  	p1 =	slt.u32 s9, $0xF7A;
	s5 =	simm.s32 @!p2 $0x0  }
0x1d: {  	s5 =	simm.s32 @p1 $0x1;
	p0 =	seq.s32 s7, s2  }
0x1e: {  	s7 =	smul.u32 @!p0 $0xF7A, s2;
	p2 =	seq.s32 @!p0 s5, $0x0  }
0x1f: {  	s9 =	smul.u32 $0xF7A, s1;
	s8 =	simm.s32 @!p0 $0x1BF5;
	p2 =	por !p2, p0  }
0x20: {  	[sflag:s8] =	ssyncset.s32 @!p0 $0xFFFFF086;
	s6 =	sadd.s32 @!p0 s3, s7;
	s7 =	simm.s32 @!p0 $0x108  }
0x21: {  	s3 =	sadd.s32 s3, s9;
	s6 =	sadd.s32 @!p0 $0x88, s6;
	s7 =	simm.s32 @p2 $0x1082  }
0x22: {  	[simem:s7], [sflag:s8] =	dma.local @!p0 [hbm:s6], $0xF7A  }
0x23: {  	s9 =	sor.u32 $0xD0000000, s2;
	s6 =	simm.s32 $0x108;
	_ =	swait.ge @!p0 [sflag:s8], $0x0  }
0x24: {  	s3 =	sadd.s32 $0x88, s3;
	s6 =	simm.s32 @!p1 $0x1082;
	[sflag:s4] =	ssyncset.s32 $0xFFFFF086  }
0x25: {  	[simem:s6], [sflag:s4] =	dma.local [hbm:s3], $0xF7A  }
0x26: {  	[smem:$0x3F95] =	sst s1;
	(tag) =	ssettag s2;
	_ =	strace s9  }
0x27: {  	s1 =	sld [smem:$0x3FA5]  }
0x28: {  	s2 =	sld [smem:$0x3FA6]  }
0x29: {  	s4 =	sld [smem:$0x3FA8]  }
0x2a: {  	p0 =	seq.s32 s5, $0x0;
	s5 =	sld [smem:$0x3FA9]  }
0x2b: {  	s6 =	sld [smem:$0x3FAA]  }
0x2c: {  	s7 =	sld [smem:$0x3FAB]  }
0x2d: {  	s3 =	simm.s32 $0x108;
	s8 =	sld [smem:$0x3FAC]  }
0x2e: {  	s3 =	simm.s32 @!p0 $0x1082;
	s9 =	sld [smem:$0x3FAD]  }
0x2f: {  	lr =	sadd.s32 s0, s3;
	s0 =	sld [smem:$0x3FA4]  }
0x30: {  	s3 =	sld [smem:$0x3FA7]  }
0x31: {  	[smem:$0x3FB0] =	sst s10  }
0x32: {  	s10 =	sld [smem:$0x3FAE];
	_ =	sdelay $0x3  }
0x33: {  	p0 =	seq.s32 s10, $0x1;
	s10 =	sld [smem:$0x3FB0];
	_ =	sdelay $0x3  }
0x34: {  	[smem:$0x3FB0] =	sst s10  }
0x35: {  	s10 =	sld [smem:$0x3FAF];
	_ =	sdelay $0x3  }
0x36: {  	p1 =	seq.s32 s10, $0x1;
	s10 =	sld [smem:$0x3FB0];
	_ =	sdelay $0x3  }
0x37: {  	[smem:$0x3FB0] =	sst s10  }
0x38: {  	s10 =	sld [smem:$0x3FB1]  }
0x39: {  	_ = 	snop;
	(pc) =	sbr.ind lr, $3  }
0x3a: {  	_ = 	snop  }
0x3b: {  	_ = 	snop  }
0x3c: {  	p2 =	seq.s32 s10, $0x1;
	s10 =	sld [smem:$0x3FB0]  }
0x3d: {  	_ =	shalt  }
0x3e: {  	_ =	shalt  }
0x3f: {  	_ =	shalt  }
0x40: {  	_ =	shalt  }
0x41: {  	_ =	shalt  }
0x42: {  	_ =	shalt  }
0x43: {  	_ =	shalt  }
0x44: {  	_ =	shalt  }
0x45: {  	_ =	shalt  }
0x46: {  	_ =	shalt  }
0x47: {  	_ =	shalt  }
0x48: {  	_ =	shalt  }
0x49: {  	_ =	shalt  }
0x4a: {  	_ =	shalt  }
0x4b: {  	_ =	shalt  }
0x4c: {  	_ =	shalt  }
0x4d: {  	_ =	shalt  }
0x4e: {  	_ =	shalt  }
0x4f: {  	_ =	shalt  }
0x50: {  	_ =	shalt  }
0x51: {  	_ =	shalt  }
0x52: {  	_ =	shalt  }
0x53: {  	_ =	shalt  }
0x54: {  	_ =	shalt  }
0x55: {  	_ =	shalt  }
0x56: {  	_ =	shalt  }
0x57: {  	_ =	shalt  }
0x58: {  	_ =	shalt  }
0x59: {  	_ =	shalt  }
0x5a: {  	_ =	shalt  }
0x5b: {  	_ =	shalt  }
0x5c: {  	_ =	shalt  }
0x5d: {  	_ =	shalt  }
0x5e: {  	_ =	shalt  }
0x5f: {  	_ =	shalt  }
0x60: {  	_ =	shalt  }
0x61: {  	_ =	shalt  }
0x62: {  	_ =	shalt  }
0x63: {  	_ =	shalt  }
0x64: {  	_ =	shalt  }
0x65: {  	_ =	shalt  }
0x66: {  	_ =	shalt  }
0x67: {  	_ =	shalt  }
0x68: {  	_ =	shalt  }
0x69: {  	_ =	shalt  }
0x6a: {  	_ =	shalt  }
0x6b: {  	_ =	shalt  }
0x6c: {  	_ =	shalt  }
0x6d: {  	_ =	shalt  }
0x6e: {  	_ =	shalt  }
0x6f: {  	_ =	shalt  }
0x70: {  	_ =	shalt  }
0x71: {  	_ =	shalt  }
0x72: {  	_ =	shalt  }
0x73: {  	_ =	shalt  }
0x74: {  	_ =	shalt  }
0x75: {  	_ =	shalt  }
0x76: {  	_ =	shalt  }
0x77: {  	_ =	shalt  }
0x78: {  	_ =	shalt  }
0x79: {  	_ =	shalt  }
0x7a: {  	_ =	shalt  }
0x7b: {  	_ =	shalt  }
0x7c: {  	_ =	shalt  }
0x7d: {  	_ =	shalt  }
0x7e: {  	_ =	shalt  }
0x7f: {  	_ =	shalt  }
0x80: {  	_ =	shalt  }
0x81: {  	_ =	shalt  }
0x82: {  	_ =	shalt  }
0x83: {  	_ =	shalt  }
0x84: {  	_ =	shalt  }
0x85: {  	_ =	shalt  }
0x86: {  	_ =	shalt  }
0x87: {  	_ =	shalt  }
.Lfunc_end0:
.L_simem_size_0:
called_computation.2_lowered:
.L_overlay_start_0:
0x88: {  	s2 =	sld [smem:$0x3FD9]  }
0x89: {  	s3 =	sld [smem:$0x3FFE];
	_ =	sdelay $0x1  }
0x8a: {  	s1 =	srdreg.scid  }
0x8b: {  	s0 =	sand.u32 $0x1, s1  }
0x8c: {  	s16 =	sshll.u32 s0, $0xA;
	s2 =	sadd.s32 s3, s2  }
0x8d: {  	s2 =	sadd.s32 s2, s16  }
0x8e: {  	[smem:$0x3FBC] =	sst s2  }
0x8f: {  	_ = 	snop  }
0x90: {  	(tm) =	ssettm $0x1  }
0x91: {  	s17 =	sld [smem:$0x3FFB];
	_ =	sdelay $0x3  }
0x92: {  	_ =	strace s17  }
0x93: {  	s2 =	sld [smem:$0x3FFC];
	_ =	sdelay $0x3  }
0x94: {  	_ =	strace s2  }
0x95: {  	s2 =	sld [smem:$0x3FFD];
	_ =	sdelay $0x3  }
0x96: {  	_ =	strace s2  }
0x97: {  	_ =	strace $0x8FFFFFFF  }
0x98: {  	s18 =	sld [smem:$0x3FDB];
	_ =	sdelay $0x1  }
0x99: {  	s19 =	simm.s32 $_scs_section_size  }
0x9a: {  	s4 =	simm.s32 $_size__tile_overlayer_lowered;
	s5 =	simm.s32 $_tile_overlayer_lowered  }
0x9b: {  	s22 =	simm.s32 $0x1BFF;
	s21 =	sshll.u32 s5, $0x1;
	s2 =	sadd.s32 s19, s18  }
0x9c: {  	s6 =	simm.s32 $0x0;
	s20 =	sshll.u32 s4, $0x1;
	s4 =	sadd.s32 s21, s2  }
0x9d: {  	[timem:s6], [sflag:s22] =	dma.local [hbm:s4], s20  }
0x9e: {  	_ =	swait.ge [sflag:s22], s20  }
0x9f: {  	s3 =	ssub.s32 $0x0, s20;
	[sflag:s22] =	ssyncset.done $0x0  }
0xa0: {  	[sflag:s22] =	ssyncadd.s32 s3;
	_ =	sdelay $0x1  }
0xa1: {  	s23 =	simm.s32 $0x1B8B  }
0xa2: {  	_ =	swait.ge [sflag:s23], $0x1  }
0xa3: {  	[sflag:s23] =	ssyncset.done $0x0  }
0xa4: {  	s25 =	simm.s32 $0x1B8E;
	s24 =	sld [smem:$0x3FFE];
	[sflag:s23] =	ssyncadd.s32 $0xFFFFFFFF  }
0xa5: {  	s26 =	simm.s32 $execute0_lowered;
	[smem:$0x3FD2] =	sst s25  }
0xa6: {  	s4 =	sshll.u32 s26, $0x1;
	_ =	strace $0x8000004C;
	[dreg:$0x1] =	wrdreg $0xFFFFFFFF  }
0xa7: {  	s28 =	simm.s32 $_size_execute0_lowered;
	s2 =	sadd.s32 s2, s4;
	[dreg:$0x0] =	wrdreg $0x0  }
0xa8: {  	s4 =	sshll.u32 s28, $0x1;
	[dreg:$0x2] =	wrdreg s2  }
0xa9: {  	[dreg:$0x3] =	wrdreg s4  }
0xaa: {  	[dreg:$0x4] =	wrdreg $0xC0  }
0xab: {  	_ =	task [dreg:s6], $0x5FFFF  }
0xac: {  	[dreg:$0x1] =	wrdreg $0xFFFFFFFF  }
0xad: {  	[dreg:$0x0] =	wrdreg $0x60  }
0xae: {  	[dreg:$0x2] =	wrdreg s24  }
0xaf: {  	[dreg:$0x3] =	wrdreg $0x12E800  }
0xb0: {  	[dreg:$0x4] =	wrdreg $0x8E800  }
0xb1: {  	[dreg:$0x5] =	wrdreg $0x9  }
0xb2: {  	_ =	task.clear_ibuf [dreg:s6], $0x6FFFF;
	_ =	strace $0x9000004C  }
0xb3: {  	s29 =	simm.s32 $0x9;
	_ =	strace $0x8000004E  }
0xb4: {  	_ =	swait.ge [sflag:s29], $0x1  }
0xb5: {  	[sflag:s29] =	ssyncadd.s32 $0xFFFFFFFF  }
0xb6: {  	_ =	strace $0x9000004E  }
0xb7: {  	_ =	sfence  }
0xb8: {  	s30 =	sld [smem:$0x0];
	_ =	sdelay $0x2  }
0xb9: {  	s31 =	sshll.u32 s1, $0xD;
	s1 =	sshrl.u32 s1, $0x2  }
0xba: {  	s3 =	sand.u32 $0x4000, s31;
	s1 =	sadd.s32 s1, s30  }
0xbb: {  	s0 =	sor.u32 s3, s0;
	s1 =	sshll.u32 s1, $0x11  }
0xbc: {  	s0 =	sor.u32 s1, s0  }
0xbd: {  	s0 =	sadd.s32 $0x8F2B, s0  }
0xbe: {  	[sflag:s0] =	ssyncadd.remote.s32 $0x1  }
0xbf: {  	_ =	sfence.sel $0xFFFF  }
0xc0: {  	[dreg:$0x0] =	wrdreg $0xFFFFFFFF;
	(pc) =	sbr.abs _section_cstart, $3  }
0xc1: {  	[dreg:$0x1] =	wrdreg $0xFFFFFFFF  }
0xc2: {  	_ =	task.clear_ibuf [dreg:s6], $0x2FFFF;
	_ =	strace $0x9FFFFFFF  }
0xc3: {  	(tm) =	ssettm $0x7FFFFFFF  }
tec
execute0_lowered:
.L_overlay_start_1:
0x0: {  	(tag) =	ssettag $0x1  }
0x1: {  	s6 =	rddreg [dreg:$0x0]  }
0x2: {  	s0 =	srdreg.scid;
	s2 =	rddreg [dreg:$0x1]  }
0x3: {  	s3 =	rddreg [dreg:$0x2];
	s4 =	simm.s32 $0x0;
	s12 =	simm.s32 $0x2800  }
0x4: {  	s16 =	simm.s32 $0x7D;
	s17 =	simm.s32 $0x5000;
	s18 =	simm.s32 $0x80  }
0x5: {  	s19 =	simm.s32 $0x6F40;
	s20 =	simm.s32 $0x1;
	s21 =	simm.s32 $0x2  }
0x6: {  	s22 =	simm.s32 $0x3;
	s23 =	simm.s32 $0x4F00;
	s24 =	simm.s32 $0x4F80  }
0x7: {  	s25 =	simm.s32 $0x0;
	s5 =	sand.u32 $0x1, s0;
	s0 =	stileid.u32  }
0x8: {  	[smem:$0x7FF] =	sst s4;
	s1 =	sshll.u32 s5, $0x4;
	s8 =	smul.u32 $0xA000, s0  }
0x9: {  	s9 =	smul.u32 $0xA0000, s5;
	s5 =	ssub.s32 $0x2, s5;
	s13 =	sshll.u32 s0, $0x6  }
0xa: {  	s1 =	sor.u32 s0, s1;
	s11 =	sshrl.u32 s5, $0x1;
	s13 =	sor.u32 $0x1C04, s13  }
0xb: {  	s7 =	smul.u32 $0x500, s1;
	s1 =	rddreg [dreg:$0x3];
	_ =	strace $0x8000004D  }
0xc: {  	s9 =	sadd.s32 s8, s9;
	s10 =	sshrl.u32 s8, $0x3;
	s11 =	ssub.s32 s5, s11  }
0xd: {  	s14 =	sadd.s32 s8, s2;
	s15 =	sadd.s32 s8, s3;
	s9 =	sshrl.u32 s9, $0x3  }
0xe: {  	s10 =	sadd.s32 s10, s6;
	s14 =	sshrl.u32 s14, $0x3;
	s15 =	sshrl.u32 s15, $0x3  }
0xf: {  	s7 =	sadd.s32 s7, s6;
	s9 =	sadd.s32 s9, s6;
	s8 =	sadd.s32 $0x57E00, s10  }
0x10: {  	s5 =	sadd.s32 $0x11E00, s7;
	s6 =	sadd.s32 $0x2E00, s7;
	s7 =	sadd.s32 $0x1BE00, s10  }
0x11: {  	s9 =	sadd.s32 $0x2FE00, s9;
	s10 =	smax.u32 s11, $0x1;
	s11 =	simm.s32 $0x4  }
.LBB2_1:
0x12: {  	[tilespmem:s4], [sflag:$0x4] =	stream.linear.gather [hbm4b:s5+s4], $0x2800, $0x38;
	[tilespmem:$0x1CE80] =	vst v63  }
0x13: {  	_ =	swait.ge [sflag:s11], $0x2800  }
0x14: {  	[sflag:s11] =	ssyncset.done $0x0  }
0x15: {  	[sflag:s11] =	ssyncadd.s32 $0xFFFFD800  }
0x16: {  	[tilespmem:s12], [sflag:$0x4] =	stream.linear.gather [hbm4b:s6+s4], $0x2800, $0x38;
	[tilespmem:$0x1CE80] =	vst v63  }
0x17: {  	_ =	swait.ge [sflag:s11], $0x2800  }
0x18: {  	[sflag:s11] =	ssyncset.done $0x0  }
0x19: {  	[sflag:s11] =	ssyncadd.s32 $0xFFFFD800  }
0x1a: {  	[spmem:s14], [sflag:s13] =	dma.local [hbm:s7], $0x1400  }
0x1b: {  	_ =	swait.ge [sflag:s11], $0x1400  }
0x1c: {  	[sflag:s11] =	ssyncset.done $0x0  }
0x1d: {  	[sflag:s11] =	ssyncadd.s32 $0xFFFFEC00  }
0x1e: {  	[spmem:s15], [sflag:s13] =	dma.local [hbm:s8], $0x1400  }
0x1f: {  	_ =	swait.ge [sflag:s11], $0x1400  }
0x20: {  	[sflag:s11] =	ssyncset.done $0x0  }
0x21: {  	[sflag:s11] =	ssyncadd.s32 $0xFFFFEC00  }
0x22: {  	[bflag:$0x0] =	sbarrier.arrive $0xFFFF  }
0x23: {  	[tilespmem:s17], [sflag:$0x1] =	stream.indirect.gather [spmem:s2], $0x40, s4, s16, $0xb8;
	[tilespmem:$0x1CE80] =	vst v63  }
0x24: {  	_ = 	snop  }
0x25: {  	[tilespmem:s19], [sflag:$0x2] =	stream.indirect.gather [spmem:s2], $0x40, s18, s16, $0xb8;
	[tilespmem:$0x1CE80] =	vst v63  }
0x26: {  	_ =	swait.ge [sflag:s20], $0x1F40  }
0x27: {  	[sflag:s20] =	ssyncset.done $0x0  }
0x28: {  	s26 =	simm.s32 $0x2800;
	[sflag:s20] =	ssyncadd.s32 $0xFFFFE0C0  }
0x29: {  	[spmem:s3] =	stream.indirect.scatter.add.f32 [tilespmem:s17], [sflag:$0x3], $0x40, s26, s16, $0xb8;
	[tilespmem:$0x1CE80] =	vst v63  }
0x2a: {  	_ =	swait.ge [sflag:s21], $0x1F40  }
0x2b: {  	[sflag:s21] =	ssyncset.done $0x0  }
0x2c: {  	s30 =	simm.s32 $0x2880;
	[sflag:s21] =	ssyncadd.s32 $0xFFFFE0C0  }
0x2d: {  	[spmem:s3] =	stream.indirect.scatter.add.f32 [tilespmem:s19], [sflag:$0x3], $0x40, s30, s16, $0xb8;
	[tilespmem:$0x1CE80] =	vst v63  }
0x2e: {  	_ =	swait.ge [sflag:s22], $0x1F40  }
0x2f: {  	[sflag:s22] =	ssyncset.done $0x0  }
0x30: {  	s31 =	simm.s32 $0x100;
	[sflag:s22] =	ssyncadd.s32 $0xFFFFE0C0  }
0x31: {  	[tilespmem:s17], [sflag:$0x1] =	stream.indirect.gather [spmem:s2], $0x40, s31, s16, $0xb8;
	[tilespmem:$0x1CE80] =	vst v63  }
0x32: {  	_ =	swait.ge [sflag:s22], $0x1F40  }
0x33: {  	[sflag:s22] =	ssyncset.done $0x0  }
0x34: {  	s28 =	simm.s32 $0x180;
	s26 =	simm.s32 $0x400;
	[sflag:s22] =	ssyncadd.s32 $0xFFFFE0C0  }
.LBB2_2:
0x35: {  	[tilespmem:s19], [sflag:$0x2] =	stream.indirect.gather [spmem:s2], $0x40, s28, s16, $0xb8;
	[tilespmem:$0x1CE80] =	vst v63  }
0x36: {  	s28 =	smov.u32 s26  }
0x37: {  	p0 =	sne.s32 s26, $0x9800;
	s26 =	sadd.s32 $0x400, s26;
	_ =	swait.ge [sflag:s20], $0x1F40  }
0x38: {  	s28 =	sshra.s32 s28, $0x2;
	[sflag:s20] =	ssyncset.done $0x0  }
0x39: {  	s29 =	sadd.s32 $0x2800, s28;
	[sflag:s20] =	ssyncadd.s32 $0xFFFFE0C0  }
0x3a: {  	[spmem:s3] =	stream.indirect.scatter.add.f32 [tilespmem:s17], [sflag:$0x3], $0x40, s29, s16, $0xb8;
	[tilespmem:$0x1CE80] =	vst v63  }
0x3b: {  	_ =	swait.ge [sflag:s21], $0x1F40  }
0x3c: {  	[sflag:s21] =	ssyncset.done $0x0  }
0x3d: {  	s29 =	sadd.s32 $0x2880, s28;
	[sflag:s21] =	ssyncadd.s32 $0xFFFFE0C0  }
0x3e: {  	[spmem:s3] =	stream.indirect.scatter.add.f32 [tilespmem:s19], [sflag:$0x3], $0x40, s29, s16, $0xb8;
	[tilespmem:$0x1CE80] =	vst v63  }
0x3f: {  	_ =	swait.ge [sflag:s22], $0x1F40  }
0x40: {  	[sflag:s22] =	ssyncset.done $0x0  }
.Ltmp0:
0x41: {  	s29 =	sadd.s32 $0x100, s28;
	[sflag:s22] =	ssyncadd.s32 $0xFFFFE0C0;
	(pc) =	sbr.rel @p0 .LBB2_2-.Ltmp0, $4  }
0x42: {  	[tilespmem:s17], [sflag:$0x1] =	stream.indirect.gather [spmem:s2], $0x40, s29, s16, $0xb8;
	[tilespmem:$0x1CE80] =	vst v63  }
0x43: {  	_ =	swait.ge [sflag:s22], $0x1F40  }
0x44: {  	[sflag:s22] =	ssyncset.done $0x0  }
0x45: {  	s28 =	sadd.s32 $0x180, s28;
	[sflag:s22] =	ssyncadd.s32 $0xFFFFE0C0  }
0x46: {  	[tilespmem:s19], [sflag:$0x2] =	stream.indirect.gather [spmem:s2], $0x40, s28, s16, $0xb8;
	[tilespmem:$0x1CE80] =	vst v63  }
0x47: {  	_ =	swait.ge [sflag:s20], $0x1F40  }
0x48: {  	[sflag:s20] =	ssyncset.done $0x0  }
0x49: {  	[sflag:s20] =	ssyncadd.s32 $0xFFFFE0C0  }
0x4a: {  	[spmem:s3] =	stream.indirect.scatter.add.f32 [tilespmem:s17], [sflag:$0x3], $0x40, s23, s16, $0xb8;
	[tilespmem:$0x1CE80] =	vst v63  }
0x4b: {  	_ =	swait.ge [sflag:s21], $0x1F40  }
0x4c: {  	[sflag:s21] =	ssyncset.done $0x0  }
0x4d: {  	[sflag:s21] =	ssyncadd.s32 $0xFFFFE0C0  }
0x4e: {  	[spmem:s3] =	stream.indirect.scatter.add.f32 [tilespmem:s19], [sflag:$0x3], $0x40, s24, s16, $0xb8;
	[tilespmem:$0x1CE80] =	vst v63  }
0x4f: {  	_ =	swait.ge [sflag:s22], $0x1F40  }
0x50: {  	[sflag:s22] =	ssyncset.done $0x0  }
0x51: {  	[sflag:s22] =	ssyncadd.s32 $0xFFFFE0C0  }
0x52: {  	_ =	swait.ge [sflag:s22], $0x1F40  }
0x53: {  	s25 =	sadd.s32 $0x1, s25;
	[sflag:s22] =	ssyncset.done $0x0  }
0x54: {  	p0 =	sne.s32 s25, s10;
	[sflag:s22] =	ssyncadd.s32 $0xFFFFE0C0  }
.Ltmp1:
0x55: {  	[bflag:$0x0] =	sbarrier.arrive $0xFFFF;
	(pc) =	sbr.rel @p0 .LBB2_1-.Ltmp1, $4  }
0x56: {  	[hbm:s9], [sflag:s13] =	dma.local [spmem:s15], $0x1400  }
0x57: {  	_ =	swait.ge [sflag:s11], $0x1400  }
0x58: {  	[sflag:s11] =	ssyncset.done $0x0  }
0x59: {  	[sflag:s11] =	ssyncadd.s32 $0xFFFFEC00  }
0x5a: {  	_ =	sfence.sel $0x180000  }
0x5b: {  	[bflag:$0x0] =	sbarrier.arrive $0xFFFF  }
0x5c: {  	p0 =	sne.s32 s0, $0x0;
	_ =	strace $0x9000004D  }
0x5d: {  	s0 =	sadd.s32 @!p0 $0x100000, s1;
	[bflag:$0x2] =	sbarrier.arrive $0xFFFF  }
0x5e: {  	[sflag:s0] =	ssyncadd.tile.s32 @!p0 $0x1;
	_ =	shalt  }
.Lfunc_end2:
_tile_overlayer_lowered:
.L_overlay_start_2:
0x5f: {  	(tag) =	ssettag $0x2  }
0x60: {  	s0 =	rddreg [dreg:$0x0];
	s2 =	stileid.u32  }
0x61: {  	s1 =	rddreg [dreg:$0x1];
	p0 =	sne.s32 s2, $0x0  }
0x62: {  	s3 =	rddreg [dreg:$0x2];
	[bflag:$0x3] =	sbarrier.arrive $0xFFFF;
	s2 =	simm.s32 @!p0 $0x1C04  }
0x63: {  	[timem:s3], [sflag:s2] =	dma.local @!p0 [hbm:s0], s1  }
0x64: {  	s0 =	simm.s32 @!p0 $0x4  }
0x65: {  	_ =	swait.ge @!p0 [sflag:s0], s1  }
0x66: {  	s1 =	ssub.s32 @!p0 $0x0, s1;
	[sflag:s0] =	ssyncset.done @!p0 $0x0  }
0x67: {  	[sflag:s0] =	ssyncadd.s32 @!p0 s1  }
0x68: {  	[bflag:$0x3] =	sbarrier.arrive $0xFFFF  }
0x69: {  	_ =	shalt  }

// kernel: kernel.24.cloned.1.call-start
scs
__scs_entry_jumppad:
0x0: {  	(pc) =	sbr.rel $0x88, $3  }
0x1: {  	(tag) =	ssettag $0x0;
	lr =	simm.s32 $0x1  }
0x2: {  	[smem:$0x3F95] =	sst lr;
	_ =	strace $0xD0000000  }
0x3: {  	_ = 	snop  }
0x4: {  	_ = 	snop  }
0x5: {  	_ = 	snop  }
0x6: {  	_ = 	snop  }
0x7: {  	_ = 	snop  }
__scs_overlays_trampoline_lowered:
0x8: {  	[smem:$0x3FA4] =	sst s0  }
0x9: {  	[smem:$0x3FA5] =	sst s1  }
0xa: {  	[smem:$0x3FA6] =	sst s2  }
0xb: {  	[smem:$0x3FA7] =	sst s3  }
0xc: {  	[smem:$0x3FA8] =	sst s4  }
0xd: {  	[smem:$0x3FA9] =	sst s5  }
0xe: {  	[smem:$0x3FAA] =	sst s6  }
0xf: {  	[smem:$0x3FAB] =	sst s7  }
0x10: {  	[smem:$0x3FAC] =	sst s8  }
0x11: {  	[smem:$0x3FAD] =	sst s9;
	s0 =	simm.s32 @!p0 $0x0  }
0x12: {  	s1 =	sld [smem:$0x3F93];
	s0 =	simm.s32 @p0 $0x1  }
0x13: {  	[smem:$0x3FAE] =	sst s0;
	s0 =	simm.s32 @!p1 $0x0  }
0x14: {  	s2 =	sld [smem:$0x3F92];
	s0 =	simm.s32 @p1 $0x1  }
0x15: {  	[smem:$0x3FAF] =	sst s0;
	s0 =	simm.s32 @!p2 $0x0  }
0x16: {  	s3 =	sld [smem:$0x3FDB];
	s0 =	simm.s32 @p2 $0x1  }
0x17: {  	s4 =	simm.s32 $0x1BF5;
	[smem:$0x3FB1] =	sst s0  }
0x18: {  	s0 =	sld [smem:$0x3F94];
	_ =	swait.ge [sflag:s4], $0x0  }
0x19: {  	s7 =	sld [smem:$0x3F95]  }
0x1a: {  	s8 =	sadd.s32 $0xFFFFE003, lr  }
0x1b: {  	s9 =	sadd.s32 $0xFFFFFEF7, lr;
	s5 =	simm.s32 $0xFFFFFFFF;
	p2 =	slt.u32 s8, $0xFFFFF086  }
0x1c: {  	p1 =	slt.u32 s9, $0xF7A;
	s5 =	simm.s32 @!p2 $0x0  }
0x1d: {  	s5 =	simm.s32 @p1 $0x1;
	p0 =	seq.s32 s7, s2  }
0x1e: {  	s7 =	smul.u32 @!p0 $0xF7A, s2;
	p2 =	seq.s32 @!p0 s5, $0x0  }
0x1f: {  	s9 =	smul.u32 $0xF7A, s1;
	s8 =	simm.s32 @!p0 $0x1BF5;
	p2 =	por !p2, p0  }
0x20: {  	[sflag:s8] =	ssyncset.s32 @!p0 $0xFFFFF086;
	s6 =	sadd.s32 @!p0 s3, s7;
	s7 =	simm.s32 @!p0 $0x108  }
0x21: {  	s3 =	sadd.s32 s3, s9;
	s6 =	sadd.s32 @!p0 $0x88, s6;
	s7 =	simm.s32 @p2 $0x1082  }
0x22: {  	[simem:s7], [sflag:s8] =	dma.local @!p0 [hbm:s6], $0xF7A  }
0x23: {  	s9 =	sor.u32 $0xD0000000, s2;
	s6 =	simm.s32 $0x108;
	_ =	swait.ge @!p0 [sflag:s8], $0x0  }
0x24: {  	s3 =	sadd.s32 $0x88, s3;
	s6 =	simm.s32 @!p1 $0x1082;
	[sflag:s4] =	ssyncset.s32 $0xFFFFF086  }
0x25: {  	[simem:s6], [sflag:s4] =	dma.local [hbm:s3], $0xF7A  }
0x26: {  	[smem:$0x3F95] =	sst s1;
	(tag) =	ssettag s2;
	_ =	strace s9  }
0x27: {  	s1 =	sld [smem:$0x3FA5]  }
0x28: {  	s2 =	sld [smem:$0x3FA6]  }
0x29: {  	s4 =	sld [smem:$0x3FA8]  }
0x2a: {  	p0 =	seq.s32 s5, $0x0;
	s5 =	sld [smem:$0x3FA9]  }
0x2b: {  	s6 =	sld [smem:$0x3FAA]  }
0x2c: {  	s7 =	sld [smem:$0x3FAB]  }
0x2d: {  	s3 =	simm.s32 $0x108;
	s8 =	sld [smem:$0x3FAC]  }
0x2e: {  	s3 =	simm.s32 @!p0 $0x1082;
	s9 =	sld [smem:$0x3FAD]  }
0x2f: {  	lr =	sadd.s32 s0, s3;
	s0 =	sld [smem:$0x3FA4]  }
0x30: {  	s3 =	sld [smem:$0x3FA7]  }
0x31: {  	[smem:$0x3FB0] =	sst s10  }
0x32: {  	s10 =	sld [smem:$0x3FAE];
	_ =	sdelay $0x3  }
0x33: {  	p0 =	seq.s32 s10, $0x1;
	s10 =	sld [smem:$0x3FB0];
	_ =	sdelay $0x3  }
0x34: {  	[smem:$0x3FB0] =	sst s10  }
0x35: {  	s10 =	sld [smem:$0x3FAF];
	_ =	sdelay $0x3  }
0x36: {  	p1 =	seq.s32 s10, $0x1;
	s10 =	sld [smem:$0x3FB0];
	_ =	sdelay $0x3  }
0x37: {  	[smem:$0x3FB0] =	sst s10  }
0x38: {  	s10 =	sld [smem:$0x3FB1]  }
0x39: {  	_ = 	snop;
	(pc) =	sbr.ind lr, $3  }
0x3a: {  	_ = 	snop  }
0x3b: {  	_ = 	snop  }
0x3c: {  	p2 =	seq.s32 s10, $0x1;
	s10 =	sld [smem:$0x3FB0]  }
0x3d: {  	_ =	shalt  }
0x3e: {  	_ =	shalt  }
0x3f: {  	_ =	shalt  }
0x40: {  	_ =	shalt  }
0x41: {  	_ =	shalt  }
0x42: {  	_ =	shalt  }
0x43: {  	_ =	shalt  }
0x44: {  	_ =	shalt  }
0x45: {  	_ =	shalt  }
0x46: {  	_ =	shalt  }
0x47: {  	_ =	shalt  }
0x48: {  	_ =	shalt  }
0x49: {  	_ =	shalt  }
0x4a: {  	_ =	shalt  }
0x4b: {  	_ =	shalt  }
0x4c: {  	_ =	shalt  }
0x4d: {  	_ =	shalt  }
0x4e: {  	_ =	shalt  }
0x4f: {  	_ =	shalt  }
0x50: {  	_ =	shalt  }
0x51: {  	_ =	shalt  }
0x52: {  	_ =	shalt  }
0x53: {  	_ =	shalt  }
0x54: {  	_ =	shalt  }
0x55: {  	_ =	shalt  }
0x56: {  	_ =	shalt  }
0x57: {  	_ =	shalt  }
0x58: {  	_ =	shalt  }
0x59: {  	_ =	shalt  }
0x5a: {  	_ =	shalt  }
0x5b: {  	_ =	shalt  }
0x5c: {  	_ =	shalt  }
0x5d: {  	_ =	shalt  }
0x5e: {  	_ =	shalt  }
0x5f: {  	_ =	shalt  }
0x60: {  	_ =	shalt  }
0x61: {  	_ =	shalt  }
0x62: {  	_ =	shalt  }
0x63: {  	_ =	shalt  }
0x64: {  	_ =	shalt  }
0x65: {  	_ =	shalt  }
0x66: {  	_ =	shalt  }
0x67: {  	_ =	shalt  }
0x68: {  	_ =	shalt  }
0x69: {  	_ =	shalt  }
0x6a: {  	_ =	shalt  }
0x6b: {  	_ =	shalt  }
0x6c: {  	_ =	shalt  }
0x6d: {  	_ =	shalt  }
0x6e: {  	_ =	shalt  }
0x6f: {  	_ =	shalt  }
0x70: {  	_ =	shalt  }
0x71: {  	_ =	shalt  }
0x72: {  	_ =	shalt  }
0x73: {  	_ =	shalt  }
0x74: {  	_ =	shalt  }
0x75: {  	_ =	shalt  }
0x76: {  	_ =	shalt  }
0x77: {  	_ =	shalt  }
0x78: {  	_ =	shalt  }
0x79: {  	_ =	shalt  }
0x7a: {  	_ =	shalt  }
0x7b: {  	_ =	shalt  }
0x7c: {  	_ =	shalt  }
0x7d: {  	_ =	shalt  }
0x7e: {  	_ =	shalt  }
0x7f: {  	_ =	shalt  }
0x80: {  	_ =	shalt  }
0x81: {  	_ =	shalt  }
0x82: {  	_ =	shalt  }
0x83: {  	_ =	shalt  }
0x84: {  	_ =	shalt  }
0x85: {  	_ =	shalt  }
0x86: {  	_ =	shalt  }
0x87: {  	_ =	shalt  }
.Lfunc_end0:
.L_simem_size_0:
called_computation.3_lowered:
.L_overlay_start_0:
0x88: {  	s2 =	sld [smem:$0x3FD9]  }
0x89: {  	s3 =	sld [smem:$0x3FFE];
	_ =	sdelay $0x1  }
0x8a: {  	s1 =	srdreg.scid  }
0x8b: {  	s0 =	sand.u32 $0x1, s1  }
0x8c: {  	s16 =	sshll.u32 s0, $0xA;
	s2 =	sadd.s32 s3, s2  }
0x8d: {  	s2 =	sadd.s32 s2, s16  }
0x8e: {  	[smem:$0x3FBC] =	sst s2  }
0x8f: {  	_ = 	snop  }
0x90: {  	(tm) =	ssettm $0x1  }
0x91: {  	s17 =	sld [smem:$0x3FFB];
	_ =	sdelay $0x3  }
0x92: {  	_ =	strace s17  }
0x93: {  	s2 =	sld [smem:$0x3FFC];
	_ =	sdelay $0x3  }
0x94: {  	_ =	strace s2  }
0x95: {  	s2 =	sld [smem:$0x3FFD];
	_ =	sdelay $0x3  }
0x96: {  	_ =	strace s2  }
0x97: {  	_ =	strace $0x8FFFFFFF  }
0x98: {  	s18 =	sld [smem:$0x3FDB];
	_ =	sdelay $0x1  }
0x99: {  	s19 =	simm.s32 $_scs_section_size  }
0x9a: {  	s4 =	simm.s32 $_size__tile_overlayer_lowered;
	s5 =	simm.s32 $_tile_overlayer_lowered  }
0x9b: {  	s22 =	simm.s32 $0x1BFF;
	s21 =	sshll.u32 s5, $0x1;
	s2 =	sadd.s32 s19, s18  }
0x9c: {  	s6 =	simm.s32 $0x0;
	s20 =	sshll.u32 s4, $0x1;
	s4 =	sadd.s32 s21, s2  }
0x9d: {  	[timem:s6], [sflag:s22] =	dma.local [hbm:s4], s20  }
0x9e: {  	_ =	swait.ge [sflag:s22], s20  }
0x9f: {  	s3 =	ssub.s32 $0x0, s20;
	[sflag:s22] =	ssyncset.done $0x0  }
0xa0: {  	[sflag:s22] =	ssyncadd.s32 s3;
	_ =	sdelay $0x1  }
0xa1: {  	s23 =	simm.s32 $0x1B8B  }
0xa2: {  	_ =	swait.ge [sflag:s23], $0x1  }
0xa3: {  	[sflag:s23] =	ssyncset.done $0x0  }
0xa4: {  	s25 =	simm.s32 $0x1B8E;
	s24 =	sld [smem:$0x3FFE];
	[sflag:s23] =	ssyncadd.s32 $0xFFFFFFFF  }
0xa5: {  	s26 =	simm.s32 $execute0_lowered;
	[smem:$0x3FD2] =	sst s25  }
0xa6: {  	s4 =	sshll.u32 s26, $0x1;
	_ =	strace $0x8000004F;
	[dreg:$0x1] =	wrdreg $0xFFFFFFFF  }
0xa7: {  	s28 =	simm.s32 $_size_execute0_lowered;
	s2 =	sadd.s32 s2, s4;
	[dreg:$0x0] =	wrdreg $0x0  }
0xa8: {  	s4 =	sshll.u32 s28, $0x1;
	[dreg:$0x2] =	wrdreg s2  }
0xa9: {  	[dreg:$0x3] =	wrdreg s4  }
0xaa: {  	[dreg:$0x4] =	wrdreg $0xC0  }
0xab: {  	_ =	task [dreg:s6], $0x5FFFF  }
0xac: {  	[dreg:$0x1] =	wrdreg $0xFFFFFFFF  }
0xad: {  	[dreg:$0x0] =	wrdreg $0x60  }
0xae: {  	[dreg:$0x2] =	wrdreg s24  }
0xaf: {  	[dreg:$0x3] =	wrdreg $0xDE800  }
0xb0: {  	[dreg:$0x4] =	wrdreg $0x8E800  }
0xb1: {  	[dreg:$0x5] =	wrdreg $0x9  }
0xb2: {  	_ =	task.clear_ibuf [dreg:s6], $0x6FFFF;
	_ =	strace $0x9000004F  }
0xb3: {  	s29 =	simm.s32 $0x9;
	_ =	strace $0x80000051  }
0xb4: {  	_ =	swait.ge [sflag:s29], $0x1  }
0xb5: {  	[sflag:s29] =	ssyncadd.s32 $0xFFFFFFFF  }
0xb6: {  	_ =	strace $0x90000051  }
0xb7: {  	_ =	sfence  }
0xb8: {  	s30 =	sld [smem:$0x0];
	_ =	sdelay $0x2  }
0xb9: {  	s31 =	sshll.u32 s1, $0xD;
	s1 =	sshrl.u32 s1, $0x2  }
0xba: {  	s3 =	sand.u32 $0x4000, s31;
	s1 =	sadd.s32 s1, s30  }
0xbb: {  	s0 =	sor.u32 s3, s0;
	s1 =	sshll.u32 s1, $0x11  }
0xbc: {  	s0 =	sor.u32 s1, s0  }
0xbd: {  	s0 =	sadd.s32 $0x8F2B, s0  }
0xbe: {  	[sflag:s0] =	ssyncadd.remote.s32 $0x1  }
0xbf: {  	_ =	sfence.sel $0xFFFF  }
0xc0: {  	[dreg:$0x0] =	wrdreg $0xFFFFFFFF;
	(pc) =	sbr.abs _section_cstart, $3  }
0xc1: {  	[dreg:$0x1] =	wrdreg $0xFFFFFFFF  }
0xc2: {  	_ =	task.clear_ibuf [dreg:s6], $0x2FFFF;
	_ =	strace $0x9FFFFFFF  }
0xc3: {  	(tm) =	ssettm $0x7FFFFFFF  }
tec
execute0_lowered:
.L_overlay_start_1:
0x0: {  	(tag) =	ssettag $0x1  }
0x1: {  	s5 =	rddreg [dreg:$0x0]  }
0x2: {  	s0 =	srdreg.scid;
	s2 =	rddreg [dreg:$0x1]  }
0x3: {  	s13 =	stileid.u32;
	s3 =	rddreg [dreg:$0x2];
	s4 =	simm.s32 $0x0  }
0x4: {  	s11 =	simm.s32 $0x6;
	s16 =	simm.s32 $0x7D;
	s17 =	simm.s32 $0x5000  }
0x5: {  	s19 =	simm.s32 $0x5FA0;
	s21 =	simm.s32 $0x6F40;
	s23 =	simm.s32 $0x7EE0  }
0x6: {  	s28 =	simm.s32 $0x4;
	s29 =	simm.s32 $0x5;
	s30 =	simm.s32 $0x4E00  }
0x7: {  	s31 =	simm.s32 $0x4E80;
	s0 =	sand.u32 $0x1, s0;
	s8 =	smul.u32 $0x5000, s13  }
0x8: {  	[smem:$0x7FF] =	sst s4;
	s26 =	sshll.u32 s13, $0x6;
	s1 =	sshll.u32 s0, $0x4  }
0x9: {  	s6 =	smul.u32 $0x50000, s0;
	_ =	strace $0x80000050;
	s0 =	ssub.s32 $0x2, s0  }
0xa: {  	s1 =	sor.u32 s13, s1;
	s7 =	sshrl.u32 s8, $0x3;
	s24 =	sshrl.u32 s0, $0x1  }
0xb: {  	s25 =	sadd.s32 s8, s2;
	s12 =	sadd.s32 s8, s3;
	s13 =	sor.u32 $0x1C06, s26  }
0xc: {  	s26 =	simm.s32 $0x3;
	s1 =	smul.u32 $0x500, s1;
	s6 =	sadd.s32 s8, s6  }
0xd: {  	s9 =	sadd.s32 s7, s5;
	s0 =	ssub.s32 s0, s24;
	s14 =	sshrl.u32 s25, $0x3  }
0xe: {  	s15 =	sshrl.u32 s12, $0x3;
	s24 =	simm.s32 $0x1;
	s25 =	simm.s32 $0x2  }
0xf: {  	s12 =	simm.s32 $0x0;
	s6 =	sshrl.u32 s6, $0x3;
	s7 =	sadd.s32 $0x1BE00, s9  }
0x10: {  	s8 =	sadd.s32 $0x25E00, s9;
	s1 =	sadd.s32 s1, s5;
	s10 =	sadd.s32 s6, s5  }
0x11: {  	s5 =	sadd.s32 $0x11E00, s1;
	s6 =	sadd.s32 $0x2E00, s1;
	s9 =	sadd.s32 $0x2FE00, s10  }
0x12: {  	s10 =	smax.u32 s0, $0x1;
	s1 =	simm.s32 $0x4F00;
	s0 =	simm.s32 $0x4F80  }
.LBB2_1:
0x13: {  	[tilespmem:s4], [sflag:$0x6] =	stream.linear.gather [hbm4b:s5+s4], $0x2800, $0x38;
	[tilespmem:$0x12E80] =	vst v63  }
0x14: {  	_ =	swait.ge [sflag:s11], $0x2800  }
0x15: {  	[sflag:s11] =	ssyncset.done $0x0  }
0x16: {  	s18 =	simm.s32 $0x2800;
	[sflag:s11] =	ssyncadd.s32 $0xFFFFD800  }
0x17: {  	[tilespmem:s18], [sflag:$0x6] =	stream.linear.gather [hbm4b:s6+s4], $0x2800, $0x38;
	[tilespmem:$0x12E80] =	vst v63  }
0x18: {  	_ =	swait.ge [sflag:s11], $0x2800  }
0x19: {  	[sflag:s11] =	ssyncset.done $0x0  }
0x1a: {  	[sflag:s11] =	ssyncadd.s32 $0xFFFFD800  }
0x1b: {  	[spmem:s14], [sflag:s13] =	dma.local [hbm:s7], $0xA00  }
0x1c: {  	_ =	swait.ge [sflag:s11], $0xA00  }
0x1d: {  	[sflag:s11] =	ssyncset.done $0x0  }
0x1e: {  	[sflag:s11] =	ssyncadd.s32 $0xFFFFF600  }
0x1f: {  	[spmem:s15], [sflag:s13] =	dma.local [hbm:s8], $0xA00  }
0x20: {  	_ =	swait.ge [sflag:s11], $0xA00  }
0x21: {  	[sflag:s11] =	ssyncset.done $0x0  }
0x22: {  	[sflag:s11] =	ssyncadd.s32 $0xFFFFF600  }
0x23: {  	[bflag:$0x0] =	sbarrier.arrive $0xFFFF  }
0x24: {  	[tilespmem:s17], [sflag:$0x1] =	stream.indirect.gather [spmem:s2], $0x20, s4, s16, $0xb8;
	[tilespmem:$0x12E80] =	vst v63  }
0x25: {  	s20 =	simm.s32 $0x80  }
0x26: {  	[tilespmem:s19], [sflag:$0x2] =	stream.indirect.gather [spmem:s2], $0x20, s20, s16, $0xb8;
	[tilespmem:$0x12E80] =	vst v63  }
0x27: {  	s22 =	simm.s32 $0x100  }
0x28: {  	[tilespmem:s21], [sflag:$0x3] =	stream.indirect.gather [spmem:s2], $0x20, s22, s16, $0xb8;
	[tilespmem:$0x12E80] =	vst v63  }
0x29: {  	s20 =	simm.s32 $0x180  }
0x2a: {  	[tilespmem:s23], [sflag:$0x4] =	stream.indirect.gather [spmem:s2], $0x20, s20, s16, $0xb8;
	[tilespmem:$0x12E80] =	vst v63  }
0x2b: {  	_ =	swait.ge [sflag:s24], $0xFA0  }
0x2c: {  	[sflag:s24] =	ssyncset.done $0x0  }
0x2d: {  	s22 =	simm.s32 $0x2800;
	[sflag:s24] =	ssyncadd.s32 $0xFFFFF060  }
0x2e: {  	[spmem:s3] =	stream.indirect.scatter.add.f32 [tilespmem:s17], [sflag:$0x5], $0x20, s22, s16, $0xb8;
	[tilespmem:$0x12E80] =	vst v63  }
0x2f: {  	_ =	swait.ge [sflag:s25], $0xFA0  }
0x30: {  	[sflag:s25] =	ssyncset.done $0x0  }
0x31: {  	s20 =	simm.s32 $0x2880;
	[sflag:s25] =	ssyncadd.s32 $0xFFFFF060  }
0x32: {  	[spmem:s3] =	stream.indirect.scatter.add.f32 [tilespmem:s19], [sflag:$0x5], $0x20, s20, s16, $0xb8;
	[tilespmem:$0x12E80] =	vst v63  }
0x33: {  	_ =	swait.ge [sflag:s26], $0xFA0  }
0x34: {  	[sflag:s26] =	ssyncset.done $0x0  }
0x35: {  	s22 =	simm.s32 $0x2900;
	[sflag:s26] =	ssyncadd.s32 $0xFFFFF060  }
0x36: {  	[spmem:s3] =	stream.indirect.scatter.add.f32 [tilespmem:s21], [sflag:$0x5], $0x20, s22, s16, $0xb8;
	[tilespmem:$0x12E80] =	vst v63  }
0x37: {  	_ =	swait.ge [sflag:s28], $0xFA0  }
0x38: {  	[sflag:s28] =	ssyncset.done $0x0  }
0x39: {  	s20 =	simm.s32 $0x2980;
	[sflag:s28] =	ssyncadd.s32 $0xFFFFF060  }
0x3a: {  	[spmem:s3] =	stream.indirect.scatter.add.f32 [tilespmem:s23], [sflag:$0x5], $0x20, s20, s16, $0xb8;
	[tilespmem:$0x12E80] =	vst v63  }
0x3b: {  	_ =	swait.ge [sflag:s29], $0xFA0  }
0x3c: {  	[sflag:s29] =	ssyncset.done $0x0  }
0x3d: {  	s22 =	simm.s32 $0x200;
	[sflag:s29] =	ssyncadd.s32 $0xFFFFF060  }
0x3e: {  	[tilespmem:s17], [sflag:$0x1] =	stream.indirect.gather [spmem:s2], $0x20, s22, s16, $0xb8;
	[tilespmem:$0x12E80] =	vst v63  }
0x3f: {  	_ =	swait.ge [sflag:s29], $0xFA0  }
0x40: {  	[sflag:s29] =	ssyncset.done $0x0  }
0x41: {  	s20 =	simm.s32 $0x280;
	[sflag:s29] =	ssyncadd.s32 $0xFFFFF060  }
0x42: {  	[tilespmem:s19], [sflag:$0x2] =	stream.indirect.gather [spmem:s2], $0x20, s20, s16, $0xb8;
	[tilespmem:$0x12E80] =	vst v63  }
0x43: {  	_ =	swait.ge [sflag:s29], $0xFA0  }
0x44: {  	[sflag:s29] =	ssyncset.done $0x0  }
0x45: {  	s22 =	simm.s32 $0x300;
	[sflag:s29] =	ssyncadd.s32 $0xFFFFF060  }
0x46: {  	[tilespmem:s21], [sflag:$0x3] =	stream.indirect.gather [spmem:s2], $0x20, s22, s16, $0xb8;
	[tilespmem:$0x12E80] =	vst v63  }
0x47: {  	_ =	swait.ge [sflag:s29], $0xFA0  }
0x48: {  	[sflag:s29] =	ssyncset.done $0x0  }
0x49: {  	s18 =	simm.s32 $0x800;
	s20 =	simm.s32 $0x380;
	[sflag:s29] =	ssyncadd.s32 $0xFFFFF060  }
.LBB2_2:
0x4a: {  	[tilespmem:s23], [sflag:$0x4] =	stream.indirect.gather [spmem:s2], $0x20, s20, s16, $0xb8;
	[tilespmem:$0x12E80] =	vst v63  }
0x4b: {  	s20 =	smov.u32 s18  }
0x4c: {  	p0 =	sne.s32 s18, $0x9000;
	s18 =	sadd.s32 $0x800, s18;
	_ =	swait.ge [sflag:s24], $0xFA0  }
0x4d: {  	s20 =	sshra.s32 s20, $0x2;
	[sflag:s24] =	ssyncset.done $0x0  }
0x4e: {  	s22 =	sadd.s32 $0x2800, s20;
	[sflag:s24] =	ssyncadd.s32 $0xFFFFF060  }
0x4f: {  	[spmem:s3] =	stream.indirect.scatter.add.f32 [tilespmem:s17], [sflag:$0x5], $0x20, s22, s16, $0xb8;
	[tilespmem:$0x12E80] =	vst v63  }
0x50: {  	_ =	swait.ge [sflag:s25], $0xFA0  }
0x51: {  	[sflag:s25] =	ssyncset.done $0x0  }
0x52: {  	s22 =	sadd.s32 $0x2880, s20;
	[sflag:s25] =	ssyncadd.s32 $0xFFFFF060  }
0x53: {  	[spmem:s3] =	stream.indirect.scatter.add.f32 [tilespmem:s19], [sflag:$0x5], $0x20, s22, s16, $0xb8;
	[tilespmem:$0x12E80] =	vst v63  }
0x54: {  	_ =	swait.ge [sflag:s26], $0xFA0  }
0x55: {  	[sflag:s26] =	ssyncset.done $0x0  }
0x56: {  	s22 =	sadd.s32 $0x2900, s20;
	[sflag:s26] =	ssyncadd.s32 $0xFFFFF060  }
0x57: {  	[spmem:s3] =	stream.indirect.scatter.add.f32 [tilespmem:s21], [sflag:$0x5], $0x20, s22, s16, $0xb8;
	[tilespmem:$0x12E80] =	vst v63  }
0x58: {  	_ =	swait.ge [sflag:s28], $0xFA0  }
0x59: {  	[sflag:s28] =	ssyncset.done $0x0  }
0x5a: {  	s22 =	sadd.s32 $0x2980, s20;
	[sflag:s28] =	ssyncadd.s32 $0xFFFFF060  }
0x5b: {  	[spmem:s3] =	stream.indirect.scatter.add.f32 [tilespmem:s23], [sflag:$0x5], $0x20, s22, s16, $0xb8;
	[tilespmem:$0x12E80] =	vst v63  }
0x5c: {  	_ =	swait.ge [sflag:s29], $0xFA0  }
0x5d: {  	[sflag:s29] =	ssyncset.done $0x0  }
0x5e: {  	s22 =	sadd.s32 $0x200, s20;
	[sflag:s29] =	ssyncadd.s32 $0xFFFFF060  }
0x5f: {  	[tilespmem:s17], [sflag:$0x1] =	stream.indirect.gather [spmem:s2], $0x20, s22, s16, $0xb8;
	[tilespmem:$0x12E80] =	vst v63  }
0x60: {  	_ =	swait.ge [sflag:s29], $0xFA0  }
0x61: {  	[sflag:s29] =	ssyncset.done $0x0  }
0x62: {  	s22 =	sadd.s32 $0x280, s20;
	[sflag:s29] =	ssyncadd.s32 $0xFFFFF060  }
0x63: {  	[tilespmem:s19], [sflag:$0x2] =	stream.indirect.gather [spmem:s2], $0x20, s22, s16, $0xb8;
	[tilespmem:$0x12E80] =	vst v63  }
0x64: {  	_ =	swait.ge [sflag:s29], $0xFA0  }
0x65: {  	[sflag:s29] =	ssyncset.done $0x0  }
.Ltmp0:
0x66: {  	s22 =	sadd.s32 $0x300, s20;
	[sflag:s29] =	ssyncadd.s32 $0xFFFFF060;
	(pc) =	sbr.rel @p0 .LBB2_2-.Ltmp0, $4  }
0x67: {  	[tilespmem:s21], [sflag:$0x3] =	stream.indirect.gather [spmem:s2], $0x20, s22, s16, $0xb8;
	[tilespmem:$0x12E80] =	vst v63  }
0x68: {  	_ =	swait.ge [sflag:s29], $0xFA0  }
0x69: {  	[sflag:s29] =	ssyncset.done $0x0  }
0x6a: {  	s20 =	sadd.s32 $0x380, s20;
	[sflag:s29] =	ssyncadd.s32 $0xFFFFF060  }
0x6b: {  	[tilespmem:s23], [sflag:$0x4] =	stream.indirect.gather [spmem:s2], $0x20, s20, s16, $0xb8;
	[tilespmem:$0x12E80] =	vst v63  }
0x6c: {  	_ =	swait.ge [sflag:s24], $0xFA0  }
0x6d: {  	[sflag:s24] =	ssyncset.done $0x0  }
0x6e: {  	[sflag:s24] =	ssyncadd.s32 $0xFFFFF060  }
0x6f: {  	[spmem:s3] =	stream.indirect.scatter.add.f32 [tilespmem:s17], [sflag:$0x5], $0x20, s30, s16, $0xb8;
	[tilespmem:$0x12E80] =	vst v63  }
0x70: {  	_ =	swait.ge [sflag:s25], $0xFA0  }
0x71: {  	[sflag:s25] =	ssyncset.done $0x0  }
0x72: {  	[sflag:s25] =	ssyncadd.s32 $0xFFFFF060  }
0x73: {  	[spmem:s3] =	stream.indirect.scatter.add.f32 [tilespmem:s19], [sflag:$0x5], $0x20, s31, s16, $0xb8;
	[tilespmem:$0x12E80] =	vst v63  }
0x74: {  	_ =	swait.ge [sflag:s26], $0xFA0  }
0x75: {  	[sflag:s26] =	ssyncset.done $0x0  }
0x76: {  	[sflag:s26] =	ssyncadd.s32 $0xFFFFF060  }
0x77: {  	[spmem:s3] =	stream.indirect.scatter.add.f32 [tilespmem:s21], [sflag:$0x5], $0x20, s1, s16, $0xb8;
	[tilespmem:$0x12E80] =	vst v63  }
0x78: {  	_ =	swait.ge [sflag:s28], $0xFA0  }
0x79: {  	[sflag:s28] =	ssyncset.done $0x0  }
0x7a: {  	[sflag:s28] =	ssyncadd.s32 $0xFFFFF060  }
0x7b: {  	[spmem:s3] =	stream.indirect.scatter.add.f32 [tilespmem:s23], [sflag:$0x5], $0x20, s0, s16, $0xb8;
	[tilespmem:$0x12E80] =	vst v63  }
0x7c: {  	_ =	swait.ge [sflag:s29], $0xFA0  }
0x7d: {  	[sflag:s29] =	ssyncset.done $0x0  }
0x7e: {  	[sflag:s29] =	ssyncadd.s32 $0xFFFFF060  }
0x7f: {  	_ =	swait.ge [sflag:s29], $0xFA0  }
0x80: {  	[sflag:s29] =	ssyncset.done $0x0  }
0x81: {  	[sflag:s29] =	ssyncadd.s32 $0xFFFFF060  }
0x82: {  	_ =	swait.ge [sflag:s29], $0xFA0  }
0x83: {  	[sflag:s29] =	ssyncset.done $0x0  }
0x84: {  	[sflag:s29] =	ssyncadd.s32 $0xFFFFF060  }
0x85: {  	_ =	swait.ge [sflag:s29], $0xFA0  }
0x86: {  	s12 =	sadd.s32 $0x1, s12;
	[sflag:s29] =	ssyncset.done $0x0  }
0x87: {  	p0 =	sne.s32 s12, s10;
	[sflag:s29] =	ssyncadd.s32 $0xFFFFF060  }
.Ltmp1:
0x88: {  	[bflag:$0x0] =	sbarrier.arrive $0xFFFF;
	(pc) =	sbr.rel @p0 .LBB2_1-.Ltmp1, $4  }
0x89: {  	[hbm:s9], [sflag:s13] =	dma.local [spmem:s15], $0xA00  }
0x8a: {  	_ =	swait.ge [sflag:s11], $0xA00  }
0x8b: {  	[sflag:s11] =	ssyncset.done $0x0  }
0x8c: {  	[sflag:s11] =	ssyncadd.s32 $0xFFFFF600  }
0x8d: {  	_ =	sfence.sel $0x180000  }
0x8e: {  	[bflag:$0x0] =	sbarrier.arrive $0xFFFF  }
0x8f: {  	_ =	strace $0x90000050  }
0x90: {  	s0 =	stileid.u32;
	[bflag:$0x2] =	sbarrier.arrive $0xFFFF  }
0x91: {  	p0 =	sne.s32 s0, $0x0;
	s0 =	rddreg [dreg:$0x3]  }
0x92: {  	s0 =	sadd.s32 @!p0 $0x100000, s0  }
0x93: {  	[sflag:s0] =	ssyncadd.tile.s32 @!p0 $0x1;
	_ =	shalt  }
.Lfunc_end2:
_tile_overlayer_lowered:
.L_overlay_start_2:
0x94: {  	(tag) =	ssettag $0x2  }
0x95: {  	s0 =	rddreg [dreg:$0x0];
	s2 =	stileid.u32  }
0x96: {  	s1 =	rddreg [dreg:$0x1];
	p0 =	sne.s32 s2, $0x0  }
0x97: {  	s3 =	rddreg [dreg:$0x2];
	[bflag:$0x3] =	sbarrier.arrive $0xFFFF;
	s2 =	simm.s32 @!p0 $0x1C06  }
0x98: {  	[timem:s3], [sflag:s2] =	dma.local @!p0 [hbm:s0], s1  }
0x99: {  	s0 =	simm.s32 @!p0 $0x6  }
0x9a: {  	_ =	swait.ge @!p0 [sflag:s0], s1  }
0x9b: {  	s1 =	ssub.s32 @!p0 $0x0, s1;
	[sflag:s0] =	ssyncset.done @!p0 $0x0  }
0x9c: {  	[sflag:s0] =	ssyncadd.s32 @!p0 s1  }
0x9d: {  	[bflag:$0x3] =	sbarrier.arrive $0xFFFF  }
0x9e: {  	_ =	shalt  }

// kernel: kernel.27.cloned.1.call-start
scs
__scs_entry_jumppad:
0x0: {  	(pc) =	sbr.rel $0x88, $3  }
0x1: {  	(tag) =	ssettag $0x0;
	lr =	simm.s32 $0x1  }
0x2: {  	[smem:$0x3F95] =	sst lr;
	_ =	strace $0xD0000000  }
0x3: {  	_ = 	snop  }
0x4: {  	_ = 	snop  }
0x5: {  	_ = 	snop  }
0x6: {  	_ = 	snop  }
0x7: {  	_ = 	snop  }
__scs_overlays_trampoline_lowered:
0x8: {  	[smem:$0x3FA4] =	sst s0  }
0x9: {  	[smem:$0x3FA5] =	sst s1  }
0xa: {  	[smem:$0x3FA6] =	sst s2  }
0xb: {  	[smem:$0x3FA7] =	sst s3  }
0xc: {  	[smem:$0x3FA8] =	sst s4  }
0xd: {  	[smem:$0x3FA9] =	sst s5  }
0xe: {  	[smem:$0x3FAA] =	sst s6  }
0xf: {  	[smem:$0x3FAB] =	sst s7  }
0x10: {  	[smem:$0x3FAC] =	sst s8  }
0x11: {  	[smem:$0x3FAD] =	sst s9;
	s0 =	simm.s32 @!p0 $0x0  }
0x12: {  	s1 =	sld [smem:$0x3F93];
	s0 =	simm.s32 @p0 $0x1  }
0x13: {  	[smem:$0x3FAE] =	sst s0;
	s0 =	simm.s32 @!p1 $0x0  }
0x14: {  	s2 =	sld [smem:$0x3F92];
	s0 =	simm.s32 @p1 $0x1  }
0x15: {  	[smem:$0x3FAF] =	sst s0;
	s0 =	simm.s32 @!p2 $0x0  }
0x16: {  	s3 =	sld [smem:$0x3FDB];
	s0 =	simm.s32 @p2 $0x1  }
0x17: {  	s4 =	simm.s32 $0x1BF5;
	[smem:$0x3FB1] =	sst s0  }
0x18: {  	s0 =	sld [smem:$0x3F94];
	_ =	swait.ge [sflag:s4], $0x0  }
0x19: {  	s7 =	sld [smem:$0x3F95]  }
0x1a: {  	s8 =	sadd.s32 $0xFFFFE003, lr  }
0x1b: {  	s9 =	sadd.s32 $0xFFFFFEF7, lr;
	s5 =	simm.s32 $0xFFFFFFFF;
	p2 =	slt.u32 s8, $0xFFFFF086  }
0x1c: {  	p1 =	slt.u32 s9, $0xF7A;
	s5 =	simm.s32 @!p2 $0x0  }
0x1d: {  	s5 =	simm.s32 @p1 $0x1;
	p0 =	seq.s32 s7, s2  }
0x1e: {  	s7 =	smul.u32 @!p0 $0xF7A, s2;
	p2 =	seq.s32 @!p0 s5, $0x0  }
0x1f: {  	s9 =	smul.u32 $0xF7A, s1;
	s8 =	simm.s32 @!p0 $0x1BF5;
	p2 =	por !p2, p0  }
0x20: {  	[sflag:s8] =	ssyncset.s32 @!p0 $0xFFFFF086;
	s6 =	sadd.s32 @!p0 s3, s7;
	s7 =	simm.s32 @!p0 $0x108  }
0x21: {  	s3 =	sadd.s32 s3, s9;
	s6 =	sadd.s32 @!p0 $0x88, s6;
	s7 =	simm.s32 @p2 $0x1082  }
0x22: {  	[simem:s7], [sflag:s8] =	dma.local @!p0 [hbm:s6], $0xF7A  }
0x23: {  	s9 =	sor.u32 $0xD0000000, s2;
	s6 =	simm.s32 $0x108;
	_ =	swait.ge @!p0 [sflag:s8], $0x0  }
0x24: {  	s3 =	sadd.s32 $0x88, s3;
	s6 =	simm.s32 @!p1 $0x1082;
	[sflag:s4] =	ssyncset.s32 $0xFFFFF086  }
0x25: {  	[simem:s6], [sflag:s4] =	dma.local [hbm:s3], $0xF7A  }
0x26: {  	[smem:$0x3F95] =	sst s1;
	(tag) =	ssettag s2;
	_ =	strace s9  }
0x27: {  	s1 =	sld [smem:$0x3FA5]  }
0x28: {  	s2 =	sld [smem:$0x3FA6]  }
0x29: {  	s4 =	sld [smem:$0x3FA8]  }
0x2a: {  	p0 =	seq.s32 s5, $0x0;
	s5 =	sld [smem:$0x3FA9]  }
0x2b: {  	s6 =	sld [smem:$0x3FAA]  }
0x2c: {  	s7 =	sld [smem:$0x3FAB]  }
0x2d: {  	s3 =	simm.s32 $0x108;
	s8 =	sld [smem:$0x3FAC]  }
0x2e: {  	s3 =	simm.s32 @!p0 $0x1082;
	s9 =	sld [smem:$0x3FAD]  }
0x2f: {  	lr =	sadd.s32 s0, s3;
	s0 =	sld [smem:$0x3FA4]  }
0x30: {  	s3 =	sld [smem:$0x3FA7]  }
0x31: {  	[smem:$0x3FB0] =	sst s10  }
0x32: {  	s10 =	sld [smem:$0x3FAE];
	_ =	sdelay $0x3  }
0x33: {  	p0 =	seq.s32 s10, $0x1;
	s10 =	sld [smem:$0x3FB0];
	_ =	sdelay $0x3  }
0x34: {  	[smem:$0x3FB0] =	sst s10  }
0x35: {  	s10 =	sld [smem:$0x3FAF];
	_ =	sdelay $0x3  }
0x36: {  	p1 =	seq.s32 s10, $0x1;
	s10 =	sld [smem:$0x3FB0];
	_ =	sdelay $0x3  }
0x37: {  	[smem:$0x3FB0] =	sst s10  }
0x38: {  	s10 =	sld [smem:$0x3FB1]  }
0x39: {  	_ = 	snop;
	(pc) =	sbr.ind lr, $3  }
0x3a: {  	_ = 	snop  }
0x3b: {  	_ = 	snop  }
0x3c: {  	p2 =	seq.s32 s10, $0x1;
	s10 =	sld [smem:$0x3FB0]  }
0x3d: {  	_ =	shalt  }
0x3e: {  	_ =	shalt  }
0x3f: {  	_ =	shalt  }
0x40: {  	_ =	shalt  }
0x41: {  	_ =	shalt  }
0x42: {  	_ =	shalt  }
0x43: {  	_ =	shalt  }
0x44: {  	_ =	shalt  }
0x45: {  	_ =	shalt  }
0x46: {  	_ =	shalt  }
0x47: {  	_ =	shalt  }
0x48: {  	_ =	shalt  }
0x49: {  	_ =	shalt  }
0x4a: {  	_ =	shalt  }
0x4b: {  	_ =	shalt  }
0x4c: {  	_ =	shalt  }
0x4d: {  	_ =	shalt  }
0x4e: {  	_ =	shalt  }
0x4f: {  	_ =	shalt  }
0x50: {  	_ =	shalt  }
0x51: {  	_ =	shalt  }
0x52: {  	_ =	shalt  }
0x53: {  	_ =	shalt  }
0x54: {  	_ =	shalt  }
0x55: {  	_ =	shalt  }
0x56: {  	_ =	shalt  }
0x57: {  	_ =	shalt  }
0x58: {  	_ =	shalt  }
0x59: {  	_ =	shalt  }
0x5a: {  	_ =	shalt  }
0x5b: {  	_ =	shalt  }
0x5c: {  	_ =	shalt  }
0x5d: {  	_ =	shalt  }
0x5e: {  	_ =	shalt  }
0x5f: {  	_ =	shalt  }
0x60: {  	_ =	shalt  }
0x61: {  	_ =	shalt  }
0x62: {  	_ =	shalt  }
0x63: {  	_ =	shalt  }
0x64: {  	_ =	shalt  }
0x65: {  	_ =	shalt  }
0x66: {  	_ =	shalt  }
0x67: {  	_ =	shalt  }
0x68: {  	_ =	shalt  }
0x69: {  	_ =	shalt  }
0x6a: {  	_ =	shalt  }
0x6b: {  	_ =	shalt  }
0x6c: {  	_ =	shalt  }
0x6d: {  	_ =	shalt  }
0x6e: {  	_ =	shalt  }
0x6f: {  	_ =	shalt  }
0x70: {  	_ =	shalt  }
0x71: {  	_ =	shalt  }
0x72: {  	_ =	shalt  }
0x73: {  	_ =	shalt  }
0x74: {  	_ =	shalt  }
0x75: {  	_ =	shalt  }
0x76: {  	_ =	shalt  }
0x77: {  	_ =	shalt  }
0x78: {  	_ =	shalt  }
0x79: {  	_ =	shalt  }
0x7a: {  	_ =	shalt  }
0x7b: {  	_ =	shalt  }
0x7c: {  	_ =	shalt  }
0x7d: {  	_ =	shalt  }
0x7e: {  	_ =	shalt  }
0x7f: {  	_ =	shalt  }
0x80: {  	_ =	shalt  }
0x81: {  	_ =	shalt  }
0x82: {  	_ =	shalt  }
0x83: {  	_ =	shalt  }
0x84: {  	_ =	shalt  }
0x85: {  	_ =	shalt  }
0x86: {  	_ =	shalt  }
0x87: {  	_ =	shalt  }
.Lfunc_end0:
.L_simem_size_0:
called_computation.4_lowered:
.L_overlay_start_0:
0x88: {  	s2 =	sld [smem:$0x3FD9]  }
0x89: {  	s3 =	sld [smem:$0x3FFE];
	_ =	sdelay $0x1  }
0x8a: {  	s1 =	srdreg.scid  }
0x8b: {  	s0 =	sand.u32 $0x1, s1  }
0x8c: {  	s16 =	sshll.u32 s0, $0xA;
	s2 =	sadd.s32 s3, s2  }
0x8d: {  	s2 =	sadd.s32 s2, s16  }
0x8e: {  	[smem:$0x3FBC] =	sst s2  }
0x8f: {  	_ = 	snop  }
0x90: {  	(tm) =	ssettm $0x1  }
0x91: {  	s17 =	sld [smem:$0x3FFB];
	_ =	sdelay $0x3  }
0x92: {  	_ =	strace s17  }
0x93: {  	s2 =	sld [smem:$0x3FFC];
	_ =	sdelay $0x3  }
0x94: {  	_ =	strace s2  }
0x95: {  	s2 =	sld [smem:$0x3FFD];
	_ =	sdelay $0x3  }
0x96: {  	_ =	strace s2  }
0x97: {  	_ =	strace $0x8FFFFFFF  }
0x98: {  	s18 =	sld [smem:$0x3FDB];
	_ =	sdelay $0x1  }
0x99: {  	s19 =	simm.s32 $_scs_section_size  }
0x9a: {  	s4 =	simm.s32 $_size__tile_overlayer_lowered;
	s5 =	simm.s32 $_tile_overlayer_lowered  }
0x9b: {  	s22 =	simm.s32 $0x1BFF;
	s21 =	sshll.u32 s5, $0x1;
	s2 =	sadd.s32 s19, s18  }
0x9c: {  	s6 =	simm.s32 $0x0;
	s20 =	sshll.u32 s4, $0x1;
	s4 =	sadd.s32 s21, s2  }
0x9d: {  	[timem:s6], [sflag:s22] =	dma.local [hbm:s4], s20  }
0x9e: {  	_ =	swait.ge [sflag:s22], s20  }
0x9f: {  	s3 =	ssub.s32 $0x0, s20;
	[sflag:s22] =	ssyncset.done $0x0  }
0xa0: {  	[sflag:s22] =	ssyncadd.s32 s3;
	_ =	sdelay $0x1  }
0xa1: {  	s23 =	simm.s32 $0x1B8B  }
0xa2: {  	_ =	swait.ge [sflag:s23], $0x1  }
0xa3: {  	[sflag:s23] =	ssyncset.done $0x0  }
0xa4: {  	s25 =	simm.s32 $0x1B8E;
	s24 =	sld [smem:$0x3FFE];
	[sflag:s23] =	ssyncadd.s32 $0xFFFFFFFF  }
0xa5: {  	s26 =	simm.s32 $execute0_lowered;
	[smem:$0x3FD2] =	sst s25  }
0xa6: {  	s4 =	sshll.u32 s26, $0x1;
	_ =	strace $0x80000052;
	[dreg:$0x1] =	wrdreg $0xFFFFFFFF  }
0xa7: {  	s28 =	simm.s32 $_size_execute0_lowered;
	s2 =	sadd.s32 s2, s4;
	[dreg:$0x0] =	wrdreg $0x0  }
0xa8: {  	s4 =	sshll.u32 s28, $0x1;
	[dreg:$0x2] =	wrdreg s2  }
0xa9: {  	[dreg:$0x3] =	wrdreg s4  }
0xaa: {  	[dreg:$0x4] =	wrdreg $0xC0  }
0xab: {  	_ =	task [dreg:s6], $0x5FFFF  }
0xac: {  	[dreg:$0x1] =	wrdreg $0xFFFFFFFF  }
0xad: {  	[dreg:$0x0] =	wrdreg $0x60  }
0xae: {  	[dreg:$0x2] =	wrdreg s24  }
0xaf: {  	[dreg:$0x3] =	wrdreg $0x97400  }
0xb0: {  	[dreg:$0x4] =	wrdreg $0x6F400  }
0xb1: {  	[dreg:$0x5] =	wrdreg $0x9  }
0xb2: {  	_ =	task.clear_ibuf [dreg:s6], $0x6FFFF;
	_ =	strace $0x90000052  }
0xb3: {  	s29 =	simm.s32 $0x9;
	_ =	strace $0x80000054  }
0xb4: {  	_ =	swait.ge [sflag:s29], $0x1  }
0xb5: {  	[sflag:s29] =	ssyncadd.s32 $0xFFFFFFFF  }
0xb6: {  	_ =	strace $0x90000054  }
0xb7: {  	_ =	sfence  }
0xb8: {  	s30 =	sld [smem:$0x0];
	_ =	sdelay $0x2  }
0xb9: {  	s31 =	sshll.u32 s1, $0xD;
	s1 =	sshrl.u32 s1, $0x2  }
0xba: {  	s3 =	sand.u32 $0x4000, s31;
	s1 =	sadd.s32 s1, s30  }
0xbb: {  	s0 =	sor.u32 s3, s0;
	s1 =	sshll.u32 s1, $0x11  }
0xbc: {  	s0 =	sor.u32 s1, s0  }
0xbd: {  	s0 =	sadd.s32 $0x8F2B, s0  }
0xbe: {  	[sflag:s0] =	ssyncadd.remote.s32 $0x1  }
0xbf: {  	_ =	sfence.sel $0xFFFF  }
0xc0: {  	[dreg:$0x0] =	wrdreg $0xFFFFFFFF;
	(pc) =	sbr.abs _section_cstart, $3  }
0xc1: {  	[dreg:$0x1] =	wrdreg $0xFFFFFFFF  }
0xc2: {  	_ =	task.clear_ibuf [dreg:s6], $0x2FFFF;
	_ =	strace $0x9FFFFFFF  }
0xc3: {  	(tm) =	ssettm $0x7FFFFFFF  }
tec
execute0_lowered:
.L_overlay_start_1:
0x0: {  	(tag) =	ssettag $0x1  }
0x1: {  	s5 =	rddreg [dreg:$0x0]  }
0x2: {  	s0 =	srdreg.scid;
	s2 =	rddreg [dreg:$0x1]  }
0x3: {  	s13 =	stileid.u32;
	s3 =	rddreg [dreg:$0x2];
	s4 =	simm.s32 $0x0  }
0x4: {  	s11 =	simm.s32 $0x6;
	s16 =	simm.s32 $0x7D;
	s17 =	simm.s32 $0x5000  }
0x5: {  	s19 =	simm.s32 $0x57D0;
	s21 =	simm.s32 $0x5FA0;
	s23 =	simm.s32 $0x6770  }
0x6: {  	s28 =	simm.s32 $0x4;
	s29 =	simm.s32 $0x5;
	s30 =	simm.s32 $0x4E00  }
0x7: {  	s31 =	simm.s32 $0x4E80;
	s0 =	sand.u32 $0x1, s0;
	s8 =	smul.u32 $0x2800, s13  }
0x8: {  	[smem:$0x7FF] =	sst s4;
	s26 =	sshll.u32 s13, $0x6;
	s1 =	sshll.u32 s0, $0x4  }
0x9: {  	s6 =	smul.u32 $0x28000, s0;
	_ =	strace $0x80000053;
	s0 =	ssub.s32 $0x2, s0  }
0xa: {  	s1 =	sor.u32 s13, s1;
	s7 =	sshrl.u32 s8, $0x3;
	s24 =	sshrl.u32 s0, $0x1  }
0xb: {  	s25 =	sadd.s32 s8, s2;
	s12 =	sadd.s32 s8, s3;
	s13 =	sor.u32 $0x1C06, s26  }
0xc: {  	s26 =	simm.s32 $0x3;
	s1 =	smul.u32 $0x500, s1;
	s6 =	sadd.s32 s8, s6  }
0xd: {  	s9 =	sadd.s32 s7, s5;
	s0 =	ssub.s32 s0, s24;
	s14 =	sshrl.u32 s25, $0x3  }
0xe: {  	s15 =	sshrl.u32 s12, $0x3;
	s24 =	simm.s32 $0x1;
	s25 =	simm.s32 $0x2  }
0xf: {  	s12 =	simm.s32 $0x0;
	s6 =	sshrl.u32 s6, $0x3;
	s7 =	sadd.s32 $0x1BE00, s9  }
0x10: {  	s8 =	sadd.s32 $0xCE00, s9;
	s1 =	sadd.s32 s1, s5;
	s10 =	sadd.s32 s6, s5  }
0x11: {  	s5 =	sadd.s32 $0x11E00, s1;
	s6 =	sadd.s32 $0x2E00, s1;
	s9 =	sadd.s32 $0x20E00, s10  }
0x12: {  	s10 =	smax.u32 s0, $0x1;
	s1 =	simm.s32 $0x4F00;
	s0 =	simm.s32 $0x4F80  }
.LBB2_1:
0x13: {  	[tilespmem:s4], [sflag:$0x6] =	stream.linear.gather [hbm4b:s5+s4], $0x2800, $0x38;
	[tilespmem:$0xBF40] =	vst v63  }
0x14: {  	_ =	swait.ge [sflag:s11], $0x2800  }
0x15: {  	[sflag:s11] =	ssyncset.done $0x0  }
0x16: {  	s18 =	simm.s32 $0x2800;
	[sflag:s11] =	ssyncadd.s32 $0xFFFFD800  }
0x17: {  	[tilespmem:s18], [sflag:$0x6] =	stream.linear.gather [hbm4b:s6+s4], $0x2800, $0x38;
	[tilespmem:$0xBF40] =	vst v63  }
0x18: {  	_ =	swait.ge [sflag:s11], $0x2800  }
0x19: {  	[sflag:s11] =	ssyncset.done $0x0  }
0x1a: {  	[sflag:s11] =	ssyncadd.s32 $0xFFFFD800  }
0x1b: {  	[spmem:s14], [sflag:s13] =	dma.local [hbm:s7], $0x500  }
0x1c: {  	_ =	swait.ge [sflag:s11], $0x500  }
0x1d: {  	[sflag:s11] =	ssyncset.done $0x0  }
0x1e: {  	[sflag:s11] =	ssyncadd.s32 $0xFFFFFB00  }
0x1f: {  	[spmem:s15], [sflag:s13] =	dma.local [hbm:s8], $0x500  }
0x20: {  	_ =	swait.ge [sflag:s11], $0x500  }
0x21: {  	[sflag:s11] =	ssyncset.done $0x0  }
0x22: {  	[sflag:s11] =	ssyncadd.s32 $0xFFFFFB00  }
0x23: {  	[bflag:$0x0] =	sbarrier.arrive $0xFFFF  }
0x24: {  	[tilespmem:s17], [sflag:$0x1] =	stream.indirect.gather [spmem:s2], $0x10, s4, s16, $0xb8;
	[tilespmem:$0xBF40] =	vst v63  }
0x25: {  	s20 =	simm.s32 $0x80  }
0x26: {  	[tilespmem:s19], [sflag:$0x2] =	stream.indirect.gather [spmem:s2], $0x10, s20, s16, $0xb8;
	[tilespmem:$0xBF40] =	vst v63  }
0x27: {  	s22 =	simm.s32 $0x100  }
0x28: {  	[tilespmem:s21], [sflag:$0x3] =	stream.indirect.gather [spmem:s2], $0x10, s22, s16, $0xb8;
	[tilespmem:$0xBF40] =	vst v63  }
0x29: {  	s20 =	simm.s32 $0x180  }
0x2a: {  	[tilespmem:s23], [sflag:$0x4] =	stream.indirect.gather [spmem:s2], $0x10, s20, s16, $0xb8;
	[tilespmem:$0xBF40] =	vst v63  }
0x2b: {  	_ =	swait.ge [sflag:s24], $0x7D0  }
0x2c: {  	[sflag:s24] =	ssyncset.done $0x0  }
0x2d: {  	s22 =	simm.s32 $0x2800;
	[sflag:s24] =	ssyncadd.s32 $0xFFFFF830  }
0x2e: {  	[spmem:s3] =	stream.indirect.scatter.add.f32 [tilespmem:s17], [sflag:$0x5], $0x10, s22, s16, $0xb8;
	[tilespmem:$0xBF40] =	vst v63  }
0x2f: {  	_ =	swait.ge [sflag:s25], $0x7D0  }
0x30: {  	[sflag:s25] =	ssyncset.done $0x0  }
0x31: {  	s20 =	simm.s32 $0x2880;
	[sflag:s25] =	ssyncadd.s32 $0xFFFFF830  }
0x32: {  	[spmem:s3] =	stream.indirect.scatter.add.f32 [tilespmem:s19], [sflag:$0x5], $0x10, s20, s16, $0xb8;
	[tilespmem:$0xBF40] =	vst v63  }
0x33: {  	_ =	swait.ge [sflag:s26], $0x7D0  }
0x34: {  	[sflag:s26] =	ssyncset.done $0x0  }
0x35: {  	s22 =	simm.s32 $0x2900;
	[sflag:s26] =	ssyncadd.s32 $0xFFFFF830  }
0x36: {  	[spmem:s3] =	stream.indirect.scatter.add.f32 [tilespmem:s21], [sflag:$0x5], $0x10, s22, s16, $0xb8;
	[tilespmem:$0xBF40] =	vst v63  }
0x37: {  	_ =	swait.ge [sflag:s28], $0x7D0  }
0x38: {  	[sflag:s28] =	ssyncset.done $0x0  }
0x39: {  	s20 =	simm.s32 $0x2980;
	[sflag:s28] =	ssyncadd.s32 $0xFFFFF830  }
0x3a: {  	[spmem:s3] =	stream.indirect.scatter.add.f32 [tilespmem:s23], [sflag:$0x5], $0x10, s20, s16, $0xb8;
	[tilespmem:$0xBF40] =	vst v63  }
0x3b: {  	_ =	swait.ge [sflag:s29], $0x7D0  }
0x3c: {  	[sflag:s29] =	ssyncset.done $0x0  }
0x3d: {  	s22 =	simm.s32 $0x200;
	[sflag:s29] =	ssyncadd.s32 $0xFFFFF830  }
0x3e: {  	[tilespmem:s17], [sflag:$0x1] =	stream.indirect.gather [spmem:s2], $0x10, s22, s16, $0xb8;
	[tilespmem:$0xBF40] =	vst v63  }
0x3f: {  	_ =	swait.ge [sflag:s29], $0x7D0  }
0x40: {  	[sflag:s29] =	ssyncset.done $0x0  }
0x41: {  	s20 =	simm.s32 $0x280;
	[sflag:s29] =	ssyncadd.s32 $0xFFFFF830  }
0x42: {  	[tilespmem:s19], [sflag:$0x2] =	stream.indirect.gather [spmem:s2], $0x10, s20, s16, $0xb8;
	[tilespmem:$0xBF40] =	vst v63  }
0x43: {  	_ =	swait.ge [sflag:s29], $0x7D0  }
0x44: {  	[sflag:s29] =	ssyncset.done $0x0  }
0x45: {  	s22 =	simm.s32 $0x300;
	[sflag:s29] =	ssyncadd.s32 $0xFFFFF830  }
0x46: {  	[tilespmem:s21], [sflag:$0x3] =	stream.indirect.gather [spmem:s2], $0x10, s22, s16, $0xb8;
	[tilespmem:$0xBF40] =	vst v63  }
0x47: {  	_ =	swait.ge [sflag:s29], $0x7D0  }
0x48: {  	[sflag:s29] =	ssyncset.done $0x0  }
0x49: {  	s18 =	simm.s32 $0x800;
	s20 =	simm.s32 $0x380;
	[sflag:s29] =	ssyncadd.s32 $0xFFFFF830  }
.LBB2_2:
0x4a: {  	[tilespmem:s23], [sflag:$0x4] =	stream.indirect.gather [spmem:s2], $0x10, s20, s16, $0xb8;
	[tilespmem:$0xBF40] =	vst v63  }
0x4b: {  	s20 =	smov.u32 s18  }
0x4c: {  	p0 =	sne.s32 s18, $0x9000;
	s18 =	sadd.s32 $0x800, s18;
	_ =	swait.ge [sflag:s24], $0x7D0  }
0x4d: {  	s20 =	sshra.s32 s20, $0x2;
	[sflag:s24] =	ssyncset.done $0x0  }
0x4e: {  	s22 =	sadd.s32 $0x2800, s20;
	[sflag:s24] =	ssyncadd.s32 $0xFFFFF830  }
0x4f: {  	[spmem:s3] =	stream.indirect.scatter.add.f32 [tilespmem:s17], [sflag:$0x5], $0x10, s22, s16, $0xb8;
	[tilespmem:$0xBF40] =	vst v63  }
0x50: {  	_ =	swait.ge [sflag:s25], $0x7D0  }
0x51: {  	[sflag:s25] =	ssyncset.done $0x0  }
0x52: {  	s22 =	sadd.s32 $0x2880, s20;
	[sflag:s25] =	ssyncadd.s32 $0xFFFFF830  }
0x53: {  	[spmem:s3] =	stream.indirect.scatter.add.f32 [tilespmem:s19], [sflag:$0x5], $0x10, s22, s16, $0xb8;
	[tilespmem:$0xBF40] =	vst v63  }
0x54: {  	_ =	swait.ge [sflag:s26], $0x7D0  }
0x55: {  	[sflag:s26] =	ssyncset.done $0x0  }
0x56: {  	s22 =	sadd.s32 $0x2900, s20;
	[sflag:s26] =	ssyncadd.s32 $0xFFFFF830  }
0x57: {  	[spmem:s3] =	stream.indirect.scatter.add.f32 [tilespmem:s21], [sflag:$0x5], $0x10, s22, s16, $0xb8;
	[tilespmem:$0xBF40] =	vst v63  }
0x58: {  	_ =	swait.ge [sflag:s28], $0x7D0  }
0x59: {  	[sflag:s28] =	ssyncset.done $0x0  }
0x5a: {  	s22 =	sadd.s32 $0x2980, s20;
	[sflag:s28] =	ssyncadd.s32 $0xFFFFF830  }
0x5b: {  	[spmem:s3] =	stream.indirect.scatter.add.f32 [tilespmem:s23], [sflag:$0x5], $0x10, s22, s16, $0xb8;
	[tilespmem:$0xBF40] =	vst v63  }
0x5c: {  	_ =	swait.ge [sflag:s29], $0x7D0  }
0x5d: {  	[sflag:s29] =	ssyncset.done $0x0  }
0x5e: {  	s22 =	sadd.s32 $0x200, s20;
	[sflag:s29] =	ssyncadd.s32 $0xFFFFF830  }
0x5f: {  	[tilespmem:s17], [sflag:$0x1] =	stream.indirect.gather [spmem:s2], $0x10, s22, s16, $0xb8;
	[tilespmem:$0xBF40] =	vst v63  }
0x60: {  	_ =	swait.ge [sflag:s29], $0x7D0  }
0x61: {  	[sflag:s29] =	ssyncset.done $0x0  }
0x62: {  	s22 =	sadd.s32 $0x280, s20;
	[sflag:s29] =	ssyncadd.s32 $0xFFFFF830  }
0x63: {  	[tilespmem:s19], [sflag:$0x2] =	stream.indirect.gather [spmem:s2], $0x10, s22, s16, $0xb8;
	[tilespmem:$0xBF40] =	vst v63  }
0x64: {  	_ =	swait.ge [sflag:s29], $0x7D0  }
0x65: {  	[sflag:s29] =	ssyncset.done $0x0  }
.Ltmp0:
0x66: {  	s22 =	sadd.s32 $0x300, s20;
	[sflag:s29] =	ssyncadd.s32 $0xFFFFF830;
	(pc) =	sbr.rel @p0 .LBB2_2-.Ltmp0, $4  }
0x67: {  	[tilespmem:s21], [sflag:$0x3] =	stream.indirect.gather [spmem:s2], $0x10, s22, s16, $0xb8;
	[tilespmem:$0xBF40] =	vst v63  }
0x68: {  	_ =	swait.ge [sflag:s29], $0x7D0  }
0x69: {  	[sflag:s29] =	ssyncset.done $0x0  }
0x6a: {  	s20 =	sadd.s32 $0x380, s20;
	[sflag:s29] =	ssyncadd.s32 $0xFFFFF830  }
0x6b: {  	[tilespmem:s23], [sflag:$0x4] =	stream.indirect.gather [spmem:s2], $0x10, s20, s16, $0xb8;
	[tilespmem:$0xBF40] =	vst v63  }
0x6c: {  	_ =	swait.ge [sflag:s24], $0x7D0  }
0x6d: {  	[sflag:s24] =	ssyncset.done $0x0  }
0x6e: {  	[sflag:s24] =	ssyncadd.s32 $0xFFFFF830  }
0x6f: {  	[spmem:s3] =	stream.indirect.scatter.add.f32 [tilespmem:s17], [sflag:$0x5], $0x10, s30, s16, $0xb8;
	[tilespmem:$0xBF40] =	vst v63  }
0x70: {  	_ =	swait.ge [sflag:s25], $0x7D0  }
0x71: {  	[sflag:s25] =	ssyncset.done $0x0  }
0x72: {  	[sflag:s25] =	ssyncadd.s32 $0xFFFFF830  }
0x73: {  	[spmem:s3] =	stream.indirect.scatter.add.f32 [tilespmem:s19], [sflag:$0x5], $0x10, s31, s16, $0xb8;
	[tilespmem:$0xBF40] =	vst v63  }
0x74: {  	_ =	swait.ge [sflag:s26], $0x7D0  }
0x75: {  	[sflag:s26] =	ssyncset.done $0x0  }
0x76: {  	[sflag:s26] =	ssyncadd.s32 $0xFFFFF830  }
0x77: {  	[spmem:s3] =	stream.indirect.scatter.add.f32 [tilespmem:s21], [sflag:$0x5], $0x10, s1, s16, $0xb8;
	[tilespmem:$0xBF40] =	vst v63  }
0x78: {  	_ =	swait.ge [sflag:s28], $0x7D0  }
0x79: {  	[sflag:s28] =	ssyncset.done $0x0  }
0x7a: {  	[sflag:s28] =	ssyncadd.s32 $0xFFFFF830  }
0x7b: {  	[spmem:s3] =	stream.indirect.scatter.add.f32 [tilespmem:s23], [sflag:$0x5], $0x10, s0, s16, $0xb8;
	[tilespmem:$0xBF40] =	vst v63  }
0x7c: {  	_ =	swait.ge [sflag:s29], $0x7D0  }
0x7d: {  	[sflag:s29] =	ssyncset.done $0x0  }
0x7e: {  	[sflag:s29] =	ssyncadd.s32 $0xFFFFF830  }
0x7f: {  	_ =	swait.ge [sflag:s29], $0x7D0  }
0x80: {  	[sflag:s29] =	ssyncset.done $0x0  }
0x81: {  	[sflag:s29] =	ssyncadd.s32 $0xFFFFF830  }
0x82: {  	_ =	swait.ge [sflag:s29], $0x7D0  }
0x83: {  	[sflag:s29] =	ssyncset.done $0x0  }
0x84: {  	[sflag:s29] =	ssyncadd.s32 $0xFFFFF830  }
0x85: {  	_ =	swait.ge [sflag:s29], $0x7D0  }
0x86: {  	s12 =	sadd.s32 $0x1, s12;
	[sflag:s29] =	ssyncset.done $0x0  }
0x87: {  	p0 =	sne.s32 s12, s10;
	[sflag:s29] =	ssyncadd.s32 $0xFFFFF830  }
.Ltmp1:
0x88: {  	[bflag:$0x0] =	sbarrier.arrive $0xFFFF;
	(pc) =	sbr.rel @p0 .LBB2_1-.Ltmp1, $4  }
0x89: {  	[hbm:s9], [sflag:s13] =	dma.local [spmem:s15], $0x500  }
0x8a: {  	_ =	swait.ge [sflag:s11], $0x500  }
0x8b: {  	[sflag:s11] =	ssyncset.done $0x0  }
0x8c: {  	[sflag:s11] =	ssyncadd.s32 $0xFFFFFB00  }
0x8d: {  	_ =	sfence.sel $0x180000  }
0x8e: {  	[bflag:$0x0] =	sbarrier.arrive $0xFFFF  }
0x8f: {  	_ =	strace $0x90000053  }
0x90: {  	s0 =	stileid.u32;
	[bflag:$0x2] =	sbarrier.arrive $0xFFFF  }
0x91: {  	p0 =	sne.s32 s0, $0x0;
	s0 =	rddreg [dreg:$0x3]  }
0x92: {  	s0 =	sadd.s32 @!p0 $0x100000, s0  }
0x93: {  	[sflag:s0] =	ssyncadd.tile.s32 @!p0 $0x1;
	_ =	shalt  }
.Lfunc_end2:
_tile_overlayer_lowered:
.L_overlay_start_2:
0x94: {  	(tag) =	ssettag $0x2  }
0x95: {  	s0 =	rddreg [dreg:$0x0];
	s2 =	stileid.u32  }
0x96: {  	s1 =	rddreg [dreg:$0x1];
	p0 =	sne.s32 s2, $0x0  }
0x97: {  	s3 =	rddreg [dreg:$0x2];
	[bflag:$0x3] =	sbarrier.arrive $0xFFFF;
	s2 =	simm.s32 @!p0 $0x1C06  }
0x98: {  	[timem:s3], [sflag:s2] =	dma.local @!p0 [hbm:s0], s1  }
0x99: {  	s0 =	simm.s32 @!p0 $0x6  }
0x9a: {  	_ =	swait.ge @!p0 [sflag:s0], s1  }
0x9b: {  	s1 =	ssub.s32 @!p0 $0x0, s1;
	[sflag:s0] =	ssyncset.done @!p0 $0x0  }
0x9c: {  	[sflag:s0] =	ssyncadd.s32 @!p0 s1  }
0x9d: {  	[bflag:$0x3] =	sbarrier.arrive $0xFFFF  }
0x9e: {  	_ =	shalt  }

// kernel: kernel.30.cloned.1.call-start
scs
__scs_entry_jumppad:
0x0: {  	(pc) =	sbr.rel $0x88, $3  }
0x1: {  	(tag) =	ssettag $0x0;
	lr =	simm.s32 $0x1  }
0x2: {  	[smem:$0x3F95] =	sst lr;
	_ =	strace $0xD0000000  }
0x3: {  	_ = 	snop  }
0x4: {  	_ = 	snop  }
0x5: {  	_ = 	snop  }
0x6: {  	_ = 	snop  }
0x7: {  	_ = 	snop  }
__scs_overlays_trampoline_lowered:
0x8: {  	[smem:$0x3FA4] =	sst s0  }
0x9: {  	[smem:$0x3FA5] =	sst s1  }
0xa: {  	[smem:$0x3FA6] =	sst s2  }
0xb: {  	[smem:$0x3FA7] =	sst s3  }
0xc: {  	[smem:$0x3FA8] =	sst s4  }
0xd: {  	[smem:$0x3FA9] =	sst s5  }
0xe: {  	[smem:$0x3FAA] =	sst s6  }
0xf: {  	[smem:$0x3FAB] =	sst s7  }
0x10: {  	[smem:$0x3FAC] =	sst s8  }
0x11: {  	[smem:$0x3FAD] =	sst s9;
	s0 =	simm.s32 @!p0 $0x0  }
0x12: {  	s1 =	sld [smem:$0x3F93];
	s0 =	simm.s32 @p0 $0x1  }
0x13: {  	[smem:$0x3FAE] =	sst s0;
	s0 =	simm.s32 @!p1 $0x0  }
0x14: {  	s2 =	sld [smem:$0x3F92];
	s0 =	simm.s32 @p1 $0x1  }
0x15: {  	[smem:$0x3FAF] =	sst s0;
	s0 =	simm.s32 @!p2 $0x0  }
0x16: {  	s3 =	sld [smem:$0x3FDB];
	s0 =	simm.s32 @p2 $0x1  }
0x17: {  	s4 =	simm.s32 $0x1BF5;
	[smem:$0x3FB1] =	sst s0  }
0x18: {  	s0 =	sld [smem:$0x3F94];
	_ =	swait.ge [sflag:s4], $0x0  }
0x19: {  	s7 =	sld [smem:$0x3F95]  }
0x1a: {  	s8 =	sadd.s32 $0xFFFFE003, lr  }
0x1b: {  	s9 =	sadd.s32 $0xFFFFFEF7, lr;
	s5 =	simm.s32 $0xFFFFFFFF;
	p2 =	slt.u32 s8, $0xFFFFF086  }
0x1c: {  	p1 =	slt.u32 s9, $0xF7A;
	s5 =	simm.s32 @!p2 $0x0  }
0x1d: {  	s5 =	simm.s32 @p1 $0x1;
	p0 =	seq.s32 s7, s2  }
0x1e: {  	s7 =	smul.u32 @!p0 $0xF7A, s2;
	p2 =	seq.s32 @!p0 s5, $0x0  }
0x1f: {  	s9 =	smul.u32 $0xF7A, s1;
	s8 =	simm.s32 @!p0 $0x1BF5;
	p2 =	por !p2, p0  }
0x20: {  	[sflag:s8] =	ssyncset.s32 @!p0 $0xFFFFF086;
	s6 =	sadd.s32 @!p0 s3, s7;
	s7 =	simm.s32 @!p0 $0x108  }
0x21: {  	s3 =	sadd.s32 s3, s9;
	s6 =	sadd.s32 @!p0 $0x88, s6;
	s7 =	simm.s32 @p2 $0x1082  }
0x22: {  	[simem:s7], [sflag:s8] =	dma.local @!p0 [hbm:s6], $0xF7A  }
0x23: {  	s9 =	sor.u32 $0xD0000000, s2;
	s6 =	simm.s32 $0x108;
	_ =	swait.ge @!p0 [sflag:s8], $0x0  }
0x24: {  	s3 =	sadd.s32 $0x88, s3;
	s6 =	simm.s32 @!p1 $0x1082;
	[sflag:s4] =	ssyncset.s32 $0xFFFFF086  }
0x25: {  	[simem:s6], [sflag:s4] =	dma.local [hbm:s3], $0xF7A  }
0x26: {  	[smem:$0x3F95] =	sst s1;
	(tag) =	ssettag s2;
	_ =	strace s9  }
0x27: {  	s1 =	sld [smem:$0x3FA5]  }
0x28: {  	s2 =	sld [smem:$0x3FA6]  }
0x29: {  	s4 =	sld [smem:$0x3FA8]  }
0x2a: {  	p0 =	seq.s32 s5, $0x0;
	s5 =	sld [smem:$0x3FA9]  }
0x2b: {  	s6 =	sld [smem:$0x3FAA]  }
0x2c: {  	s7 =	sld [smem:$0x3FAB]  }
0x2d: {  	s3 =	simm.s32 $0x108;
	s8 =	sld [smem:$0x3FAC]  }
0x2e: {  	s3 =	simm.s32 @!p0 $0x1082;
	s9 =	sld [smem:$0x3FAD]  }
0x2f: {  	lr =	sadd.s32 s0, s3;
	s0 =	sld [smem:$0x3FA4]  }
0x30: {  	s3 =	sld [smem:$0x3FA7]  }
0x31: {  	[smem:$0x3FB0] =	sst s10  }
0x32: {  	s10 =	sld [smem:$0x3FAE];
	_ =	sdelay $0x3  }
0x33: {  	p0 =	seq.s32 s10, $0x1;
	s10 =	sld [smem:$0x3FB0];
	_ =	sdelay $0x3  }
0x34: {  	[smem:$0x3FB0] =	sst s10  }
0x35: {  	s10 =	sld [smem:$0x3FAF];
	_ =	sdelay $0x3  }
0x36: {  	p1 =	seq.s32 s10, $0x1;
	s10 =	sld [smem:$0x3FB0];
	_ =	sdelay $0x3  }
0x37: {  	[smem:$0x3FB0] =	sst s10  }
0x38: {  	s10 =	sld [smem:$0x3FB1]  }
0x39: {  	_ = 	snop;
	(pc) =	sbr.ind lr, $3  }
0x3a: {  	_ = 	snop  }
0x3b: {  	_ = 	snop  }
0x3c: {  	p2 =	seq.s32 s10, $0x1;
	s10 =	sld [smem:$0x3FB0]  }
0x3d: {  	_ =	shalt  }
0x3e: {  	_ =	shalt  }
0x3f: {  	_ =	shalt  }
0x40: {  	_ =	shalt  }
0x41: {  	_ =	shalt  }
0x42: {  	_ =	shalt  }
0x43: {  	_ =	shalt  }
0x44: {  	_ =	shalt  }
0x45: {  	_ =	shalt  }
0x46: {  	_ =	shalt  }
0x47: {  	_ =	shalt  }
0x48: {  	_ =	shalt  }
0x49: {  	_ =	shalt  }
0x4a: {  	_ =	shalt  }
0x4b: {  	_ =	shalt  }
0x4c: {  	_ =	shalt  }
0x4d: {  	_ =	shalt  }
0x4e: {  	_ =	shalt  }
0x4f: {  	_ =	shalt  }
0x50: {  	_ =	shalt  }
0x51: {  	_ =	shalt  }
0x52: {  	_ =	shalt  }
0x53: {  	_ =	shalt  }
0x54: {  	_ =	shalt  }
0x55: {  	_ =	shalt  }
0x56: {  	_ =	shalt  }
0x57: {  	_ =	shalt  }
0x58: {  	_ =	shalt  }
0x59: {  	_ =	shalt  }
0x5a: {  	_ =	shalt  }
0x5b: {  	_ =	shalt  }
0x5c: {  	_ =	shalt  }
0x5d: {  	_ =	shalt  }
0x5e: {  	_ =	shalt  }
0x5f: {  	_ =	shalt  }
0x60: {  	_ =	shalt  }
0x61: {  	_ =	shalt  }
0x62: {  	_ =	shalt  }
0x63: {  	_ =	shalt  }
0x64: {  	_ =	shalt  }
0x65: {  	_ =	shalt  }
0x66: {  	_ =	shalt  }
0x67: {  	_ =	shalt  }
0x68: {  	_ =	shalt  }
0x69: {  	_ =	shalt  }
0x6a: {  	_ =	shalt  }
0x6b: {  	_ =	shalt  }
0x6c: {  	_ =	shalt  }
0x6d: {  	_ =	shalt  }
0x6e: {  	_ =	shalt  }
0x6f: {  	_ =	shalt  }
0x70: {  	_ =	shalt  }
0x71: {  	_ =	shalt  }
0x72: {  	_ =	shalt  }
0x73: {  	_ =	shalt  }
0x74: {  	_ =	shalt  }
0x75: {  	_ =	shalt  }
0x76: {  	_ =	shalt  }
0x77: {  	_ =	shalt  }
0x78: {  	_ =	shalt  }
0x79: {  	_ =	shalt  }
0x7a: {  	_ =	shalt  }
0x7b: {  	_ =	shalt  }
0x7c: {  	_ =	shalt  }
0x7d: {  	_ =	shalt  }
0x7e: {  	_ =	shalt  }
0x7f: {  	_ =	shalt  }
0x80: {  	_ =	shalt  }
0x81: {  	_ =	shalt  }
0x82: {  	_ =	shalt  }
0x83: {  	_ =	shalt  }
0x84: {  	_ =	shalt  }
0x85: {  	_ =	shalt  }
0x86: {  	_ =	shalt  }
0x87: {  	_ =	shalt  }
.Lfunc_end0:
.L_simem_size_0:
called_computation.5_lowered:
.L_overlay_start_0:
0x88: {  	s2 =	sld [smem:$0x3FD9]  }
0x89: {  	s3 =	sld [smem:$0x3FFE];
	_ =	sdelay $0x1  }
0x8a: {  	s1 =	srdreg.scid  }
0x8b: {  	s0 =	sand.u32 $0x1, s1  }
0x8c: {  	s16 =	sshll.u32 s0, $0xA;
	s2 =	sadd.s32 s3, s2  }
0x8d: {  	s2 =	sadd.s32 s2, s16  }
0x8e: {  	[smem:$0x3FBC] =	sst s2  }
0x8f: {  	_ = 	snop  }
0x90: {  	(tm) =	ssettm $0x1  }
0x91: {  	s17 =	sld [smem:$0x3FFB];
	_ =	sdelay $0x3  }
0x92: {  	_ =	strace s17  }
0x93: {  	s2 =	sld [smem:$0x3FFC];
	_ =	sdelay $0x3  }
0x94: {  	_ =	strace s2  }
0x95: {  	s2 =	sld [smem:$0x3FFD];
	_ =	sdelay $0x3  }
0x96: {  	_ =	strace s2  }
0x97: {  	_ =	strace $0x8FFFFFFF  }
0x98: {  	s18 =	sld [smem:$0x3FDB];
	_ =	sdelay $0x1  }
0x99: {  	s19 =	simm.s32 $_scs_section_size  }
0x9a: {  	s4 =	simm.s32 $_size__tile_overlayer_lowered;
	s5 =	simm.s32 $_tile_overlayer_lowered  }
0x9b: {  	s22 =	simm.s32 $0x1BFF;
	s21 =	sshll.u32 s5, $0x1;
	s2 =	sadd.s32 s19, s18  }
0x9c: {  	s6 =	simm.s32 $0x0;
	s20 =	sshll.u32 s4, $0x1;
	s4 =	sadd.s32 s21, s2  }
0x9d: {  	[timem:s6], [sflag:s22] =	dma.local [hbm:s4], s20  }
0x9e: {  	_ =	swait.ge [sflag:s22], s20  }
0x9f: {  	s3 =	ssub.s32 $0x0, s20;
	[sflag:s22] =	ssyncset.done $0x0  }
0xa0: {  	[sflag:s22] =	ssyncadd.s32 s3;
	_ =	sdelay $0x1  }
0xa1: {  	s23 =	simm.s32 $0x1B8B  }
0xa2: {  	_ =	swait.ge [sflag:s23], $0x1  }
0xa3: {  	[sflag:s23] =	ssyncset.done $0x0  }
0xa4: {  	s25 =	simm.s32 $0x1B8E;
	s24 =	sld [smem:$0x3FFE];
	[sflag:s23] =	ssyncadd.s32 $0xFFFFFFFF  }
0xa5: {  	s26 =	simm.s32 $execute0_lowered;
	[smem:$0x3FD2] =	sst s25  }
0xa6: {  	s4 =	sshll.u32 s26, $0x1;
	_ =	strace $0x80000055;
	[dreg:$0x1] =	wrdreg $0xFFFFFFFF  }
0xa7: {  	s28 =	simm.s32 $_size_execute0_lowered;
	s2 =	sadd.s32 s2, s4;
	[dreg:$0x0] =	wrdreg $0x0  }
0xa8: {  	s4 =	sshll.u32 s28, $0x1;
	[dreg:$0x2] =	wrdreg s2  }
0xa9: {  	[dreg:$0x3] =	wrdreg s4  }
0xaa: {  	[dreg:$0x4] =	wrdreg $0xC0  }
0xab: {  	_ =	task [dreg:s6], $0x5FFFF  }
0xac: {  	[dreg:$0x1] =	wrdreg $0xFFFFFFFF  }
0xad: {  	[dreg:$0x0] =	wrdreg $0x60  }
0xae: {  	[dreg:$0x2] =	wrdreg s24  }
0xaf: {  	[dreg:$0x3] =	wrdreg $0x97400  }
0xb0: {  	[dreg:$0x4] =	wrdreg $0x6F400  }
0xb1: {  	[dreg:$0x5] =	wrdreg $0x9  }
0xb2: {  	_ =	task.clear_ibuf [dreg:s6], $0x6FFFF;
	_ =	strace $0x90000055  }
0xb3: {  	s29 =	simm.s32 $0x9;
	_ =	strace $0x80000057  }
0xb4: {  	_ =	swait.ge [sflag:s29], $0x1  }
0xb5: {  	[sflag:s29] =	ssyncadd.s32 $0xFFFFFFFF  }
0xb6: {  	_ =	strace $0x90000057  }
0xb7: {  	_ =	sfence  }
0xb8: {  	s30 =	sld [smem:$0x0];
	_ =	sdelay $0x2  }
0xb9: {  	s31 =	sshll.u32 s1, $0xD;
	s1 =	sshrl.u32 s1, $0x2  }
0xba: {  	s3 =	sand.u32 $0x4000, s31;
	s1 =	sadd.s32 s1, s30  }
0xbb: {  	s0 =	sor.u32 s3, s0;
	s1 =	sshll.u32 s1, $0x11  }
0xbc: {  	s0 =	sor.u32 s1, s0  }
0xbd: {  	s0 =	sadd.s32 $0x8F2B, s0  }
0xbe: {  	[sflag:s0] =	ssyncadd.remote.s32 $0x1  }
0xbf: {  	_ =	sfence.sel $0xFFFF  }
0xc0: {  	[dreg:$0x0] =	wrdreg $0xFFFFFFFF;
	(pc) =	sbr.abs _section_cstart, $3  }
0xc1: {  	[dreg:$0x1] =	wrdreg $0xFFFFFFFF  }
0xc2: {  	_ =	task.clear_ibuf [dreg:s6], $0x2FFFF;
	_ =	strace $0x9FFFFFFF  }
0xc3: {  	(tm) =	ssettm $0x7FFFFFFF  }
tec
execute0_lowered:
.L_overlay_start_1:
0x0: {  	(tag) =	ssettag $0x1  }
0x1: {  	s5 =	rddreg [dreg:$0x0]  }
0x2: {  	s0 =	srdreg.scid;
	s2 =	rddreg [dreg:$0x1]  }
0x3: {  	s13 =	stileid.u32;
	s3 =	rddreg [dreg:$0x2];
	s4 =	simm.s32 $0x0  }
0x4: {  	s11 =	simm.s32 $0x6;
	s16 =	simm.s32 $0x7D;
	s17 =	simm.s32 $0x5000  }
0x5: {  	s19 =	simm.s32 $0x57D0;
	s21 =	simm.s32 $0x5FA0;
	s23 =	simm.s32 $0x6770  }
0x6: {  	s28 =	simm.s32 $0x4;
	s29 =	simm.s32 $0x5;
	s30 =	simm.s32 $0x4E00  }
0x7: {  	s31 =	simm.s32 $0x4E80;
	s0 =	sand.u32 $0x1, s0;
	s8 =	smul.u32 $0x2800, s13  }
0x8: {  	[smem:$0x7FF] =	sst s4;
	s26 =	sshll.u32 s13, $0x6;
	s1 =	sshll.u32 s0, $0x4  }
0x9: {  	s6 =	smul.u32 $0x28000, s0;
	_ =	strace $0x80000056;
	s0 =	ssub.s32 $0x2, s0  }
0xa: {  	s1 =	sor.u32 s13, s1;
	s7 =	sshrl.u32 s8, $0x3;
	s24 =	sshrl.u32 s0, $0x1  }
0xb: {  	s25 =	sadd.s32 s8, s2;
	s12 =	sadd.s32 s8, s3;
	s13 =	sor.u32 $0x1C06, s26  }
0xc: {  	s26 =	simm.s32 $0x3;
	s1 =	smul.u32 $0x500, s1;
	s6 =	sadd.s32 s8, s6  }
0xd: {  	s9 =	sadd.s32 s7, s5;
	s0 =	ssub.s32 s0, s24;
	s14 =	sshrl.u32 s25, $0x3  }
0xe: {  	s15 =	sshrl.u32 s12, $0x3;
	s24 =	simm.s32 $0x1;
	s25 =	simm.s32 $0x2  }
0xf: {  	s12 =	simm.s32 $0x0;
	s6 =	sshrl.u32 s6, $0x3;
	s7 =	sadd.s32 $0x1BE00, s9  }
0x10: {  	s8 =	sadd.s32 $0xCE00, s9;
	s1 =	sadd.s32 s1, s5;
	s10 =	sadd.s32 s6, s5  }
0x11: {  	s5 =	sadd.s32 $0x11E00, s1;
	s6 =	sadd.s32 $0x2E00, s1;
	s9 =	sadd.s32 $0x20E00, s10  }
0x12: {  	s10 =	smax.u32 s0, $0x1;
	s1 =	simm.s32 $0x4F00;
	s0 =	simm.s32 $0x4F80  }
.LBB2_1:
0x13: {  	[tilespmem:s4], [sflag:$0x6] =	stream.linear.gather [hbm4b:s5+s4], $0x2800, $0x38;
	[tilespmem:$0xBF40] =	vst v63  }
0x14: {  	_ =	swait.ge [sflag:s11], $0x2800  }
0x15: {  	[sflag:s11] =	ssyncset.done $0x0  }
0x16: {  	s18 =	simm.s32 $0x2800;
	[sflag:s11] =	ssyncadd.s32 $0xFFFFD800  }
0x17: {  	[tilespmem:s18], [sflag:$0x6] =	stream.linear.gather [hbm4b:s6+s4], $0x2800, $0x38;
	[tilespmem:$0xBF40] =	vst v63  }
0x18: {  	_ =	swait.ge [sflag:s11], $0x2800  }
0x19: {  	[sflag:s11] =	ssyncset.done $0x0  }
0x1a: {  	[sflag:s11] =	ssyncadd.s32 $0xFFFFD800  }
0x1b: {  	[spmem:s14], [sflag:s13] =	dma.local [hbm:s7], $0x500  }
0x1c: {  	_ =	swait.ge [sflag:s11], $0x500  }
0x1d: {  	[sflag:s11] =	ssyncset.done $0x0  }
0x1e: {  	[sflag:s11] =	ssyncadd.s32 $0xFFFFFB00  }
0x1f: {  	[spmem:s15], [sflag:s13] =	dma.local [hbm:s8], $0x500  }
0x20: {  	_ =	swait.ge [sflag:s11], $0x500  }
0x21: {  	[sflag:s11] =	ssyncset.done $0x0  }
0x22: {  	[sflag:s11] =	ssyncadd.s32 $0xFFFFFB00  }
0x23: {  	[bflag:$0x0] =	sbarrier.arrive $0xFFFF  }
0x24: {  	[tilespmem:s17], [sflag:$0x1] =	stream.indirect.gather [spmem:s2], $0x10, s4, s16, $0xb8;
	[tilespmem:$0xBF40] =	vst v63  }
0x25: {  	s20 =	simm.s32 $0x80  }
0x26: {  	[tilespmem:s19], [sflag:$0x2] =	stream.indirect.gather [spmem:s2], $0x10, s20, s16, $0xb8;
	[tilespmem:$0xBF40] =	vst v63  }
0x27: {  	s22 =	simm.s32 $0x100  }
0x28: {  	[tilespmem:s21], [sflag:$0x3] =	stream.indirect.gather [spmem:s2], $0x10, s22, s16, $0xb8;
	[tilespmem:$0xBF40] =	vst v63  }
0x29: {  	s20 =	simm.s32 $0x180  }
0x2a: {  	[tilespmem:s23], [sflag:$0x4] =	stream.indirect.gather [spmem:s2], $0x10, s20, s16, $0xb8;
	[tilespmem:$0xBF40] =	vst v63  }
0x2b: {  	_ =	swait.ge [sflag:s24], $0x7D0  }
0x2c: {  	[sflag:s24] =	ssyncset.done $0x0  }
0x2d: {  	s22 =	simm.s32 $0x2800;
	[sflag:s24] =	ssyncadd.s32 $0xFFFFF830  }
0x2e: {  	[spmem:s3] =	stream.indirect.scatter.add.f32 [tilespmem:s17], [sflag:$0x5], $0x10, s22, s16, $0xb8;
	[tilespmem:$0xBF40] =	vst v63  }
0x2f: {  	_ =	swait.ge [sflag:s25], $0x7D0  }
0x30: {  	[sflag:s25] =	ssyncset.done $0x0  }
0x31: {  	s20 =	simm.s32 $0x2880;
	[sflag:s25] =	ssyncadd.s32 $0xFFFFF830  }
0x32: {  	[spmem:s3] =	stream.indirect.scatter.add.f32 [tilespmem:s19], [sflag:$0x5], $0x10, s20, s16, $0xb8;
	[tilespmem:$0xBF40] =	vst v63  }
0x33: {  	_ =	swait.ge [sflag:s26], $0x7D0  }
0x34: {  	[sflag:s26] =	ssyncset.done $0x0  }
0x35: {  	s22 =	simm.s32 $0x2900;
	[sflag:s26] =	ssyncadd.s32 $0xFFFFF830  }
0x36: {  	[spmem:s3] =	stream.indirect.scatter.add.f32 [tilespmem:s21], [sflag:$0x5], $0x10, s22, s16, $0xb8;
	[tilespmem:$0xBF40] =	vst v63  }
0x37: {  	_ =	swait.ge [sflag:s28], $0x7D0  }
0x38: {  	[sflag:s28] =	ssyncset.done $0x0  }
0x39: {  	s20 =	simm.s32 $0x2980;
	[sflag:s28] =	ssyncadd.s32 $0xFFFFF830  }
0x3a: {  	[spmem:s3] =	stream.indirect.scatter.add.f32 [tilespmem:s23], [sflag:$0x5], $0x10, s20, s16, $0xb8;
	[tilespmem:$0xBF40] =	vst v63  }
0x3b: {  	_ =	swait.ge [sflag:s29], $0x7D0  }
0x3c: {  	[sflag:s29] =	ssyncset.done $0x0  }
0x3d: {  	s22 =	simm.s32 $0x200;
	[sflag:s29] =	ssyncadd.s32 $0xFFFFF830  }
0x3e: {  	[tilespmem:s17], [sflag:$0x1] =	stream.indirect.gather [spmem:s2], $0x10, s22, s16, $0xb8;
	[tilespmem:$0xBF40] =	vst v63  }
0x3f: {  	_ =	swait.ge [sflag:s29], $0x7D0  }
0x40: {  	[sflag:s29] =	ssyncset.done $0x0  }
0x41: {  	s20 =	simm.s32 $0x280;
	[sflag:s29] =	ssyncadd.s32 $0xFFFFF830  }
0x42: {  	[tilespmem:s19], [sflag:$0x2] =	stream.indirect.gather [spmem:s2], $0x10, s20, s16, $0xb8;
	[tilespmem:$0xBF40] =	vst v63  }
0x43: {  	_ =	swait.ge [sflag:s29], $0x7D0  }
0x44: {  	[sflag:s29] =	ssyncset.done $0x0  }
0x45: {  	s22 =	simm.s32 $0x300;
	[sflag:s29] =	ssyncadd.s32 $0xFFFFF830  }
0x46: {  	[tilespmem:s21], [sflag:$0x3] =	stream.indirect.gather [spmem:s2], $0x10, s22, s16, $0xb8;
	[tilespmem:$0xBF40] =	vst v63  }
0x47: {  	_ =	swait.ge [sflag:s29], $0x7D0  }
0x48: {  	[sflag:s29] =	ssyncset.done $0x0  }
0x49: {  	s18 =	simm.s32 $0x800;
	s20 =	simm.s32 $0x380;
	[sflag:s29] =	ssyncadd.s32 $0xFFFFF830  }
.LBB2_2:
0x4a: {  	[tilespmem:s23], [sflag:$0x4] =	stream.indirect.gather [spmem:s2], $0x10, s20, s16, $0xb8;
	[tilespmem:$0xBF40] =	vst v63  }
0x4b: {  	s20 =	smov.u32 s18  }
0x4c: {  	p0 =	sne.s32 s18, $0x9000;
	s18 =	sadd.s32 $0x800, s18;
	_ =	swait.ge [sflag:s24], $0x7D0  }
0x4d: {  	s20 =	sshra.s32 s20, $0x2;
	[sflag:s24] =	ssyncset.done $0x0  }
0x4e: {  	s22 =	sadd.s32 $0x2800, s20;
	[sflag:s24] =	ssyncadd.s32 $0xFFFFF830  }
0x4f: {  	[spmem:s3] =	stream.indirect.scatter.add.f32 [tilespmem:s17], [sflag:$0x5], $0x10, s22, s16, $0xb8;
	[tilespmem:$0xBF40] =	vst v63  }
0x50: {  	_ =	swait.ge [sflag:s25], $0x7D0  }
0x51: {  	[sflag:s25] =	ssyncset.done $0x0  }
0x52: {  	s22 =	sadd.s32 $0x2880, s20;
	[sflag:s25] =	ssyncadd.s32 $0xFFFFF830  }
0x53: {  	[spmem:s3] =	stream.indirect.scatter.add.f32 [tilespmem:s19], [sflag:$0x5], $0x10, s22, s16, $0xb8;
	[tilespmem:$0xBF40] =	vst v63  }
0x54: {  	_ =	swait.ge [sflag:s26], $0x7D0  }
0x55: {  	[sflag:s26] =	ssyncset.done $0x0  }
0x56: {  	s22 =	sadd.s32 $0x2900, s20;
	[sflag:s26] =	ssyncadd.s32 $0xFFFFF830  }
0x57: {  	[spmem:s3] =	stream.indirect.scatter.add.f32 [tilespmem:s21], [sflag:$0x5], $0x10, s22, s16, $0xb8;
	[tilespmem:$0xBF40] =	vst v63  }
0x58: {  	_ =	swait.ge [sflag:s28], $0x7D0  }
0x59: {  	[sflag:s28] =	ssyncset.done $0x0  }
0x5a: {  	s22 =	sadd.s32 $0x2980, s20;
	[sflag:s28] =	ssyncadd.s32 $0xFFFFF830  }
0x5b: {  	[spmem:s3] =	stream.indirect.scatter.add.f32 [tilespmem:s23], [sflag:$0x5], $0x10, s22, s16, $0xb8;
	[tilespmem:$0xBF40] =	vst v63  }
0x5c: {  	_ =	swait.ge [sflag:s29], $0x7D0  }
0x5d: {  	[sflag:s29] =	ssyncset.done $0x0  }
0x5e: {  	s22 =	sadd.s32 $0x200, s20;
	[sflag:s29] =	ssyncadd.s32 $0xFFFFF830  }
0x5f: {  	[tilespmem:s17], [sflag:$0x1] =	stream.indirect.gather [spmem:s2], $0x10, s22, s16, $0xb8;
	[tilespmem:$0xBF40] =	vst v63  }
0x60: {  	_ =	swait.ge [sflag:s29], $0x7D0  }
0x61: {  	[sflag:s29] =	ssyncset.done $0x0  }
0x62: {  	s22 =	sadd.s32 $0x280, s20;
	[sflag:s29] =	ssyncadd.s32 $0xFFFFF830  }
0x63: {  	[tilespmem:s19], [sflag:$0x2] =	stream.indirect.gather [spmem:s2], $0x10, s22, s16, $0xb8;
	[tilespmem:$0xBF40] =	vst v63  }
0x64: {  	_ =	swait.ge [sflag:s29], $0x7D0  }
0x65: {  	[sflag:s29] =	ssyncset.done $0x0  }
.Ltmp0:
0x66: {  	s22 =	sadd.s32 $0x300, s20;
	[sflag:s29] =	ssyncadd.s32 $0xFFFFF830;
	(pc) =	sbr.rel @p0 .LBB2_2-.Ltmp0, $4  }
0x67: {  	[tilespmem:s21], [sflag:$0x3] =	stream.indirect.gather [spmem:s2], $0x10, s22, s16, $0xb8;
	[tilespmem:$0xBF40] =	vst v63  }
0x68: {  	_ =	swait.ge [sflag:s29], $0x7D0  }
0x69: {  	[sflag:s29] =	ssyncset.done $0x0  }
0x6a: {  	s20 =	sadd.s32 $0x380, s20;
	[sflag:s29] =	ssyncadd.s32 $0xFFFFF830  }
0x6b: {  	[tilespmem:s23], [sflag:$0x4] =	stream.indirect.gather [spmem:s2], $0x10, s20, s16, $0xb8;
	[tilespmem:$0xBF40] =	vst v63  }
0x6c: {  	_ =	swait.ge [sflag:s24], $0x7D0  }
0x6d: {  	[sflag:s24] =	ssyncset.done $0x0  }
0x6e: {  	[sflag:s24] =	ssyncadd.s32 $0xFFFFF830  }
0x6f: {  	[spmem:s3] =	stream.indirect.scatter.add.f32 [tilespmem:s17], [sflag:$0x5], $0x10, s30, s16, $0xb8;
	[tilespmem:$0xBF40] =	vst v63  }
0x70: {  	_ =	swait.ge [sflag:s25], $0x7D0  }
0x71: {  	[sflag:s25] =	ssyncset.done $0x0  }
0x72: {  	[sflag:s25] =	ssyncadd.s32 $0xFFFFF830  }
0x73: {  	[spmem:s3] =	stream.indirect.scatter.add.f32 [tilespmem:s19], [sflag:$0x5], $0x10, s31, s16, $0xb8;
	[tilespmem:$0xBF40] =	vst v63  }
0x74: {  	_ =	swait.ge [sflag:s26], $0x7D0  }
0x75: {  	[sflag:s26] =	ssyncset.done $0x0  }
0x76: {  	[sflag:s26] =	ssyncadd.s32 $0xFFFFF830  }
0x77: {  	[spmem:s3] =	stream.indirect.scatter.add.f32 [tilespmem:s21], [sflag:$0x5], $0x10, s1, s16, $0xb8;
	[tilespmem:$0xBF40] =	vst v63  }
0x78: {  	_ =	swait.ge [sflag:s28], $0x7D0  }
0x79: {  	[sflag:s28] =	ssyncset.done $0x0  }
0x7a: {  	[sflag:s28] =	ssyncadd.s32 $0xFFFFF830  }
0x7b: {  	[spmem:s3] =	stream.indirect.scatter.add.f32 [tilespmem:s23], [sflag:$0x5], $0x10, s0, s16, $0xb8;
	[tilespmem:$0xBF40] =	vst v63  }
0x7c: {  	_ =	swait.ge [sflag:s29], $0x7D0  }
0x7d: {  	[sflag:s29] =	ssyncset.done $0x0  }
0x7e: {  	[sflag:s29] =	ssyncadd.s32 $0xFFFFF830  }
0x7f: {  	_ =	swait.ge [sflag:s29], $0x7D0  }
0x80: {  	[sflag:s29] =	ssyncset.done $0x0  }
0x81: {  	[sflag:s29] =	ssyncadd.s32 $0xFFFFF830  }
0x82: {  	_ =	swait.ge [sflag:s29], $0x7D0  }
0x83: {  	[sflag:s29] =	ssyncset.done $0x0  }
0x84: {  	[sflag:s29] =	ssyncadd.s32 $0xFFFFF830  }
0x85: {  	_ =	swait.ge [sflag:s29], $0x7D0  }
0x86: {  	s12 =	sadd.s32 $0x1, s12;
	[sflag:s29] =	ssyncset.done $0x0  }
0x87: {  	p0 =	sne.s32 s12, s10;
	[sflag:s29] =	ssyncadd.s32 $0xFFFFF830  }
.Ltmp1:
0x88: {  	[bflag:$0x0] =	sbarrier.arrive $0xFFFF;
	(pc) =	sbr.rel @p0 .LBB2_1-.Ltmp1, $4  }
0x89: {  	[hbm:s9], [sflag:s13] =	dma.local [spmem:s15], $0x500  }
0x8a: {  	_ =	swait.ge [sflag:s11], $0x500  }
0x8b: {  	[sflag:s11] =	ssyncset.done $0x0  }
0x8c: {  	[sflag:s11] =	ssyncadd.s32 $0xFFFFFB00  }
0x8d: {  	_ =	sfence.sel $0x180000  }
0x8e: {  	[bflag:$0x0] =	sbarrier.arrive $0xFFFF  }
0x8f: {  	_ =	strace $0x90000056  }
0x90: {  	s0 =	stileid.u32;
	[bflag:$0x2] =	sbarrier.arrive $0xFFFF  }
0x91: {  	p0 =	sne.s32 s0, $0x0;
	s0 =	rddreg [dreg:$0x3]  }
0x92: {  	s0 =	sadd.s32 @!p0 $0x100000, s0  }
0x93: {  	[sflag:s0] =	ssyncadd.tile.s32 @!p0 $0x1;
	_ =	shalt  }
.Lfunc_end2:
_tile_overlayer_lowered:
.L_overlay_start_2:
0x94: {  	(tag) =	ssettag $0x2  }
0x95: {  	s0 =	rddreg [dreg:$0x0];
	s2 =	stileid.u32  }
0x96: {  	s1 =	rddreg [dreg:$0x1];
	p0 =	sne.s32 s2, $0x0  }
0x97: {  	s3 =	rddreg [dreg:$0x2];
	[bflag:$0x3] =	sbarrier.arrive $0xFFFF;
	s2 =	simm.s32 @!p0 $0x1C06  }
0x98: {  	[timem:s3], [sflag:s2] =	dma.local @!p0 [hbm:s0], s1  }
0x99: {  	s0 =	simm.s32 @!p0 $0x6  }
0x9a: {  	_ =	swait.ge @!p0 [sflag:s0], s1  }
0x9b: {  	s1 =	ssub.s32 @!p0 $0x0, s1;
	[sflag:s0] =	ssyncset.done @!p0 $0x0  }
0x9c: {  	[sflag:s0] =	ssyncadd.s32 @!p0 s1  }
0x9d: {  	[bflag:$0x3] =	sbarrier.arrive $0xFFFF  }
0x9e: {  	_ =	shalt  }

</sc_bundles>
